<compile_context>
chip_gen: v7x
topology: tpu7x:2x2x1
jax: 0.10.2.dev20260603
libtpu: 0.0.44.dev20260713+nightly
codegen_flags: <defaults>
</compile_context>

<pallas_src>
import dataclasses
import functools

import jax
import jax.numpy as jnp
from jax import lax
from jax.experimental import pallas as pl
from jax.experimental.pallas import tpu as pltpu
from jax.experimental.pallas import tpu_sc as plsc

N = 10000
E = 320000
D = 128
DH = D // 2

NUM_CORES = 2
NUM_SUBCORES = 16
EDGES_PER_SUBCORE = E // NUM_SUBCORES
CHUNK = 80
NCHUNKS = EDGES_PER_SUBCORE // CHUNK
NBLOCKS = 10
BCH = NCHUNKS // NBLOCKS
BLKE = BCH * CHUNK
NBUF = 5
LOOK = 3
ROWS_PER_TILE = 624
ROWS_REM = N - NUM_SUBCORES * ROWS_PER_TILE
ZBLK = 104


def _mm_body(x_ref, w_ref, o_ref):
    o_ref[0] = jnp.dot(x_ref[...], w_ref[0],
                       preferred_element_type=jnp.float32,
                       precision=lax.Precision.DEFAULT)
    o_ref[1] = jnp.dot(x_ref[...], w_ref[1],
                       preferred_element_type=jnp.float32,
                       precision=lax.Precision.DEFAULT)


def _support_matmul(x, W2):
    return pl.pallas_call(
        _mm_body,
        grid=(10,),
        in_specs=[
            pl.BlockSpec((N // 10, D), lambda i: (i, 0)),
            pl.BlockSpec((NUM_CORES, D, DH), lambda i: (0, 0, 0)),
        ],
        out_specs=pl.BlockSpec((NUM_CORES, N // 10, DH), lambda i: (0, i, 0)),
        out_shape=jax.ShapeDtypeStruct((NUM_CORES, N, DH), jnp.float32),
    )(x, W2)


def _sc_body(sup_hbm, row_hbm, col_hbm, val_hbm, bias_hbm, out_hbm,
             col_blk, row_blk, val_blk, zrow, bufs, gsems, ssems, isems, acc):
    c = lax.axis_index("c")
    s = lax.axis_index("s")

    my_sup = sup_hbm.at[c]
    my_out = out_hbm.at[c]
    r0 = s * ROWS_PER_TILE

    pltpu.sync_copy(my_sup.at[pl.ds(r0, ROWS_PER_TILE)],
                    acc.at[0].at[pl.ds(r0, ROWS_PER_TILE)])

    pltpu.sync_copy(bias_hbm.at[c], zrow.at[0])
    bvec = [zrow[0, pl.ds(j * 16, 16)] for j in range(DH // 16)]

    @pl.loop(1, ZBLK)
    def _(i):
        for j in range(DH // 16):
            zrow[i, pl.ds(j * 16, 16)] = bvec[j]

    @pl.loop(0, ROWS_PER_TILE // ZBLK)
    def _(b):
        pltpu.sync_copy(zrow, acc.at[1].at[pl.ds(r0 + b * ZBLK, ZBLK)])

    @pl.when(s == 0)
    def _():
        pltpu.sync_copy(my_sup.at[pl.ds(N - ROWS_REM, ROWS_REM)],
                        acc.at[0].at[pl.ds(N - ROWS_REM, ROWS_REM)])
        pltpu.sync_copy(zrow.at[pl.ds(0, ROWS_REM)],
                        acc.at[1].at[pl.ds(N - ROWS_REM, ROWS_REM)])

    base0 = s * EDGES_PER_SUBCORE
    pltpu.sync_copy(col_hbm.at[s, 0], col_blk.at[0])
    pltpu.sync_copy(row_hbm.at[s, 0], row_blk.at[0])
    pltpu.sync_copy(val_hbm.at[s, 0], val_blk.at[0])

    plsc.subcore_barrier()

    sup_s = acc.at[0]
    acc_s = acc.at[1]
    full16 = lambda v: jnp.full((16,), v, jnp.int32)

    def issue_gather(par, k, b):
        pltpu.async_copy(
            sup_s.at[col_blk.at[par, k]],
            bufs.at[b], gsems.at[b])

    def wait_gather(par, k, b):
        pltpu.make_async_copy(
            sup_s.at[col_blk.at[par, k]],
            bufs.at[b], gsems.at[b]).wait()

    def issue_scatter(par, k, b):
        pltpu.async_copy(
            bufs.at[b],
            acc_s.at[row_blk.at[par, k]],
            ssems.at[b], add=True)

    def wait_scatter(par, k, b):
        pltpu.make_async_copy(
            bufs.at[b],
            acc_s.at[row_blk.at[par, k]],
            ssems.at[b]).wait()

    def issue_idx(bb1, par1):
        pltpu.async_copy(col_hbm.at[s, bb1], col_blk.at[par1],
                         isems.at[par1])
        pltpu.async_copy(row_hbm.at[s, bb1], row_blk.at[par1],
                         isems.at[par1])
        pltpu.async_copy(val_hbm.at[s, bb1], val_blk.at[par1],
                         isems.at[par1])

    def wait_idx(par1):
        pltpu.make_async_copy(col_hbm.at[s, 0], col_blk.at[par1],
                              isems.at[par1]).wait()
        pltpu.make_async_copy(row_hbm.at[s, 0], row_blk.at[par1],
                              isems.at[par1]).wait()
        pltpu.make_async_copy(val_hbm.at[s, 0], val_blk.at[par1],
                              isems.at[par1]).wait()

    def compute(par, k, b):
        @pl.loop(0, CHUNK)
        def _(i):
            vv = plsc.load_gather(val_blk, [full16(par), full16(k),
                                            full16(i)])
            for j in range(DH // 16):
                bufs[b, i, pl.ds(j * 16, 16)] = (
                    bufs[b, i, pl.ds(j * 16, 16)] * vv)

    @pl.loop(0, NBLOCKS // 2)
    def _(bp):
        for par in range(2):
            bb = 2 * bp + par
            if par == 0:
                @pl.when(bp > 0)
                def _():
                    wait_idx(0)
            else:
                wait_idx(1)

            for b in range(LOOK):
                if par == 0:
                    @pl.when(bp > 0)
                    def _():
                        wait_scatter(par, 0, b)
                else:
                    wait_scatter(par, 0, b)
                issue_gather(par, b, b)

            @pl.loop(0, BCH // NBUF)
            def _(g5):
                for b5 in range(NBUF):
                    k = g5 * NBUF + b5
                    if b5 == 0:
                        @pl.when((g5 == 1) & (bb + 1 < NBLOCKS))
                        def _():
                            issue_idx(bb + 1, 1 - par)
                    wait_gather(par, k, b5)
                    compute(par, k, b5)
                    issue_scatter(par, k, b5)

                    tgt = (b5 + LOOK) % NBUF
                    if b5 < NBUF - LOOK:
                        if par == 0:
                            @pl.when((bp > 0) | (g5 > 0))
                            def _():
                                wait_scatter(par, k, tgt)

                            issue_gather(par, k + LOOK, tgt)
                        else:
                            wait_scatter(par, k, tgt)
                            issue_gather(par, k + LOOK, tgt)
                    else:
                        @pl.when(g5 < BCH // NBUF - 1)
                        def _():
                            wait_scatter(par, k, tgt)
                            issue_gather(par, k + LOOK, tgt)

    for b in range(NBUF):
        wait_scatter(1, 0, b)

    plsc.subcore_barrier()

    pltpu.sync_copy(acc_s.at[pl.ds(r0, ROWS_PER_TILE)],
                    my_out.at[pl.ds(r0, ROWS_PER_TILE)])

    @pl.when(s == 0)
    def _():
        pltpu.sync_copy(acc_s.at[pl.ds(N - ROWS_REM, ROWS_REM)],
                        my_out.at[pl.ds(N - ROWS_REM, ROWS_REM)])


def _sc_scatter(sup_halves, row3, col3, val3, bias2):
    mesh = plsc.VectorSubcoreMesh(core_axis_name="c", subcore_axis_name="s")
    cp = pltpu.CompilerParams(use_tc_tiling_on_sc=False)
    if "needs_layout_passes" in pltpu.CompilerParams.__dataclass_fields__:
        cp = dataclasses.replace(cp, needs_layout_passes=False)
    kern = pl.kernel(
        _sc_body,
        out_type=jax.ShapeDtypeStruct((NUM_CORES, N, DH), jnp.float32),
        mesh=mesh,
        scratch_types=[
            pltpu.VMEM((2, BCH, CHUNK), jnp.int32),
            pltpu.VMEM((2, BCH, CHUNK), jnp.int32),
            pltpu.VMEM((2, BCH, CHUNK), jnp.float32),
            pltpu.VMEM((ZBLK, DH), jnp.float32),
            pltpu.VMEM((NBUF, CHUNK, DH), jnp.float32),
            pltpu.SemaphoreType.DMA((NBUF,)),
            pltpu.SemaphoreType.DMA((NBUF,)),
            pltpu.SemaphoreType.DMA((2,)),
            pltpu.VMEM_SHARED((2, N, DH), jnp.float32),
        ],
        compiler_params=cp,
    )
    return kern(sup_halves, row3, col3, val3, bias2)


def kernel(x, edge_index, adj_vals, W, bias):
    W2 = W.reshape(D, NUM_CORES, DH).transpose(1, 0, 2)
    support = _support_matmul(x, W2)
    row3 = edge_index[0].reshape(NUM_SUBCORES, NBLOCKS, BCH, CHUNK)
    col3 = edge_index[1].reshape(NUM_SUBCORES, NBLOCKS, BCH, CHUNK)
    val3 = adj_vals.reshape(NUM_SUBCORES, NBLOCKS, BCH, CHUNK)
    bias2 = bias.reshape(NUM_CORES, DH)
    partials = _sc_scatter(support, row3, col3, val3, bias2)
    return partials.transpose(1, 0, 2).reshape(N, D)

# --- scband reference (transcript-rebuilt; emitter-appended) ---
"""Pipeline reference for scband-graph-convolution-2027224564235 (READ-ONLY COPY).

The authoritative reference and input builder live on the scoring server;
editing this copy changes nothing except your own understanding.
"""

import jax, jax.numpy as jnp
import numpy as np

N = 10000
E = 320000
D_IN = 128
D_OUT = 128


def setup_inputs(seed: int = 0) -> dict:
    key = jax.random.key(seed)
    k1, k2, k3, k4 = jax.random.split(key, 4)
    x = jax.random.normal(k1, (N, D_IN), dtype=jnp.float32)
    edge_index = jax.random.randint(k2, (2, E), 0, N, dtype=jnp.int32)
    adj_vals = jax.random.uniform(k3, (E,), dtype=jnp.float32)
    # Xavier-normal weight, zero bias, per the torch module's init
    std = float(np.sqrt(2.0 / (D_IN + D_OUT)))
    W = jax.random.normal(k4, (D_IN, D_OUT), dtype=jnp.float32) * std
    bias = jnp.zeros((D_OUT,), dtype=jnp.float32)
    return {"x": x, "edge_index": edge_index, "adj_vals": adj_vals, "W": W, "bias": bias}


def reference(x, edge_index, adj_vals, W, bias):
    # support = x @ W  (dense mm)
    support = jnp.dot(x, W)
    # sparse.mm(adj, support): out[row] += adj_vals[e] * support[col]
    row = edge_index[0]
    col = edge_index[1]
    gathered = jnp.take(support, col, axis=0) * adj_vals[:, None]
    out = jax.ops.segment_sum(gathered, row, num_segments=N)
    return out + bias

if __name__ == "__main__":
    import jax
    _d = setup_inputs()
    print(jax.jit(kernel)(*tuple(_d.values())))

</pallas_src>

<mosaic_0001>
#map = affine_map<(d0, d1) -> (0, 0, 0)>
#map1 = affine_map<(d0, d1) -> (0, 0, 0, 0)>
#map2 = affine_map<(d0, d1) -> (0, 0)>
module attributes {stable_mosaic.version = 14 : i64} {
  func.func @_sc_body(%arg0: i32, %arg1: i32, %arg2: memref<2x10000x64xf32, #tpu.memory_space<hbm>>, %arg3: memref<16x10x25x80xi32, #tpu.memory_space<hbm>>, %arg4: memref<16x10x25x80xi32, #tpu.memory_space<hbm>>, %arg5: memref<16x10x25x80xf32, #tpu.memory_space<hbm>>, %arg6: memref<2x64xf32, #tpu.memory_space<hbm>>, %arg7: memref<2x10000x64xf32, #tpu.memory_space<hbm>>, %arg8: memref<2x25x80xi32, #tpu.memory_space<vmem>>, %arg9: memref<2x25x80xi32, #tpu.memory_space<vmem>>, %arg10: memref<2x25x80xf32, #tpu.memory_space<vmem>>, %arg11: memref<104x64xf32, #tpu.memory_space<vmem>>, %arg12: memref<5x80x64xf32, #tpu.memory_space<vmem>>, %arg13: memref<5x!tpu.dma_semaphore, #tpu.memory_space<semaphore_mem>>, %arg14: memref<5x!tpu.dma_semaphore, #tpu.memory_space<semaphore_mem>>, %arg15: memref<2x!tpu.dma_semaphore, #tpu.memory_space<semaphore_mem>>, %arg16: memref<2x10000x64xf32, #tpu.memory_space<vmem_shared>>) attributes {dimension_semantics = [#tpu.dimension_semantics<core_parallel>, #tpu.dimension_semantics<subcore_parallel>], iteration_bounds = array<i64: 2, 16>, scalar_prefetch = 0 : i64, scratch_operands = 9 : i64, tpu.core_type = #tpu.core_type<sc_vector_subcore>, window_params = [{transform_indices = #map}, {transform_indices = #map1}, {transform_indices = #map1}, {transform_indices = #map1}, {transform_indices = #map2}, {transform_indices = #map}]} {
    %mul3A = arith.constant 624 : i32
    %mul3A_0 = arith.muli %arg1, %mul3A : i32
    %run_scoped3A = arith.constant 0 : i32
    "tpu.region"() ({
      %run_scoped3A_155 = tpu.sem_alloc : memref<!tpu.dma_semaphore, #tpu.memory_space<semaphore_mem>>
      %dma_start3A = arith.constant 0 : i32
      %dma_start3A_156 = arith.constant 0 : i32
      %dma_start3A_157 = tpu.memref_slice %arg16[%run_scoped3A, %dma_start3A, %dma_start3A_156] : memref<2x10000x64xf32, #tpu.memory_space<vmem_shared>> -> memref<1x10000x64xf32, #tpu.memory_space<vmem_shared>>
      %dma_start3A_158 = tpu.memref_squeeze %dma_start3A_157 : memref<1x10000x64xf32, #tpu.memory_space<vmem_shared>> -> memref<10000x64xf32, #tpu.memory_space<vmem_shared>>
      %dma_start3A_159 = arith.constant 0 : i32
      %dma_start3A_160 = tpu.memref_slice %dma_start3A_158[%mul3A_0, %dma_start3A_159] : memref<10000x64xf32, #tpu.memory_space<vmem_shared>> -> memref<624x64xf32, #tpu.memory_space<vmem_shared>>
      %dma_start3A_161 = arith.constant 0 : i32
      %dma_start3A_162 = arith.constant 0 : i32
      %dma_start3A_163 = tpu.memref_slice %arg2[%arg0, %dma_start3A_161, %dma_start3A_162] : memref<2x10000x64xf32, #tpu.memory_space<hbm>> -> memref<1x10000x64xf32, #tpu.memory_space<hbm>>
      %dma_start3A_164 = tpu.memref_squeeze %dma_start3A_163 : memref<1x10000x64xf32, #tpu.memory_space<hbm>> -> memref<10000x64xf32, #tpu.memory_space<hbm>>
      %dma_start3A_165 = arith.constant 0 : i32
      %dma_start3A_166 = tpu.memref_slice %dma_start3A_164[%mul3A_0, %dma_start3A_165] : memref<10000x64xf32, #tpu.memory_space<hbm>> -> memref<624x64xf32, #tpu.memory_space<hbm>>
      tpu.enqueue_dma source(%dma_start3A_166 : memref<624x64xf32, #tpu.memory_space<hbm>>) target(%dma_start3A_160 : memref<624x64xf32, #tpu.memory_space<vmem_shared>>) target_semaphore(%run_scoped3A_155 : memref<!tpu.dma_semaphore, #tpu.memory_space<semaphore_mem>>)
      %dma_wait3A_167 = arith.constant 0 : i32
      %dma_wait3A_168 = arith.constant 0 : i32
      %dma_wait3A_169 = tpu.memref_slice %arg16[%run_scoped3A, %dma_wait3A_167, %dma_wait3A_168] : memref<2x10000x64xf32, #tpu.memory_space<vmem_shared>> -> memref<1x10000x64xf32, #tpu.memory_space<vmem_shared>>
      %dma_wait3A_170 = tpu.memref_squeeze %dma_wait3A_169 : memref<1x10000x64xf32, #tpu.memory_space<vmem_shared>> -> memref<10000x64xf32, #tpu.memory_space<vmem_shared>>
      %dma_wait3A_171 = arith.constant 0 : i32
      %dma_wait3A_172 = tpu.memref_slice %dma_wait3A_170[%mul3A_0, %dma_wait3A_171] : memref<10000x64xf32, #tpu.memory_space<vmem_shared>> -> memref<624x64xf32, #tpu.memory_space<vmem_shared>>
      %dma_wait3A_173 = arith.constant 0 : i32
      %dma_wait3A_174 = arith.constant 0 : i32
      %dma_wait3A_175 = tpu.memref_slice %arg2[%arg0, %dma_wait3A_173, %dma_wait3A_174] : memref<2x10000x64xf32, #tpu.memory_space<hbm>> -> memref<1x10000x64xf32, #tpu.memory_space<hbm>>
      %dma_wait3A_176 = tpu.memref_squeeze %dma_wait3A_175 : memref<1x10000x64xf32, #tpu.memory_space<hbm>> -> memref<10000x64xf32, #tpu.memory_space<hbm>>
      %dma_wait3A_177 = arith.constant 0 : i32
      %dma_wait3A_178 = tpu.memref_slice %dma_wait3A_176[%mul3A_0, %dma_wait3A_177] : memref<10000x64xf32, #tpu.memory_space<hbm>> -> memref<624x64xf32, #tpu.memory_space<hbm>>
      tpu.wait_dma2 semaphore(%run_scoped3A_155 : memref<!tpu.dma_semaphore, #tpu.memory_space<semaphore_mem>>) src(%dma_wait3A_178 : memref<624x64xf32, #tpu.memory_space<hbm>>) dst(%dma_wait3A_172 : memref<624x64xf32, #tpu.memory_space<vmem_shared>>)
      tpu.yield
    }) : () -> ()
    %run_scoped3A_1 = arith.constant 0 : i32
    "tpu.region"() ({
      %run_scoped3A_155 = tpu.sem_alloc : memref<!tpu.dma_semaphore, #tpu.memory_space<semaphore_mem>>
      %dma_start3A = arith.constant 0 : i32
      %dma_start3A_156 = tpu.memref_slice %arg11[%run_scoped3A_1, %dma_start3A] : memref<104x64xf32, #tpu.memory_space<vmem>> -> memref<1x64xf32, #tpu.memory_space<vmem>>
      %dma_start3A_157 = tpu.memref_squeeze %dma_start3A_156 : memref<1x64xf32, #tpu.memory_space<vmem>> -> memref<64xf32, #tpu.memory_space<vmem>>
      %dma_start3A_158 = arith.constant 0 : i32
      %dma_start3A_159 = tpu.memref_slice %arg6[%arg0, %dma_start3A_158] : memref<2x64xf32, #tpu.memory_space<hbm>> -> memref<1x64xf32, #tpu.memory_space<hbm>>
      %dma_start3A_160 = tpu.memref_squeeze %dma_start3A_159 : memref<1x64xf32, #tpu.memory_space<hbm>> -> memref<64xf32, #tpu.memory_space<hbm>>
      %dma_start3A_161 = arith.constant 0 : i32
      %dma_start3A_162 = tpu.memref_slice %arg11[%run_scoped3A_1, %dma_start3A_161] : memref<104x64xf32, #tpu.memory_space<vmem>> -> memref<1x64xf32, #tpu.memory_space<vmem>>
      %dma_start3A_163 = tpu.memref_squeeze %dma_start3A_162 : memref<1x64xf32, #tpu.memory_space<vmem>> -> memref<64xf32, #tpu.memory_space<vmem>>
      %dma_start3A_164 = arith.constant 0 : i32
      %dma_start3A_165 = tpu.memref_slice %arg6[%arg0, %dma_start3A_164] : memref<2x64xf32, #tpu.memory_space<hbm>> -> memref<1x64xf32, #tpu.memory_space<hbm>>
      %dma_start3A_166 = tpu.memref_squeeze %dma_start3A_165 : memref<1x64xf32, #tpu.memory_space<hbm>> -> memref<64xf32, #tpu.memory_space<hbm>>
      tpu.enqueue_dma source(%dma_start3A_166 : memref<64xf32, #tpu.memory_space<hbm>>) target(%dma_start3A_163 : memref<64xf32, #tpu.memory_space<vmem>>) target_semaphore(%run_scoped3A_155 : memref<!tpu.dma_semaphore, #tpu.memory_space<semaphore_mem>>)
      %dma_wait3A_167 = arith.constant 0 : i32
      %dma_wait3A_168 = tpu.memref_slice %arg11[%run_scoped3A_1, %dma_wait3A_167] : memref<104x64xf32, #tpu.memory_space<vmem>> -> memref<1x64xf32, #tpu.memory_space<vmem>>
      %dma_wait3A_169 = tpu.memref_squeeze %dma_wait3A_168 : memref<1x64xf32, #tpu.memory_space<vmem>> -> memref<64xf32, #tpu.memory_space<vmem>>
      %dma_wait3A_170 = arith.constant 0 : i32
      %dma_wait3A_171 = tpu.memref_slice %arg6[%arg0, %dma_wait3A_170] : memref<2x64xf32, #tpu.memory_space<hbm>> -> memref<1x64xf32, #tpu.memory_space<hbm>>
      %dma_wait3A_172 = tpu.memref_squeeze %dma_wait3A_171 : memref<1x64xf32, #tpu.memory_space<hbm>> -> memref<64xf32, #tpu.memory_space<hbm>>
      %dma_wait3A_173 = arith.constant 0 : i32
      %dma_wait3A_174 = tpu.memref_slice %arg11[%run_scoped3A_1, %dma_wait3A_173] : memref<104x64xf32, #tpu.memory_space<vmem>> -> memref<1x64xf32, #tpu.memory_space<vmem>>
      %dma_wait3A_175 = tpu.memref_squeeze %dma_wait3A_174 : memref<1x64xf32, #tpu.memory_space<vmem>> -> memref<64xf32, #tpu.memory_space<vmem>>
      %dma_wait3A_176 = arith.constant 0 : i32
      %dma_wait3A_177 = tpu.memref_slice %arg6[%arg0, %dma_wait3A_176] : memref<2x64xf32, #tpu.memory_space<hbm>> -> memref<1x64xf32, #tpu.memory_space<hbm>>
      %dma_wait3A_178 = tpu.memref_squeeze %dma_wait3A_177 : memref<1x64xf32, #tpu.memory_space<hbm>> -> memref<64xf32, #tpu.memory_space<hbm>>
      tpu.wait_dma2 semaphore(%run_scoped3A_155 : memref<!tpu.dma_semaphore, #tpu.memory_space<semaphore_mem>>) src(%dma_wait3A_178 : memref<64xf32, #tpu.memory_space<hbm>>) dst(%dma_wait3A_175 : memref<64xf32, #tpu.memory_space<vmem>>)
      tpu.yield
    }) : () -> ()
    %get3A = arith.constant 0 : i32
    %get3A_2 = arith.index_cast %get3A : i32 to index
    %get3A_3 = arith.constant 0 : index
    %get3A_4 = tpu.vector_load %arg11[%get3A_2, %get3A_3] {strides = array<i32>} : memref<104x64xf32, #tpu.memory_space<vmem>>, vector<16xf32>,
    %get3A_5 = arith.constant 0 : i32
    %get3A_6 = arith.index_cast %get3A_5 : i32 to index
    %get3A_7 = arith.constant 16 : index
    %get3A_8 = tpu.vector_load %arg11[%get3A_6, %get3A_7] {strides = array<i32>} : memref<104x64xf32, #tpu.memory_space<vmem>>, vector<16xf32>,
    %get3A_9 = arith.constant 0 : i32
    %get3A_10 = arith.index_cast %get3A_9 : i32 to index
    %get3A_11 = arith.constant 32 : index
    %get3A_12 = tpu.vector_load %arg11[%get3A_10, %get3A_11] {strides = array<i32>} : memref<104x64xf32, #tpu.memory_space<vmem>>, vector<16xf32>,
    %get3A_13 = arith.constant 0 : i32
    %get3A_14 = arith.index_cast %get3A_13 : i32 to index
    %get3A_15 = arith.constant 48 : index
    %get3A_16 = tpu.vector_load %arg11[%get3A_14, %get3A_15] {strides = array<i32>} : memref<104x64xf32, #tpu.memory_space<vmem>>, vector<16xf32>,
    %scan3A = arith.constant 0 : i32
    %scan3A_17 = arith.constant 103 : i32
    %scan3A_18 = arith.addi %scan3A, %scan3A_17 : i32
    %scan3A_19 = arith.constant 1 : i32
    scf.for %scan3A_155 = %scan3A to %scan3A_18 step %scan3A_19  : i32 {
      %mul3A_156 = arith.constant 1 : i32
      %mul3A_157 = arith.muli %scan3A_155, %mul3A_156 : i32
      %add3A = arith.constant 1 : i32
      %add3A_158 = arith.addi %add3A, %mul3A_157 : i32
      %swap3A = arith.index_cast %add3A_158 : i32 to index
      %swap3A_159 = arith.constant 0 : index
      %swap3A_160 = tpu.vector_load %arg11[%swap3A, %swap3A_159] {strides = array<i32>} : memref<104x64xf32, #tpu.memory_space<vmem>>, vector<16xf32>,
      tpu.vector_store %arg11[%swap3A, %swap3A_159], %get3A_4 {strides = array<i32>} : memref<104x64xf32, #tpu.memory_space<vmem>>, vector<16xf32>,
      %swap3A_161 = arith.index_cast %add3A_158 : i32 to index
      %swap3A_162 = arith.constant 16 : index
      %swap3A_163 = tpu.vector_load %arg11[%swap3A_161, %swap3A_162] {strides = array<i32>} : memref<104x64xf32, #tpu.memory_space<vmem>>, vector<16xf32>,
      tpu.vector_store %arg11[%swap3A_161, %swap3A_162], %get3A_8 {strides = array<i32>} : memref<104x64xf32, #tpu.memory_space<vmem>>, vector<16xf32>,
      %swap3A_164 = arith.index_cast %add3A_158 : i32 to index
      %swap3A_165 = arith.constant 32 : index
      %swap3A_166 = tpu.vector_load %arg11[%swap3A_164, %swap3A_165] {strides = array<i32>} : memref<104x64xf32, #tpu.memory_space<vmem>>, vector<16xf32>,
      tpu.vector_store %arg11[%swap3A_164, %swap3A_165], %get3A_12 {strides = array<i32>} : memref<104x64xf32, #tpu.memory_space<vmem>>, vector<16xf32>,
      %swap3A_167 = arith.index_cast %add3A_158 : i32 to index
      %swap3A_168 = arith.constant 48 : index
      %swap3A_169 = tpu.vector_load %arg11[%swap3A_167, %swap3A_168] {strides = array<i32>} : memref<104x64xf32, #tpu.memory_space<vmem>>, vector<16xf32>,
      tpu.vector_store %arg11[%swap3A_167, %swap3A_168], %get3A_16 {strides = array<i32>} : memref<104x64xf32, #tpu.memory_space<vmem>>, vector<16xf32>,
    }
    %scan3A_20 = arith.constant 103 : i32
    %scan3A_21 = arith.constant 0 : i32
    %scan3A_22 = arith.constant 6 : i32
    %scan3A_23 = arith.addi %scan3A_21, %scan3A_22 : i32
    %scan3A_24 = arith.constant 1 : i32
    scf.for %scan3A_155 = %scan3A_21 to %scan3A_23 step %scan3A_24  : i32 {
      %mul3A_156 = arith.constant 1 : i32
      %mul3A_157 = arith.muli %scan3A_155, %mul3A_156 : i32
      %add3A = arith.constant 0 : i32
      %add3A_158 = arith.addi %add3A, %mul3A_157 : i32
      %mul3A_159 = arith.constant 104 : i32
      %mul3A_160 = arith.muli %add3A_158, %mul3A_159 : i32
      %add3A_161 = arith.addi %mul3A_0, %mul3A_160 : i32
      %run_scoped3A_162 = arith.constant 1 : i32
      "tpu.region"() ({
        %run_scoped3A_163 = tpu.sem_alloc : memref<!tpu.dma_semaphore, #tpu.memory_space<semaphore_mem>>
        %dma_start3A = arith.constant 0 : i32
        %dma_start3A_164 = arith.constant 0 : i32
        %dma_start3A_165 = tpu.memref_slice %arg16[%run_scoped3A_162, %dma_start3A, %dma_start3A_164] : memref<2x10000x64xf32, #tpu.memory_space<vmem_shared>> -> memref<1x10000x64xf32, #tpu.memory_space<vmem_shared>>
        %dma_start3A_166 = tpu.memref_squeeze %dma_start3A_165 : memref<1x10000x64xf32, #tpu.memory_space<vmem_shared>> -> memref<10000x64xf32, #tpu.memory_space<vmem_shared>>
        %dma_start3A_167 = arith.constant 0 : i32
        %dma_start3A_168 = tpu.memref_slice %dma_start3A_166[%add3A_161, %dma_start3A_167] : memref<10000x64xf32, #tpu.memory_space<vmem_shared>> -> memref<104x64xf32, #tpu.memory_space<vmem_shared>>
        %dma_start3A_169 = arith.constant 0 : i32
        %dma_start3A_170 = arith.constant 0 : i32
        %dma_start3A_171 = tpu.memref_slice %arg16[%run_scoped3A_162, %dma_start3A_169, %dma_start3A_170] : memref<2x10000x64xf32, #tpu.memory_space<vmem_shared>> -> memref<1x10000x64xf32, #tpu.memory_space<vmem_shared>>
        %dma_start3A_172 = tpu.memref_squeeze %dma_start3A_171 : memref<1x10000x64xf32, #tpu.memory_space<vmem_shared>> -> memref<10000x64xf32, #tpu.memory_space<vmem_shared>>
        %dma_start3A_173 = arith.constant 0 : i32
        %dma_start3A_174 = tpu.memref_slice %dma_start3A_172[%add3A_161, %dma_start3A_173] : memref<10000x64xf32, #tpu.memory_space<vmem_shared>> -> memref<104x64xf32, #tpu.memory_space<vmem_shared>>
        tpu.enqueue_dma source(%arg11 : memref<104x64xf32, #tpu.memory_space<vmem>>) target(%dma_start3A_174 : memref<104x64xf32, #tpu.memory_space<vmem_shared>>) target_semaphore(%run_scoped3A_163 : memref<!tpu.dma_semaphore, #tpu.memory_space<semaphore_mem>>)
        %dma_wait3A_175 = arith.constant 0 : i32
        %dma_wait3A_176 = arith.constant 0 : i32
        %dma_wait3A_177 = tpu.memref_slice %arg16[%run_scoped3A_162, %dma_wait3A_175, %dma_wait3A_176] : memref<2x10000x64xf32, #tpu.memory_space<vmem_shared>> -> memref<1x10000x64xf32, #tpu.memory_space<vmem_shared>>
        %dma_wait3A_178 = tpu.memref_squeeze %dma_wait3A_177 : memref<1x10000x64xf32, #tpu.memory_space<vmem_shared>> -> memref<10000x64xf32, #tpu.memory_space<vmem_shared>>
        %dma_wait3A_179 = arith.constant 0 : i32
        %dma_wait3A_180 = tpu.memref_slice %dma_wait3A_178[%add3A_161, %dma_wait3A_179] : memref<10000x64xf32, #tpu.memory_space<vmem_shared>> -> memref<104x64xf32, #tpu.memory_space<vmem_shared>>
        %dma_wait3A_181 = arith.constant 0 : i32
        %dma_wait3A_182 = arith.constant 0 : i32
        %dma_wait3A_183 = tpu.memref_slice %arg16[%run_scoped3A_162, %dma_wait3A_181, %dma_wait3A_182] : memref<2x10000x64xf32, #tpu.memory_space<vmem_shared>> -> memref<1x10000x64xf32, #tpu.memory_space<vmem_shared>>
        %dma_wait3A_184 = tpu.memref_squeeze %dma_wait3A_183 : memref<1x10000x64xf32, #tpu.memory_space<vmem_shared>> -> memref<10000x64xf32, #tpu.memory_space<vmem_shared>>
        %dma_wait3A_185 = arith.constant 0 : i32
        %dma_wait3A_186 = tpu.memref_slice %dma_wait3A_184[%add3A_161, %dma_wait3A_185] : memref<10000x64xf32, #tpu.memory_space<vmem_shared>> -> memref<104x64xf32, #tpu.memory_space<vmem_shared>>
        tpu.wait_dma2 semaphore(%run_scoped3A_163 : memref<!tpu.dma_semaphore, #tpu.memory_space<semaphore_mem>>) src(%arg11 : memref<104x64xf32, #tpu.memory_space<vmem>>) dst(%dma_wait3A_186 : memref<104x64xf32, #tpu.memory_space<vmem_shared>>)
        tpu.yield
      }) : () -> ()
    }
    %scan3A_25 = arith.constant 6 : i32
    %eq3A = arith.constant 0 : i32
    %eq3A_26 = arith.cmpi eq, %arg1, %eq3A : i32
    %convert_element_type3A = arith.extui %eq3A_26 : i1 to i32
    %cond3A = arith.constant 0 : i32
    %cond3A_27 = arith.cmpi ne, %convert_element_type3A, %cond3A : i32
    scf.if %cond3A_27 {
      %run_scoped3A_155 = arith.constant 0 : i32
      "tpu.region"() ({
        %run_scoped3A_157 = tpu.sem_alloc : memref<!tpu.dma_semaphore, #tpu.memory_space<semaphore_mem>>
        %dma_start3A = arith.constant 0 : i32
        %dma_start3A_158 = arith.constant 0 : i32
        %dma_start3A_159 = tpu.memref_slice %arg16[%run_scoped3A_155, %dma_start3A, %dma_start3A_158] : memref<2x10000x64xf32, #tpu.memory_space<vmem_shared>> -> memref<1x10000x64xf32, #tpu.memory_space<vmem_shared>>
        %dma_start3A_160 = tpu.memref_squeeze %dma_start3A_159 : memref<1x10000x64xf32, #tpu.memory_space<vmem_shared>> -> memref<10000x64xf32, #tpu.memory_space<vmem_shared>>
        %dma_start3A_161 = arith.constant 9984 : i32
        %dma_start3A_162 = arith.constant 0 : i32
        %dma_start3A_163 = tpu.memref_slice %dma_start3A_160[%dma_start3A_161, %dma_start3A_162] : memref<10000x64xf32, #tpu.memory_space<vmem_shared>> -> memref<16x64xf32, #tpu.memory_space<vmem_shared>>
        %dma_start3A_164 = arith.constant 0 : i32
        %dma_start3A_165 = arith.constant 0 : i32
        %dma_start3A_166 = tpu.memref_slice %arg2[%arg0, %dma_start3A_164, %dma_start3A_165] : memref<2x10000x64xf32, #tpu.memory_space<hbm>> -> memref<1x10000x64xf32, #tpu.memory_space<hbm>>
        %dma_start3A_167 = tpu.memref_squeeze %dma_start3A_166 : memref<1x10000x64xf32, #tpu.memory_space<hbm>> -> memref<10000x64xf32, #tpu.memory_space<hbm>>
        %dma_start3A_168 = arith.constant 9984 : i32
        %dma_start3A_169 = arith.constant 0 : i32
        %dma_start3A_170 = tpu.memref_slice %dma_start3A_167[%dma_start3A_168, %dma_start3A_169] : memref<10000x64xf32, #tpu.memory_space<hbm>> -> memref<16x64xf32, #tpu.memory_space<hbm>>
        tpu.enqueue_dma source(%dma_start3A_170 : memref<16x64xf32, #tpu.memory_space<hbm>>) target(%dma_start3A_163 : memref<16x64xf32, #tpu.memory_space<vmem_shared>>) target_semaphore(%run_scoped3A_157 : memref<!tpu.dma_semaphore, #tpu.memory_space<semaphore_mem>>)
        %dma_wait3A_171 = arith.constant 0 : i32
        %dma_wait3A_172 = arith.constant 0 : i32
        %dma_wait3A_173 = tpu.memref_slice %arg16[%run_scoped3A_155, %dma_wait3A_171, %dma_wait3A_172] : memref<2x10000x64xf32, #tpu.memory_space<vmem_shared>> -> memref<1x10000x64xf32, #tpu.memory_space<vmem_shared>>
        %dma_wait3A_174 = tpu.memref_squeeze %dma_wait3A_173 : memref<1x10000x64xf32, #tpu.memory_space<vmem_shared>> -> memref<10000x64xf32, #tpu.memory_space<vmem_shared>>
        %dma_wait3A_175 = arith.constant 9984 : i32
        %dma_wait3A_176 = arith.constant 0 : i32
        %dma_wait3A_177 = tpu.memref_slice %dma_wait3A_174[%dma_wait3A_175, %dma_wait3A_176] : memref<10000x64xf32, #tpu.memory_space<vmem_shared>> -> memref<16x64xf32, #tpu.memory_space<vmem_shared>>
        %dma_wait3A_178 = arith.constant 0 : i32
        %dma_wait3A_179 = arith.constant 0 : i32
        %dma_wait3A_180 = tpu.memref_slice %arg2[%arg0, %dma_wait3A_178, %dma_wait3A_179] : memref<2x10000x64xf32, #tpu.memory_space<hbm>> -> memref<1x10000x64xf32, #tpu.memory_space<hbm>>
        %dma_wait3A_181 = tpu.memref_squeeze %dma_wait3A_180 : memref<1x10000x64xf32, #tpu.memory_space<hbm>> -> memref<10000x64xf32, #tpu.memory_space<hbm>>
        %dma_wait3A_182 = arith.constant 9984 : i32
        %dma_wait3A_183 = arith.constant 0 : i32
        %dma_wait3A_184 = tpu.memref_slice %dma_wait3A_181[%dma_wait3A_182, %dma_wait3A_183] : memref<10000x64xf32, #tpu.memory_space<hbm>> -> memref<16x64xf32, #tpu.memory_space<hbm>>
        tpu.wait_dma2 semaphore(%run_scoped3A_157 : memref<!tpu.dma_semaphore, #tpu.memory_space<semaphore_mem>>) src(%dma_wait3A_184 : memref<16x64xf32, #tpu.memory_space<hbm>>) dst(%dma_wait3A_177 : memref<16x64xf32, #tpu.memory_space<vmem_shared>>)
        tpu.yield
      }) : () -> ()
      %run_scoped3A_156 = arith.constant 1 : i32
      "tpu.region"() ({
        %run_scoped3A_157 = tpu.sem_alloc : memref<!tpu.dma_semaphore, #tpu.memory_space<semaphore_mem>>
        %dma_start3A = arith.constant 0 : i32
        %dma_start3A_158 = arith.constant 0 : i32
        %dma_start3A_159 = tpu.memref_slice %arg11[%dma_start3A, %dma_start3A_158] : memref<104x64xf32, #tpu.memory_space<vmem>> -> memref<16x64xf32, #tpu.memory_space<vmem>>
        %dma_start3A_160 = arith.constant 0 : i32
        %dma_start3A_161 = arith.constant 0 : i32
        %dma_start3A_162 = tpu.memref_slice %arg16[%run_scoped3A_156, %dma_start3A_160, %dma_start3A_161] : memref<2x10000x64xf32, #tpu.memory_space<vmem_shared>> -> memref<1x10000x64xf32, #tpu.memory_space<vmem_shared>>
        %dma_start3A_163 = tpu.memref_squeeze %dma_start3A_162 : memref<1x10000x64xf32, #tpu.memory_space<vmem_shared>> -> memref<10000x64xf32, #tpu.memory_space<vmem_shared>>
        %dma_start3A_164 = arith.constant 9984 : i32
        %dma_start3A_165 = arith.constant 0 : i32
        %dma_start3A_166 = tpu.memref_slice %dma_start3A_163[%dma_start3A_164, %dma_start3A_165] : memref<10000x64xf32, #tpu.memory_space<vmem_shared>> -> memref<16x64xf32, #tpu.memory_space<vmem_shared>>
        %dma_start3A_167 = arith.constant 0 : i32
        %dma_start3A_168 = arith.constant 0 : i32
        %dma_start3A_169 = tpu.memref_slice %arg16[%run_scoped3A_156, %dma_start3A_167, %dma_start3A_168] : memref<2x10000x64xf32, #tpu.memory_space<vmem_shared>> -> memref<1x10000x64xf32, #tpu.memory_space<vmem_shared>>
        %dma_start3A_170 = tpu.memref_squeeze %dma_start3A_169 : memref<1x10000x64xf32, #tpu.memory_space<vmem_shared>> -> memref<10000x64xf32, #tpu.memory_space<vmem_shared>>
        %dma_start3A_171 = arith.constant 9984 : i32
        %dma_start3A_172 = arith.constant 0 : i32
        %dma_start3A_173 = tpu.memref_slice %dma_start3A_170[%dma_start3A_171, %dma_start3A_172] : memref<10000x64xf32, #tpu.memory_space<vmem_shared>> -> memref<16x64xf32, #tpu.memory_space<vmem_shared>>
        %dma_start3A_174 = arith.constant 0 : i32
        %dma_start3A_175 = arith.constant 0 : i32
        %dma_start3A_176 = tpu.memref_slice %arg11[%dma_start3A_174, %dma_start3A_175] : memref<104x64xf32, #tpu.memory_space<vmem>> -> memref<16x64xf32, #tpu.memory_space<vmem>>
        tpu.enqueue_dma source(%dma_start3A_176 : memref<16x64xf32, #tpu.memory_space<vmem>>) target(%dma_start3A_173 : memref<16x64xf32, #tpu.memory_space<vmem_shared>>) target_semaphore(%run_scoped3A_157 : memref<!tpu.dma_semaphore, #tpu.memory_space<semaphore_mem>>)
        %dma_wait3A_177 = arith.constant 0 : i32
        %dma_wait3A_178 = arith.constant 0 : i32
        %dma_wait3A_179 = tpu.memref_slice %arg11[%dma_wait3A_177, %dma_wait3A_178] : memref<104x64xf32, #tpu.memory_space<vmem>> -> memref<16x64xf32, #tpu.memory_space<vmem>>
        %dma_wait3A_180 = arith.constant 0 : i32
        %dma_wait3A_181 = arith.constant 0 : i32
        %dma_wait3A_182 = tpu.memref_slice %arg16[%run_scoped3A_156, %dma_wait3A_180, %dma_wait3A_181] : memref<2x10000x64xf32, #tpu.memory_space<vmem_shared>> -> memref<1x10000x64xf32, #tpu.memory_space<vmem_shared>>
        %dma_wait3A_183 = tpu.memref_squeeze %dma_wait3A_182 : memref<1x10000x64xf32, #tpu.memory_space<vmem_shared>> -> memref<10000x64xf32, #tpu.memory_space<vmem_shared>>
        %dma_wait3A_184 = arith.constant 9984 : i32
        %dma_wait3A_185 = arith.constant 0 : i32
        %dma_wait3A_186 = tpu.memref_slice %dma_wait3A_183[%dma_wait3A_184, %dma_wait3A_185] : memref<10000x64xf32, #tpu.memory_space<vmem_shared>> -> memref<16x64xf32, #tpu.memory_space<vmem_shared>>
        %dma_wait3A_187 = arith.constant 0 : i32
        %dma_wait3A_188 = arith.constant 0 : i32
        %dma_wait3A_189 = tpu.memref_slice %arg16[%run_scoped3A_156, %dma_wait3A_187, %dma_wait3A_188] : memref<2x10000x64xf32, #tpu.memory_space<vmem_shared>> -> memref<1x10000x64xf32, #tpu.memory_space<vmem_shared>>
        %dma_wait3A_190 = tpu.memref_squeeze %dma_wait3A_189 : memref<1x10000x64xf32, #tpu.memory_space<vmem_shared>> -> memref<10000x64xf32, #tpu.memory_space<vmem_shared>>
        %dma_wait3A_191 = arith.constant 9984 : i32
        %dma_wait3A_192 = arith.constant 0 : i32
        %dma_wait3A_193 = tpu.memref_slice %dma_wait3A_190[%dma_wait3A_191, %dma_wait3A_192] : memref<10000x64xf32, #tpu.memory_space<vmem_shared>> -> memref<16x64xf32, #tpu.memory_space<vmem_shared>>
        %dma_wait3A_194 = arith.constant 0 : i32
        %dma_wait3A_195 = arith.constant 0 : i32
        %dma_wait3A_196 = tpu.memref_slice %arg11[%dma_wait3A_194, %dma_wait3A_195] : memref<104x64xf32, #tpu.memory_space<vmem>> -> memref<16x64xf32, #tpu.memory_space<vmem>>
        tpu.wait_dma2 semaphore(%run_scoped3A_157 : memref<!tpu.dma_semaphore, #tpu.memory_space<semaphore_mem>>) src(%dma_wait3A_196 : memref<16x64xf32, #tpu.memory_space<vmem>>) dst(%dma_wait3A_193 : memref<16x64xf32, #tpu.memory_space<vmem_shared>>)
        tpu.yield
      }) : () -> ()
    } else {
    }
    %mul3A_28 = arith.constant 20000 : i32
    %mul3A_29 = arith.muli %arg1, %mul3A_28 : i32
    %run_scoped3A_30 = arith.constant 0 : i32
    %run_scoped3A_31 = arith.constant 0 : i32
    "tpu.region"() ({
      %run_scoped3A_155 = tpu.sem_alloc : memref<!tpu.dma_semaphore, #tpu.memory_space<semaphore_mem>>
      %dma_start3A = arith.constant 0 : i32
      %dma_start3A_156 = arith.constant 0 : i32
      %dma_start3A_157 = tpu.memref_slice %arg8[%run_scoped3A_31, %dma_start3A, %dma_start3A_156] : memref<2x25x80xi32, #tpu.memory_space<vmem>> -> memref<1x25x80xi32, #tpu.memory_space<vmem>>
      %dma_start3A_158 = tpu.memref_squeeze %dma_start3A_157 : memref<1x25x80xi32, #tpu.memory_space<vmem>> -> memref<25x80xi32, #tpu.memory_space<vmem>>
      %dma_start3A_159 = arith.constant 0 : i32
      %dma_start3A_160 = arith.constant 0 : i32
      %dma_start3A_161 = tpu.memref_slice %arg4[%arg1, %run_scoped3A_30, %dma_start3A_159, %dma_start3A_160] : memref<16x10x25x80xi32, #tpu.memory_space<hbm>> -> memref<1x1x25x80xi32, #tpu.memory_space<hbm>>
      %dma_start3A_162 = tpu.memref_squeeze %dma_start3A_161 : memref<1x1x25x80xi32, #tpu.memory_space<hbm>> -> memref<25x80xi32, #tpu.memory_space<hbm>>
      %dma_start3A_163 = arith.constant 0 : i32
      %dma_start3A_164 = arith.constant 0 : i32
      %dma_start3A_165 = tpu.memref_slice %arg8[%run_scoped3A_31, %dma_start3A_163, %dma_start3A_164] : memref<2x25x80xi32, #tpu.memory_space<vmem>> -> memref<1x25x80xi32, #tpu.memory_space<vmem>>
      %dma_start3A_166 = tpu.memref_squeeze %dma_start3A_165 : memref<1x25x80xi32, #tpu.memory_space<vmem>> -> memref<25x80xi32, #tpu.memory_space<vmem>>
      %dma_start3A_167 = arith.constant 0 : i32
      %dma_start3A_168 = arith.constant 0 : i32
      %dma_start3A_169 = tpu.memref_slice %arg4[%arg1, %run_scoped3A_30, %dma_start3A_167, %dma_start3A_168] : memref<16x10x25x80xi32, #tpu.memory_space<hbm>> -> memref<1x1x25x80xi32, #tpu.memory_space<hbm>>
      %dma_start3A_170 = tpu.memref_squeeze %dma_start3A_169 : memref<1x1x25x80xi32, #tpu.memory_space<hbm>> -> memref<25x80xi32, #tpu.memory_space<hbm>>
      tpu.enqueue_dma source(%dma_start3A_170 : memref<25x80xi32, #tpu.memory_space<hbm>>) target(%dma_start3A_166 : memref<25x80xi32, #tpu.memory_space<vmem>>) target_semaphore(%run_scoped3A_155 : memref<!tpu.dma_semaphore, #tpu.memory_space<semaphore_mem>>)
      %dma_wait3A_171 = arith.constant 0 : i32
      %dma_wait3A_172 = arith.constant 0 : i32
      %dma_wait3A_173 = tpu.memref_slice %arg8[%run_scoped3A_31, %dma_wait3A_171, %dma_wait3A_172] : memref<2x25x80xi32, #tpu.memory_space<vmem>> -> memref<1x25x80xi32, #tpu.memory_space<vmem>>
      %dma_wait3A_174 = tpu.memref_squeeze %dma_wait3A_173 : memref<1x25x80xi32, #tpu.memory_space<vmem>> -> memref<25x80xi32, #tpu.memory_space<vmem>>
      %dma_wait3A_175 = arith.constant 0 : i32
      %dma_wait3A_176 = arith.constant 0 : i32
      %dma_wait3A_177 = tpu.memref_slice %arg4[%arg1, %run_scoped3A_30, %dma_wait3A_175, %dma_wait3A_176] : memref<16x10x25x80xi32, #tpu.memory_space<hbm>> -> memref<1x1x25x80xi32, #tpu.memory_space<hbm>>
      %dma_wait3A_178 = tpu.memref_squeeze %dma_wait3A_177 : memref<1x1x25x80xi32, #tpu.memory_space<hbm>> -> memref<25x80xi32, #tpu.memory_space<hbm>>
      %dma_wait3A_179 = arith.constant 0 : i32
      %dma_wait3A_180 = arith.constant 0 : i32
      %dma_wait3A_181 = tpu.memref_slice %arg8[%run_scoped3A_31, %dma_wait3A_179, %dma_wait3A_180] : memref<2x25x80xi32, #tpu.memory_space<vmem>> -> memref<1x25x80xi32, #tpu.memory_space<vmem>>
      %dma_wait3A_182 = tpu.memref_squeeze %dma_wait3A_181 : memref<1x25x80xi32, #tpu.memory_space<vmem>> -> memref<25x80xi32, #tpu.memory_space<vmem>>
      %dma_wait3A_183 = arith.constant 0 : i32
      %dma_wait3A_184 = arith.constant 0 : i32
      %dma_wait3A_185 = tpu.memref_slice %arg4[%arg1, %run_scoped3A_30, %dma_wait3A_183, %dma_wait3A_184] : memref<16x10x25x80xi32, #tpu.memory_space<hbm>> -> memref<1x1x25x80xi32, #tpu.memory_space<hbm>>
      %dma_wait3A_186 = tpu.memref_squeeze %dma_wait3A_185 : memref<1x1x25x80xi32, #tpu.memory_space<hbm>> -> memref<25x80xi32, #tpu.memory_space<hbm>>
      tpu.wait_dma2 semaphore(%run_scoped3A_155 : memref<!tpu.dma_semaphore, #tpu.memory_space<semaphore_mem>>) src(%dma_wait3A_186 : memref<25x80xi32, #tpu.memory_space<hbm>>) dst(%dma_wait3A_182 : memref<25x80xi32, #tpu.memory_space<vmem>>)
      tpu.yield
    }) : () -> ()
    %run_scoped3A_32 = arith.constant 0 : i32
    %run_scoped3A_33 = arith.constant 0 : i32
    "tpu.region"() ({
      %run_scoped3A_155 = tpu.sem_alloc : memref<!tpu.dma_semaphore, #tpu.memory_space<semaphore_mem>>
      %dma_start3A = arith.constant 0 : i32
      %dma_start3A_156 = arith.constant 0 : i32
      %dma_start3A_157 = tpu.memref_slice %arg9[%run_scoped3A_33, %dma_start3A, %dma_start3A_156] : memref<2x25x80xi32, #tpu.memory_space<vmem>> -> memref<1x25x80xi32, #tpu.memory_space<vmem>>
      %dma_start3A_158 = tpu.memref_squeeze %dma_start3A_157 : memref<1x25x80xi32, #tpu.memory_space<vmem>> -> memref<25x80xi32, #tpu.memory_space<vmem>>
      %dma_start3A_159 = arith.constant 0 : i32
      %dma_start3A_160 = arith.constant 0 : i32
      %dma_start3A_161 = tpu.memref_slice %arg3[%arg1, %run_scoped3A_32, %dma_start3A_159, %dma_start3A_160] : memref<16x10x25x80xi32, #tpu.memory_space<hbm>> -> memref<1x1x25x80xi32, #tpu.memory_space<hbm>>
      %dma_start3A_162 = tpu.memref_squeeze %dma_start3A_161 : memref<1x1x25x80xi32, #tpu.memory_space<hbm>> -> memref<25x80xi32, #tpu.memory_space<hbm>>
      %dma_start3A_163 = arith.constant 0 : i32
      %dma_start3A_164 = arith.constant 0 : i32
      %dma_start3A_165 = tpu.memref_slice %arg9[%run_scoped3A_33, %dma_start3A_163, %dma_start3A_164] : memref<2x25x80xi32, #tpu.memory_space<vmem>> -> memref<1x25x80xi32, #tpu.memory_space<vmem>>
      %dma_start3A_166 = tpu.memref_squeeze %dma_start3A_165 : memref<1x25x80xi32, #tpu.memory_space<vmem>> -> memref<25x80xi32, #tpu.memory_space<vmem>>
      %dma_start3A_167 = arith.constant 0 : i32
      %dma_start3A_168 = arith.constant 0 : i32
      %dma_start3A_169 = tpu.memref_slice %arg3[%arg1, %run_scoped3A_32, %dma_start3A_167, %dma_start3A_168] : memref<16x10x25x80xi32, #tpu.memory_space<hbm>> -> memref<1x1x25x80xi32, #tpu.memory_space<hbm>>
      %dma_start3A_170 = tpu.memref_squeeze %dma_start3A_169 : memref<1x1x25x80xi32, #tpu.memory_space<hbm>> -> memref<25x80xi32, #tpu.memory_space<hbm>>
      tpu.enqueue_dma source(%dma_start3A_170 : memref<25x80xi32, #tpu.memory_space<hbm>>) target(%dma_start3A_166 : memref<25x80xi32, #tpu.memory_space<vmem>>) target_semaphore(%run_scoped3A_155 : memref<!tpu.dma_semaphore, #tpu.memory_space<semaphore_mem>>)
      %dma_wait3A_171 = arith.constant 0 : i32
      %dma_wait3A_172 = arith.constant 0 : i32
      %dma_wait3A_173 = tpu.memref_slice %arg9[%run_scoped3A_33, %dma_wait3A_171, %dma_wait3A_172] : memref<2x25x80xi32, #tpu.memory_space<vmem>> -> memref<1x25x80xi32, #tpu.memory_space<vmem>>
      %dma_wait3A_174 = tpu.memref_squeeze %dma_wait3A_173 : memref<1x25x80xi32, #tpu.memory_space<vmem>> -> memref<25x80xi32, #tpu.memory_space<vmem>>
      %dma_wait3A_175 = arith.constant 0 : i32
      %dma_wait3A_176 = arith.constant 0 : i32
      %dma_wait3A_177 = tpu.memref_slice %arg3[%arg1, %run_scoped3A_32, %dma_wait3A_175, %dma_wait3A_176] : memref<16x10x25x80xi32, #tpu.memory_space<hbm>> -> memref<1x1x25x80xi32, #tpu.memory_space<hbm>>
      %dma_wait3A_178 = tpu.memref_squeeze %dma_wait3A_177 : memref<1x1x25x80xi32, #tpu.memory_space<hbm>> -> memref<25x80xi32, #tpu.memory_space<hbm>>
      %dma_wait3A_179 = arith.constant 0 : i32
      %dma_wait3A_180 = arith.constant 0 : i32
      %dma_wait3A_181 = tpu.memref_slice %arg9[%run_scoped3A_33, %dma_wait3A_179, %dma_wait3A_180] : memref<2x25x80xi32, #tpu.memory_space<vmem>> -> memref<1x25x80xi32, #tpu.memory_space<vmem>>
      %dma_wait3A_182 = tpu.memref_squeeze %dma_wait3A_181 : memref<1x25x80xi32, #tpu.memory_space<vmem>> -> memref<25x80xi32, #tpu.memory_space<vmem>>
      %dma_wait3A_183 = arith.constant 0 : i32
      %dma_wait3A_184 = arith.constant 0 : i32
      %dma_wait3A_185 = tpu.memref_slice %arg3[%arg1, %run_scoped3A_32, %dma_wait3A_183, %dma_wait3A_184] : memref<16x10x25x80xi32, #tpu.memory_space<hbm>> -> memref<1x1x25x80xi32, #tpu.memory_space<hbm>>
      %dma_wait3A_186 = tpu.memref_squeeze %dma_wait3A_185 : memref<1x1x25x80xi32, #tpu.memory_space<hbm>> -> memref<25x80xi32, #tpu.memory_space<hbm>>
      tpu.wait_dma2 semaphore(%run_scoped3A_155 : memref<!tpu.dma_semaphore, #tpu.memory_space<semaphore_mem>>) src(%dma_wait3A_186 : memref<25x80xi32, #tpu.memory_space<hbm>>) dst(%dma_wait3A_182 : memref<25x80xi32, #tpu.memory_space<vmem>>)
      tpu.yield
    }) : () -> ()
    %run_scoped3A_34 = arith.constant 0 : i32
    %run_scoped3A_35 = arith.constant 0 : i32
    "tpu.region"() ({
      %run_scoped3A_155 = tpu.sem_alloc : memref<!tpu.dma_semaphore, #tpu.memory_space<semaphore_mem>>
      %dma_start3A = arith.constant 0 : i32
      %dma_start3A_156 = arith.constant 0 : i32
      %dma_start3A_157 = tpu.memref_slice %arg10[%run_scoped3A_35, %dma_start3A, %dma_start3A_156] : memref<2x25x80xf32, #tpu.memory_space<vmem>> -> memref<1x25x80xf32, #tpu.memory_space<vmem>>
      %dma_start3A_158 = tpu.memref_squeeze %dma_start3A_157 : memref<1x25x80xf32, #tpu.memory_space<vmem>> -> memref<25x80xf32, #tpu.memory_space<vmem>>
      %dma_start3A_159 = arith.constant 0 : i32
      %dma_start3A_160 = arith.constant 0 : i32
      %dma_start3A_161 = tpu.memref_slice %arg5[%arg1, %run_scoped3A_34, %dma_start3A_159, %dma_start3A_160] : memref<16x10x25x80xf32, #tpu.memory_space<hbm>> -> memref<1x1x25x80xf32, #tpu.memory_space<hbm>>
      %dma_start3A_162 = tpu.memref_squeeze %dma_start3A_161 : memref<1x1x25x80xf32, #tpu.memory_space<hbm>> -> memref<25x80xf32, #tpu.memory_space<hbm>>
      %dma_start3A_163 = arith.constant 0 : i32
      %dma_start3A_164 = arith.constant 0 : i32
      %dma_start3A_165 = tpu.memref_slice %arg10[%run_scoped3A_35, %dma_start3A_163, %dma_start3A_164] : memref<2x25x80xf32, #tpu.memory_space<vmem>> -> memref<1x25x80xf32, #tpu.memory_space<vmem>>
      %dma_start3A_166 = tpu.memref_squeeze %dma_start3A_165 : memref<1x25x80xf32, #tpu.memory_space<vmem>> -> memref<25x80xf32, #tpu.memory_space<vmem>>
      %dma_start3A_167 = arith.constant 0 : i32
      %dma_start3A_168 = arith.constant 0 : i32
      %dma_start3A_169 = tpu.memref_slice %arg5[%arg1, %run_scoped3A_34, %dma_start3A_167, %dma_start3A_168] : memref<16x10x25x80xf32, #tpu.memory_space<hbm>> -> memref<1x1x25x80xf32, #tpu.memory_space<hbm>>
      %dma_start3A_170 = tpu.memref_squeeze %dma_start3A_169 : memref<1x1x25x80xf32, #tpu.memory_space<hbm>> -> memref<25x80xf32, #tpu.memory_space<hbm>>
      tpu.enqueue_dma source(%dma_start3A_170 : memref<25x80xf32, #tpu.memory_space<hbm>>) target(%dma_start3A_166 : memref<25x80xf32, #tpu.memory_space<vmem>>) target_semaphore(%run_scoped3A_155 : memref<!tpu.dma_semaphore, #tpu.memory_space<semaphore_mem>>)
      %dma_wait3A_171 = arith.constant 0 : i32
      %dma_wait3A_172 = arith.constant 0 : i32
      %dma_wait3A_173 = tpu.memref_slice %arg10[%run_scoped3A_35, %dma_wait3A_171, %dma_wait3A_172] : memref<2x25x80xf32, #tpu.memory_space<vmem>> -> memref<1x25x80xf32, #tpu.memory_space<vmem>>
      %dma_wait3A_174 = tpu.memref_squeeze %dma_wait3A_173 : memref<1x25x80xf32, #tpu.memory_space<vmem>> -> memref<25x80xf32, #tpu.memory_space<vmem>>
      %dma_wait3A_175 = arith.constant 0 : i32
      %dma_wait3A_176 = arith.constant 0 : i32
      %dma_wait3A_177 = tpu.memref_slice %arg5[%arg1, %run_scoped3A_34, %dma_wait3A_175, %dma_wait3A_176] : memref<16x10x25x80xf32, #tpu.memory_space<hbm>> -> memref<1x1x25x80xf32, #tpu.memory_space<hbm>>
      %dma_wait3A_178 = tpu.memref_squeeze %dma_wait3A_177 : memref<1x1x25x80xf32, #tpu.memory_space<hbm>> -> memref<25x80xf32, #tpu.memory_space<hbm>>
      %dma_wait3A_179 = arith.constant 0 : i32
      %dma_wait3A_180 = arith.constant 0 : i32
      %dma_wait3A_181 = tpu.memref_slice %arg10[%run_scoped3A_35, %dma_wait3A_179, %dma_wait3A_180] : memref<2x25x80xf32, #tpu.memory_space<vmem>> -> memref<1x25x80xf32, #tpu.memory_space<vmem>>
      %dma_wait3A_182 = tpu.memref_squeeze %dma_wait3A_181 : memref<1x25x80xf32, #tpu.memory_space<vmem>> -> memref<25x80xf32, #tpu.memory_space<vmem>>
      %dma_wait3A_183 = arith.constant 0 : i32
      %dma_wait3A_184 = arith.constant 0 : i32
      %dma_wait3A_185 = tpu.memref_slice %arg5[%arg1, %run_scoped3A_34, %dma_wait3A_183, %dma_wait3A_184] : memref<16x10x25x80xf32, #tpu.memory_space<hbm>> -> memref<1x1x25x80xf32, #tpu.memory_space<hbm>>
      %dma_wait3A_186 = tpu.memref_squeeze %dma_wait3A_185 : memref<1x1x25x80xf32, #tpu.memory_space<hbm>> -> memref<25x80xf32, #tpu.memory_space<hbm>>
      tpu.wait_dma2 semaphore(%run_scoped3A_155 : memref<!tpu.dma_semaphore, #tpu.memory_space<semaphore_mem>>) src(%dma_wait3A_186 : memref<25x80xf32, #tpu.memory_space<hbm>>) dst(%dma_wait3A_182 : memref<25x80xf32, #tpu.memory_space<vmem>>)
      tpu.yield
    }) : () -> ()
    %barrier3A = arith.constant 0 : index
    tpu.barrier barrier_id(%barrier3A)
    %scan3A_36 = arith.constant 1 : i32
    %scan3A_37 = arith.constant 0 : i32
    %scan3A_38 = arith.constant 0 : i32
    %scan3A_39 = arith.constant 5 : i32
    %scan3A_40 = arith.addi %scan3A_38, %scan3A_39 : i32
    %scan3A_41 = arith.constant 1 : i32
    scf.for %scan3A_155 = %scan3A_38 to %scan3A_40 step %scan3A_41  : i32 {
      %mul3A_156 = arith.constant 1 : i32
      %mul3A_157 = arith.muli %scan3A_155, %mul3A_156 : i32
      %add3A = arith.constant 0 : i32
      %add3A_158 = arith.addi %add3A, %mul3A_157 : i32
      %mul3A_159 = arith.constant 2 : i32
      %mul3A_160 = arith.muli %mul3A_159, %add3A_158 : i32
      %add3A_161 = arith.constant 0 : i32
      %add3A_162 = arith.addi %mul3A_160, %add3A_161 : i32
      %gt3A = arith.constant 0 : i32
      %gt3A_163 = arith.cmpi sgt, %add3A_158, %gt3A : i32
      %convert_element_type3A_164 = arith.extui %gt3A_163 : i1 to i32
      %cond3A_165 = arith.constant 0 : i32
      %cond3A_166 = arith.cmpi ne, %convert_element_type3A_164, %cond3A_165 : i32
      scf.if %cond3A_166 {
        %dma_wait3A_438 = arith.constant 0 : i32
        %dma_wait3A_439 = arith.constant 0 : i32
        %dma_wait3A_440 = arith.constant 0 : i32
        %dma_wait3A_441 = arith.constant 0 : i32
        %dma_wait3A_442 = arith.constant 0 : i32
        %dma_wait3A_443 = tpu.memref_slice %arg8[%dma_wait3A_439, %dma_wait3A_441, %dma_wait3A_442] : memref<2x25x80xi32, #tpu.memory_space<vmem>> -> memref<1x25x80xi32, #tpu.memory_space<vmem>>
        %dma_wait3A_444 = tpu.memref_squeeze %dma_wait3A_443 : memref<1x25x80xi32, #tpu.memory_space<vmem>> -> memref<25x80xi32, #tpu.memory_space<vmem>>
        %dma_wait3A_445 = arith.constant 0 : i32
        %dma_wait3A_446 = arith.constant 0 : i32
        %dma_wait3A_447 = tpu.memref_slice %arg4[%arg1, %dma_wait3A_438, %dma_wait3A_445, %dma_wait3A_446] : memref<16x10x25x80xi32, #tpu.memory_space<hbm>> -> memref<1x1x25x80xi32, #tpu.memory_space<hbm>>
        %dma_wait3A_448 = tpu.memref_squeeze %dma_wait3A_447 : memref<1x1x25x80xi32, #tpu.memory_space<hbm>> -> memref<25x80xi32, #tpu.memory_space<hbm>>
        %dma_wait3A_449 = tpu.memref_slice %arg15[%dma_wait3A_440] : memref<2x!tpu.dma_semaphore, #tpu.memory_space<semaphore_mem>> -> memref<1x!tpu.dma_semaphore, #tpu.memory_space<semaphore_mem>>
        %dma_wait3A_450 = tpu.memref_squeeze %dma_wait3A_449 : memref<1x!tpu.dma_semaphore, #tpu.memory_space<semaphore_mem>> -> memref<!tpu.dma_semaphore, #tpu.memory_space<semaphore_mem>>
        %dma_wait3A_451 = arith.constant 0 : i32
        %dma_wait3A_452 = arith.constant 0 : i32
        %dma_wait3A_453 = tpu.memref_slice %arg8[%dma_wait3A_439, %dma_wait3A_451, %dma_wait3A_452] : memref<2x25x80xi32, #tpu.memory_space<vmem>> -> memref<1x25x80xi32, #tpu.memory_space<vmem>>
        %dma_wait3A_454 = tpu.memref_squeeze %dma_wait3A_453 : memref<1x25x80xi32, #tpu.memory_space<vmem>> -> memref<25x80xi32, #tpu.memory_space<vmem>>
        %dma_wait3A_455 = arith.constant 0 : i32
        %dma_wait3A_456 = arith.constant 0 : i32
        %dma_wait3A_457 = tpu.memref_slice %arg4[%arg1, %dma_wait3A_438, %dma_wait3A_455, %dma_wait3A_456] : memref<16x10x25x80xi32, #tpu.memory_space<hbm>> -> memref<1x1x25x80xi32, #tpu.memory_space<hbm>>
        %dma_wait3A_458 = tpu.memref_squeeze %dma_wait3A_457 : memref<1x1x25x80xi32, #tpu.memory_space<hbm>> -> memref<25x80xi32, #tpu.memory_space<hbm>>
        tpu.wait_dma2 semaphore(%dma_wait3A_450 : memref<!tpu.dma_semaphore, #tpu.memory_space<semaphore_mem>>) src(%dma_wait3A_458 : memref<25x80xi32, #tpu.memory_space<hbm>>) dst(%dma_wait3A_454 : memref<25x80xi32, #tpu.memory_space<vmem>>)
        %dma_wait3A_459 = arith.constant 0 : i32
        %dma_wait3A_460 = arith.constant 0 : i32
        %dma_wait3A_461 = arith.constant 0 : i32
        %dma_wait3A_462 = arith.constant 0 : i32
        %dma_wait3A_463 = arith.constant 0 : i32
        %dma_wait3A_464 = tpu.memref_slice %arg9[%dma_wait3A_460, %dma_wait3A_462, %dma_wait3A_463] : memref<2x25x80xi32, #tpu.memory_space<vmem>> -> memref<1x25x80xi32, #tpu.memory_space<vmem>>
        %dma_wait3A_465 = tpu.memref_squeeze %dma_wait3A_464 : memref<1x25x80xi32, #tpu.memory_space<vmem>> -> memref<25x80xi32, #tpu.memory_space<vmem>>
        %dma_wait3A_466 = arith.constant 0 : i32
        %dma_wait3A_467 = arith.constant 0 : i32
        %dma_wait3A_468 = tpu.memref_slice %arg3[%arg1, %dma_wait3A_459, %dma_wait3A_466, %dma_wait3A_467] : memref<16x10x25x80xi32, #tpu.memory_space<hbm>> -> memref<1x1x25x80xi32, #tpu.memory_space<hbm>>
        %dma_wait3A_469 = tpu.memref_squeeze %dma_wait3A_468 : memref<1x1x25x80xi32, #tpu.memory_space<hbm>> -> memref<25x80xi32, #tpu.memory_space<hbm>>
        %dma_wait3A_470 = tpu.memref_slice %arg15[%dma_wait3A_461] : memref<2x!tpu.dma_semaphore, #tpu.memory_space<semaphore_mem>> -> memref<1x!tpu.dma_semaphore, #tpu.memory_space<semaphore_mem>>
        %dma_wait3A_471 = tpu.memref_squeeze %dma_wait3A_470 : memref<1x!tpu.dma_semaphore, #tpu.memory_space<semaphore_mem>> -> memref<!tpu.dma_semaphore, #tpu.memory_space<semaphore_mem>>
        %dma_wait3A_472 = arith.constant 0 : i32
        %dma_wait3A_473 = arith.constant 0 : i32
        %dma_wait3A_474 = tpu.memref_slice %arg9[%dma_wait3A_460, %dma_wait3A_472, %dma_wait3A_473] : memref<2x25x80xi32, #tpu.memory_space<vmem>> -> memref<1x25x80xi32, #tpu.memory_space<vmem>>
        %dma_wait3A_475 = tpu.memref_squeeze %dma_wait3A_474 : memref<1x25x80xi32, #tpu.memory_space<vmem>> -> memref<25x80xi32, #tpu.memory_space<vmem>>
        %dma_wait3A_476 = arith.constant 0 : i32
        %dma_wait3A_477 = arith.constant 0 : i32
        %dma_wait3A_478 = tpu.memref_slice %arg3[%arg1, %dma_wait3A_459, %dma_wait3A_476, %dma_wait3A_477] : memref<16x10x25x80xi32, #tpu.memory_space<hbm>> -> memref<1x1x25x80xi32, #tpu.memory_space<hbm>>
        %dma_wait3A_479 = tpu.memref_squeeze %dma_wait3A_478 : memref<1x1x25x80xi32, #tpu.memory_space<hbm>> -> memref<25x80xi32, #tpu.memory_space<hbm>>
        tpu.wait_dma2 semaphore(%dma_wait3A_471 : memref<!tpu.dma_semaphore, #tpu.memory_space<semaphore_mem>>) src(%dma_wait3A_479 : memref<25x80xi32, #tpu.memory_space<hbm>>) dst(%dma_wait3A_475 : memref<25x80xi32, #tpu.memory_space<vmem>>)
        %dma_wait3A_480 = arith.constant 0 : i32
        %dma_wait3A_481 = arith.constant 0 : i32
        %dma_wait3A_482 = arith.constant 0 : i32
        %dma_wait3A_483 = arith.constant 0 : i32
        %dma_wait3A_484 = arith.constant 0 : i32
        %dma_wait3A_485 = tpu.memref_slice %arg10[%dma_wait3A_481, %dma_wait3A_483, %dma_wait3A_484] : memref<2x25x80xf32, #tpu.memory_space<vmem>> -> memref<1x25x80xf32, #tpu.memory_space<vmem>>
        %dma_wait3A_486 = tpu.memref_squeeze %dma_wait3A_485 : memref<1x25x80xf32, #tpu.memory_space<vmem>> -> memref<25x80xf32, #tpu.memory_space<vmem>>
        %dma_wait3A_487 = arith.constant 0 : i32
        %dma_wait3A_488 = arith.constant 0 : i32
        %dma_wait3A_489 = tpu.memref_slice %arg5[%arg1, %dma_wait3A_480, %dma_wait3A_487, %dma_wait3A_488] : memref<16x10x25x80xf32, #tpu.memory_space<hbm>> -> memref<1x1x25x80xf32, #tpu.memory_space<hbm>>
        %dma_wait3A_490 = tpu.memref_squeeze %dma_wait3A_489 : memref<1x1x25x80xf32, #tpu.memory_space<hbm>> -> memref<25x80xf32, #tpu.memory_space<hbm>>
        %dma_wait3A_491 = tpu.memref_slice %arg15[%dma_wait3A_482] : memref<2x!tpu.dma_semaphore, #tpu.memory_space<semaphore_mem>> -> memref<1x!tpu.dma_semaphore, #tpu.memory_space<semaphore_mem>>
        %dma_wait3A_492 = tpu.memref_squeeze %dma_wait3A_491 : memref<1x!tpu.dma_semaphore, #tpu.memory_space<semaphore_mem>> -> memref<!tpu.dma_semaphore, #tpu.memory_space<semaphore_mem>>
        %dma_wait3A_493 = arith.constant 0 : i32
        %dma_wait3A_494 = arith.constant 0 : i32
        %dma_wait3A_495 = tpu.memref_slice %arg10[%dma_wait3A_481, %dma_wait3A_493, %dma_wait3A_494] : memref<2x25x80xf32, #tpu.memory_space<vmem>> -> memref<1x25x80xf32, #tpu.memory_space<vmem>>
        %dma_wait3A_496 = tpu.memref_squeeze %dma_wait3A_495 : memref<1x25x80xf32, #tpu.memory_space<vmem>> -> memref<25x80xf32, #tpu.memory_space<vmem>>
        %dma_wait3A_497 = arith.constant 0 : i32
        %dma_wait3A_498 = arith.constant 0 : i32
        %dma_wait3A_499 = tpu.memref_slice %arg5[%arg1, %dma_wait3A_480, %dma_wait3A_497, %dma_wait3A_498] : memref<16x10x25x80xf32, #tpu.memory_space<hbm>> -> memref<1x1x25x80xf32, #tpu.memory_space<hbm>>
        %dma_wait3A_500 = tpu.memref_squeeze %dma_wait3A_499 : memref<1x1x25x80xf32, #tpu.memory_space<hbm>> -> memref<25x80xf32, #tpu.memory_space<hbm>>
        tpu.wait_dma2 semaphore(%dma_wait3A_492 : memref<!tpu.dma_semaphore, #tpu.memory_space<semaphore_mem>>) src(%dma_wait3A_500 : memref<25x80xf32, #tpu.memory_space<hbm>>) dst(%dma_wait3A_496 : memref<25x80xf32, #tpu.memory_space<vmem>>)
      } else {
      }
      %gt3A_167 = arith.constant 0 : i32
      %gt3A_168 = arith.cmpi sgt, %add3A_158, %gt3A_167 : i32
      %convert_element_type3A_169 = arith.extui %gt3A_168 : i1 to i32
      %cond3A_170 = arith.constant 0 : i32
      %cond3A_171 = arith.cmpi ne, %convert_element_type3A_169, %cond3A_170 : i32
      scf.if %cond3A_171 {
        %dma_wait3A_438 = arith.constant 0 : i32
        %dma_wait3A_439 = arith.constant 0 : i32
        %dma_wait3A_440 = arith.constant 0 : i32
        %dma_wait3A_441 = arith.constant 0 : i32
        %dma_wait3A_442 = arith.constant 0 : i32
        %dma_wait3A_443 = arith.constant 0 : i32
        %dma_wait3A_444 = tpu.memref_slice %arg12[%dma_wait3A_438, %dma_wait3A_442, %dma_wait3A_443] : memref<5x80x64xf32, #tpu.memory_space<vmem>> -> memref<1x80x64xf32, #tpu.memory_space<vmem>>
        %dma_wait3A_445 = tpu.memref_squeeze %dma_wait3A_444 : memref<1x80x64xf32, #tpu.memory_space<vmem>> -> memref<80x64xf32, #tpu.memory_space<vmem>>
        %dma_wait3A_446 = arith.constant 0 : i32
        %dma_wait3A_447 = tpu.memref_slice %arg9[%dma_wait3A_439, %dma_wait3A_440, %dma_wait3A_446] : memref<2x25x80xi32, #tpu.memory_space<vmem>> -> memref<1x1x80xi32, #tpu.memory_space<vmem>>
        %dma_wait3A_448 = tpu.memref_squeeze %dma_wait3A_447 : memref<1x1x80xi32, #tpu.memory_space<vmem>> -> memref<80xi32, #tpu.memory_space<vmem>>
        %dma_wait3A_449 = arith.constant 0 : i32
        %dma_wait3A_450 = arith.constant 0 : i32
        %dma_wait3A_451 = tpu.memref_slice %arg16[%scan3A_36, %dma_wait3A_449, %dma_wait3A_450] : memref<2x10000x64xf32, #tpu.memory_space<vmem_shared>> -> memref<1x10000x64xf32, #tpu.memory_space<vmem_shared>>
        %dma_wait3A_452 = tpu.memref_squeeze %dma_wait3A_451 : memref<1x10000x64xf32, #tpu.memory_space<vmem_shared>> -> memref<10000x64xf32, #tpu.memory_space<vmem_shared>>
        %dma_wait3A_453 = arith.constant 0 : i32
        %dma_wait3A_454 = arith.constant 0 : i32
        %dma_wait3A_455 = tpu.memref_slice %dma_wait3A_452[%dma_wait3A_453, %dma_wait3A_454] : memref<10000x64xf32, #tpu.memory_space<vmem_shared>> -> memref<10000x64xf32, #tpu.memory_space<vmem_shared>>
        %dma_wait3A_456 = tpu.memref_slice %arg14[%dma_wait3A_441] : memref<5x!tpu.dma_semaphore, #tpu.memory_space<semaphore_mem>> -> memref<1x!tpu.dma_semaphore, #tpu.memory_space<semaphore_mem>>
        %dma_wait3A_457 = tpu.memref_squeeze %dma_wait3A_456 : memref<1x!tpu.dma_semaphore, #tpu.memory_space<semaphore_mem>> -> memref<!tpu.dma_semaphore, #tpu.memory_space<semaphore_mem>>
        tpu.wait_indirect_dma semaphore(%dma_wait3A_457 : memref<!tpu.dma_semaphore, #tpu.memory_space<semaphore_mem>>) src(%dma_wait3A_445 : memref<80x64xf32, #tpu.memory_space<vmem>>) dst(%dma_wait3A_455 : memref<10000x64xf32, #tpu.memory_space<vmem_shared>>)
      } else {
      }
      %dma_start3A = arith.constant 0 : i32
      %dma_start3A_172 = arith.constant 0 : i32
      %dma_start3A_173 = arith.constant 0 : i32
      %dma_start3A_174 = arith.constant 0 : i32
      %dma_start3A_175 = arith.constant 0 : i32
      %dma_start3A_176 = arith.constant 0 : i32
      %dma_start3A_177 = tpu.memref_slice %arg12[%dma_start3A_173, %dma_start3A_175, %dma_start3A_176] : memref<5x80x64xf32, #tpu.memory_space<vmem>> -> memref<1x80x64xf32, #tpu.memory_space<vmem>>
      %dma_start3A_178 = tpu.memref_squeeze %dma_start3A_177 : memref<1x80x64xf32, #tpu.memory_space<vmem>> -> memref<80x64xf32, #tpu.memory_space<vmem>>
      %dma_start3A_179 = arith.constant 0 : i32
      %dma_start3A_180 = tpu.memref_slice %arg8[%dma_start3A, %dma_start3A_172, %dma_start3A_179] : memref<2x25x80xi32, #tpu.memory_space<vmem>> -> memref<1x1x80xi32, #tpu.memory_space<vmem>>
      %dma_start3A_181 = tpu.memref_squeeze %dma_start3A_180 : memref<1x1x80xi32, #tpu.memory_space<vmem>> -> memref<80xi32, #tpu.memory_space<vmem>>
      %dma_start3A_182 = arith.constant 0 : i32
      %dma_start3A_183 = arith.constant 0 : i32
      %dma_start3A_184 = tpu.memref_slice %arg16[%scan3A_37, %dma_start3A_182, %dma_start3A_183] : memref<2x10000x64xf32, #tpu.memory_space<vmem_shared>> -> memref<1x10000x64xf32, #tpu.memory_space<vmem_shared>>
      %dma_start3A_185 = tpu.memref_squeeze %dma_start3A_184 : memref<1x10000x64xf32, #tpu.memory_space<vmem_shared>> -> memref<10000x64xf32, #tpu.memory_space<vmem_shared>>
      %dma_start3A_186 = arith.constant 0 : i32
      %dma_start3A_187 = arith.constant 0 : i32
      %dma_start3A_188 = tpu.memref_slice %dma_start3A_185[%dma_start3A_186, %dma_start3A_187] : memref<10000x64xf32, #tpu.memory_space<vmem_shared>> -> memref<10000x64xf32, #tpu.memory_space<vmem_shared>>
      %dma_start3A_189 = tpu.memref_slice %arg13[%dma_start3A_174] : memref<5x!tpu.dma_semaphore, #tpu.memory_space<semaphore_mem>> -> memref<1x!tpu.dma_semaphore, #tpu.memory_space<semaphore_mem>>
      %dma_start3A_190 = tpu.memref_squeeze %dma_start3A_189 : memref<1x!tpu.dma_semaphore, #tpu.memory_space<semaphore_mem>> -> memref<!tpu.dma_semaphore, #tpu.memory_space<semaphore_mem>>
      tpu.enqueue_indirect_dma source(%dma_start3A_188 : memref<10000x64xf32, #tpu.memory_space<vmem_shared>>) target(%dma_start3A_178 : memref<80x64xf32, #tpu.memory_space<vmem>>) offsets(%dma_start3A_181 : memref<80xi32, #tpu.memory_space<vmem>>) semaphore(%dma_start3A_190 : memref<!tpu.dma_semaphore, #tpu.memory_space<semaphore_mem>>)
      %gt3A_191 = arith.constant 0 : i32
      %gt3A_192 = arith.cmpi sgt, %add3A_158, %gt3A_191 : i32
      %convert_element_type3A_193 = arith.extui %gt3A_192 : i1 to i32
      %cond3A_194 = arith.constant 0 : i32
      %cond3A_195 = arith.cmpi ne, %convert_element_type3A_193, %cond3A_194 : i32
      scf.if %cond3A_195 {
        %dma_wait3A_438 = arith.constant 1 : i32
        %dma_wait3A_439 = arith.constant 0 : i32
        %dma_wait3A_440 = arith.constant 0 : i32
        %dma_wait3A_441 = arith.constant 1 : i32
        %dma_wait3A_442 = arith.constant 0 : i32
        %dma_wait3A_443 = arith.constant 0 : i32
        %dma_wait3A_444 = tpu.memref_slice %arg12[%dma_wait3A_438, %dma_wait3A_442, %dma_wait3A_443] : memref<5x80x64xf32, #tpu.memory_space<vmem>> -> memref<1x80x64xf32, #tpu.memory_space<vmem>>
        %dma_wait3A_445 = tpu.memref_squeeze %dma_wait3A_444 : memref<1x80x64xf32, #tpu.memory_space<vmem>> -> memref<80x64xf32, #tpu.memory_space<vmem>>
        %dma_wait3A_446 = arith.constant 0 : i32
        %dma_wait3A_447 = tpu.memref_slice %arg9[%dma_wait3A_439, %dma_wait3A_440, %dma_wait3A_446] : memref<2x25x80xi32, #tpu.memory_space<vmem>> -> memref<1x1x80xi32, #tpu.memory_space<vmem>>
        %dma_wait3A_448 = tpu.memref_squeeze %dma_wait3A_447 : memref<1x1x80xi32, #tpu.memory_space<vmem>> -> memref<80xi32, #tpu.memory_space<vmem>>
        %dma_wait3A_449 = arith.constant 0 : i32
        %dma_wait3A_450 = arith.constant 0 : i32
        %dma_wait3A_451 = tpu.memref_slice %arg16[%scan3A_36, %dma_wait3A_449, %dma_wait3A_450] : memref<2x10000x64xf32, #tpu.memory_space<vmem_shared>> -> memref<1x10000x64xf32, #tpu.memory_space<vmem_shared>>
        %dma_wait3A_452 = tpu.memref_squeeze %dma_wait3A_451 : memref<1x10000x64xf32, #tpu.memory_space<vmem_shared>> -> memref<10000x64xf32, #tpu.memory_space<vmem_shared>>
        %dma_wait3A_453 = arith.constant 0 : i32
        %dma_wait3A_454 = arith.constant 0 : i32
        %dma_wait3A_455 = tpu.memref_slice %dma_wait3A_452[%dma_wait3A_453, %dma_wait3A_454] : memref<10000x64xf32, #tpu.memory_space<vmem_shared>> -> memref<10000x64xf32, #tpu.memory_space<vmem_shared>>
        %dma_wait3A_456 = tpu.memref_slice %arg14[%dma_wait3A_441] : memref<5x!tpu.dma_semaphore, #tpu.memory_space<semaphore_mem>> -> memref<1x!tpu.dma_semaphore, #tpu.memory_space<semaphore_mem>>
        %dma_wait3A_457 = tpu.memref_squeeze %dma_wait3A_456 : memref<1x!tpu.dma_semaphore, #tpu.memory_space<semaphore_mem>> -> memref<!tpu.dma_semaphore, #tpu.memory_space<semaphore_mem>>
        tpu.wait_indirect_dma semaphore(%dma_wait3A_457 : memref<!tpu.dma_semaphore, #tpu.memory_space<semaphore_mem>>) src(%dma_wait3A_445 : memref<80x64xf32, #tpu.memory_space<vmem>>) dst(%dma_wait3A_455 : memref<10000x64xf32, #tpu.memory_space<vmem_shared>>)
      } else {
      }
      %dma_start3A_196 = arith.constant 0 : i32
      %dma_start3A_197 = arith.constant 1 : i32
      %dma_start3A_198 = arith.constant 1 : i32
      %dma_start3A_199 = arith.constant 1 : i32
      %dma_start3A_200 = arith.constant 0 : i32
      %dma_start3A_201 = arith.constant 0 : i32
      %dma_start3A_202 = tpu.memref_slice %arg12[%dma_start3A_198, %dma_start3A_200, %dma_start3A_201] : memref<5x80x64xf32, #tpu.memory_space<vmem>> -> memref<1x80x64xf32, #tpu.memory_space<vmem>>
      %dma_start3A_203 = tpu.memref_squeeze %dma_start3A_202 : memref<1x80x64xf32, #tpu.memory_space<vmem>> -> memref<80x64xf32, #tpu.memory_space<vmem>>
      %dma_start3A_204 = arith.constant 0 : i32
      %dma_start3A_205 = tpu.memref_slice %arg8[%dma_start3A_196, %dma_start3A_197, %dma_start3A_204] : memref<2x25x80xi32, #tpu.memory_space<vmem>> -> memref<1x1x80xi32, #tpu.memory_space<vmem>>
      %dma_start3A_206 = tpu.memref_squeeze %dma_start3A_205 : memref<1x1x80xi32, #tpu.memory_space<vmem>> -> memref<80xi32, #tpu.memory_space<vmem>>
      %dma_start3A_207 = arith.constant 0 : i32
      %dma_start3A_208 = arith.constant 0 : i32
      %dma_start3A_209 = tpu.memref_slice %arg16[%scan3A_37, %dma_start3A_207, %dma_start3A_208] : memref<2x10000x64xf32, #tpu.memory_space<vmem_shared>> -> memref<1x10000x64xf32, #tpu.memory_space<vmem_shared>>
      %dma_start3A_210 = tpu.memref_squeeze %dma_start3A_209 : memref<1x10000x64xf32, #tpu.memory_space<vmem_shared>> -> memref<10000x64xf32, #tpu.memory_space<vmem_shared>>
      %dma_start3A_211 = arith.constant 0 : i32
      %dma_start3A_212 = arith.constant 0 : i32
      %dma_start3A_213 = tpu.memref_slice %dma_start3A_210[%dma_start3A_211, %dma_start3A_212] : memref<10000x64xf32, #tpu.memory_space<vmem_shared>> -> memref<10000x64xf32, #tpu.memory_space<vmem_shared>>
      %dma_start3A_214 = tpu.memref_slice %arg13[%dma_start3A_199] : memref<5x!tpu.dma_semaphore, #tpu.memory_space<semaphore_mem>> -> memref<1x!tpu.dma_semaphore, #tpu.memory_space<semaphore_mem>>
      %dma_start3A_215 = tpu.memref_squeeze %dma_start3A_214 : memref<1x!tpu.dma_semaphore, #tpu.memory_space<semaphore_mem>> -> memref<!tpu.dma_semaphore, #tpu.memory_space<semaphore_mem>>
      tpu.enqueue_indirect_dma source(%dma_start3A_213 : memref<10000x64xf32, #tpu.memory_space<vmem_shared>>) target(%dma_start3A_203 : memref<80x64xf32, #tpu.memory_space<vmem>>) offsets(%dma_start3A_206 : memref<80xi32, #tpu.memory_space<vmem>>) semaphore(%dma_start3A_215 : memref<!tpu.dma_semaphore, #tpu.memory_space<semaphore_mem>>)
      %gt3A_216 = arith.constant 0 : i32
      %gt3A_217 = arith.cmpi sgt, %add3A_158, %gt3A_216 : i32
      %convert_element_type3A_218 = arith.extui %gt3A_217 : i1 to i32
      %cond3A_219 = arith.constant 0 : i32
      %cond3A_220 = arith.cmpi ne, %convert_element_type3A_218, %cond3A_219 : i32
      scf.if %cond3A_220 {
        %dma_wait3A_438 = arith.constant 2 : i32
        %dma_wait3A_439 = arith.constant 0 : i32
        %dma_wait3A_440 = arith.constant 0 : i32
        %dma_wait3A_441 = arith.constant 2 : i32
        %dma_wait3A_442 = arith.constant 0 : i32
        %dma_wait3A_443 = arith.constant 0 : i32
        %dma_wait3A_444 = tpu.memref_slice %arg12[%dma_wait3A_438, %dma_wait3A_442, %dma_wait3A_443] : memref<5x80x64xf32, #tpu.memory_space<vmem>> -> memref<1x80x64xf32, #tpu.memory_space<vmem>>
        %dma_wait3A_445 = tpu.memref_squeeze %dma_wait3A_444 : memref<1x80x64xf32, #tpu.memory_space<vmem>> -> memref<80x64xf32, #tpu.memory_space<vmem>>
        %dma_wait3A_446 = arith.constant 0 : i32
        %dma_wait3A_447 = tpu.memref_slice %arg9[%dma_wait3A_439, %dma_wait3A_440, %dma_wait3A_446] : memref<2x25x80xi32, #tpu.memory_space<vmem>> -> memref<1x1x80xi32, #tpu.memory_space<vmem>>
        %dma_wait3A_448 = tpu.memref_squeeze %dma_wait3A_447 : memref<1x1x80xi32, #tpu.memory_space<vmem>> -> memref<80xi32, #tpu.memory_space<vmem>>
        %dma_wait3A_449 = arith.constant 0 : i32
        %dma_wait3A_450 = arith.constant 0 : i32
        %dma_wait3A_451 = tpu.memref_slice %arg16[%scan3A_36, %dma_wait3A_449, %dma_wait3A_450] : memref<2x10000x64xf32, #tpu.memory_space<vmem_shared>> -> memref<1x10000x64xf32, #tpu.memory_space<vmem_shared>>
        %dma_wait3A_452 = tpu.memref_squeeze %dma_wait3A_451 : memref<1x10000x64xf32, #tpu.memory_space<vmem_shared>> -> memref<10000x64xf32, #tpu.memory_space<vmem_shared>>
        %dma_wait3A_453 = arith.constant 0 : i32
        %dma_wait3A_454 = arith.constant 0 : i32
        %dma_wait3A_455 = tpu.memref_slice %dma_wait3A_452[%dma_wait3A_453, %dma_wait3A_454] : memref<10000x64xf32, #tpu.memory_space<vmem_shared>> -> memref<10000x64xf32, #tpu.memory_space<vmem_shared>>
        %dma_wait3A_456 = tpu.memref_slice %arg14[%dma_wait3A_441] : memref<5x!tpu.dma_semaphore, #tpu.memory_space<semaphore_mem>> -> memref<1x!tpu.dma_semaphore, #tpu.memory_space<semaphore_mem>>
        %dma_wait3A_457 = tpu.memref_squeeze %dma_wait3A_456 : memref<1x!tpu.dma_semaphore, #tpu.memory_space<semaphore_mem>> -> memref<!tpu.dma_semaphore, #tpu.memory_space<semaphore_mem>>
        tpu.wait_indirect_dma semaphore(%dma_wait3A_457 : memref<!tpu.dma_semaphore, #tpu.memory_space<semaphore_mem>>) src(%dma_wait3A_445 : memref<80x64xf32, #tpu.memory_space<vmem>>) dst(%dma_wait3A_455 : memref<10000x64xf32, #tpu.memory_space<vmem_shared>>)
      } else {
      }
      %dma_start3A_221 = arith.constant 0 : i32
      %dma_start3A_222 = arith.constant 2 : i32
      %dma_start3A_223 = arith.constant 2 : i32
      %dma_start3A_224 = arith.constant 2 : i32
      %dma_start3A_225 = arith.constant 0 : i32
      %dma_start3A_226 = arith.constant 0 : i32
      %dma_start3A_227 = tpu.memref_slice %arg12[%dma_start3A_223, %dma_start3A_225, %dma_start3A_226] : memref<5x80x64xf32, #tpu.memory_space<vmem>> -> memref<1x80x64xf32, #tpu.memory_space<vmem>>
      %dma_start3A_228 = tpu.memref_squeeze %dma_start3A_227 : memref<1x80x64xf32, #tpu.memory_space<vmem>> -> memref<80x64xf32, #tpu.memory_space<vmem>>
      %dma_start3A_229 = arith.constant 0 : i32
      %dma_start3A_230 = tpu.memref_slice %arg8[%dma_start3A_221, %dma_start3A_222, %dma_start3A_229] : memref<2x25x80xi32, #tpu.memory_space<vmem>> -> memref<1x1x80xi32, #tpu.memory_space<vmem>>
      %dma_start3A_231 = tpu.memref_squeeze %dma_start3A_230 : memref<1x1x80xi32, #tpu.memory_space<vmem>> -> memref<80xi32, #tpu.memory_space<vmem>>
      %dma_start3A_232 = arith.constant 0 : i32
      %dma_start3A_233 = arith.constant 0 : i32
      %dma_start3A_234 = tpu.memref_slice %arg16[%scan3A_37, %dma_start3A_232, %dma_start3A_233] : memref<2x10000x64xf32, #tpu.memory_space<vmem_shared>> -> memref<1x10000x64xf32, #tpu.memory_space<vmem_shared>>
      %dma_start3A_235 = tpu.memref_squeeze %dma_start3A_234 : memref<1x10000x64xf32, #tpu.memory_space<vmem_shared>> -> memref<10000x64xf32, #tpu.memory_space<vmem_shared>>
      %dma_start3A_236 = arith.constant 0 : i32
      %dma_start3A_237 = arith.constant 0 : i32
      %dma_start3A_238 = tpu.memref_slice %dma_start3A_235[%dma_start3A_236, %dma_start3A_237] : memref<10000x64xf32, #tpu.memory_space<vmem_shared>> -> memref<10000x64xf32, #tpu.memory_space<vmem_shared>>
      %dma_start3A_239 = tpu.memref_slice %arg13[%dma_start3A_224] : memref<5x!tpu.dma_semaphore, #tpu.memory_space<semaphore_mem>> -> memref<1x!tpu.dma_semaphore, #tpu.memory_space<semaphore_mem>>
      %dma_start3A_240 = tpu.memref_squeeze %dma_start3A_239 : memref<1x!tpu.dma_semaphore, #tpu.memory_space<semaphore_mem>> -> memref<!tpu.dma_semaphore, #tpu.memory_space<semaphore_mem>>
      tpu.enqueue_indirect_dma source(%dma_start3A_238 : memref<10000x64xf32, #tpu.memory_space<vmem_shared>>) target(%dma_start3A_228 : memref<80x64xf32, #tpu.memory_space<vmem>>) offsets(%dma_start3A_231 : memref<80xi32, #tpu.memory_space<vmem>>) semaphore(%dma_start3A_240 : memref<!tpu.dma_semaphore, #tpu.memory_space<semaphore_mem>>)
      %scan3A_241 = arith.constant 0 : i32
      %scan3A_242 = arith.constant 5 : i32
      %scan3A_243 = arith.addi %scan3A_241, %scan3A_242 : i32
      %scan3A_244 = arith.constant 1 : i32
      scf.for %scan3A_438 = %scan3A_241 to %scan3A_243 step %scan3A_244  : i32 {
        %mul3A_439 = arith.constant 1 : i32
        %mul3A_440 = arith.muli %scan3A_438, %mul3A_439 : i32
        %add3A_441 = arith.constant 0 : i32
        %add3A_442 = arith.addi %add3A_441, %mul3A_440 : i32
        %mul3A_443 = arith.constant 5 : i32
        %mul3A_444 = arith.muli %add3A_442, %mul3A_443 : i32
        %add3A_445 = arith.constant 0 : i32
        %add3A_446 = arith.addi %mul3A_444, %add3A_445 : i32
        %eq3A_447 = arith.constant 1 : i32
        %eq3A_448 = arith.cmpi eq, %add3A_442, %eq3A_447 : i32
        %add3A_449 = arith.constant 1 : i32
        %add3A_450 = arith.addi %add3A_162, %add3A_449 : i32
        %lt3A = arith.constant 10 : i32
        %lt3A_451 = arith.cmpi slt, %add3A_450, %lt3A : i32
        %and3A = arith.andi %eq3A_448, %lt3A_451 : i1
        %convert_element_type3A_452 = arith.extui %and3A : i1 to i32
        %cond3A_453 = arith.constant 0 : i32
        %cond3A_454 = arith.cmpi ne, %convert_element_type3A_452, %cond3A_453 : i32
        scf.if %cond3A_454 {
          %add3A_758 = arith.constant 1 : i32
          %add3A_759 = arith.addi %add3A_162, %add3A_758 : i32
          %dma_start3A_760 = arith.constant 1 : i32
          %dma_start3A_761 = arith.constant 1 : i32
          %dma_start3A_762 = arith.constant 0 : i32
          %dma_start3A_763 = arith.constant 0 : i32
          %dma_start3A_764 = tpu.memref_slice %arg8[%dma_start3A_760, %dma_start3A_762, %dma_start3A_763] : memref<2x25x80xi32, #tpu.memory_space<vmem>> -> memref<1x25x80xi32, #tpu.memory_space<vmem>>
          %dma_start3A_765 = tpu.memref_squeeze %dma_start3A_764 : memref<1x25x80xi32, #tpu.memory_space<vmem>> -> memref<25x80xi32, #tpu.memory_space<vmem>>
          %dma_start3A_766 = arith.constant 0 : i32
          %dma_start3A_767 = arith.constant 0 : i32
          %dma_start3A_768 = tpu.memref_slice %arg4[%arg1, %add3A_759, %dma_start3A_766, %dma_start3A_767] : memref<16x10x25x80xi32, #tpu.memory_space<hbm>> -> memref<1x1x25x80xi32, #tpu.memory_space<hbm>>
          %dma_start3A_769 = tpu.memref_squeeze %dma_start3A_768 : memref<1x1x25x80xi32, #tpu.memory_space<hbm>> -> memref<25x80xi32, #tpu.memory_space<hbm>>
          %dma_start3A_770 = tpu.memref_slice %arg15[%dma_start3A_761] : memref<2x!tpu.dma_semaphore, #tpu.memory_space<semaphore_mem>> -> memref<1x!tpu.dma_semaphore, #tpu.memory_space<semaphore_mem>>
          %dma_start3A_771 = tpu.memref_squeeze %dma_start3A_770 : memref<1x!tpu.dma_semaphore, #tpu.memory_space<semaphore_mem>> -> memref<!tpu.dma_semaphore, #tpu.memory_space<semaphore_mem>>
          %dma_start3A_772 = arith.constant 0 : i32
          %dma_start3A_773 = arith.constant 0 : i32
          %dma_start3A_774 = tpu.memref_slice %arg8[%dma_start3A_760, %dma_start3A_772, %dma_start3A_773] : memref<2x25x80xi32, #tpu.memory_space<vmem>> -> memref<1x25x80xi32, #tpu.memory_space<vmem>>
          %dma_start3A_775 = tpu.memref_squeeze %dma_start3A_774 : memref<1x25x80xi32, #tpu.memory_space<vmem>> -> memref<25x80xi32, #tpu.memory_space<vmem>>
          %dma_start3A_776 = arith.constant 0 : i32
          %dma_start3A_777 = arith.constant 0 : i32
          %dma_start3A_778 = tpu.memref_slice %arg4[%arg1, %add3A_759, %dma_start3A_776, %dma_start3A_777] : memref<16x10x25x80xi32, #tpu.memory_space<hbm>> -> memref<1x1x25x80xi32, #tpu.memory_space<hbm>>
          %dma_start3A_779 = tpu.memref_squeeze %dma_start3A_778 : memref<1x1x25x80xi32, #tpu.memory_space<hbm>> -> memref<25x80xi32, #tpu.memory_space<hbm>>
          tpu.enqueue_dma source(%dma_start3A_779 : memref<25x80xi32, #tpu.memory_space<hbm>>) target(%dma_start3A_775 : memref<25x80xi32, #tpu.memory_space<vmem>>) target_semaphore(%dma_start3A_771 : memref<!tpu.dma_semaphore, #tpu.memory_space<semaphore_mem>>)
          %dma_start3A_780 = arith.constant 1 : i32
          %dma_start3A_781 = arith.constant 1 : i32
          %dma_start3A_782 = arith.constant 0 : i32
          %dma_start3A_783 = arith.constant 0 : i32
          %dma_start3A_784 = tpu.memref_slice %arg9[%dma_start3A_780, %dma_start3A_782, %dma_start3A_783] : memref<2x25x80xi32, #tpu.memory_space<vmem>> -> memref<1x25x80xi32, #tpu.memory_space<vmem>>
          %dma_start3A_785 = tpu.memref_squeeze %dma_start3A_784 : memref<1x25x80xi32, #tpu.memory_space<vmem>> -> memref<25x80xi32, #tpu.memory_space<vmem>>
          %dma_start3A_786 = arith.constant 0 : i32
          %dma_start3A_787 = arith.constant 0 : i32
          %dma_start3A_788 = tpu.memref_slice %arg3[%arg1, %add3A_759, %dma_start3A_786, %dma_start3A_787] : memref<16x10x25x80xi32, #tpu.memory_space<hbm>> -> memref<1x1x25x80xi32, #tpu.memory_space<hbm>>
          %dma_start3A_789 = tpu.memref_squeeze %dma_start3A_788 : memref<1x1x25x80xi32, #tpu.memory_space<hbm>> -> memref<25x80xi32, #tpu.memory_space<hbm>>
          %dma_start3A_790 = tpu.memref_slice %arg15[%dma_start3A_781] : memref<2x!tpu.dma_semaphore, #tpu.memory_space<semaphore_mem>> -> memref<1x!tpu.dma_semaphore, #tpu.memory_space<semaphore_mem>>
          %dma_start3A_791 = tpu.memref_squeeze %dma_start3A_790 : memref<1x!tpu.dma_semaphore, #tpu.memory_space<semaphore_mem>> -> memref<!tpu.dma_semaphore, #tpu.memory_space<semaphore_mem>>
          %dma_start3A_792 = arith.constant 0 : i32
          %dma_start3A_793 = arith.constant 0 : i32
          %dma_start3A_794 = tpu.memref_slice %arg9[%dma_start3A_780, %dma_start3A_792, %dma_start3A_793] : memref<2x25x80xi32, #tpu.memory_space<vmem>> -> memref<1x25x80xi32, #tpu.memory_space<vmem>>
          %dma_start3A_795 = tpu.memref_squeeze %dma_start3A_794 : memref<1x25x80xi32, #tpu.memory_space<vmem>> -> memref<25x80xi32, #tpu.memory_space<vmem>>
          %dma_start3A_796 = arith.constant 0 : i32
          %dma_start3A_797 = arith.constant 0 : i32
          %dma_start3A_798 = tpu.memref_slice %arg3[%arg1, %add3A_759, %dma_start3A_796, %dma_start3A_797] : memref<16x10x25x80xi32, #tpu.memory_space<hbm>> -> memref<1x1x25x80xi32, #tpu.memory_space<hbm>>
          %dma_start3A_799 = tpu.memref_squeeze %dma_start3A_798 : memref<1x1x25x80xi32, #tpu.memory_space<hbm>> -> memref<25x80xi32, #tpu.memory_space<hbm>>
          tpu.enqueue_dma source(%dma_start3A_799 : memref<25x80xi32, #tpu.memory_space<hbm>>) target(%dma_start3A_795 : memref<25x80xi32, #tpu.memory_space<vmem>>) target_semaphore(%dma_start3A_791 : memref<!tpu.dma_semaphore, #tpu.memory_space<semaphore_mem>>)
          %dma_start3A_800 = arith.constant 1 : i32
          %dma_start3A_801 = arith.constant 1 : i32
          %dma_start3A_802 = arith.constant 0 : i32
          %dma_start3A_803 = arith.constant 0 : i32
          %dma_start3A_804 = tpu.memref_slice %arg10[%dma_start3A_800, %dma_start3A_802, %dma_start3A_803] : memref<2x25x80xf32, #tpu.memory_space<vmem>> -> memref<1x25x80xf32, #tpu.memory_space<vmem>>
          %dma_start3A_805 = tpu.memref_squeeze %dma_start3A_804 : memref<1x25x80xf32, #tpu.memory_space<vmem>> -> memref<25x80xf32, #tpu.memory_space<vmem>>
          %dma_start3A_806 = arith.constant 0 : i32
          %dma_start3A_807 = arith.constant 0 : i32
          %dma_start3A_808 = tpu.memref_slice %arg5[%arg1, %add3A_759, %dma_start3A_806, %dma_start3A_807] : memref<16x10x25x80xf32, #tpu.memory_space<hbm>> -> memref<1x1x25x80xf32, #tpu.memory_space<hbm>>
          %dma_start3A_809 = tpu.memref_squeeze %dma_start3A_808 : memref<1x1x25x80xf32, #tpu.memory_space<hbm>> -> memref<25x80xf32, #tpu.memory_space<hbm>>
          %dma_start3A_810 = tpu.memref_slice %arg15[%dma_start3A_801] : memref<2x!tpu.dma_semaphore, #tpu.memory_space<semaphore_mem>> -> memref<1x!tpu.dma_semaphore, #tpu.memory_space<semaphore_mem>>
          %dma_start3A_811 = tpu.memref_squeeze %dma_start3A_810 : memref<1x!tpu.dma_semaphore, #tpu.memory_space<semaphore_mem>> -> memref<!tpu.dma_semaphore, #tpu.memory_space<semaphore_mem>>
          %dma_start3A_812 = arith.constant 0 : i32
          %dma_start3A_813 = arith.constant 0 : i32
          %dma_start3A_814 = tpu.memref_slice %arg10[%dma_start3A_800, %dma_start3A_812, %dma_start3A_813] : memref<2x25x80xf32, #tpu.memory_space<vmem>> -> memref<1x25x80xf32, #tpu.memory_space<vmem>>
          %dma_start3A_815 = tpu.memref_squeeze %dma_start3A_814 : memref<1x25x80xf32, #tpu.memory_space<vmem>> -> memref<25x80xf32, #tpu.memory_space<vmem>>
          %dma_start3A_816 = arith.constant 0 : i32
          %dma_start3A_817 = arith.constant 0 : i32
          %dma_start3A_818 = tpu.memref_slice %arg5[%arg1, %add3A_759, %dma_start3A_816, %dma_start3A_817] : memref<16x10x25x80xf32, #tpu.memory_space<hbm>> -> memref<1x1x25x80xf32, #tpu.memory_space<hbm>>
          %dma_start3A_819 = tpu.memref_squeeze %dma_start3A_818 : memref<1x1x25x80xf32, #tpu.memory_space<hbm>> -> memref<25x80xf32, #tpu.memory_space<hbm>>
          tpu.enqueue_dma source(%dma_start3A_819 : memref<25x80xf32, #tpu.memory_space<hbm>>) target(%dma_start3A_815 : memref<25x80xf32, #tpu.memory_space<vmem>>) target_semaphore(%dma_start3A_811 : memref<!tpu.dma_semaphore, #tpu.memory_space<semaphore_mem>>)
        } else {
        }
        %dma_wait3A_455 = arith.constant 0 : i32
        %dma_wait3A_456 = arith.constant 0 : i32
        %dma_wait3A_457 = arith.constant 0 : i32
        %dma_wait3A_458 = arith.constant 0 : i32
        %dma_wait3A_459 = arith.constant 0 : i32
        %dma_wait3A_460 = tpu.memref_slice %arg12[%dma_wait3A_456, %dma_wait3A_458, %dma_wait3A_459] : memref<5x80x64xf32, #tpu.memory_space<vmem>> -> memref<1x80x64xf32, #tpu.memory_space<vmem>>
        %dma_wait3A_461 = tpu.memref_squeeze %dma_wait3A_460 : memref<1x80x64xf32, #tpu.memory_space<vmem>> -> memref<80x64xf32, #tpu.memory_space<vmem>>
        %dma_wait3A_462 = arith.constant 0 : i32
        %dma_wait3A_463 = tpu.memref_slice %arg8[%dma_wait3A_455, %add3A_446, %dma_wait3A_462] : memref<2x25x80xi32, #tpu.memory_space<vmem>> -> memref<1x1x80xi32, #tpu.memory_space<vmem>>
        %dma_wait3A_464 = tpu.memref_squeeze %dma_wait3A_463 : memref<1x1x80xi32, #tpu.memory_space<vmem>> -> memref<80xi32, #tpu.memory_space<vmem>>
        %dma_wait3A_465 = arith.constant 0 : i32
        %dma_wait3A_466 = arith.constant 0 : i32
        %dma_wait3A_467 = tpu.memref_slice %arg16[%scan3A_37, %dma_wait3A_465, %dma_wait3A_466] : memref<2x10000x64xf32, #tpu.memory_space<vmem_shared>> -> memref<1x10000x64xf32, #tpu.memory_space<vmem_shared>>
        %dma_wait3A_468 = tpu.memref_squeeze %dma_wait3A_467 : memref<1x10000x64xf32, #tpu.memory_space<vmem_shared>> -> memref<10000x64xf32, #tpu.memory_space<vmem_shared>>
        %dma_wait3A_469 = arith.constant 0 : i32
        %dma_wait3A_470 = arith.constant 0 : i32
        %dma_wait3A_471 = tpu.memref_slice %dma_wait3A_468[%dma_wait3A_469, %dma_wait3A_470] : memref<10000x64xf32, #tpu.memory_space<vmem_shared>> -> memref<10000x64xf32, #tpu.memory_space<vmem_shared>>
        %dma_wait3A_472 = tpu.memref_slice %arg13[%dma_wait3A_457] : memref<5x!tpu.dma_semaphore, #tpu.memory_space<semaphore_mem>> -> memref<1x!tpu.dma_semaphore, #tpu.memory_space<semaphore_mem>>
        %dma_wait3A_473 = tpu.memref_squeeze %dma_wait3A_472 : memref<1x!tpu.dma_semaphore, #tpu.memory_space<semaphore_mem>> -> memref<!tpu.dma_semaphore, #tpu.memory_space<semaphore_mem>>
        tpu.wait_indirect_dma semaphore(%dma_wait3A_473 : memref<!tpu.dma_semaphore, #tpu.memory_space<semaphore_mem>>) src(%dma_wait3A_471 : memref<10000x64xf32, #tpu.memory_space<vmem_shared>>) dst(%dma_wait3A_461 : memref<80x64xf32, #tpu.memory_space<vmem>>)
        %scan3A_474 = arith.constant 0 : i32
        %scan3A_475 = arith.constant 80 : i32
        %scan3A_476 = arith.addi %scan3A_474, %scan3A_475 : i32
        %scan3A_477 = arith.constant 1 : i32
        scf.for %scan3A_758 = %scan3A_474 to %scan3A_476 step %scan3A_477  : i32 {
          %mul3A_759 = arith.constant 1 : i32
          %mul3A_760 = arith.muli %scan3A_758, %mul3A_759 : i32
          %add3A_761 = arith.constant 0 : i32
          %add3A_762 = arith.addi %add3A_761, %mul3A_760 : i32
          %broadcast_in_dim3A = arith.constant 0 : i32
          %broadcast_in_dim3A_763 = vector.broadcast %broadcast_in_dim3A : i32 to vector<16xi32>
          %broadcast_in_dim3A_764 = vector.broadcast %add3A_446 : i32 to vector<16xi32>
          %broadcast_in_dim3A_765 = vector.broadcast %add3A_762 : i32 to vector<16xi32>
          %gather3A = tpu.vector_load_idx %arg10[%broadcast_in_dim3A_763, %broadcast_in_dim3A_764, %broadcast_in_dim3A_765] : memref<2x25x80xf32, #tpu.memory_space<vmem>>[vector<16xi32>, vector<16xi32>, vector<16xi32>], vector<16xf32>,
          %get3A_766 = arith.constant 0 : i32
          %get3A_767 = arith.index_cast %get3A_766 : i32 to index
          %get3A_768 = arith.index_cast %add3A_762 : i32 to index
          %get3A_769 = arith.constant 0 : index
          %get3A_770 = tpu.vector_load %arg12[%get3A_767, %get3A_768, %get3A_769] {strides = array<i32>} : memref<5x80x64xf32, #tpu.memory_space<vmem>>, vector<16xf32>,
          %mul3A_771 = arith.mulf %get3A_770, %gather3A : vector<16xf32>
          %swap3A = arith.constant 0 : i32
          %swap3A_772 = arith.index_cast %swap3A : i32 to index
          %swap3A_773 = arith.index_cast %add3A_762 : i32 to index
          %swap3A_774 = arith.constant 0 : index
          %swap3A_775 = tpu.vector_load %arg12[%swap3A_772, %swap3A_773, %swap3A_774] {strides = array<i32>} : memref<5x80x64xf32, #tpu.memory_space<vmem>>, vector<16xf32>,
          tpu.vector_store %arg12[%swap3A_772, %swap3A_773, %swap3A_774], %mul3A_771 {strides = array<i32>} : memref<5x80x64xf32, #tpu.memory_space<vmem>>, vector<16xf32>,
          %get3A_776 = arith.constant 0 : i32
          %get3A_777 = arith.index_cast %get3A_776 : i32 to index
          %get3A_778 = arith.index_cast %add3A_762 : i32 to index
          %get3A_779 = arith.constant 16 : index
          %get3A_780 = tpu.vector_load %arg12[%get3A_777, %get3A_778, %get3A_779] {strides = array<i32>} : memref<5x80x64xf32, #tpu.memory_space<vmem>>, vector<16xf32>,
          %mul3A_781 = arith.mulf %get3A_780, %gather3A : vector<16xf32>
          %swap3A_782 = arith.constant 0 : i32
          %swap3A_783 = arith.index_cast %swap3A_782 : i32 to index
          %swap3A_784 = arith.index_cast %add3A_762 : i32 to index
          %swap3A_785 = arith.constant 16 : index
          %swap3A_786 = tpu.vector_load %arg12[%swap3A_783, %swap3A_784, %swap3A_785] {strides = array<i32>} : memref<5x80x64xf32, #tpu.memory_space<vmem>>, vector<16xf32>,
          tpu.vector_store %arg12[%swap3A_783, %swap3A_784, %swap3A_785], %mul3A_781 {strides = array<i32>} : memref<5x80x64xf32, #tpu.memory_space<vmem>>, vector<16xf32>,
          %get3A_787 = arith.constant 0 : i32
          %get3A_788 = arith.index_cast %get3A_787 : i32 to index
          %get3A_789 = arith.index_cast %add3A_762 : i32 to index
          %get3A_790 = arith.constant 32 : index
          %get3A_791 = tpu.vector_load %arg12[%get3A_788, %get3A_789, %get3A_790] {strides = array<i32>} : memref<5x80x64xf32, #tpu.memory_space<vmem>>, vector<16xf32>,
          %mul3A_792 = arith.mulf %get3A_791, %gather3A : vector<16xf32>
          %swap3A_793 = arith.constant 0 : i32
          %swap3A_794 = arith.index_cast %swap3A_793 : i32 to index
          %swap3A_795 = arith.index_cast %add3A_762 : i32 to index
          %swap3A_796 = arith.constant 32 : index
          %swap3A_797 = tpu.vector_load %arg12[%swap3A_794, %swap3A_795, %swap3A_796] {strides = array<i32>} : memref<5x80x64xf32, #tpu.memory_space<vmem>>, vector<16xf32>,
          tpu.vector_store %arg12[%swap3A_794, %swap3A_795, %swap3A_796], %mul3A_792 {strides = array<i32>} : memref<5x80x64xf32, #tpu.memory_space<vmem>>, vector<16xf32>,
          %get3A_798 = arith.constant 0 : i32
          %get3A_799 = arith.index_cast %get3A_798 : i32 to index
          %get3A_800 = arith.index_cast %add3A_762 : i32 to index
          %get3A_801 = arith.constant 48 : index
          %get3A_802 = tpu.vector_load %arg12[%get3A_799, %get3A_800, %get3A_801] {strides = array<i32>} : memref<5x80x64xf32, #tpu.memory_space<vmem>>, vector<16xf32>,
          %mul3A_803 = arith.mulf %get3A_802, %gather3A : vector<16xf32>
          %swap3A_804 = arith.constant 0 : i32
          %swap3A_805 = arith.index_cast %swap3A_804 : i32 to index
          %swap3A_806 = arith.index_cast %add3A_762 : i32 to index
          %swap3A_807 = arith.constant 48 : index
          %swap3A_808 = tpu.vector_load %arg12[%swap3A_805, %swap3A_806, %swap3A_807] {strides = array<i32>} : memref<5x80x64xf32, #tpu.memory_space<vmem>>, vector<16xf32>,
          tpu.vector_store %arg12[%swap3A_805, %swap3A_806, %swap3A_807], %mul3A_803 {strides = array<i32>} : memref<5x80x64xf32, #tpu.memory_space<vmem>>, vector<16xf32>,
        }
        %scan3A_478 = arith.constant 80 : i32
        %dma_start3A_479 = arith.constant 0 : i32
        %dma_start3A_480 = arith.constant 0 : i32
        %dma_start3A_481 = arith.constant 0 : i32
        %dma_start3A_482 = arith.constant 0 : i32
        %dma_start3A_483 = arith.constant 0 : i32
        %dma_start3A_484 = tpu.memref_slice %arg12[%dma_start3A_479, %dma_start3A_482, %dma_start3A_483] : memref<5x80x64xf32, #tpu.memory_space<vmem>> -> memref<1x80x64xf32, #tpu.memory_space<vmem>>
        %dma_start3A_485 = tpu.memref_squeeze %dma_start3A_484 : memref<1x80x64xf32, #tpu.memory_space<vmem>> -> memref<80x64xf32, #tpu.memory_space<vmem>>
        %dma_start3A_486 = arith.constant 0 : i32
        %dma_start3A_487 = tpu.memref_slice %arg9[%dma_start3A_480, %add3A_446, %dma_start3A_486] : memref<2x25x80xi32, #tpu.memory_space<vmem>> -> memref<1x1x80xi32, #tpu.memory_space<vmem>>
        %dma_start3A_488 = tpu.memref_squeeze %dma_start3A_487 : memref<1x1x80xi32, #tpu.memory_space<vmem>> -> memref<80xi32, #tpu.memory_space<vmem>>
        %dma_start3A_489 = arith.constant 0 : i32
        %dma_start3A_490 = arith.constant 0 : i32
        %dma_start3A_491 = tpu.memref_slice %arg16[%scan3A_36, %dma_start3A_489, %dma_start3A_490] : memref<2x10000x64xf32, #tpu.memory_space<vmem_shared>> -> memref<1x10000x64xf32, #tpu.memory_space<vmem_shared>>
        %dma_start3A_492 = tpu.memref_squeeze %dma_start3A_491 : memref<1x10000x64xf32, #tpu.memory_space<vmem_shared>> -> memref<10000x64xf32, #tpu.memory_space<vmem_shared>>
        %dma_start3A_493 = arith.constant 0 : i32
        %dma_start3A_494 = arith.constant 0 : i32
        %dma_start3A_495 = tpu.memref_slice %dma_start3A_492[%dma_start3A_493, %dma_start3A_494] : memref<10000x64xf32, #tpu.memory_space<vmem_shared>> -> memref<10000x64xf32, #tpu.memory_space<vmem_shared>>
        %dma_start3A_496 = tpu.memref_slice %arg14[%dma_start3A_481] : memref<5x!tpu.dma_semaphore, #tpu.memory_space<semaphore_mem>> -> memref<1x!tpu.dma_semaphore, #tpu.memory_space<semaphore_mem>>
        %dma_start3A_497 = tpu.memref_squeeze %dma_start3A_496 : memref<1x!tpu.dma_semaphore, #tpu.memory_space<semaphore_mem>> -> memref<!tpu.dma_semaphore, #tpu.memory_space<semaphore_mem>>
        tpu.enqueue_indirect_dma source(%dma_start3A_485 : memref<80x64xf32, #tpu.memory_space<vmem>>) target(%dma_start3A_495 : memref<10000x64xf32, #tpu.memory_space<vmem_shared>>) offsets(%dma_start3A_488 : memref<80xi32, #tpu.memory_space<vmem>>) semaphore(%dma_start3A_497 : memref<!tpu.dma_semaphore, #tpu.memory_space<semaphore_mem>>) {add = true}
        %gt3A_498 = arith.constant 0 : i32
        %gt3A_499 = arith.cmpi sgt, %add3A_158, %gt3A_498 : i32
        %gt3A_500 = arith.constant 0 : i32
        %gt3A_501 = arith.cmpi sgt, %add3A_442, %gt3A_500 : i32
        %or3A = arith.ori %gt3A_499, %gt3A_501 : i1
        %convert_element_type3A_502 = arith.extui %or3A : i1 to i32
        %cond3A_503 = arith.constant 0 : i32
        %cond3A_504 = arith.cmpi ne, %convert_element_type3A_502, %cond3A_503 : i32
        scf.if %cond3A_504 {
          %dma_wait3A_758 = arith.constant 3 : i32
          %dma_wait3A_759 = arith.constant 0 : i32
          %dma_wait3A_760 = arith.constant 3 : i32
          %dma_wait3A_761 = arith.constant 0 : i32
          %dma_wait3A_762 = arith.constant 0 : i32
          %dma_wait3A_763 = tpu.memref_slice %arg12[%dma_wait3A_758, %dma_wait3A_761, %dma_wait3A_762] : memref<5x80x64xf32, #tpu.memory_space<vmem>> -> memref<1x80x64xf32, #tpu.memory_space<vmem>>
          %dma_wait3A_764 = tpu.memref_squeeze %dma_wait3A_763 : memref<1x80x64xf32, #tpu.memory_space<vmem>> -> memref<80x64xf32, #tpu.memory_space<vmem>>
          %dma_wait3A_765 = arith.constant 0 : i32
          %dma_wait3A_766 = tpu.memref_slice %arg9[%dma_wait3A_759, %add3A_446, %dma_wait3A_765] : memref<2x25x80xi32, #tpu.memory_space<vmem>> -> memref<1x1x80xi32, #tpu.memory_space<vmem>>
          %dma_wait3A_767 = tpu.memref_squeeze %dma_wait3A_766 : memref<1x1x80xi32, #tpu.memory_space<vmem>> -> memref<80xi32, #tpu.memory_space<vmem>>
          %dma_wait3A_768 = arith.constant 0 : i32
          %dma_wait3A_769 = arith.constant 0 : i32
          %dma_wait3A_770 = tpu.memref_slice %arg16[%scan3A_36, %dma_wait3A_768, %dma_wait3A_769] : memref<2x10000x64xf32, #tpu.memory_space<vmem_shared>> -> memref<1x10000x64xf32, #tpu.memory_space<vmem_shared>>
          %dma_wait3A_771 = tpu.memref_squeeze %dma_wait3A_770 : memref<1x10000x64xf32, #tpu.memory_space<vmem_shared>> -> memref<10000x64xf32, #tpu.memory_space<vmem_shared>>
          %dma_wait3A_772 = arith.constant 0 : i32
          %dma_wait3A_773 = arith.constant 0 : i32
          %dma_wait3A_774 = tpu.memref_slice %dma_wait3A_771[%dma_wait3A_772, %dma_wait3A_773] : memref<10000x64xf32, #tpu.memory_space<vmem_shared>> -> memref<10000x64xf32, #tpu.memory_space<vmem_shared>>
          %dma_wait3A_775 = tpu.memref_slice %arg14[%dma_wait3A_760] : memref<5x!tpu.dma_semaphore, #tpu.memory_space<semaphore_mem>> -> memref<1x!tpu.dma_semaphore, #tpu.memory_space<semaphore_mem>>
          %dma_wait3A_776 = tpu.memref_squeeze %dma_wait3A_775 : memref<1x!tpu.dma_semaphore, #tpu.memory_space<semaphore_mem>> -> memref<!tpu.dma_semaphore, #tpu.memory_space<semaphore_mem>>
          tpu.wait_indirect_dma semaphore(%dma_wait3A_776 : memref<!tpu.dma_semaphore, #tpu.memory_space<semaphore_mem>>) src(%dma_wait3A_764 : memref<80x64xf32, #tpu.memory_space<vmem>>) dst(%dma_wait3A_774 : memref<10000x64xf32, #tpu.memory_space<vmem_shared>>)
        } else {
        }
        %add3A_505 = arith.constant 3 : i32
        %add3A_506 = arith.addi %add3A_446, %add3A_505 : i32
        %dma_start3A_507 = arith.constant 0 : i32
        %dma_start3A_508 = arith.constant 3 : i32
        %dma_start3A_509 = arith.constant 3 : i32
        %dma_start3A_510 = arith.constant 0 : i32
        %dma_start3A_511 = arith.constant 0 : i32
        %dma_start3A_512 = tpu.memref_slice %arg12[%dma_start3A_508, %dma_start3A_510, %dma_start3A_511] : memref<5x80x64xf32, #tpu.memory_space<vmem>> -> memref<1x80x64xf32, #tpu.memory_space<vmem>>
        %dma_start3A_513 = tpu.memref_squeeze %dma_start3A_512 : memref<1x80x64xf32, #tpu.memory_space<vmem>> -> memref<80x64xf32, #tpu.memory_space<vmem>>
        %dma_start3A_514 = arith.constant 0 : i32
        %dma_start3A_515 = tpu.memref_slice %arg8[%dma_start3A_507, %add3A_506, %dma_start3A_514] : memref<2x25x80xi32, #tpu.memory_space<vmem>> -> memref<1x1x80xi32, #tpu.memory_space<vmem>>
        %dma_start3A_516 = tpu.memref_squeeze %dma_start3A_515 : memref<1x1x80xi32, #tpu.memory_space<vmem>> -> memref<80xi32, #tpu.memory_space<vmem>>
        %dma_start3A_517 = arith.constant 0 : i32
        %dma_start3A_518 = arith.constant 0 : i32
        %dma_start3A_519 = tpu.memref_slice %arg16[%scan3A_37, %dma_start3A_517, %dma_start3A_518] : memref<2x10000x64xf32, #tpu.memory_space<vmem_shared>> -> memref<1x10000x64xf32, #tpu.memory_space<vmem_shared>>
        %dma_start3A_520 = tpu.memref_squeeze %dma_start3A_519 : memref<1x10000x64xf32, #tpu.memory_space<vmem_shared>> -> memref<10000x64xf32, #tpu.memory_space<vmem_shared>>
        %dma_start3A_521 = arith.constant 0 : i32
        %dma_start3A_522 = arith.constant 0 : i32
        %dma_start3A_523 = tpu.memref_slice %dma_start3A_520[%dma_start3A_521, %dma_start3A_522] : memref<10000x64xf32, #tpu.memory_space<vmem_shared>> -> memref<10000x64xf32, #tpu.memory_space<vmem_shared>>
        %dma_start3A_524 = tpu.memref_slice %arg13[%dma_start3A_509] : memref<5x!tpu.dma_semaphore, #tpu.memory_space<semaphore_mem>> -> memref<1x!tpu.dma_semaphore, #tpu.memory_space<semaphore_mem>>
        %dma_start3A_525 = tpu.memref_squeeze %dma_start3A_524 : memref<1x!tpu.dma_semaphore, #tpu.memory_space<semaphore_mem>> -> memref<!tpu.dma_semaphore, #tpu.memory_space<semaphore_mem>>
        tpu.enqueue_indirect_dma source(%dma_start3A_523 : memref<10000x64xf32, #tpu.memory_space<vmem_shared>>) target(%dma_start3A_513 : memref<80x64xf32, #tpu.memory_space<vmem>>) offsets(%dma_start3A_516 : memref<80xi32, #tpu.memory_space<vmem>>) semaphore(%dma_start3A_525 : memref<!tpu.dma_semaphore, #tpu.memory_space<semaphore_mem>>)
        %mul3A_526 = arith.constant 5 : i32
        %mul3A_527 = arith.muli %add3A_442, %mul3A_526 : i32
        %add3A_528 = arith.constant 1 : i32
        %add3A_529 = arith.addi %mul3A_527, %add3A_528 : i32
        %dma_wait3A_530 = arith.constant 0 : i32
        %dma_wait3A_531 = arith.constant 1 : i32
        %dma_wait3A_532 = arith.constant 1 : i32
        %dma_wait3A_533 = arith.constant 0 : i32
        %dma_wait3A_534 = arith.constant 0 : i32
        %dma_wait3A_535 = tpu.memref_slice %arg12[%dma_wait3A_531, %dma_wait3A_533, %dma_wait3A_534] : memref<5x80x64xf32, #tpu.memory_space<vmem>> -> memref<1x80x64xf32, #tpu.memory_space<vmem>>
        %dma_wait3A_536 = tpu.memref_squeeze %dma_wait3A_535 : memref<1x80x64xf32, #tpu.memory_space<vmem>> -> memref<80x64xf32, #tpu.memory_space<vmem>>
        %dma_wait3A_537 = arith.constant 0 : i32
        %dma_wait3A_538 = tpu.memref_slice %arg8[%dma_wait3A_530, %add3A_529, %dma_wait3A_537] : memref<2x25x80xi32, #tpu.memory_space<vmem>> -> memref<1x1x80xi32, #tpu.memory_space<vmem>>
        %dma_wait3A_539 = tpu.memref_squeeze %dma_wait3A_538 : memref<1x1x80xi32, #tpu.memory_space<vmem>> -> memref<80xi32, #tpu.memory_space<vmem>>
        %dma_wait3A_540 = arith.constant 0 : i32
        %dma_wait3A_541 = arith.constant 0 : i32
        %dma_wait3A_542 = tpu.memref_slice %arg16[%scan3A_37, %dma_wait3A_540, %dma_wait3A_541] : memref<2x10000x64xf32, #tpu.memory_space<vmem_shared>> -> memref<1x10000x64xf32, #tpu.memory_space<vmem_shared>>
        %dma_wait3A_543 = tpu.memref_squeeze %dma_wait3A_542 : memref<1x10000x64xf32, #tpu.memory_space<vmem_shared>> -> memref<10000x64xf32, #tpu.memory_space<vmem_shared>>
        %dma_wait3A_544 = arith.constant 0 : i32
        %dma_wait3A_545 = arith.constant 0 : i32
        %dma_wait3A_546 = tpu.memref_slice %dma_wait3A_543[%dma_wait3A_544, %dma_wait3A_545] : memref<10000x64xf32, #tpu.memory_space<vmem_shared>> -> memref<10000x64xf32, #tpu.memory_space<vmem_shared>>
        %dma_wait3A_547 = tpu.memref_slice %arg13[%dma_wait3A_532] : memref<5x!tpu.dma_semaphore, #tpu.memory_space<semaphore_mem>> -> memref<1x!tpu.dma_semaphore, #tpu.memory_space<semaphore_mem>>
        %dma_wait3A_548 = tpu.memref_squeeze %dma_wait3A_547 : memref<1x!tpu.dma_semaphore, #tpu.memory_space<semaphore_mem>> -> memref<!tpu.dma_semaphore, #tpu.memory_space<semaphore_mem>>
        tpu.wait_indirect_dma semaphore(%dma_wait3A_548 : memref<!tpu.dma_semaphore, #tpu.memory_space<semaphore_mem>>) src(%dma_wait3A_546 : memref<10000x64xf32, #tpu.memory_space<vmem_shared>>) dst(%dma_wait3A_536 : memref<80x64xf32, #tpu.memory_space<vmem>>)
        %scan3A_549 = arith.constant 0 : i32
        %scan3A_550 = arith.constant 80 : i32
        %scan3A_551 = arith.addi %scan3A_549, %scan3A_550 : i32
        %scan3A_552 = arith.constant 1 : i32
        scf.for %scan3A_758 = %scan3A_549 to %scan3A_551 step %scan3A_552  : i32 {
          %mul3A_759 = arith.constant 1 : i32
          %mul3A_760 = arith.muli %scan3A_758, %mul3A_759 : i32
          %add3A_761 = arith.constant 0 : i32
          %add3A_762 = arith.addi %add3A_761, %mul3A_760 : i32
          %broadcast_in_dim3A = arith.constant 0 : i32
          %broadcast_in_dim3A_763 = vector.broadcast %broadcast_in_dim3A : i32 to vector<16xi32>
          %broadcast_in_dim3A_764 = vector.broadcast %add3A_529 : i32 to vector<16xi32>
          %broadcast_in_dim3A_765 = vector.broadcast %add3A_762 : i32 to vector<16xi32>
          %gather3A = tpu.vector_load_idx %arg10[%broadcast_in_dim3A_763, %broadcast_in_dim3A_764, %broadcast_in_dim3A_765] : memref<2x25x80xf32, #tpu.memory_space<vmem>>[vector<16xi32>, vector<16xi32>, vector<16xi32>], vector<16xf32>,
          %get3A_766 = arith.constant 1 : i32
          %get3A_767 = arith.index_cast %get3A_766 : i32 to index
          %get3A_768 = arith.index_cast %add3A_762 : i32 to index
          %get3A_769 = arith.constant 0 : index
          %get3A_770 = tpu.vector_load %arg12[%get3A_767, %get3A_768, %get3A_769] {strides = array<i32>} : memref<5x80x64xf32, #tpu.memory_space<vmem>>, vector<16xf32>,
          %mul3A_771 = arith.mulf %get3A_770, %gather3A : vector<16xf32>
          %swap3A = arith.constant 1 : i32
          %swap3A_772 = arith.index_cast %swap3A : i32 to index
          %swap3A_773 = arith.index_cast %add3A_762 : i32 to index
          %swap3A_774 = arith.constant 0 : index
          %swap3A_775 = tpu.vector_load %arg12[%swap3A_772, %swap3A_773, %swap3A_774] {strides = array<i32>} : memref<5x80x64xf32, #tpu.memory_space<vmem>>, vector<16xf32>,
          tpu.vector_store %arg12[%swap3A_772, %swap3A_773, %swap3A_774], %mul3A_771 {strides = array<i32>} : memref<5x80x64xf32, #tpu.memory_space<vmem>>, vector<16xf32>,
          %get3A_776 = arith.constant 1 : i32
          %get3A_777 = arith.index_cast %get3A_776 : i32 to index
          %get3A_778 = arith.index_cast %add3A_762 : i32 to index
          %get3A_779 = arith.constant 16 : index
          %get3A_780 = tpu.vector_load %arg12[%get3A_777, %get3A_778, %get3A_779] {strides = array<i32>} : memref<5x80x64xf32, #tpu.memory_space<vmem>>, vector<16xf32>,
          %mul3A_781 = arith.mulf %get3A_780, %gather3A : vector<16xf32>
          %swap3A_782 = arith.constant 1 : i32
          %swap3A_783 = arith.index_cast %swap3A_782 : i32 to index
          %swap3A_784 = arith.index_cast %add3A_762 : i32 to index
          %swap3A_785 = arith.constant 16 : index
          %swap3A_786 = tpu.vector_load %arg12[%swap3A_783, %swap3A_784, %swap3A_785] {strides = array<i32>} : memref<5x80x64xf32, #tpu.memory_space<vmem>>, vector<16xf32>,
          tpu.vector_store %arg12[%swap3A_783, %swap3A_784, %swap3A_785], %mul3A_781 {strides = array<i32>} : memref<5x80x64xf32, #tpu.memory_space<vmem>>, vector<16xf32>,
          %get3A_787 = arith.constant 1 : i32
          %get3A_788 = arith.index_cast %get3A_787 : i32 to index
          %get3A_789 = arith.index_cast %add3A_762 : i32 to index
          %get3A_790 = arith.constant 32 : index
          %get3A_791 = tpu.vector_load %arg12[%get3A_788, %get3A_789, %get3A_790] {strides = array<i32>} : memref<5x80x64xf32, #tpu.memory_space<vmem>>, vector<16xf32>,
          %mul3A_792 = arith.mulf %get3A_791, %gather3A : vector<16xf32>
          %swap3A_793 = arith.constant 1 : i32
          %swap3A_794 = arith.index_cast %swap3A_793 : i32 to index
          %swap3A_795 = arith.index_cast %add3A_762 : i32 to index
          %swap3A_796 = arith.constant 32 : index
          %swap3A_797 = tpu.vector_load %arg12[%swap3A_794, %swap3A_795, %swap3A_796] {strides = array<i32>} : memref<5x80x64xf32, #tpu.memory_space<vmem>>, vector<16xf32>,
          tpu.vector_store %arg12[%swap3A_794, %swap3A_795, %swap3A_796], %mul3A_792 {strides = array<i32>} : memref<5x80x64xf32, #tpu.memory_space<vmem>>, vector<16xf32>,
          %get3A_798 = arith.constant 1 : i32
          %get3A_799 = arith.index_cast %get3A_798 : i32 to index
          %get3A_800 = arith.index_cast %add3A_762 : i32 to index
          %get3A_801 = arith.constant 48 : index
          %get3A_802 = tpu.vector_load %arg12[%get3A_799, %get3A_800, %get3A_801] {strides = array<i32>} : memref<5x80x64xf32, #tpu.memory_space<vmem>>, vector<16xf32>,
          %mul3A_803 = arith.mulf %get3A_802, %gather3A : vector<16xf32>
          %swap3A_804 = arith.constant 1 : i32
          %swap3A_805 = arith.index_cast %swap3A_804 : i32 to index
          %swap3A_806 = arith.index_cast %add3A_762 : i32 to index
          %swap3A_807 = arith.constant 48 : index
          %swap3A_808 = tpu.vector_load %arg12[%swap3A_805, %swap3A_806, %swap3A_807] {strides = array<i32>} : memref<5x80x64xf32, #tpu.memory_space<vmem>>, vector<16xf32>,
          tpu.vector_store %arg12[%swap3A_805, %swap3A_806, %swap3A_807], %mul3A_803 {strides = array<i32>} : memref<5x80x64xf32, #tpu.memory_space<vmem>>, vector<16xf32>,
        }
        %scan3A_553 = arith.constant 80 : i32
        %dma_start3A_554 = arith.constant 1 : i32
        %dma_start3A_555 = arith.constant 0 : i32
        %dma_start3A_556 = arith.constant 1 : i32
        %dma_start3A_557 = arith.constant 0 : i32
        %dma_start3A_558 = arith.constant 0 : i32
        %dma_start3A_559 = tpu.memref_slice %arg12[%dma_start3A_554, %dma_start3A_557, %dma_start3A_558] : memref<5x80x64xf32, #tpu.memory_space<vmem>> -> memref<1x80x64xf32, #tpu.memory_space<vmem>>
        %dma_start3A_560 = tpu.memref_squeeze %dma_start3A_559 : memref<1x80x64xf32, #tpu.memory_space<vmem>> -> memref<80x64xf32, #tpu.memory_space<vmem>>
        %dma_start3A_561 = arith.constant 0 : i32
        %dma_start3A_562 = tpu.memref_slice %arg9[%dma_start3A_555, %add3A_529, %dma_start3A_561] : memref<2x25x80xi32, #tpu.memory_space<vmem>> -> memref<1x1x80xi32, #tpu.memory_space<vmem>>
        %dma_start3A_563 = tpu.memref_squeeze %dma_start3A_562 : memref<1x1x80xi32, #tpu.memory_space<vmem>> -> memref<80xi32, #tpu.memory_space<vmem>>
        %dma_start3A_564 = arith.constant 0 : i32
        %dma_start3A_565 = arith.constant 0 : i32
        %dma_start3A_566 = tpu.memref_slice %arg16[%scan3A_36, %dma_start3A_564, %dma_start3A_565] : memref<2x10000x64xf32, #tpu.memory_space<vmem_shared>> -> memref<1x10000x64xf32, #tpu.memory_space<vmem_shared>>
        %dma_start3A_567 = tpu.memref_squeeze %dma_start3A_566 : memref<1x10000x64xf32, #tpu.memory_space<vmem_shared>> -> memref<10000x64xf32, #tpu.memory_space<vmem_shared>>
        %dma_start3A_568 = arith.constant 0 : i32
        %dma_start3A_569 = arith.constant 0 : i32
        %dma_start3A_570 = tpu.memref_slice %dma_start3A_567[%dma_start3A_568, %dma_start3A_569] : memref<10000x64xf32, #tpu.memory_space<vmem_shared>> -> memref<10000x64xf32, #tpu.memory_space<vmem_shared>>
        %dma_start3A_571 = tpu.memref_slice %arg14[%dma_start3A_556] : memref<5x!tpu.dma_semaphore, #tpu.memory_space<semaphore_mem>> -> memref<1x!tpu.dma_semaphore, #tpu.memory_space<semaphore_mem>>
        %dma_start3A_572 = tpu.memref_squeeze %dma_start3A_571 : memref<1x!tpu.dma_semaphore, #tpu.memory_space<semaphore_mem>> -> memref<!tpu.dma_semaphore, #tpu.memory_space<semaphore_mem>>
        tpu.enqueue_indirect_dma source(%dma_start3A_560 : memref<80x64xf32, #tpu.memory_space<vmem>>) target(%dma_start3A_570 : memref<10000x64xf32, #tpu.memory_space<vmem_shared>>) offsets(%dma_start3A_563 : memref<80xi32, #tpu.memory_space<vmem>>) semaphore(%dma_start3A_572 : memref<!tpu.dma_semaphore, #tpu.memory_space<semaphore_mem>>) {add = true}
        %gt3A_573 = arith.constant 0 : i32
        %gt3A_574 = arith.cmpi sgt, %add3A_158, %gt3A_573 : i32
        %gt3A_575 = arith.constant 0 : i32
        %gt3A_576 = arith.cmpi sgt, %add3A_442, %gt3A_575 : i32
        %or3A_577 = arith.ori %gt3A_574, %gt3A_576 : i1
        %convert_element_type3A_578 = arith.extui %or3A_577 : i1 to i32
        %cond3A_579 = arith.constant 0 : i32
        %cond3A_580 = arith.cmpi ne, %convert_element_type3A_578, %cond3A_579 : i32
        scf.if %cond3A_580 {
          %dma_wait3A_758 = arith.constant 4 : i32
          %dma_wait3A_759 = arith.constant 0 : i32
          %dma_wait3A_760 = arith.constant 4 : i32
          %dma_wait3A_761 = arith.constant 0 : i32
          %dma_wait3A_762 = arith.constant 0 : i32
          %dma_wait3A_763 = tpu.memref_slice %arg12[%dma_wait3A_758, %dma_wait3A_761, %dma_wait3A_762] : memref<5x80x64xf32, #tpu.memory_space<vmem>> -> memref<1x80x64xf32, #tpu.memory_space<vmem>>
          %dma_wait3A_764 = tpu.memref_squeeze %dma_wait3A_763 : memref<1x80x64xf32, #tpu.memory_space<vmem>> -> memref<80x64xf32, #tpu.memory_space<vmem>>
          %dma_wait3A_765 = arith.constant 0 : i32
          %dma_wait3A_766 = tpu.memref_slice %arg9[%dma_wait3A_759, %add3A_529, %dma_wait3A_765] : memref<2x25x80xi32, #tpu.memory_space<vmem>> -> memref<1x1x80xi32, #tpu.memory_space<vmem>>
          %dma_wait3A_767 = tpu.memref_squeeze %dma_wait3A_766 : memref<1x1x80xi32, #tpu.memory_space<vmem>> -> memref<80xi32, #tpu.memory_space<vmem>>
          %dma_wait3A_768 = arith.constant 0 : i32
          %dma_wait3A_769 = arith.constant 0 : i32
          %dma_wait3A_770 = tpu.memref_slice %arg16[%scan3A_36, %dma_wait3A_768, %dma_wait3A_769] : memref<2x10000x64xf32, #tpu.memory_space<vmem_shared>> -> memref<1x10000x64xf32, #tpu.memory_space<vmem_shared>>
          %dma_wait3A_771 = tpu.memref_squeeze %dma_wait3A_770 : memref<1x10000x64xf32, #tpu.memory_space<vmem_shared>> -> memref<10000x64xf32, #tpu.memory_space<vmem_shared>>
          %dma_wait3A_772 = arith.constant 0 : i32
          %dma_wait3A_773 = arith.constant 0 : i32
          %dma_wait3A_774 = tpu.memref_slice %dma_wait3A_771[%dma_wait3A_772, %dma_wait3A_773] : memref<10000x64xf32, #tpu.memory_space<vmem_shared>> -> memref<10000x64xf32, #tpu.memory_space<vmem_shared>>
          %dma_wait3A_775 = tpu.memref_slice %arg14[%dma_wait3A_760] : memref<5x!tpu.dma_semaphore, #tpu.memory_space<semaphore_mem>> -> memref<1x!tpu.dma_semaphore, #tpu.memory_space<semaphore_mem>>
          %dma_wait3A_776 = tpu.memref_squeeze %dma_wait3A_775 : memref<1x!tpu.dma_semaphore, #tpu.memory_space<semaphore_mem>> -> memref<!tpu.dma_semaphore, #tpu.memory_space<semaphore_mem>>
          tpu.wait_indirect_dma semaphore(%dma_wait3A_776 : memref<!tpu.dma_semaphore, #tpu.memory_space<semaphore_mem>>) src(%dma_wait3A_764 : memref<80x64xf32, #tpu.memory_space<vmem>>) dst(%dma_wait3A_774 : memref<10000x64xf32, #tpu.memory_space<vmem_shared>>)
        } else {
        }
        %add3A_581 = arith.constant 3 : i32
        %add3A_582 = arith.addi %add3A_529, %add3A_581 : i32
        %dma_start3A_583 = arith.constant 0 : i32
        %dma_start3A_584 = arith.constant 4 : i32
        %dma_start3A_585 = arith.constant 4 : i32
        %dma_start3A_586 = arith.constant 0 : i32
        %dma_start3A_587 = arith.constant 0 : i32
        %dma_start3A_588 = tpu.memref_slice %arg12[%dma_start3A_584, %dma_start3A_586, %dma_start3A_587] : memref<5x80x64xf32, #tpu.memory_space<vmem>> -> memref<1x80x64xf32, #tpu.memory_space<vmem>>
        %dma_start3A_589 = tpu.memref_squeeze %dma_start3A_588 : memref<1x80x64xf32, #tpu.memory_space<vmem>> -> memref<80x64xf32, #tpu.memory_space<vmem>>
        %dma_start3A_590 = arith.constant 0 : i32
        %dma_start3A_591 = tpu.memref_slice %arg8[%dma_start3A_583, %add3A_582, %dma_start3A_590] : memref<2x25x80xi32, #tpu.memory_space<vmem>> -> memref<1x1x80xi32, #tpu.memory_space<vmem>>
        %dma_start3A_592 = tpu.memref_squeeze %dma_start3A_591 : memref<1x1x80xi32, #tpu.memory_space<vmem>> -> memref<80xi32, #tpu.memory_space<vmem>>
        %dma_start3A_593 = arith.constant 0 : i32
        %dma_start3A_594 = arith.constant 0 : i32
        %dma_start3A_595 = tpu.memref_slice %arg16[%scan3A_37, %dma_start3A_593, %dma_start3A_594] : memref<2x10000x64xf32, #tpu.memory_space<vmem_shared>> -> memref<1x10000x64xf32, #tpu.memory_space<vmem_shared>>
        %dma_start3A_596 = tpu.memref_squeeze %dma_start3A_595 : memref<1x10000x64xf32, #tpu.memory_space<vmem_shared>> -> memref<10000x64xf32, #tpu.memory_space<vmem_shared>>
        %dma_start3A_597 = arith.constant 0 : i32
        %dma_start3A_598 = arith.constant 0 : i32
        %dma_start3A_599 = tpu.memref_slice %dma_start3A_596[%dma_start3A_597, %dma_start3A_598] : memref<10000x64xf32, #tpu.memory_space<vmem_shared>> -> memref<10000x64xf32, #tpu.memory_space<vmem_shared>>
        %dma_start3A_600 = tpu.memref_slice %arg13[%dma_start3A_585] : memref<5x!tpu.dma_semaphore, #tpu.memory_space<semaphore_mem>> -> memref<1x!tpu.dma_semaphore, #tpu.memory_space<semaphore_mem>>
        %dma_start3A_601 = tpu.memref_squeeze %dma_start3A_600 : memref<1x!tpu.dma_semaphore, #tpu.memory_space<semaphore_mem>> -> memref<!tpu.dma_semaphore, #tpu.memory_space<semaphore_mem>>
        tpu.enqueue_indirect_dma source(%dma_start3A_599 : memref<10000x64xf32, #tpu.memory_space<vmem_shared>>) target(%dma_start3A_589 : memref<80x64xf32, #tpu.memory_space<vmem>>) offsets(%dma_start3A_592 : memref<80xi32, #tpu.memory_space<vmem>>) semaphore(%dma_start3A_601 : memref<!tpu.dma_semaphore, #tpu.memory_space<semaphore_mem>>)
        %mul3A_602 = arith.constant 5 : i32
        %mul3A_603 = arith.muli %add3A_442, %mul3A_602 : i32
        %add3A_604 = arith.constant 2 : i32
        %add3A_605 = arith.addi %mul3A_603, %add3A_604 : i32
        %dma_wait3A_606 = arith.constant 0 : i32
        %dma_wait3A_607 = arith.constant 2 : i32
        %dma_wait3A_608 = arith.constant 2 : i32
        %dma_wait3A_609 = arith.constant 0 : i32
        %dma_wait3A_610 = arith.constant 0 : i32
        %dma_wait3A_611 = tpu.memref_slice %arg12[%dma_wait3A_607, %dma_wait3A_609, %dma_wait3A_610] : memref<5x80x64xf32, #tpu.memory_space<vmem>> -> memref<1x80x64xf32, #tpu.memory_space<vmem>>
        %dma_wait3A_612 = tpu.memref_squeeze %dma_wait3A_611 : memref<1x80x64xf32, #tpu.memory_space<vmem>> -> memref<80x64xf32, #tpu.memory_space<vmem>>
        %dma_wait3A_613 = arith.constant 0 : i32
        %dma_wait3A_614 = tpu.memref_slice %arg8[%dma_wait3A_606, %add3A_605, %dma_wait3A_613] : memref<2x25x80xi32, #tpu.memory_space<vmem>> -> memref<1x1x80xi32, #tpu.memory_space<vmem>>
        %dma_wait3A_615 = tpu.memref_squeeze %dma_wait3A_614 : memref<1x1x80xi32, #tpu.memory_space<vmem>> -> memref<80xi32, #tpu.memory_space<vmem>>
        %dma_wait3A_616 = arith.constant 0 : i32
        %dma_wait3A_617 = arith.constant 0 : i32
        %dma_wait3A_618 = tpu.memref_slice %arg16[%scan3A_37, %dma_wait3A_616, %dma_wait3A_617] : memref<2x10000x64xf32, #tpu.memory_space<vmem_shared>> -> memref<1x10000x64xf32, #tpu.memory_space<vmem_shared>>
        %dma_wait3A_619 = tpu.memref_squeeze %dma_wait3A_618 : memref<1x10000x64xf32, #tpu.memory_space<vmem_shared>> -> memref<10000x64xf32, #tpu.memory_space<vmem_shared>>
        %dma_wait3A_620 = arith.constant 0 : i32
        %dma_wait3A_621 = arith.constant 0 : i32
        %dma_wait3A_622 = tpu.memref_slice %dma_wait3A_619[%dma_wait3A_620, %dma_wait3A_621] : memref<10000x64xf32, #tpu.memory_space<vmem_shared>> -> memref<10000x64xf32, #tpu.memory_space<vmem_shared>>
        %dma_wait3A_623 = tpu.memref_slice %arg13[%dma_wait3A_608] : memref<5x!tpu.dma_semaphore, #tpu.memory_space<semaphore_mem>> -> memref<1x!tpu.dma_semaphore, #tpu.memory_space<semaphore_mem>>
        %dma_wait3A_624 = tpu.memref_squeeze %dma_wait3A_623 : memref<1x!tpu.dma_semaphore, #tpu.memory_space<semaphore_mem>> -> memref<!tpu.dma_semaphore, #tpu.memory_space<semaphore_mem>>
        tpu.wait_indirect_dma semaphore(%dma_wait3A_624 : memref<!tpu.dma_semaphore, #tpu.memory_space<semaphore_mem>>) src(%dma_wait3A_622 : memref<10000x64xf32, #tpu.memory_space<vmem_shared>>) dst(%dma_wait3A_612 : memref<80x64xf32, #tpu.memory_space<vmem>>)
        %scan3A_625 = arith.constant 0 : i32
        %scan3A_626 = arith.constant 80 : i32
        %scan3A_627 = arith.addi %scan3A_625, %scan3A_626 : i32
        %scan3A_628 = arith.constant 1 : i32
        scf.for %scan3A_758 = %scan3A_625 to %scan3A_627 step %scan3A_628  : i32 {
          %mul3A_759 = arith.constant 1 : i32
          %mul3A_760 = arith.muli %scan3A_758, %mul3A_759 : i32
          %add3A_761 = arith.constant 0 : i32
          %add3A_762 = arith.addi %add3A_761, %mul3A_760 : i32
          %broadcast_in_dim3A = arith.constant 0 : i32
          %broadcast_in_dim3A_763 = vector.broadcast %broadcast_in_dim3A : i32 to vector<16xi32>
          %broadcast_in_dim3A_764 = vector.broadcast %add3A_605 : i32 to vector<16xi32>
          %broadcast_in_dim3A_765 = vector.broadcast %add3A_762 : i32 to vector<16xi32>
          %gather3A = tpu.vector_load_idx %arg10[%broadcast_in_dim3A_763, %broadcast_in_dim3A_764, %broadcast_in_dim3A_765] : memref<2x25x80xf32, #tpu.memory_space<vmem>>[vector<16xi32>, vector<16xi32>, vector<16xi32>], vector<16xf32>,
          %get3A_766 = arith.constant 2 : i32
          %get3A_767 = arith.index_cast %get3A_766 : i32 to index
          %get3A_768 = arith.index_cast %add3A_762 : i32 to index
          %get3A_769 = arith.constant 0 : index
          %get3A_770 = tpu.vector_load %arg12[%get3A_767, %get3A_768, %get3A_769] {strides = array<i32>} : memref<5x80x64xf32, #tpu.memory_space<vmem>>, vector<16xf32>,
          %mul3A_771 = arith.mulf %get3A_770, %gather3A : vector<16xf32>
          %swap3A = arith.constant 2 : i32
          %swap3A_772 = arith.index_cast %swap3A : i32 to index
          %swap3A_773 = arith.index_cast %add3A_762 : i32 to index
          %swap3A_774 = arith.constant 0 : index
          %swap3A_775 = tpu.vector_load %arg12[%swap3A_772, %swap3A_773, %swap3A_774] {strides = array<i32>} : memref<5x80x64xf32, #tpu.memory_space<vmem>>, vector<16xf32>,
          tpu.vector_store %arg12[%swap3A_772, %swap3A_773, %swap3A_774], %mul3A_771 {strides = array<i32>} : memref<5x80x64xf32, #tpu.memory_space<vmem>>, vector<16xf32>,
          %get3A_776 = arith.constant 2 : i32
          %get3A_777 = arith.index_cast %get3A_776 : i32 to index
          %get3A_778 = arith.index_cast %add3A_762 : i32 to index
          %get3A_779 = arith.constant 16 : index
          %get3A_780 = tpu.vector_load %arg12[%get3A_777, %get3A_778, %get3A_779] {strides = array<i32>} : memref<5x80x64xf32, #tpu.memory_space<vmem>>, vector<16xf32>,
          %mul3A_781 = arith.mulf %get3A_780, %gather3A : vector<16xf32>
          %swap3A_782 = arith.constant 2 : i32
          %swap3A_783 = arith.index_cast %swap3A_782 : i32 to index
          %swap3A_784 = arith.index_cast %add3A_762 : i32 to index
          %swap3A_785 = arith.constant 16 : index
          %swap3A_786 = tpu.vector_load %arg12[%swap3A_783, %swap3A_784, %swap3A_785] {strides = array<i32>} : memref<5x80x64xf32, #tpu.memory_space<vmem>>, vector<16xf32>,
          tpu.vector_store %arg12[%swap3A_783, %swap3A_784, %swap3A_785], %mul3A_781 {strides = array<i32>} : memref<5x80x64xf32, #tpu.memory_space<vmem>>, vector<16xf32>,
          %get3A_787 = arith.constant 2 : i32
          %get3A_788 = arith.index_cast %get3A_787 : i32 to index
          %get3A_789 = arith.index_cast %add3A_762 : i32 to index
          %get3A_790 = arith.constant 32 : index
          %get3A_791 = tpu.vector_load %arg12[%get3A_788, %get3A_789, %get3A_790] {strides = array<i32>} : memref<5x80x64xf32, #tpu.memory_space<vmem>>, vector<16xf32>,
          %mul3A_792 = arith.mulf %get3A_791, %gather3A : vector<16xf32>
          %swap3A_793 = arith.constant 2 : i32
          %swap3A_794 = arith.index_cast %swap3A_793 : i32 to index
          %swap3A_795 = arith.index_cast %add3A_762 : i32 to index
          %swap3A_796 = arith.constant 32 : index
          %swap3A_797 = tpu.vector_load %arg12[%swap3A_794, %swap3A_795, %swap3A_796] {strides = array<i32>} : memref<5x80x64xf32, #tpu.memory_space<vmem>>, vector<16xf32>,
          tpu.vector_store %arg12[%swap3A_794, %swap3A_795, %swap3A_796], %mul3A_792 {strides = array<i32>} : memref<5x80x64xf32, #tpu.memory_space<vmem>>, vector<16xf32>,
          %get3A_798 = arith.constant 2 : i32
          %get3A_799 = arith.index_cast %get3A_798 : i32 to index
          %get3A_800 = arith.index_cast %add3A_762 : i32 to index
          %get3A_801 = arith.constant 48 : index
          %get3A_802 = tpu.vector_load %arg12[%get3A_799, %get3A_800, %get3A_801] {strides = array<i32>} : memref<5x80x64xf32, #tpu.memory_space<vmem>>, vector<16xf32>,
          %mul3A_803 = arith.mulf %get3A_802, %gather3A : vector<16xf32>
          %swap3A_804 = arith.constant 2 : i32
          %swap3A_805 = arith.index_cast %swap3A_804 : i32 to index
          %swap3A_806 = arith.index_cast %add3A_762 : i32 to index
          %swap3A_807 = arith.constant 48 : index
          %swap3A_808 = tpu.vector_load %arg12[%swap3A_805, %swap3A_806, %swap3A_807] {strides = array<i32>} : memref<5x80x64xf32, #tpu.memory_space<vmem>>, vector<16xf32>,
          tpu.vector_store %arg12[%swap3A_805, %swap3A_806, %swap3A_807], %mul3A_803 {strides = array<i32>} : memref<5x80x64xf32, #tpu.memory_space<vmem>>, vector<16xf32>,
        }
        %scan3A_629 = arith.constant 80 : i32
        %dma_start3A_630 = arith.constant 2 : i32
        %dma_start3A_631 = arith.constant 0 : i32
        %dma_start3A_632 = arith.constant 2 : i32
        %dma_start3A_633 = arith.constant 0 : i32
        %dma_start3A_634 = arith.constant 0 : i32
        %dma_start3A_635 = tpu.memref_slice %arg12[%dma_start3A_630, %dma_start3A_633, %dma_start3A_634] : memref<5x80x64xf32, #tpu.memory_space<vmem>> -> memref<1x80x64xf32, #tpu.memory_space<vmem>>
        %dma_start3A_636 = tpu.memref_squeeze %dma_start3A_635 : memref<1x80x64xf32, #tpu.memory_space<vmem>> -> memref<80x64xf32, #tpu.memory_space<vmem>>
        %dma_start3A_637 = arith.constant 0 : i32
        %dma_start3A_638 = tpu.memref_slice %arg9[%dma_start3A_631, %add3A_605, %dma_start3A_637] : memref<2x25x80xi32, #tpu.memory_space<vmem>> -> memref<1x1x80xi32, #tpu.memory_space<vmem>>
        %dma_start3A_639 = tpu.memref_squeeze %dma_start3A_638 : memref<1x1x80xi32, #tpu.memory_space<vmem>> -> memref<80xi32, #tpu.memory_space<vmem>>
        %dma_start3A_640 = arith.constant 0 : i32
        %dma_start3A_641 = arith.constant 0 : i32
        %dma_start3A_642 = tpu.memref_slice %arg16[%scan3A_36, %dma_start3A_640, %dma_start3A_641] : memref<2x10000x64xf32, #tpu.memory_space<vmem_shared>> -> memref<1x10000x64xf32, #tpu.memory_space<vmem_shared>>
        %dma_start3A_643 = tpu.memref_squeeze %dma_start3A_642 : memref<1x10000x64xf32, #tpu.memory_space<vmem_shared>> -> memref<10000x64xf32, #tpu.memory_space<vmem_shared>>
        %dma_start3A_644 = arith.constant 0 : i32
        %dma_start3A_645 = arith.constant 0 : i32
        %dma_start3A_646 = tpu.memref_slice %dma_start3A_643[%dma_start3A_644, %dma_start3A_645] : memref<10000x64xf32, #tpu.memory_space<vmem_shared>> -> memref<10000x64xf32, #tpu.memory_space<vmem_shared>>
        %dma_start3A_647 = tpu.memref_slice %arg14[%dma_start3A_632] : memref<5x!tpu.dma_semaphore, #tpu.memory_space<semaphore_mem>> -> memref<1x!tpu.dma_semaphore, #tpu.memory_space<semaphore_mem>>
        %dma_start3A_648 = tpu.memref_squeeze %dma_start3A_647 : memref<1x!tpu.dma_semaphore, #tpu.memory_space<semaphore_mem>> -> memref<!tpu.dma_semaphore, #tpu.memory_space<semaphore_mem>>
        tpu.enqueue_indirect_dma source(%dma_start3A_636 : memref<80x64xf32, #tpu.memory_space<vmem>>) target(%dma_start3A_646 : memref<10000x64xf32, #tpu.memory_space<vmem_shared>>) offsets(%dma_start3A_639 : memref<80xi32, #tpu.memory_space<vmem>>) semaphore(%dma_start3A_648 : memref<!tpu.dma_semaphore, #tpu.memory_space<semaphore_mem>>) {add = true}
        %lt3A_649 = arith.constant 4 : i32
        %lt3A_650 = arith.cmpi slt, %add3A_442, %lt3A_649 : i32
        %convert_element_type3A_651 = arith.extui %lt3A_650 : i1 to i32
        %cond3A_652 = arith.constant 0 : i32
        %cond3A_653 = arith.cmpi ne, %convert_element_type3A_651, %cond3A_652 : i32
        scf.if %cond3A_653 {
          %dma_wait3A_758 = arith.constant 0 : i32
          %dma_wait3A_759 = arith.constant 0 : i32
          %dma_wait3A_760 = arith.constant 0 : i32
          %dma_wait3A_761 = arith.constant 0 : i32
          %dma_wait3A_762 = arith.constant 0 : i32
          %dma_wait3A_763 = tpu.memref_slice %arg12[%dma_wait3A_758, %dma_wait3A_761, %dma_wait3A_762] : memref<5x80x64xf32, #tpu.memory_space<vmem>> -> memref<1x80x64xf32, #tpu.memory_space<vmem>>
          %dma_wait3A_764 = tpu.memref_squeeze %dma_wait3A_763 : memref<1x80x64xf32, #tpu.memory_space<vmem>> -> memref<80x64xf32, #tpu.memory_space<vmem>>
          %dma_wait3A_765 = arith.constant 0 : i32
          %dma_wait3A_766 = tpu.memref_slice %arg9[%dma_wait3A_759, %add3A_605, %dma_wait3A_765] : memref<2x25x80xi32, #tpu.memory_space<vmem>> -> memref<1x1x80xi32, #tpu.memory_space<vmem>>
          %dma_wait3A_767 = tpu.memref_squeeze %dma_wait3A_766 : memref<1x1x80xi32, #tpu.memory_space<vmem>> -> memref<80xi32, #tpu.memory_space<vmem>>
          %dma_wait3A_768 = arith.constant 0 : i32
          %dma_wait3A_769 = arith.constant 0 : i32
          %dma_wait3A_770 = tpu.memref_slice %arg16[%scan3A_36, %dma_wait3A_768, %dma_wait3A_769] : memref<2x10000x64xf32, #tpu.memory_space<vmem_shared>> -> memref<1x10000x64xf32, #tpu.memory_space<vmem_shared>>
          %dma_wait3A_771 = tpu.memref_squeeze %dma_wait3A_770 : memref<1x10000x64xf32, #tpu.memory_space<vmem_shared>> -> memref<10000x64xf32, #tpu.memory_space<vmem_shared>>
          %dma_wait3A_772 = arith.constant 0 : i32
          %dma_wait3A_773 = arith.constant 0 : i32
          %dma_wait3A_774 = tpu.memref_slice %dma_wait3A_771[%dma_wait3A_772, %dma_wait3A_773] : memref<10000x64xf32, #tpu.memory_space<vmem_shared>> -> memref<10000x64xf32, #tpu.memory_space<vmem_shared>>
          %dma_wait3A_775 = tpu.memref_slice %arg14[%dma_wait3A_760] : memref<5x!tpu.dma_semaphore, #tpu.memory_space<semaphore_mem>> -> memref<1x!tpu.dma_semaphore, #tpu.memory_space<semaphore_mem>>
          %dma_wait3A_776 = tpu.memref_squeeze %dma_wait3A_775 : memref<1x!tpu.dma_semaphore, #tpu.memory_space<semaphore_mem>> -> memref<!tpu.dma_semaphore, #tpu.memory_space<semaphore_mem>>
          tpu.wait_indirect_dma semaphore(%dma_wait3A_776 : memref<!tpu.dma_semaphore, #tpu.memory_space<semaphore_mem>>) src(%dma_wait3A_764 : memref<80x64xf32, #tpu.memory_space<vmem>>) dst(%dma_wait3A_774 : memref<10000x64xf32, #tpu.memory_space<vmem_shared>>)
          %add3A_777 = arith.constant 3 : i32
          %add3A_778 = arith.addi %add3A_605, %add3A_777 : i32
          %dma_start3A_779 = arith.constant 0 : i32
          %dma_start3A_780 = arith.constant 0 : i32
          %dma_start3A_781 = arith.constant 0 : i32
          %dma_start3A_782 = arith.constant 0 : i32
          %dma_start3A_783 = arith.constant 0 : i32
          %dma_start3A_784 = tpu.memref_slice %arg12[%dma_start3A_780, %dma_start3A_782, %dma_start3A_783] : memref<5x80x64xf32, #tpu.memory_space<vmem>> -> memref<1x80x64xf32, #tpu.memory_space<vmem>>
          %dma_start3A_785 = tpu.memref_squeeze %dma_start3A_784 : memref<1x80x64xf32, #tpu.memory_space<vmem>> -> memref<80x64xf32, #tpu.memory_space<vmem>>
          %dma_start3A_786 = arith.constant 0 : i32
          %dma_start3A_787 = tpu.memref_slice %arg8[%dma_start3A_779, %add3A_778, %dma_start3A_786] : memref<2x25x80xi32, #tpu.memory_space<vmem>> -> memref<1x1x80xi32, #tpu.memory_space<vmem>>
          %dma_start3A_788 = tpu.memref_squeeze %dma_start3A_787 : memref<1x1x80xi32, #tpu.memory_space<vmem>> -> memref<80xi32, #tpu.memory_space<vmem>>
          %dma_start3A_789 = arith.constant 0 : i32
          %dma_start3A_790 = arith.constant 0 : i32
          %dma_start3A_791 = tpu.memref_slice %arg16[%scan3A_37, %dma_start3A_789, %dma_start3A_790] : memref<2x10000x64xf32, #tpu.memory_space<vmem_shared>> -> memref<1x10000x64xf32, #tpu.memory_space<vmem_shared>>
          %dma_start3A_792 = tpu.memref_squeeze %dma_start3A_791 : memref<1x10000x64xf32, #tpu.memory_space<vmem_shared>> -> memref<10000x64xf32, #tpu.memory_space<vmem_shared>>
          %dma_start3A_793 = arith.constant 0 : i32
          %dma_start3A_794 = arith.constant 0 : i32
          %dma_start3A_795 = tpu.memref_slice %dma_start3A_792[%dma_start3A_793, %dma_start3A_794] : memref<10000x64xf32, #tpu.memory_space<vmem_shared>> -> memref<10000x64xf32, #tpu.memory_space<vmem_shared>>
          %dma_start3A_796 = tpu.memref_slice %arg13[%dma_start3A_781] : memref<5x!tpu.dma_semaphore, #tpu.memory_space<semaphore_mem>> -> memref<1x!tpu.dma_semaphore, #tpu.memory_space<semaphore_mem>>
          %dma_start3A_797 = tpu.memref_squeeze %dma_start3A_796 : memref<1x!tpu.dma_semaphore, #tpu.memory_space<semaphore_mem>> -> memref<!tpu.dma_semaphore, #tpu.memory_space<semaphore_mem>>
          tpu.enqueue_indirect_dma source(%dma_start3A_795 : memref<10000x64xf32, #tpu.memory_space<vmem_shared>>) target(%dma_start3A_785 : memref<80x64xf32, #tpu.memory_space<vmem>>) offsets(%dma_start3A_788 : memref<80xi32, #tpu.memory_space<vmem>>) semaphore(%dma_start3A_797 : memref<!tpu.dma_semaphore, #tpu.memory_space<semaphore_mem>>)
        } else {
        }
        %mul3A_654 = arith.constant 5 : i32
        %mul3A_655 = arith.muli %add3A_442, %mul3A_654 : i32
        %add3A_656 = arith.constant 3 : i32
        %add3A_657 = arith.addi %mul3A_655, %add3A_656 : i32
        %dma_wait3A_658 = arith.constant 0 : i32
        %dma_wait3A_659 = arith.constant 3 : i32
        %dma_wait3A_660 = arith.constant 3 : i32
        %dma_wait3A_661 = arith.constant 0 : i32
        %dma_wait3A_662 = arith.constant 0 : i32
        %dma_wait3A_663 = tpu.memref_slice %arg12[%dma_wait3A_659, %dma_wait3A_661, %dma_wait3A_662] : memref<5x80x64xf32, #tpu.memory_space<vmem>> -> memref<1x80x64xf32, #tpu.memory_space<vmem>>
        %dma_wait3A_664 = tpu.memref_squeeze %dma_wait3A_663 : memref<1x80x64xf32, #tpu.memory_space<vmem>> -> memref<80x64xf32, #tpu.memory_space<vmem>>
        %dma_wait3A_665 = arith.constant 0 : i32
        %dma_wait3A_666 = tpu.memref_slice %arg8[%dma_wait3A_658, %add3A_657, %dma_wait3A_665] : memref<2x25x80xi32, #tpu.memory_space<vmem>> -> memref<1x1x80xi32, #tpu.memory_space<vmem>>
        %dma_wait3A_667 = tpu.memref_squeeze %dma_wait3A_666 : memref<1x1x80xi32, #tpu.memory_space<vmem>> -> memref<80xi32, #tpu.memory_space<vmem>>
        %dma_wait3A_668 = arith.constant 0 : i32
        %dma_wait3A_669 = arith.constant 0 : i32
        %dma_wait3A_670 = tpu.memref_slice %arg16[%scan3A_37, %dma_wait3A_668, %dma_wait3A_669] : memref<2x10000x64xf32, #tpu.memory_space<vmem_shared>> -> memref<1x10000x64xf32, #tpu.memory_space<vmem_shared>>
        %dma_wait3A_671 = tpu.memref_squeeze %dma_wait3A_670 : memref<1x10000x64xf32, #tpu.memory_space<vmem_shared>> -> memref<10000x64xf32, #tpu.memory_space<vmem_shared>>
        %dma_wait3A_672 = arith.constant 0 : i32
        %dma_wait3A_673 = arith.constant 0 : i32
        %dma_wait3A_674 = tpu.memref_slice %dma_wait3A_671[%dma_wait3A_672, %dma_wait3A_673] : memref<10000x64xf32, #tpu.memory_space<vmem_shared>> -> memref<10000x64xf32, #tpu.memory_space<vmem_shared>>
        %dma_wait3A_675 = tpu.memref_slice %arg13[%dma_wait3A_660] : memref<5x!tpu.dma_semaphore, #tpu.memory_space<semaphore_mem>> -> memref<1x!tpu.dma_semaphore, #tpu.memory_space<semaphore_mem>>
        %dma_wait3A_676 = tpu.memref_squeeze %dma_wait3A_675 : memref<1x!tpu.dma_semaphore, #tpu.memory_space<semaphore_mem>> -> memref<!tpu.dma_semaphore, #tpu.memory_space<semaphore_mem>>
        tpu.wait_indirect_dma semaphore(%dma_wait3A_676 : memref<!tpu.dma_semaphore, #tpu.memory_space<semaphore_mem>>) src(%dma_wait3A_674 : memref<10000x64xf32, #tpu.memory_space<vmem_shared>>) dst(%dma_wait3A_664 : memref<80x64xf32, #tpu.memory_space<vmem>>)
        %scan3A_677 = arith.constant 0 : i32
        %scan3A_678 = arith.constant 80 : i32
        %scan3A_679 = arith.addi %scan3A_677, %scan3A_678 : i32
        %scan3A_680 = arith.constant 1 : i32
        scf.for %scan3A_758 = %scan3A_677 to %scan3A_679 step %scan3A_680  : i32 {
          %mul3A_759 = arith.constant 1 : i32
          %mul3A_760 = arith.muli %scan3A_758, %mul3A_759 : i32
          %add3A_761 = arith.constant 0 : i32
          %add3A_762 = arith.addi %add3A_761, %mul3A_760 : i32
          %broadcast_in_dim3A = arith.constant 0 : i32
          %broadcast_in_dim3A_763 = vector.broadcast %broadcast_in_dim3A : i32 to vector<16xi32>
          %broadcast_in_dim3A_764 = vector.broadcast %add3A_657 : i32 to vector<16xi32>
          %broadcast_in_dim3A_765 = vector.broadcast %add3A_762 : i32 to vector<16xi32>
          %gather3A = tpu.vector_load_idx %arg10[%broadcast_in_dim3A_763, %broadcast_in_dim3A_764, %broadcast_in_dim3A_765] : memref<2x25x80xf32, #tpu.memory_space<vmem>>[vector<16xi32>, vector<16xi32>, vector<16xi32>], vector<16xf32>,
          %get3A_766 = arith.constant 3 : i32
          %get3A_767 = arith.index_cast %get3A_766 : i32 to index
          %get3A_768 = arith.index_cast %add3A_762 : i32 to index
          %get3A_769 = arith.constant 0 : index
          %get3A_770 = tpu.vector_load %arg12[%get3A_767, %get3A_768, %get3A_769] {strides = array<i32>} : memref<5x80x64xf32, #tpu.memory_space<vmem>>, vector<16xf32>,
          %mul3A_771 = arith.mulf %get3A_770, %gather3A : vector<16xf32>
          %swap3A = arith.constant 3 : i32
          %swap3A_772 = arith.index_cast %swap3A : i32 to index
          %swap3A_773 = arith.index_cast %add3A_762 : i32 to index
          %swap3A_774 = arith.constant 0 : index
          %swap3A_775 = tpu.vector_load %arg12[%swap3A_772, %swap3A_773, %swap3A_774] {strides = array<i32>} : memref<5x80x64xf32, #tpu.memory_space<vmem>>, vector<16xf32>,
          tpu.vector_store %arg12[%swap3A_772, %swap3A_773, %swap3A_774], %mul3A_771 {strides = array<i32>} : memref<5x80x64xf32, #tpu.memory_space<vmem>>, vector<16xf32>,
          %get3A_776 = arith.constant 3 : i32
          %get3A_777 = arith.index_cast %get3A_776 : i32 to index
          %get3A_778 = arith.index_cast %add3A_762 : i32 to index
          %get3A_779 = arith.constant 16 : index
          %get3A_780 = tpu.vector_load %arg12[%get3A_777, %get3A_778, %get3A_779] {strides = array<i32>} : memref<5x80x64xf32, #tpu.memory_space<vmem>>, vector<16xf32>,
          %mul3A_781 = arith.mulf %get3A_780, %gather3A : vector<16xf32>
          %swap3A_782 = arith.constant 3 : i32
          %swap3A_783 = arith.index_cast %swap3A_782 : i32 to index
          %swap3A_784 = arith.index_cast %add3A_762 : i32 to index
          %swap3A_785 = arith.constant 16 : index
          %swap3A_786 = tpu.vector_load %arg12[%swap3A_783, %swap3A_784, %swap3A_785] {strides = array<i32>} : memref<5x80x64xf32, #tpu.memory_space<vmem>>, vector<16xf32>,
          tpu.vector_store %arg12[%swap3A_783, %swap3A_784, %swap3A_785], %mul3A_781 {strides = array<i32>} : memref<5x80x64xf32, #tpu.memory_space<vmem>>, vector<16xf32>,
          %get3A_787 = arith.constant 3 : i32
          %get3A_788 = arith.index_cast %get3A_787 : i32 to index
          %get3A_789 = arith.index_cast %add3A_762 : i32 to index
          %get3A_790 = arith.constant 32 : index
          %get3A_791 = tpu.vector_load %arg12[%get3A_788, %get3A_789, %get3A_790] {strides = array<i32>} : memref<5x80x64xf32, #tpu.memory_space<vmem>>, vector<16xf32>,
          %mul3A_792 = arith.mulf %get3A_791, %gather3A : vector<16xf32>
          %swap3A_793 = arith.constant 3 : i32
          %swap3A_794 = arith.index_cast %swap3A_793 : i32 to index
          %swap3A_795 = arith.index_cast %add3A_762 : i32 to index
          %swap3A_796 = arith.constant 32 : index
          %swap3A_797 = tpu.vector_load %arg12[%swap3A_794, %swap3A_795, %swap3A_796] {strides = array<i32>} : memref<5x80x64xf32, #tpu.memory_space<vmem>>, vector<16xf32>,
          tpu.vector_store %arg12[%swap3A_794, %swap3A_795, %swap3A_796], %mul3A_792 {strides = array<i32>} : memref<5x80x64xf32, #tpu.memory_space<vmem>>, vector<16xf32>,
          %get3A_798 = arith.constant 3 : i32
          %get3A_799 = arith.index_cast %get3A_798 : i32 to index
          %get3A_800 = arith.index_cast %add3A_762 : i32 to index
          %get3A_801 = arith.constant 48 : index
          %get3A_802 = tpu.vector_load %arg12[%get3A_799, %get3A_800, %get3A_801] {strides = array<i32>} : memref<5x80x64xf32, #tpu.memory_space<vmem>>, vector<16xf32>,
          %mul3A_803 = arith.mulf %get3A_802, %gather3A : vector<16xf32>
          %swap3A_804 = arith.constant 3 : i32
          %swap3A_805 = arith.index_cast %swap3A_804 : i32 to index
          %swap3A_806 = arith.index_cast %add3A_762 : i32 to index
          %swap3A_807 = arith.constant 48 : index
          %swap3A_808 = tpu.vector_load %arg12[%swap3A_805, %swap3A_806, %swap3A_807] {strides = array<i32>} : memref<5x80x64xf32, #tpu.memory_space<vmem>>, vector<16xf32>,
          tpu.vector_store %arg12[%swap3A_805, %swap3A_806, %swap3A_807], %mul3A_803 {strides = array<i32>} : memref<5x80x64xf32, #tpu.memory_space<vmem>>, vector<16xf32>,
        }
        %scan3A_681 = arith.constant 80 : i32
        %dma_start3A_682 = arith.constant 3 : i32
        %dma_start3A_683 = arith.constant 0 : i32
        %dma_start3A_684 = arith.constant 3 : i32
        %dma_start3A_685 = arith.constant 0 : i32
        %dma_start3A_686 = arith.constant 0 : i32
        %dma_start3A_687 = tpu.memref_slice %arg12[%dma_start3A_682, %dma_start3A_685, %dma_start3A_686] : memref<5x80x64xf32, #tpu.memory_space<vmem>> -> memref<1x80x64xf32, #tpu.memory_space<vmem>>
        %dma_start3A_688 = tpu.memref_squeeze %dma_start3A_687 : memref<1x80x64xf32, #tpu.memory_space<vmem>> -> memref<80x64xf32, #tpu.memory_space<vmem>>
        %dma_start3A_689 = arith.constant 0 : i32
        %dma_start3A_690 = tpu.memref_slice %arg9[%dma_start3A_683, %add3A_657, %dma_start3A_689] : memref<2x25x80xi32, #tpu.memory_space<vmem>> -> memref<1x1x80xi32, #tpu.memory_space<vmem>>
        %dma_start3A_691 = tpu.memref_squeeze %dma_start3A_690 : memref<1x1x80xi32, #tpu.memory_space<vmem>> -> memref<80xi32, #tpu.memory_space<vmem>>
        %dma_start3A_692 = arith.constant 0 : i32
        %dma_start3A_693 = arith.constant 0 : i32
        %dma_start3A_694 = tpu.memref_slice %arg16[%scan3A_36, %dma_start3A_692, %dma_start3A_693] : memref<2x10000x64xf32, #tpu.memory_space<vmem_shared>> -> memref<1x10000x64xf32, #tpu.memory_space<vmem_shared>>
        %dma_start3A_695 = tpu.memref_squeeze %dma_start3A_694 : memref<1x10000x64xf32, #tpu.memory_space<vmem_shared>> -> memref<10000x64xf32, #tpu.memory_space<vmem_shared>>
        %dma_start3A_696 = arith.constant 0 : i32
        %dma_start3A_697 = arith.constant 0 : i32
        %dma_start3A_698 = tpu.memref_slice %dma_start3A_695[%dma_start3A_696, %dma_start3A_697] : memref<10000x64xf32, #tpu.memory_space<vmem_shared>> -> memref<10000x64xf32, #tpu.memory_space<vmem_shared>>
        %dma_start3A_699 = tpu.memref_slice %arg14[%dma_start3A_684] : memref<5x!tpu.dma_semaphore, #tpu.memory_space<semaphore_mem>> -> memref<1x!tpu.dma_semaphore, #tpu.memory_space<semaphore_mem>>
        %dma_start3A_700 = tpu.memref_squeeze %dma_start3A_699 : memref<1x!tpu.dma_semaphore, #tpu.memory_space<semaphore_mem>> -> memref<!tpu.dma_semaphore, #tpu.memory_space<semaphore_mem>>
        tpu.enqueue_indirect_dma source(%dma_start3A_688 : memref<80x64xf32, #tpu.memory_space<vmem>>) target(%dma_start3A_698 : memref<10000x64xf32, #tpu.memory_space<vmem_shared>>) offsets(%dma_start3A_691 : memref<80xi32, #tpu.memory_space<vmem>>) semaphore(%dma_start3A_700 : memref<!tpu.dma_semaphore, #tpu.memory_space<semaphore_mem>>) {add = true}
        %lt3A_701 = arith.constant 4 : i32
        %lt3A_702 = arith.cmpi slt, %add3A_442, %lt3A_701 : i32
        %convert_element_type3A_703 = arith.extui %lt3A_702 : i1 to i32
        %cond3A_704 = arith.constant 0 : i32
        %cond3A_705 = arith.cmpi ne, %convert_element_type3A_703, %cond3A_704 : i32
        scf.if %cond3A_705 {
          %dma_wait3A_758 = arith.constant 1 : i32
          %dma_wait3A_759 = arith.constant 0 : i32
          %dma_wait3A_760 = arith.constant 1 : i32
          %dma_wait3A_761 = arith.constant 0 : i32
          %dma_wait3A_762 = arith.constant 0 : i32
          %dma_wait3A_763 = tpu.memref_slice %arg12[%dma_wait3A_758, %dma_wait3A_761, %dma_wait3A_762] : memref<5x80x64xf32, #tpu.memory_space<vmem>> -> memref<1x80x64xf32, #tpu.memory_space<vmem>>
          %dma_wait3A_764 = tpu.memref_squeeze %dma_wait3A_763 : memref<1x80x64xf32, #tpu.memory_space<vmem>> -> memref<80x64xf32, #tpu.memory_space<vmem>>
          %dma_wait3A_765 = arith.constant 0 : i32
          %dma_wait3A_766 = tpu.memref_slice %arg9[%dma_wait3A_759, %add3A_657, %dma_wait3A_765] : memref<2x25x80xi32, #tpu.memory_space<vmem>> -> memref<1x1x80xi32, #tpu.memory_space<vmem>>
          %dma_wait3A_767 = tpu.memref_squeeze %dma_wait3A_766 : memref<1x1x80xi32, #tpu.memory_space<vmem>> -> memref<80xi32, #tpu.memory_space<vmem>>
          %dma_wait3A_768 = arith.constant 0 : i32
          %dma_wait3A_769 = arith.constant 0 : i32
          %dma_wait3A_770 = tpu.memref_slice %arg16[%scan3A_36, %dma_wait3A_768, %dma_wait3A_769] : memref<2x10000x64xf32, #tpu.memory_space<vmem_shared>> -> memref<1x10000x64xf32, #tpu.memory_space<vmem_shared>>
          %dma_wait3A_771 = tpu.memref_squeeze %dma_wait3A_770 : memref<1x10000x64xf32, #tpu.memory_space<vmem_shared>> -> memref<10000x64xf32, #tpu.memory_space<vmem_shared>>
          %dma_wait3A_772 = arith.constant 0 : i32
          %dma_wait3A_773 = arith.constant 0 : i32
          %dma_wait3A_774 = tpu.memref_slice %dma_wait3A_771[%dma_wait3A_772, %dma_wait3A_773] : memref<10000x64xf32, #tpu.memory_space<vmem_shared>> -> memref<10000x64xf32, #tpu.memory_space<vmem_shared>>
          %dma_wait3A_775 = tpu.memref_slice %arg14[%dma_wait3A_760] : memref<5x!tpu.dma_semaphore, #tpu.memory_space<semaphore_mem>> -> memref<1x!tpu.dma_semaphore, #tpu.memory_space<semaphore_mem>>
          %dma_wait3A_776 = tpu.memref_squeeze %dma_wait3A_775 : memref<1x!tpu.dma_semaphore, #tpu.memory_space<semaphore_mem>> -> memref<!tpu.dma_semaphore, #tpu.memory_space<semaphore_mem>>
          tpu.wait_indirect_dma semaphore(%dma_wait3A_776 : memref<!tpu.dma_semaphore, #tpu.memory_space<semaphore_mem>>) src(%dma_wait3A_764 : memref<80x64xf32, #tpu.memory_space<vmem>>) dst(%dma_wait3A_774 : memref<10000x64xf32, #tpu.memory_space<vmem_shared>>)
          %add3A_777 = arith.constant 3 : i32
          %add3A_778 = arith.addi %add3A_657, %add3A_777 : i32
          %dma_start3A_779 = arith.constant 0 : i32
          %dma_start3A_780 = arith.constant 1 : i32
          %dma_start3A_781 = arith.constant 1 : i32
          %dma_start3A_782 = arith.constant 0 : i32
          %dma_start3A_783 = arith.constant 0 : i32
          %dma_start3A_784 = tpu.memref_slice %arg12[%dma_start3A_780, %dma_start3A_782, %dma_start3A_783] : memref<5x80x64xf32, #tpu.memory_space<vmem>> -> memref<1x80x64xf32, #tpu.memory_space<vmem>>
          %dma_start3A_785 = tpu.memref_squeeze %dma_start3A_784 : memref<1x80x64xf32, #tpu.memory_space<vmem>> -> memref<80x64xf32, #tpu.memory_space<vmem>>
          %dma_start3A_786 = arith.constant 0 : i32
          %dma_start3A_787 = tpu.memref_slice %arg8[%dma_start3A_779, %add3A_778, %dma_start3A_786] : memref<2x25x80xi32, #tpu.memory_space<vmem>> -> memref<1x1x80xi32, #tpu.memory_space<vmem>>
          %dma_start3A_788 = tpu.memref_squeeze %dma_start3A_787 : memref<1x1x80xi32, #tpu.memory_space<vmem>> -> memref<80xi32, #tpu.memory_space<vmem>>
          %dma_start3A_789 = arith.constant 0 : i32
          %dma_start3A_790 = arith.constant 0 : i32
          %dma_start3A_791 = tpu.memref_slice %arg16[%scan3A_37, %dma_start3A_789, %dma_start3A_790] : memref<2x10000x64xf32, #tpu.memory_space<vmem_shared>> -> memref<1x10000x64xf32, #tpu.memory_space<vmem_shared>>
          %dma_start3A_792 = tpu.memref_squeeze %dma_start3A_791 : memref<1x10000x64xf32, #tpu.memory_space<vmem_shared>> -> memref<10000x64xf32, #tpu.memory_space<vmem_shared>>
          %dma_start3A_793 = arith.constant 0 : i32
          %dma_start3A_794 = arith.constant 0 : i32
          %dma_start3A_795 = tpu.memref_slice %dma_start3A_792[%dma_start3A_793, %dma_start3A_794] : memref<10000x64xf32, #tpu.memory_space<vmem_shared>> -> memref<10000x64xf32, #tpu.memory_space<vmem_shared>>
          %dma_start3A_796 = tpu.memref_slice %arg13[%dma_start3A_781] : memref<5x!tpu.dma_semaphore, #tpu.memory_space<semaphore_mem>> -> memref<1x!tpu.dma_semaphore, #tpu.memory_space<semaphore_mem>>
          %dma_start3A_797 = tpu.memref_squeeze %dma_start3A_796 : memref<1x!tpu.dma_semaphore, #tpu.memory_space<semaphore_mem>> -> memref<!tpu.dma_semaphore, #tpu.memory_space<semaphore_mem>>
          tpu.enqueue_indirect_dma source(%dma_start3A_795 : memref<10000x64xf32, #tpu.memory_space<vmem_shared>>) target(%dma_start3A_785 : memref<80x64xf32, #tpu.memory_space<vmem>>) offsets(%dma_start3A_788 : memref<80xi32, #tpu.memory_space<vmem>>) semaphore(%dma_start3A_797 : memref<!tpu.dma_semaphore, #tpu.memory_space<semaphore_mem>>)
        } else {
        }
        %mul3A_706 = arith.constant 5 : i32
        %mul3A_707 = arith.muli %add3A_442, %mul3A_706 : i32
        %add3A_708 = arith.constant 4 : i32
        %add3A_709 = arith.addi %mul3A_707, %add3A_708 : i32
        %dma_wait3A_710 = arith.constant 0 : i32
        %dma_wait3A_711 = arith.constant 4 : i32
        %dma_wait3A_712 = arith.constant 4 : i32
        %dma_wait3A_713 = arith.constant 0 : i32
        %dma_wait3A_714 = arith.constant 0 : i32
        %dma_wait3A_715 = tpu.memref_slice %arg12[%dma_wait3A_711, %dma_wait3A_713, %dma_wait3A_714] : memref<5x80x64xf32, #tpu.memory_space<vmem>> -> memref<1x80x64xf32, #tpu.memory_space<vmem>>
        %dma_wait3A_716 = tpu.memref_squeeze %dma_wait3A_715 : memref<1x80x64xf32, #tpu.memory_space<vmem>> -> memref<80x64xf32, #tpu.memory_space<vmem>>
        %dma_wait3A_717 = arith.constant 0 : i32
        %dma_wait3A_718 = tpu.memref_slice %arg8[%dma_wait3A_710, %add3A_709, %dma_wait3A_717] : memref<2x25x80xi32, #tpu.memory_space<vmem>> -> memref<1x1x80xi32, #tpu.memory_space<vmem>>
        %dma_wait3A_719 = tpu.memref_squeeze %dma_wait3A_718 : memref<1x1x80xi32, #tpu.memory_space<vmem>> -> memref<80xi32, #tpu.memory_space<vmem>>
        %dma_wait3A_720 = arith.constant 0 : i32
        %dma_wait3A_721 = arith.constant 0 : i32
        %dma_wait3A_722 = tpu.memref_slice %arg16[%scan3A_37, %dma_wait3A_720, %dma_wait3A_721] : memref<2x10000x64xf32, #tpu.memory_space<vmem_shared>> -> memref<1x10000x64xf32, #tpu.memory_space<vmem_shared>>
        %dma_wait3A_723 = tpu.memref_squeeze %dma_wait3A_722 : memref<1x10000x64xf32, #tpu.memory_space<vmem_shared>> -> memref<10000x64xf32, #tpu.memory_space<vmem_shared>>
        %dma_wait3A_724 = arith.constant 0 : i32
        %dma_wait3A_725 = arith.constant 0 : i32
        %dma_wait3A_726 = tpu.memref_slice %dma_wait3A_723[%dma_wait3A_724, %dma_wait3A_725] : memref<10000x64xf32, #tpu.memory_space<vmem_shared>> -> memref<10000x64xf32, #tpu.memory_space<vmem_shared>>
        %dma_wait3A_727 = tpu.memref_slice %arg13[%dma_wait3A_712] : memref<5x!tpu.dma_semaphore, #tpu.memory_space<semaphore_mem>> -> memref<1x!tpu.dma_semaphore, #tpu.memory_space<semaphore_mem>>
        %dma_wait3A_728 = tpu.memref_squeeze %dma_wait3A_727 : memref<1x!tpu.dma_semaphore, #tpu.memory_space<semaphore_mem>> -> memref<!tpu.dma_semaphore, #tpu.memory_space<semaphore_mem>>
        tpu.wait_indirect_dma semaphore(%dma_wait3A_728 : memref<!tpu.dma_semaphore, #tpu.memory_space<semaphore_mem>>) src(%dma_wait3A_726 : memref<10000x64xf32, #tpu.memory_space<vmem_shared>>) dst(%dma_wait3A_716 : memref<80x64xf32, #tpu.memory_space<vmem>>)
        %scan3A_729 = arith.constant 0 : i32
        %scan3A_730 = arith.constant 80 : i32
        %scan3A_731 = arith.addi %scan3A_729, %scan3A_730 : i32
        %scan3A_732 = arith.constant 1 : i32
        scf.for %scan3A_758 = %scan3A_729 to %scan3A_731 step %scan3A_732  : i32 {
          %mul3A_759 = arith.constant 1 : i32
          %mul3A_760 = arith.muli %scan3A_758, %mul3A_759 : i32
          %add3A_761 = arith.constant 0 : i32
          %add3A_762 = arith.addi %add3A_761, %mul3A_760 : i32
          %broadcast_in_dim3A = arith.constant 0 : i32
          %broadcast_in_dim3A_763 = vector.broadcast %broadcast_in_dim3A : i32 to vector<16xi32>
          %broadcast_in_dim3A_764 = vector.broadcast %add3A_709 : i32 to vector<16xi32>
          %broadcast_in_dim3A_765 = vector.broadcast %add3A_762 : i32 to vector<16xi32>
          %gather3A = tpu.vector_load_idx %arg10[%broadcast_in_dim3A_763, %broadcast_in_dim3A_764, %broadcast_in_dim3A_765] : memref<2x25x80xf32, #tpu.memory_space<vmem>>[vector<16xi32>, vector<16xi32>, vector<16xi32>], vector<16xf32>,
          %get3A_766 = arith.constant 4 : i32
          %get3A_767 = arith.index_cast %get3A_766 : i32 to index
          %get3A_768 = arith.index_cast %add3A_762 : i32 to index
          %get3A_769 = arith.constant 0 : index
          %get3A_770 = tpu.vector_load %arg12[%get3A_767, %get3A_768, %get3A_769] {strides = array<i32>} : memref<5x80x64xf32, #tpu.memory_space<vmem>>, vector<16xf32>,
          %mul3A_771 = arith.mulf %get3A_770, %gather3A : vector<16xf32>
          %swap3A = arith.constant 4 : i32
          %swap3A_772 = arith.index_cast %swap3A : i32 to index
          %swap3A_773 = arith.index_cast %add3A_762 : i32 to index
          %swap3A_774 = arith.constant 0 : index
          %swap3A_775 = tpu.vector_load %arg12[%swap3A_772, %swap3A_773, %swap3A_774] {strides = array<i32>} : memref<5x80x64xf32, #tpu.memory_space<vmem>>, vector<16xf32>,
          tpu.vector_store %arg12[%swap3A_772, %swap3A_773, %swap3A_774], %mul3A_771 {strides = array<i32>} : memref<5x80x64xf32, #tpu.memory_space<vmem>>, vector<16xf32>,
          %get3A_776 = arith.constant 4 : i32
          %get3A_777 = arith.index_cast %get3A_776 : i32 to index
          %get3A_778 = arith.index_cast %add3A_762 : i32 to index
          %get3A_779 = arith.constant 16 : index
          %get3A_780 = tpu.vector_load %arg12[%get3A_777, %get3A_778, %get3A_779] {strides = array<i32>} : memref<5x80x64xf32, #tpu.memory_space<vmem>>, vector<16xf32>,
          %mul3A_781 = arith.mulf %get3A_780, %gather3A : vector<16xf32>
          %swap3A_782 = arith.constant 4 : i32
          %swap3A_783 = arith.index_cast %swap3A_782 : i32 to index
          %swap3A_784 = arith.index_cast %add3A_762 : i32 to index
          %swap3A_785 = arith.constant 16 : index
          %swap3A_786 = tpu.vector_load %arg12[%swap3A_783, %swap3A_784, %swap3A_785] {strides = array<i32>} : memref<5x80x64xf32, #tpu.memory_space<vmem>>, vector<16xf32>,
          tpu.vector_store %arg12[%swap3A_783, %swap3A_784, %swap3A_785], %mul3A_781 {strides = array<i32>} : memref<5x80x64xf32, #tpu.memory_space<vmem>>, vector<16xf32>,
          %get3A_787 = arith.constant 4 : i32
          %get3A_788 = arith.index_cast %get3A_787 : i32 to index
          %get3A_789 = arith.index_cast %add3A_762 : i32 to index
          %get3A_790 = arith.constant 32 : index
          %get3A_791 = tpu.vector_load %arg12[%get3A_788, %get3A_789, %get3A_790] {strides = array<i32>} : memref<5x80x64xf32, #tpu.memory_space<vmem>>, vector<16xf32>,
          %mul3A_792 = arith.mulf %get3A_791, %gather3A : vector<16xf32>
          %swap3A_793 = arith.constant 4 : i32
          %swap3A_794 = arith.index_cast %swap3A_793 : i32 to index
          %swap3A_795 = arith.index_cast %add3A_762 : i32 to index
          %swap3A_796 = arith.constant 32 : index
          %swap3A_797 = tpu.vector_load %arg12[%swap3A_794, %swap3A_795, %swap3A_796] {strides = array<i32>} : memref<5x80x64xf32, #tpu.memory_space<vmem>>, vector<16xf32>,
          tpu.vector_store %arg12[%swap3A_794, %swap3A_795, %swap3A_796], %mul3A_792 {strides = array<i32>} : memref<5x80x64xf32, #tpu.memory_space<vmem>>, vector<16xf32>,
          %get3A_798 = arith.constant 4 : i32
          %get3A_799 = arith.index_cast %get3A_798 : i32 to index
          %get3A_800 = arith.index_cast %add3A_762 : i32 to index
          %get3A_801 = arith.constant 48 : index
          %get3A_802 = tpu.vector_load %arg12[%get3A_799, %get3A_800, %get3A_801] {strides = array<i32>} : memref<5x80x64xf32, #tpu.memory_space<vmem>>, vector<16xf32>,
          %mul3A_803 = arith.mulf %get3A_802, %gather3A : vector<16xf32>
          %swap3A_804 = arith.constant 4 : i32
          %swap3A_805 = arith.index_cast %swap3A_804 : i32 to index
          %swap3A_806 = arith.index_cast %add3A_762 : i32 to index
          %swap3A_807 = arith.constant 48 : index
          %swap3A_808 = tpu.vector_load %arg12[%swap3A_805, %swap3A_806, %swap3A_807] {strides = array<i32>} : memref<5x80x64xf32, #tpu.memory_space<vmem>>, vector<16xf32>,
          tpu.vector_store %arg12[%swap3A_805, %swap3A_806, %swap3A_807], %mul3A_803 {strides = array<i32>} : memref<5x80x64xf32, #tpu.memory_space<vmem>>, vector<16xf32>,
        }
        %scan3A_733 = arith.constant 80 : i32
        %dma_start3A_734 = arith.constant 4 : i32
        %dma_start3A_735 = arith.constant 0 : i32
        %dma_start3A_736 = arith.constant 4 : i32
        %dma_start3A_737 = arith.constant 0 : i32
        %dma_start3A_738 = arith.constant 0 : i32
        %dma_start3A_739 = tpu.memref_slice %arg12[%dma_start3A_734, %dma_start3A_737, %dma_start3A_738] : memref<5x80x64xf32, #tpu.memory_space<vmem>> -> memref<1x80x64xf32, #tpu.memory_space<vmem>>
        %dma_start3A_740 = tpu.memref_squeeze %dma_start3A_739 : memref<1x80x64xf32, #tpu.memory_space<vmem>> -> memref<80x64xf32, #tpu.memory_space<vmem>>
        %dma_start3A_741 = arith.constant 0 : i32
        %dma_start3A_742 = tpu.memref_slice %arg9[%dma_start3A_735, %add3A_709, %dma_start3A_741] : memref<2x25x80xi32, #tpu.memory_space<vmem>> -> memref<1x1x80xi32, #tpu.memory_space<vmem>>
        %dma_start3A_743 = tpu.memref_squeeze %dma_start3A_742 : memref<1x1x80xi32, #tpu.memory_space<vmem>> -> memref<80xi32, #tpu.memory_space<vmem>>
        %dma_start3A_744 = arith.constant 0 : i32
        %dma_start3A_745 = arith.constant 0 : i32
        %dma_start3A_746 = tpu.memref_slice %arg16[%scan3A_36, %dma_start3A_744, %dma_start3A_745] : memref<2x10000x64xf32, #tpu.memory_space<vmem_shared>> -> memref<1x10000x64xf32, #tpu.memory_space<vmem_shared>>
        %dma_start3A_747 = tpu.memref_squeeze %dma_start3A_746 : memref<1x10000x64xf32, #tpu.memory_space<vmem_shared>> -> memref<10000x64xf32, #tpu.memory_space<vmem_shared>>
        %dma_start3A_748 = arith.constant 0 : i32
        %dma_start3A_749 = arith.constant 0 : i32
        %dma_start3A_750 = tpu.memref_slice %dma_start3A_747[%dma_start3A_748, %dma_start3A_749] : memref<10000x64xf32, #tpu.memory_space<vmem_shared>> -> memref<10000x64xf32, #tpu.memory_space<vmem_shared>>
        %dma_start3A_751 = tpu.memref_slice %arg14[%dma_start3A_736] : memref<5x!tpu.dma_semaphore, #tpu.memory_space<semaphore_mem>> -> memref<1x!tpu.dma_semaphore, #tpu.memory_space<semaphore_mem>>
        %dma_start3A_752 = tpu.memref_squeeze %dma_start3A_751 : memref<1x!tpu.dma_semaphore, #tpu.memory_space<semaphore_mem>> -> memref<!tpu.dma_semaphore, #tpu.memory_space<semaphore_mem>>
        tpu.enqueue_indirect_dma source(%dma_start3A_740 : memref<80x64xf32, #tpu.memory_space<vmem>>) target(%dma_start3A_750 : memref<10000x64xf32, #tpu.memory_space<vmem_shared>>) offsets(%dma_start3A_743 : memref<80xi32, #tpu.memory_space<vmem>>) semaphore(%dma_start3A_752 : memref<!tpu.dma_semaphore, #tpu.memory_space<semaphore_mem>>) {add = true}
        %lt3A_753 = arith.constant 4 : i32
        %lt3A_754 = arith.cmpi slt, %add3A_442, %lt3A_753 : i32
        %convert_element_type3A_755 = arith.extui %lt3A_754 : i1 to i32
        %cond3A_756 = arith.constant 0 : i32
        %cond3A_757 = arith.cmpi ne, %convert_element_type3A_755, %cond3A_756 : i32
        scf.if %cond3A_757 {
          %dma_wait3A_758 = arith.constant 2 : i32
          %dma_wait3A_759 = arith.constant 0 : i32
          %dma_wait3A_760 = arith.constant 2 : i32
          %dma_wait3A_761 = arith.constant 0 : i32
          %dma_wait3A_762 = arith.constant 0 : i32
          %dma_wait3A_763 = tpu.memref_slice %arg12[%dma_wait3A_758, %dma_wait3A_761, %dma_wait3A_762] : memref<5x80x64xf32, #tpu.memory_space<vmem>> -> memref<1x80x64xf32, #tpu.memory_space<vmem>>
          %dma_wait3A_764 = tpu.memref_squeeze %dma_wait3A_763 : memref<1x80x64xf32, #tpu.memory_space<vmem>> -> memref<80x64xf32, #tpu.memory_space<vmem>>
          %dma_wait3A_765 = arith.constant 0 : i32
          %dma_wait3A_766 = tpu.memref_slice %arg9[%dma_wait3A_759, %add3A_709, %dma_wait3A_765] : memref<2x25x80xi32, #tpu.memory_space<vmem>> -> memref<1x1x80xi32, #tpu.memory_space<vmem>>
          %dma_wait3A_767 = tpu.memref_squeeze %dma_wait3A_766 : memref<1x1x80xi32, #tpu.memory_space<vmem>> -> memref<80xi32, #tpu.memory_space<vmem>>
          %dma_wait3A_768 = arith.constant 0 : i32
          %dma_wait3A_769 = arith.constant 0 : i32
          %dma_wait3A_770 = tpu.memref_slice %arg16[%scan3A_36, %dma_wait3A_768, %dma_wait3A_769] : memref<2x10000x64xf32, #tpu.memory_space<vmem_shared>> -> memref<1x10000x64xf32, #tpu.memory_space<vmem_shared>>
          %dma_wait3A_771 = tpu.memref_squeeze %dma_wait3A_770 : memref<1x10000x64xf32, #tpu.memory_space<vmem_shared>> -> memref<10000x64xf32, #tpu.memory_space<vmem_shared>>
          %dma_wait3A_772 = arith.constant 0 : i32
          %dma_wait3A_773 = arith.constant 0 : i32
          %dma_wait3A_774 = tpu.memref_slice %dma_wait3A_771[%dma_wait3A_772, %dma_wait3A_773] : memref<10000x64xf32, #tpu.memory_space<vmem_shared>> -> memref<10000x64xf32, #tpu.memory_space<vmem_shared>>
          %dma_wait3A_775 = tpu.memref_slice %arg14[%dma_wait3A_760] : memref<5x!tpu.dma_semaphore, #tpu.memory_space<semaphore_mem>> -> memref<1x!tpu.dma_semaphore, #tpu.memory_space<semaphore_mem>>
          %dma_wait3A_776 = tpu.memref_squeeze %dma_wait3A_775 : memref<1x!tpu.dma_semaphore, #tpu.memory_space<semaphore_mem>> -> memref<!tpu.dma_semaphore, #tpu.memory_space<semaphore_mem>>
          tpu.wait_indirect_dma semaphore(%dma_wait3A_776 : memref<!tpu.dma_semaphore, #tpu.memory_space<semaphore_mem>>) src(%dma_wait3A_764 : memref<80x64xf32, #tpu.memory_space<vmem>>) dst(%dma_wait3A_774 : memref<10000x64xf32, #tpu.memory_space<vmem_shared>>)
          %add3A_777 = arith.constant 3 : i32
          %add3A_778 = arith.addi %add3A_709, %add3A_777 : i32
          %dma_start3A_779 = arith.constant 0 : i32
          %dma_start3A_780 = arith.constant 2 : i32
          %dma_start3A_781 = arith.constant 2 : i32
          %dma_start3A_782 = arith.constant 0 : i32
          %dma_start3A_783 = arith.constant 0 : i32
          %dma_start3A_784 = tpu.memref_slice %arg12[%dma_start3A_780, %dma_start3A_782, %dma_start3A_783] : memref<5x80x64xf32, #tpu.memory_space<vmem>> -> memref<1x80x64xf32, #tpu.memory_space<vmem>>
          %dma_start3A_785 = tpu.memref_squeeze %dma_start3A_784 : memref<1x80x64xf32, #tpu.memory_space<vmem>> -> memref<80x64xf32, #tpu.memory_space<vmem>>
          %dma_start3A_786 = arith.constant 0 : i32
          %dma_start3A_787 = tpu.memref_slice %arg8[%dma_start3A_779, %add3A_778, %dma_start3A_786] : memref<2x25x80xi32, #tpu.memory_space<vmem>> -> memref<1x1x80xi32, #tpu.memory_space<vmem>>
          %dma_start3A_788 = tpu.memref_squeeze %dma_start3A_787 : memref<1x1x80xi32, #tpu.memory_space<vmem>> -> memref<80xi32, #tpu.memory_space<vmem>>
          %dma_start3A_789 = arith.constant 0 : i32
          %dma_start3A_790 = arith.constant 0 : i32
          %dma_start3A_791 = tpu.memref_slice %arg16[%scan3A_37, %dma_start3A_789, %dma_start3A_790] : memref<2x10000x64xf32, #tpu.memory_space<vmem_shared>> -> memref<1x10000x64xf32, #tpu.memory_space<vmem_shared>>
          %dma_start3A_792 = tpu.memref_squeeze %dma_start3A_791 : memref<1x10000x64xf32, #tpu.memory_space<vmem_shared>> -> memref<10000x64xf32, #tpu.memory_space<vmem_shared>>
          %dma_start3A_793 = arith.constant 0 : i32
          %dma_start3A_794 = arith.constant 0 : i32
          %dma_start3A_795 = tpu.memref_slice %dma_start3A_792[%dma_start3A_793, %dma_start3A_794] : memref<10000x64xf32, #tpu.memory_space<vmem_shared>> -> memref<10000x64xf32, #tpu.memory_space<vmem_shared>>
          %dma_start3A_796 = tpu.memref_slice %arg13[%dma_start3A_781] : memref<5x!tpu.dma_semaphore, #tpu.memory_space<semaphore_mem>> -> memref<1x!tpu.dma_semaphore, #tpu.memory_space<semaphore_mem>>
          %dma_start3A_797 = tpu.memref_squeeze %dma_start3A_796 : memref<1x!tpu.dma_semaphore, #tpu.memory_space<semaphore_mem>> -> memref<!tpu.dma_semaphore, #tpu.memory_space<semaphore_mem>>
          tpu.enqueue_indirect_dma source(%dma_start3A_795 : memref<10000x64xf32, #tpu.memory_space<vmem_shared>>) target(%dma_start3A_785 : memref<80x64xf32, #tpu.memory_space<vmem>>) offsets(%dma_start3A_788 : memref<80xi32, #tpu.memory_space<vmem>>) semaphore(%dma_start3A_797 : memref<!tpu.dma_semaphore, #tpu.memory_space<semaphore_mem>>)
        } else {
        }
      }
      %scan3A_245 = arith.constant 5 : i32
      %mul3A_246 = arith.constant 2 : i32
      %mul3A_247 = arith.muli %mul3A_246, %add3A_158 : i32
      %add3A_248 = arith.constant 1 : i32
      %add3A_249 = arith.addi %mul3A_247, %add3A_248 : i32
      %dma_wait3A_250 = arith.constant 0 : i32
      %dma_wait3A_251 = arith.constant 1 : i32
      %dma_wait3A_252 = arith.constant 1 : i32
      %dma_wait3A_253 = arith.constant 0 : i32
      %dma_wait3A_254 = arith.constant 0 : i32
      %dma_wait3A_255 = tpu.memref_slice %arg8[%dma_wait3A_251, %dma_wait3A_253, %dma_wait3A_254] : memref<2x25x80xi32, #tpu.memory_space<vmem>> -> memref<1x25x80xi32, #tpu.memory_space<vmem>>
      %dma_wait3A_256 = tpu.memref_squeeze %dma_wait3A_255 : memref<1x25x80xi32, #tpu.memory_space<vmem>> -> memref<25x80xi32, #tpu.memory_space<vmem>>
      %dma_wait3A_257 = arith.constant 0 : i32
      %dma_wait3A_258 = arith.constant 0 : i32
      %dma_wait3A_259 = tpu.memref_slice %arg4[%arg1, %dma_wait3A_250, %dma_wait3A_257, %dma_wait3A_258] : memref<16x10x25x80xi32, #tpu.memory_space<hbm>> -> memref<1x1x25x80xi32, #tpu.memory_space<hbm>>
      %dma_wait3A_260 = tpu.memref_squeeze %dma_wait3A_259 : memref<1x1x25x80xi32, #tpu.memory_space<hbm>> -> memref<25x80xi32, #tpu.memory_space<hbm>>
      %dma_wait3A_261 = tpu.memref_slice %arg15[%dma_wait3A_252] : memref<2x!tpu.dma_semaphore, #tpu.memory_space<semaphore_mem>> -> memref<1x!tpu.dma_semaphore, #tpu.memory_space<semaphore_mem>>
      %dma_wait3A_262 = tpu.memref_squeeze %dma_wait3A_261 : memref<1x!tpu.dma_semaphore, #tpu.memory_space<semaphore_mem>> -> memref<!tpu.dma_semaphore, #tpu.memory_space<semaphore_mem>>
      %dma_wait3A_263 = arith.constant 0 : i32
      %dma_wait3A_264 = arith.constant 0 : i32
      %dma_wait3A_265 = tpu.memref_slice %arg8[%dma_wait3A_251, %dma_wait3A_263, %dma_wait3A_264] : memref<2x25x80xi32, #tpu.memory_space<vmem>> -> memref<1x25x80xi32, #tpu.memory_space<vmem>>
      %dma_wait3A_266 = tpu.memref_squeeze %dma_wait3A_265 : memref<1x25x80xi32, #tpu.memory_space<vmem>> -> memref<25x80xi32, #tpu.memory_space<vmem>>
      %dma_wait3A_267 = arith.constant 0 : i32
      %dma_wait3A_268 = arith.constant 0 : i32
      %dma_wait3A_269 = tpu.memref_slice %arg4[%arg1, %dma_wait3A_250, %dma_wait3A_267, %dma_wait3A_268] : memref<16x10x25x80xi32, #tpu.memory_space<hbm>> -> memref<1x1x25x80xi32, #tpu.memory_space<hbm>>
      %dma_wait3A_270 = tpu.memref_squeeze %dma_wait3A_269 : memref<1x1x25x80xi32, #tpu.memory_space<hbm>> -> memref<25x80xi32, #tpu.memory_space<hbm>>
      tpu.wait_dma2 semaphore(%dma_wait3A_262 : memref<!tpu.dma_semaphore, #tpu.memory_space<semaphore_mem>>) src(%dma_wait3A_270 : memref<25x80xi32, #tpu.memory_space<hbm>>) dst(%dma_wait3A_266 : memref<25x80xi32, #tpu.memory_space<vmem>>)
      %dma_wait3A_271 = arith.constant 0 : i32
      %dma_wait3A_272 = arith.constant 1 : i32
      %dma_wait3A_273 = arith.constant 1 : i32
      %dma_wait3A_274 = arith.constant 0 : i32
      %dma_wait3A_275 = arith.constant 0 : i32
      %dma_wait3A_276 = tpu.memref_slice %arg9[%dma_wait3A_272, %dma_wait3A_274, %dma_wait3A_275] : memref<2x25x80xi32, #tpu.memory_space<vmem>> -> memref<1x25x80xi32, #tpu.memory_space<vmem>>
      %dma_wait3A_277 = tpu.memref_squeeze %dma_wait3A_276 : memref<1x25x80xi32, #tpu.memory_space<vmem>> -> memref<25x80xi32, #tpu.memory_space<vmem>>
      %dma_wait3A_278 = arith.constant 0 : i32
      %dma_wait3A_279 = arith.constant 0 : i32
      %dma_wait3A_280 = tpu.memref_slice %arg3[%arg1, %dma_wait3A_271, %dma_wait3A_278, %dma_wait3A_279] : memref<16x10x25x80xi32, #tpu.memory_space<hbm>> -> memref<1x1x25x80xi32, #tpu.memory_space<hbm>>
      %dma_wait3A_281 = tpu.memref_squeeze %dma_wait3A_280 : memref<1x1x25x80xi32, #tpu.memory_space<hbm>> -> memref<25x80xi32, #tpu.memory_space<hbm>>
      %dma_wait3A_282 = tpu.memref_slice %arg15[%dma_wait3A_273] : memref<2x!tpu.dma_semaphore, #tpu.memory_space<semaphore_mem>> -> memref<1x!tpu.dma_semaphore, #tpu.memory_space<semaphore_mem>>
      %dma_wait3A_283 = tpu.memref_squeeze %dma_wait3A_282 : memref<1x!tpu.dma_semaphore, #tpu.memory_space<semaphore_mem>> -> memref<!tpu.dma_semaphore, #tpu.memory_space<semaphore_mem>>
      %dma_wait3A_284 = arith.constant 0 : i32
      %dma_wait3A_285 = arith.constant 0 : i32
      %dma_wait3A_286 = tpu.memref_slice %arg9[%dma_wait3A_272, %dma_wait3A_284, %dma_wait3A_285] : memref<2x25x80xi32, #tpu.memory_space<vmem>> -> memref<1x25x80xi32, #tpu.memory_space<vmem>>
      %dma_wait3A_287 = tpu.memref_squeeze %dma_wait3A_286 : memref<1x25x80xi32, #tpu.memory_space<vmem>> -> memref<25x80xi32, #tpu.memory_space<vmem>>
      %dma_wait3A_288 = arith.constant 0 : i32
      %dma_wait3A_289 = arith.constant 0 : i32
      %dma_wait3A_290 = tpu.memref_slice %arg3[%arg1, %dma_wait3A_271, %dma_wait3A_288, %dma_wait3A_289] : memref<16x10x25x80xi32, #tpu.memory_space<hbm>> -> memref<1x1x25x80xi32, #tpu.memory_space<hbm>>
      %dma_wait3A_291 = tpu.memref_squeeze %dma_wait3A_290 : memref<1x1x25x80xi32, #tpu.memory_space<hbm>> -> memref<25x80xi32, #tpu.memory_space<hbm>>
      tpu.wait_dma2 semaphore(%dma_wait3A_283 : memref<!tpu.dma_semaphore, #tpu.memory_space<semaphore_mem>>) src(%dma_wait3A_291 : memref<25x80xi32, #tpu.memory_space<hbm>>) dst(%dma_wait3A_287 : memref<25x80xi32, #tpu.memory_space<vmem>>)
      %dma_wait3A_292 = arith.constant 0 : i32
      %dma_wait3A_293 = arith.constant 1 : i32
      %dma_wait3A_294 = arith.constant 1 : i32
      %dma_wait3A_295 = arith.constant 0 : i32
      %dma_wait3A_296 = arith.constant 0 : i32
      %dma_wait3A_297 = tpu.memref_slice %arg10[%dma_wait3A_293, %dma_wait3A_295, %dma_wait3A_296] : memref<2x25x80xf32, #tpu.memory_space<vmem>> -> memref<1x25x80xf32, #tpu.memory_space<vmem>>
      %dma_wait3A_298 = tpu.memref_squeeze %dma_wait3A_297 : memref<1x25x80xf32, #tpu.memory_space<vmem>> -> memref<25x80xf32, #tpu.memory_space<vmem>>
      %dma_wait3A_299 = arith.constant 0 : i32
      %dma_wait3A_300 = arith.constant 0 : i32
      %dma_wait3A_301 = tpu.memref_slice %arg5[%arg1, %dma_wait3A_292, %dma_wait3A_299, %dma_wait3A_300] : memref<16x10x25x80xf32, #tpu.memory_space<hbm>> -> memref<1x1x25x80xf32, #tpu.memory_space<hbm>>
      %dma_wait3A_302 = tpu.memref_squeeze %dma_wait3A_301 : memref<1x1x25x80xf32, #tpu.memory_space<hbm>> -> memref<25x80xf32, #tpu.memory_space<hbm>>
      %dma_wait3A_303 = tpu.memref_slice %arg15[%dma_wait3A_294] : memref<2x!tpu.dma_semaphore, #tpu.memory_space<semaphore_mem>> -> memref<1x!tpu.dma_semaphore, #tpu.memory_space<semaphore_mem>>
      %dma_wait3A_304 = tpu.memref_squeeze %dma_wait3A_303 : memref<1x!tpu.dma_semaphore, #tpu.memory_space<semaphore_mem>> -> memref<!tpu.dma_semaphore, #tpu.memory_space<semaphore_mem>>
      %dma_wait3A_305 = arith.constant 0 : i32
      %dma_wait3A_306 = arith.constant 0 : i32
      %dma_wait3A_307 = tpu.memref_slice %arg10[%dma_wait3A_293, %dma_wait3A_305, %dma_wait3A_306] : memref<2x25x80xf32, #tpu.memory_space<vmem>> -> memref<1x25x80xf32, #tpu.memory_space<vmem>>
      %dma_wait3A_308 = tpu.memref_squeeze %dma_wait3A_307 : memref<1x25x80xf32, #tpu.memory_space<vmem>> -> memref<25x80xf32, #tpu.memory_space<vmem>>
      %dma_wait3A_309 = arith.constant 0 : i32
      %dma_wait3A_310 = arith.constant 0 : i32
      %dma_wait3A_311 = tpu.memref_slice %arg5[%arg1, %dma_wait3A_292, %dma_wait3A_309, %dma_wait3A_310] : memref<16x10x25x80xf32, #tpu.memory_space<hbm>> -> memref<1x1x25x80xf32, #tpu.memory_space<hbm>>
      %dma_wait3A_312 = tpu.memref_squeeze %dma_wait3A_311 : memref<1x1x25x80xf32, #tpu.memory_space<hbm>> -> memref<25x80xf32, #tpu.memory_space<hbm>>
      tpu.wait_dma2 semaphore(%dma_wait3A_304 : memref<!tpu.dma_semaphore, #tpu.memory_space<semaphore_mem>>) src(%dma_wait3A_312 : memref<25x80xf32, #tpu.memory_space<hbm>>) dst(%dma_wait3A_308 : memref<25x80xf32, #tpu.memory_space<vmem>>)
      %dma_wait3A_313 = arith.constant 0 : i32
      %dma_wait3A_314 = arith.constant 1 : i32
      %dma_wait3A_315 = arith.constant 0 : i32
      %dma_wait3A_316 = arith.constant 0 : i32
      %dma_wait3A_317 = arith.constant 0 : i32
      %dma_wait3A_318 = arith.constant 0 : i32
      %dma_wait3A_319 = tpu.memref_slice %arg12[%dma_wait3A_313, %dma_wait3A_317, %dma_wait3A_318] : memref<5x80x64xf32, #tpu.memory_space<vmem>> -> memref<1x80x64xf32, #tpu.memory_space<vmem>>
      %dma_wait3A_320 = tpu.memref_squeeze %dma_wait3A_319 : memref<1x80x64xf32, #tpu.memory_space<vmem>> -> memref<80x64xf32, #tpu.memory_space<vmem>>
      %dma_wait3A_321 = arith.constant 0 : i32
      %dma_wait3A_322 = tpu.memref_slice %arg9[%dma_wait3A_314, %dma_wait3A_315, %dma_wait3A_321] : memref<2x25x80xi32, #tpu.memory_space<vmem>> -> memref<1x1x80xi32, #tpu.memory_space<vmem>>
      %dma_wait3A_323 = tpu.memref_squeeze %dma_wait3A_322 : memref<1x1x80xi32, #tpu.memory_space<vmem>> -> memref<80xi32, #tpu.memory_space<vmem>>
      %dma_wait3A_324 = arith.constant 0 : i32
      %dma_wait3A_325 = arith.constant 0 : i32
      %dma_wait3A_326 = tpu.memref_slice %arg16[%scan3A_36, %dma_wait3A_324, %dma_wait3A_325] : memref<2x10000x64xf32, #tpu.memory_space<vmem_shared>> -> memref<1x10000x64xf32, #tpu.memory_space<vmem_shared>>
      %dma_wait3A_327 = tpu.memref_squeeze %dma_wait3A_326 : memref<1x10000x64xf32, #tpu.memory_space<vmem_shared>> -> memref<10000x64xf32, #tpu.memory_space<vmem_shared>>
      %dma_wait3A_328 = arith.constant 0 : i32
      %dma_wait3A_329 = arith.constant 0 : i32
      %dma_wait3A_330 = tpu.memref_slice %dma_wait3A_327[%dma_wait3A_328, %dma_wait3A_329] : memref<10000x64xf32, #tpu.memory_space<vmem_shared>> -> memref<10000x64xf32, #tpu.memory_space<vmem_shared>>
      %dma_wait3A_331 = tpu.memref_slice %arg14[%dma_wait3A_316] : memref<5x!tpu.dma_semaphore, #tpu.memory_space<semaphore_mem>> -> memref<1x!tpu.dma_semaphore, #tpu.memory_space<semaphore_mem>>
      %dma_wait3A_332 = tpu.memref_squeeze %dma_wait3A_331 : memref<1x!tpu.dma_semaphore, #tpu.memory_space<semaphore_mem>> -> memref<!tpu.dma_semaphore, #tpu.memory_space<semaphore_mem>>
      tpu.wait_indirect_dma semaphore(%dma_wait3A_332 : memref<!tpu.dma_semaphore, #tpu.memory_space<semaphore_mem>>) src(%dma_wait3A_320 : memref<80x64xf32, #tpu.memory_space<vmem>>) dst(%dma_wait3A_330 : memref<10000x64xf32, #tpu.memory_space<vmem_shared>>)
      %dma_start3A_333 = arith.constant 1 : i32
      %dma_start3A_334 = arith.constant 0 : i32
      %dma_start3A_335 = arith.constant 0 : i32
      %dma_start3A_336 = arith.constant 0 : i32
      %dma_start3A_337 = arith.constant 0 : i32
      %dma_start3A_338 = arith.constant 0 : i32
      %dma_start3A_339 = tpu.memref_slice %arg12[%dma_start3A_335, %dma_start3A_337, %dma_start3A_338] : memref<5x80x64xf32, #tpu.memory_space<vmem>> -> memref<1x80x64xf32, #tpu.memory_space<vmem>>
      %dma_start3A_340 = tpu.memref_squeeze %dma_start3A_339 : memref<1x80x64xf32, #tpu.memory_space<vmem>> -> memref<80x64xf32, #tpu.memory_space<vmem>>
      %dma_start3A_341 = arith.constant 0 : i32
      %dma_start3A_342 = tpu.memref_slice %arg8[%dma_start3A_333, %dma_start3A_334, %dma_start3A_341] : memref<2x25x80xi32, #tpu.memory_space<vmem>> -> memref<1x1x80xi32, #tpu.memory_space<vmem>>
      %dma_start3A_343 = tpu.memref_squeeze %dma_start3A_342 : memref<1x1x80xi32, #tpu.memory_space<vmem>> -> memref<80xi32, #tpu.memory_space<vmem>>
      %dma_start3A_344 = arith.constant 0 : i32
      %dma_start3A_345 = arith.constant 0 : i32
      %dma_start3A_346 = tpu.memref_slice %arg16[%scan3A_37, %dma_start3A_344, %dma_start3A_345] : memref<2x10000x64xf32, #tpu.memory_space<vmem_shared>> -> memref<1x10000x64xf32, #tpu.memory_space<vmem_shared>>
      %dma_start3A_347 = tpu.memref_squeeze %dma_start3A_346 : memref<1x10000x64xf32, #tpu.memory_space<vmem_shared>> -> memref<10000x64xf32, #tpu.memory_space<vmem_shared>>
      %dma_start3A_348 = arith.constant 0 : i32
      %dma_start3A_349 = arith.constant 0 : i32
      %dma_start3A_350 = tpu.memref_slice %dma_start3A_347[%dma_start3A_348, %dma_start3A_349] : memref<10000x64xf32, #tpu.memory_space<vmem_shared>> -> memref<10000x64xf32, #tpu.memory_space<vmem_shared>>
      %dma_start3A_351 = tpu.memref_slice %arg13[%dma_start3A_336] : memref<5x!tpu.dma_semaphore, #tpu.memory_space<semaphore_mem>> -> memref<1x!tpu.dma_semaphore, #tpu.memory_space<semaphore_mem>>
      %dma_start3A_352 = tpu.memref_squeeze %dma_start3A_351 : memref<1x!tpu.dma_semaphore, #tpu.memory_space<semaphore_mem>> -> memref<!tpu.dma_semaphore, #tpu.memory_space<semaphore_mem>>
      tpu.enqueue_indirect_dma source(%dma_start3A_350 : memref<10000x64xf32, #tpu.memory_space<vmem_shared>>) target(%dma_start3A_340 : memref<80x64xf32, #tpu.memory_space<vmem>>) offsets(%dma_start3A_343 : memref<80xi32, #tpu.memory_space<vmem>>) semaphore(%dma_start3A_352 : memref<!tpu.dma_semaphore, #tpu.memory_space<semaphore_mem>>)
      %dma_wait3A_353 = arith.constant 1 : i32
      %dma_wait3A_354 = arith.constant 1 : i32
      %dma_wait3A_355 = arith.constant 0 : i32
      %dma_wait3A_356 = arith.constant 1 : i32
      %dma_wait3A_357 = arith.constant 0 : i32
      %dma_wait3A_358 = arith.constant 0 : i32
      %dma_wait3A_359 = tpu.memref_slice %arg12[%dma_wait3A_353, %dma_wait3A_357, %dma_wait3A_358] : memref<5x80x64xf32, #tpu.memory_space<vmem>> -> memref<1x80x64xf32, #tpu.memory_space<vmem>>
      %dma_wait3A_360 = tpu.memref_squeeze %dma_wait3A_359 : memref<1x80x64xf32, #tpu.memory_space<vmem>> -> memref<80x64xf32, #tpu.memory_space<vmem>>
      %dma_wait3A_361 = arith.constant 0 : i32
      %dma_wait3A_362 = tpu.memref_slice %arg9[%dma_wait3A_354, %dma_wait3A_355, %dma_wait3A_361] : memref<2x25x80xi32, #tpu.memory_space<vmem>> -> memref<1x1x80xi32, #tpu.memory_space<vmem>>
      %dma_wait3A_363 = tpu.memref_squeeze %dma_wait3A_362 : memref<1x1x80xi32, #tpu.memory_space<vmem>> -> memref<80xi32, #tpu.memory_space<vmem>>
      %dma_wait3A_364 = arith.constant 0 : i32
      %dma_wait3A_365 = arith.constant 0 : i32
      %dma_wait3A_366 = tpu.memref_slice %arg16[%scan3A_36, %dma_wait3A_364, %dma_wait3A_365] : memref<2x10000x64xf32, #tpu.memory_space<vmem_shared>> -> memref<1x10000x64xf32, #tpu.memory_space<vmem_shared>>
      %dma_wait3A_367 = tpu.memref_squeeze %dma_wait3A_366 : memref<1x10000x64xf32, #tpu.memory_space<vmem_shared>> -> memref<10000x64xf32, #tpu.memory_space<vmem_shared>>
      %dma_wait3A_368 = arith.constant 0 : i32
      %dma_wait3A_369 = arith.constant 0 : i32
      %dma_wait3A_370 = tpu.memref_slice %dma_wait3A_367[%dma_wait3A_368, %dma_wait3A_369] : memref<10000x64xf32, #tpu.memory_space<vmem_shared>> -> memref<10000x64xf32, #tpu.memory_space<vmem_shared>>
      %dma_wait3A_371 = tpu.memref_slice %arg14[%dma_wait3A_356] : memref<5x!tpu.dma_semaphore, #tpu.memory_space<semaphore_mem>> -> memref<1x!tpu.dma_semaphore, #tpu.memory_space<semaphore_mem>>
      %dma_wait3A_372 = tpu.memref_squeeze %dma_wait3A_371 : memref<1x!tpu.dma_semaphore, #tpu.memory_space<semaphore_mem>> -> memref<!tpu.dma_semaphore, #tpu.memory_space<semaphore_mem>>
      tpu.wait_indirect_dma semaphore(%dma_wait3A_372 : memref<!tpu.dma_semaphore, #tpu.memory_space<semaphore_mem>>) src(%dma_wait3A_360 : memref<80x64xf32, #tpu.memory_space<vmem>>) dst(%dma_wait3A_370 : memref<10000x64xf32, #tpu.memory_space<vmem_shared>>)
      %dma_start3A_373 = arith.constant 1 : i32
      %dma_start3A_374 = arith.constant 1 : i32
      %dma_start3A_375 = arith.constant 1 : i32
      %dma_start3A_376 = arith.constant 1 : i32
      %dma_start3A_377 = arith.constant 0 : i32
      %dma_start3A_378 = arith.constant 0 : i32
      %dma_start3A_379 = tpu.memref_slice %arg12[%dma_start3A_375, %dma_start3A_377, %dma_start3A_378] : memref<5x80x64xf32, #tpu.memory_space<vmem>> -> memref<1x80x64xf32, #tpu.memory_space<vmem>>
      %dma_start3A_380 = tpu.memref_squeeze %dma_start3A_379 : memref<1x80x64xf32, #tpu.memory_space<vmem>> -> memref<80x64xf32, #tpu.memory_space<vmem>>
      %dma_start3A_381 = arith.constant 0 : i32
      %dma_start3A_382 = tpu.memref_slice %arg8[%dma_start3A_373, %dma_start3A_374, %dma_start3A_381] : memref<2x25x80xi32, #tpu.memory_space<vmem>> -> memref<1x1x80xi32, #tpu.memory_space<vmem>>
      %dma_start3A_383 = tpu.memref_squeeze %dma_start3A_382 : memref<1x1x80xi32, #tpu.memory_space<vmem>> -> memref<80xi32, #tpu.memory_space<vmem>>
      %dma_start3A_384 = arith.constant 0 : i32
      %dma_start3A_385 = arith.constant 0 : i32
      %dma_start3A_386 = tpu.memref_slice %arg16[%scan3A_37, %dma_start3A_384, %dma_start3A_385] : memref<2x10000x64xf32, #tpu.memory_space<vmem_shared>> -> memref<1x10000x64xf32, #tpu.memory_space<vmem_shared>>
      %dma_start3A_387 = tpu.memref_squeeze %dma_start3A_386 : memref<1x10000x64xf32, #tpu.memory_space<vmem_shared>> -> memref<10000x64xf32, #tpu.memory_space<vmem_shared>>
      %dma_start3A_388 = arith.constant 0 : i32
      %dma_start3A_389 = arith.constant 0 : i32
      %dma_start3A_390 = tpu.memref_slice %dma_start3A_387[%dma_start3A_388, %dma_start3A_389] : memref<10000x64xf32, #tpu.memory_space<vmem_shared>> -> memref<10000x64xf32, #tpu.memory_space<vmem_shared>>
      %dma_start3A_391 = tpu.memref_slice %arg13[%dma_start3A_376] : memref<5x!tpu.dma_semaphore, #tpu.memory_space<semaphore_mem>> -> memref<1x!tpu.dma_semaphore, #tpu.memory_space<semaphore_mem>>
      %dma_start3A_392 = tpu.memref_squeeze %dma_start3A_391 : memref<1x!tpu.dma_semaphore, #tpu.memory_space<semaphore_mem>> -> memref<!tpu.dma_semaphore, #tpu.memory_space<semaphore_mem>>
      tpu.enqueue_indirect_dma source(%dma_start3A_390 : memref<10000x64xf32, #tpu.memory_space<vmem_shared>>) target(%dma_start3A_380 : memref<80x64xf32, #tpu.memory_space<vmem>>) offsets(%dma_start3A_383 : memref<80xi32, #tpu.memory_space<vmem>>) semaphore(%dma_start3A_392 : memref<!tpu.dma_semaphore, #tpu.memory_space<semaphore_mem>>)
      %dma_wait3A_393 = arith.constant 2 : i32
      %dma_wait3A_394 = arith.constant 1 : i32
      %dma_wait3A_395 = arith.constant 0 : i32
      %dma_wait3A_396 = arith.constant 2 : i32
      %dma_wait3A_397 = arith.constant 0 : i32
      %dma_wait3A_398 = arith.constant 0 : i32
      %dma_wait3A_399 = tpu.memref_slice %arg12[%dma_wait3A_393, %dma_wait3A_397, %dma_wait3A_398] : memref<5x80x64xf32, #tpu.memory_space<vmem>> -> memref<1x80x64xf32, #tpu.memory_space<vmem>>
      %dma_wait3A_400 = tpu.memref_squeeze %dma_wait3A_399 : memref<1x80x64xf32, #tpu.memory_space<vmem>> -> memref<80x64xf32, #tpu.memory_space<vmem>>
      %dma_wait3A_401 = arith.constant 0 : i32
      %dma_wait3A_402 = tpu.memref_slice %arg9[%dma_wait3A_394, %dma_wait3A_395, %dma_wait3A_401] : memref<2x25x80xi32, #tpu.memory_space<vmem>> -> memref<1x1x80xi32, #tpu.memory_space<vmem>>
      %dma_wait3A_403 = tpu.memref_squeeze %dma_wait3A_402 : memref<1x1x80xi32, #tpu.memory_space<vmem>> -> memref<80xi32, #tpu.memory_space<vmem>>
      %dma_wait3A_404 = arith.constant 0 : i32
      %dma_wait3A_405 = arith.constant 0 : i32
      %dma_wait3A_406 = tpu.memref_slice %arg16[%scan3A_36, %dma_wait3A_404, %dma_wait3A_405] : memref<2x10000x64xf32, #tpu.memory_space<vmem_shared>> -> memref<1x10000x64xf32, #tpu.memory_space<vmem_shared>>
      %dma_wait3A_407 = tpu.memref_squeeze %dma_wait3A_406 : memref<1x10000x64xf32, #tpu.memory_space<vmem_shared>> -> memref<10000x64xf32, #tpu.memory_space<vmem_shared>>
      %dma_wait3A_408 = arith.constant 0 : i32
      %dma_wait3A_409 = arith.constant 0 : i32
      %dma_wait3A_410 = tpu.memref_slice %dma_wait3A_407[%dma_wait3A_408, %dma_wait3A_409] : memref<10000x64xf32, #tpu.memory_space<vmem_shared>> -> memref<10000x64xf32, #tpu.memory_space<vmem_shared>>
      %dma_wait3A_411 = tpu.memref_slice %arg14[%dma_wait3A_396] : memref<5x!tpu.dma_semaphore, #tpu.memory_space<semaphore_mem>> -> memref<1x!tpu.dma_semaphore, #tpu.memory_space<semaphore_mem>>
      %dma_wait3A_412 = tpu.memref_squeeze %dma_wait3A_411 : memref<1x!tpu.dma_semaphore, #tpu.memory_space<semaphore_mem>> -> memref<!tpu.dma_semaphore, #tpu.memory_space<semaphore_mem>>
      tpu.wait_indirect_dma semaphore(%dma_wait3A_412 : memref<!tpu.dma_semaphore, #tpu.memory_space<semaphore_mem>>) src(%dma_wait3A_400 : memref<80x64xf32, #tpu.memory_space<vmem>>) dst(%dma_wait3A_410 : memref<10000x64xf32, #tpu.memory_space<vmem_shared>>)
      %dma_start3A_413 = arith.constant 1 : i32
      %dma_start3A_414 = arith.constant 2 : i32
      %dma_start3A_415 = arith.constant 2 : i32
      %dma_start3A_416 = arith.constant 2 : i32
      %dma_start3A_417 = arith.constant 0 : i32
      %dma_start3A_418 = arith.constant 0 : i32
      %dma_start3A_419 = tpu.memref_slice %arg12[%dma_start3A_415, %dma_start3A_417, %dma_start3A_418] : memref<5x80x64xf32, #tpu.memory_space<vmem>> -> memref<1x80x64xf32, #tpu.memory_space<vmem>>
      %dma_start3A_420 = tpu.memref_squeeze %dma_start3A_419 : memref<1x80x64xf32, #tpu.memory_space<vmem>> -> memref<80x64xf32, #tpu.memory_space<vmem>>
      %dma_start3A_421 = arith.constant 0 : i32
      %dma_start3A_422 = tpu.memref_slice %arg8[%dma_start3A_413, %dma_start3A_414, %dma_start3A_421] : memref<2x25x80xi32, #tpu.memory_space<vmem>> -> memref<1x1x80xi32, #tpu.memory_space<vmem>>
      %dma_start3A_423 = tpu.memref_squeeze %dma_start3A_422 : memref<1x1x80xi32, #tpu.memory_space<vmem>> -> memref<80xi32, #tpu.memory_space<vmem>>
      %dma_start3A_424 = arith.constant 0 : i32
      %dma_start3A_425 = arith.constant 0 : i32
      %dma_start3A_426 = tpu.memref_slice %arg16[%scan3A_37, %dma_start3A_424, %dma_start3A_425] : memref<2x10000x64xf32, #tpu.memory_space<vmem_shared>> -> memref<1x10000x64xf32, #tpu.memory_space<vmem_shared>>
      %dma_start3A_427 = tpu.memref_squeeze %dma_start3A_426 : memref<1x10000x64xf32, #tpu.memory_space<vmem_shared>> -> memref<10000x64xf32, #tpu.memory_space<vmem_shared>>
      %dma_start3A_428 = arith.constant 0 : i32
      %dma_start3A_429 = arith.constant 0 : i32
      %dma_start3A_430 = tpu.memref_slice %dma_start3A_427[%dma_start3A_428, %dma_start3A_429] : memref<10000x64xf32, #tpu.memory_space<vmem_shared>> -> memref<10000x64xf32, #tpu.memory_space<vmem_shared>>
      %dma_start3A_431 = tpu.memref_slice %arg13[%dma_start3A_416] : memref<5x!tpu.dma_semaphore, #tpu.memory_space<semaphore_mem>> -> memref<1x!tpu.dma_semaphore, #tpu.memory_space<semaphore_mem>>
      %dma_start3A_432 = tpu.memref_squeeze %dma_start3A_431 : memref<1x!tpu.dma_semaphore, #tpu.memory_space<semaphore_mem>> -> memref<!tpu.dma_semaphore, #tpu.memory_space<semaphore_mem>>
      tpu.enqueue_indirect_dma source(%dma_start3A_430 : memref<10000x64xf32, #tpu.memory_space<vmem_shared>>) target(%dma_start3A_420 : memref<80x64xf32, #tpu.memory_space<vmem>>) offsets(%dma_start3A_423 : memref<80xi32, #tpu.memory_space<vmem>>) semaphore(%dma_start3A_432 : memref<!tpu.dma_semaphore, #tpu.memory_space<semaphore_mem>>)
      %scan3A_433 = arith.constant 0 : i32
      %scan3A_434 = arith.constant 5 : i32
      %scan3A_435 = arith.addi %scan3A_433, %scan3A_434 : i32
      %scan3A_436 = arith.constant 1 : i32
      scf.for %scan3A_438 = %scan3A_433 to %scan3A_435 step %scan3A_436  : i32 {
        %mul3A_439 = arith.constant 1 : i32
        %mul3A_440 = arith.muli %scan3A_438, %mul3A_439 : i32
        %add3A_441 = arith.constant 0 : i32
        %add3A_442 = arith.addi %add3A_441, %mul3A_440 : i32
        %mul3A_443 = arith.constant 5 : i32
        %mul3A_444 = arith.muli %add3A_442, %mul3A_443 : i32
        %add3A_445 = arith.constant 0 : i32
        %add3A_446 = arith.addi %mul3A_444, %add3A_445 : i32
        %eq3A_447 = arith.constant 1 : i32
        %eq3A_448 = arith.cmpi eq, %add3A_442, %eq3A_447 : i32
        %add3A_449 = arith.constant 1 : i32
        %add3A_450 = arith.addi %add3A_249, %add3A_449 : i32
        %lt3A = arith.constant 10 : i32
        %lt3A_451 = arith.cmpi slt, %add3A_450, %lt3A : i32
        %and3A = arith.andi %eq3A_448, %lt3A_451 : i1
        %convert_element_type3A_452 = arith.extui %and3A : i1 to i32
        %cond3A_453 = arith.constant 0 : i32
        %cond3A_454 = arith.cmpi ne, %convert_element_type3A_452, %cond3A_453 : i32
        scf.if %cond3A_454 {
          %add3A_781 = arith.constant 1 : i32
          %add3A_782 = arith.addi %add3A_249, %add3A_781 : i32
          %dma_start3A_783 = arith.constant 0 : i32
          %dma_start3A_784 = arith.constant 0 : i32
          %dma_start3A_785 = arith.constant 0 : i32
          %dma_start3A_786 = arith.constant 0 : i32
          %dma_start3A_787 = tpu.memref_slice %arg8[%dma_start3A_783, %dma_start3A_785, %dma_start3A_786] : memref<2x25x80xi32, #tpu.memory_space<vmem>> -> memref<1x25x80xi32, #tpu.memory_space<vmem>>
          %dma_start3A_788 = tpu.memref_squeeze %dma_start3A_787 : memref<1x25x80xi32, #tpu.memory_space<vmem>> -> memref<25x80xi32, #tpu.memory_space<vmem>>
          %dma_start3A_789 = arith.constant 0 : i32
          %dma_start3A_790 = arith.constant 0 : i32
          %dma_start3A_791 = tpu.memref_slice %arg4[%arg1, %add3A_782, %dma_start3A_789, %dma_start3A_790] : memref<16x10x25x80xi32, #tpu.memory_space<hbm>> -> memref<1x1x25x80xi32, #tpu.memory_space<hbm>>
          %dma_start3A_792 = tpu.memref_squeeze %dma_start3A_791 : memref<1x1x25x80xi32, #tpu.memory_space<hbm>> -> memref<25x80xi32, #tpu.memory_space<hbm>>
          %dma_start3A_793 = tpu.memref_slice %arg15[%dma_start3A_784] : memref<2x!tpu.dma_semaphore, #tpu.memory_space<semaphore_mem>> -> memref<1x!tpu.dma_semaphore, #tpu.memory_space<semaphore_mem>>
          %dma_start3A_794 = tpu.memref_squeeze %dma_start3A_793 : memref<1x!tpu.dma_semaphore, #tpu.memory_space<semaphore_mem>> -> memref<!tpu.dma_semaphore, #tpu.memory_space<semaphore_mem>>
          %dma_start3A_795 = arith.constant 0 : i32
          %dma_start3A_796 = arith.constant 0 : i32
          %dma_start3A_797 = tpu.memref_slice %arg8[%dma_start3A_783, %dma_start3A_795, %dma_start3A_796] : memref<2x25x80xi32, #tpu.memory_space<vmem>> -> memref<1x25x80xi32, #tpu.memory_space<vmem>>
          %dma_start3A_798 = tpu.memref_squeeze %dma_start3A_797 : memref<1x25x80xi32, #tpu.memory_space<vmem>> -> memref<25x80xi32, #tpu.memory_space<vmem>>
          %dma_start3A_799 = arith.constant 0 : i32
          %dma_start3A_800 = arith.constant 0 : i32
          %dma_start3A_801 = tpu.memref_slice %arg4[%arg1, %add3A_782, %dma_start3A_799, %dma_start3A_800] : memref<16x10x25x80xi32, #tpu.memory_space<hbm>> -> memref<1x1x25x80xi32, #tpu.memory_space<hbm>>
          %dma_start3A_802 = tpu.memref_squeeze %dma_start3A_801 : memref<1x1x25x80xi32, #tpu.memory_space<hbm>> -> memref<25x80xi32, #tpu.memory_space<hbm>>
          tpu.enqueue_dma source(%dma_start3A_802 : memref<25x80xi32, #tpu.memory_space<hbm>>) target(%dma_start3A_798 : memref<25x80xi32, #tpu.memory_space<vmem>>) target_semaphore(%dma_start3A_794 : memref<!tpu.dma_semaphore, #tpu.memory_space<semaphore_mem>>)
          %dma_start3A_803 = arith.constant 0 : i32
          %dma_start3A_804 = arith.constant 0 : i32
          %dma_start3A_805 = arith.constant 0 : i32
          %dma_start3A_806 = arith.constant 0 : i32
          %dma_start3A_807 = tpu.memref_slice %arg9[%dma_start3A_803, %dma_start3A_805, %dma_start3A_806] : memref<2x25x80xi32, #tpu.memory_space<vmem>> -> memref<1x25x80xi32, #tpu.memory_space<vmem>>
          %dma_start3A_808 = tpu.memref_squeeze %dma_start3A_807 : memref<1x25x80xi32, #tpu.memory_space<vmem>> -> memref<25x80xi32, #tpu.memory_space<vmem>>
          %dma_start3A_809 = arith.constant 0 : i32
          %dma_start3A_810 = arith.constant 0 : i32
          %dma_start3A_811 = tpu.memref_slice %arg3[%arg1, %add3A_782, %dma_start3A_809, %dma_start3A_810] : memref<16x10x25x80xi32, #tpu.memory_space<hbm>> -> memref<1x1x25x80xi32, #tpu.memory_space<hbm>>
          %dma_start3A_812 = tpu.memref_squeeze %dma_start3A_811 : memref<1x1x25x80xi32, #tpu.memory_space<hbm>> -> memref<25x80xi32, #tpu.memory_space<hbm>>
          %dma_start3A_813 = tpu.memref_slice %arg15[%dma_start3A_804] : memref<2x!tpu.dma_semaphore, #tpu.memory_space<semaphore_mem>> -> memref<1x!tpu.dma_semaphore, #tpu.memory_space<semaphore_mem>>
          %dma_start3A_814 = tpu.memref_squeeze %dma_start3A_813 : memref<1x!tpu.dma_semaphore, #tpu.memory_space<semaphore_mem>> -> memref<!tpu.dma_semaphore, #tpu.memory_space<semaphore_mem>>
          %dma_start3A_815 = arith.constant 0 : i32
          %dma_start3A_816 = arith.constant 0 : i32
          %dma_start3A_817 = tpu.memref_slice %arg9[%dma_start3A_803, %dma_start3A_815, %dma_start3A_816] : memref<2x25x80xi32, #tpu.memory_space<vmem>> -> memref<1x25x80xi32, #tpu.memory_space<vmem>>
          %dma_start3A_818 = tpu.memref_squeeze %dma_start3A_817 : memref<1x25x80xi32, #tpu.memory_space<vmem>> -> memref<25x80xi32, #tpu.memory_space<vmem>>
          %dma_start3A_819 = arith.constant 0 : i32
          %dma_start3A_820 = arith.constant 0 : i32
          %dma_start3A_821 = tpu.memref_slice %arg3[%arg1, %add3A_782, %dma_start3A_819, %dma_start3A_820] : memref<16x10x25x80xi32, #tpu.memory_space<hbm>> -> memref<1x1x25x80xi32, #tpu.memory_space<hbm>>
          %dma_start3A_822 = tpu.memref_squeeze %dma_start3A_821 : memref<1x1x25x80xi32, #tpu.memory_space<hbm>> -> memref<25x80xi32, #tpu.memory_space<hbm>>
          tpu.enqueue_dma source(%dma_start3A_822 : memref<25x80xi32, #tpu.memory_space<hbm>>) target(%dma_start3A_818 : memref<25x80xi32, #tpu.memory_space<vmem>>) target_semaphore(%dma_start3A_814 : memref<!tpu.dma_semaphore, #tpu.memory_space<semaphore_mem>>)
          %dma_start3A_823 = arith.constant 0 : i32
          %dma_start3A_824 = arith.constant 0 : i32
          %dma_start3A_825 = arith.constant 0 : i32
          %dma_start3A_826 = arith.constant 0 : i32
          %dma_start3A_827 = tpu.memref_slice %arg10[%dma_start3A_823, %dma_start3A_825, %dma_start3A_826] : memref<2x25x80xf32, #tpu.memory_space<vmem>> -> memref<1x25x80xf32, #tpu.memory_space<vmem>>
          %dma_start3A_828 = tpu.memref_squeeze %dma_start3A_827 : memref<1x25x80xf32, #tpu.memory_space<vmem>> -> memref<25x80xf32, #tpu.memory_space<vmem>>
          %dma_start3A_829 = arith.constant 0 : i32
          %dma_start3A_830 = arith.constant 0 : i32
          %dma_start3A_831 = tpu.memref_slice %arg5[%arg1, %add3A_782, %dma_start3A_829, %dma_start3A_830] : memref<16x10x25x80xf32, #tpu.memory_space<hbm>> -> memref<1x1x25x80xf32, #tpu.memory_space<hbm>>
          %dma_start3A_832 = tpu.memref_squeeze %dma_start3A_831 : memref<1x1x25x80xf32, #tpu.memory_space<hbm>> -> memref<25x80xf32, #tpu.memory_space<hbm>>
          %dma_start3A_833 = tpu.memref_slice %arg15[%dma_start3A_824] : memref<2x!tpu.dma_semaphore, #tpu.memory_space<semaphore_mem>> -> memref<1x!tpu.dma_semaphore, #tpu.memory_space<semaphore_mem>>
          %dma_start3A_834 = tpu.memref_squeeze %dma_start3A_833 : memref<1x!tpu.dma_semaphore, #tpu.memory_space<semaphore_mem>> -> memref<!tpu.dma_semaphore, #tpu.memory_space<semaphore_mem>>
          %dma_start3A_835 = arith.constant 0 : i32
          %dma_start3A_836 = arith.constant 0 : i32
          %dma_start3A_837 = tpu.memref_slice %arg10[%dma_start3A_823, %dma_start3A_835, %dma_start3A_836] : memref<2x25x80xf32, #tpu.memory_space<vmem>> -> memref<1x25x80xf32, #tpu.memory_space<vmem>>
          %dma_start3A_838 = tpu.memref_squeeze %dma_start3A_837 : memref<1x25x80xf32, #tpu.memory_space<vmem>> -> memref<25x80xf32, #tpu.memory_space<vmem>>
          %dma_start3A_839 = arith.constant 0 : i32
          %dma_start3A_840 = arith.constant 0 : i32
          %dma_start3A_841 = tpu.memref_slice %arg5[%arg1, %add3A_782, %dma_start3A_839, %dma_start3A_840] : memref<16x10x25x80xf32, #tpu.memory_space<hbm>> -> memref<1x1x25x80xf32, #tpu.memory_space<hbm>>
          %dma_start3A_842 = tpu.memref_squeeze %dma_start3A_841 : memref<1x1x25x80xf32, #tpu.memory_space<hbm>> -> memref<25x80xf32, #tpu.memory_space<hbm>>
          tpu.enqueue_dma source(%dma_start3A_842 : memref<25x80xf32, #tpu.memory_space<hbm>>) target(%dma_start3A_838 : memref<25x80xf32, #tpu.memory_space<vmem>>) target_semaphore(%dma_start3A_834 : memref<!tpu.dma_semaphore, #tpu.memory_space<semaphore_mem>>)
        } else {
        }
        %dma_wait3A_455 = arith.constant 1 : i32
        %dma_wait3A_456 = arith.constant 0 : i32
        %dma_wait3A_457 = arith.constant 0 : i32
        %dma_wait3A_458 = arith.constant 0 : i32
        %dma_wait3A_459 = arith.constant 0 : i32
        %dma_wait3A_460 = tpu.memref_slice %arg12[%dma_wait3A_456, %dma_wait3A_458, %dma_wait3A_459] : memref<5x80x64xf32, #tpu.memory_space<vmem>> -> memref<1x80x64xf32, #tpu.memory_space<vmem>>
        %dma_wait3A_461 = tpu.memref_squeeze %dma_wait3A_460 : memref<1x80x64xf32, #tpu.memory_space<vmem>> -> memref<80x64xf32, #tpu.memory_space<vmem>>
        %dma_wait3A_462 = arith.constant 0 : i32
        %dma_wait3A_463 = tpu.memref_slice %arg8[%dma_wait3A_455, %add3A_446, %dma_wait3A_462] : memref<2x25x80xi32, #tpu.memory_space<vmem>> -> memref<1x1x80xi32, #tpu.memory_space<vmem>>
        %dma_wait3A_464 = tpu.memref_squeeze %dma_wait3A_463 : memref<1x1x80xi32, #tpu.memory_space<vmem>> -> memref<80xi32, #tpu.memory_space<vmem>>
        %dma_wait3A_465 = arith.constant 0 : i32
        %dma_wait3A_466 = arith.constant 0 : i32
        %dma_wait3A_467 = tpu.memref_slice %arg16[%scan3A_37, %dma_wait3A_465, %dma_wait3A_466] : memref<2x10000x64xf32, #tpu.memory_space<vmem_shared>> -> memref<1x10000x64xf32, #tpu.memory_space<vmem_shared>>
        %dma_wait3A_468 = tpu.memref_squeeze %dma_wait3A_467 : memref<1x10000x64xf32, #tpu.memory_space<vmem_shared>> -> memref<10000x64xf32, #tpu.memory_space<vmem_shared>>
        %dma_wait3A_469 = arith.constant 0 : i32
        %dma_wait3A_470 = arith.constant 0 : i32
        %dma_wait3A_471 = tpu.memref_slice %dma_wait3A_468[%dma_wait3A_469, %dma_wait3A_470] : memref<10000x64xf32, #tpu.memory_space<vmem_shared>> -> memref<10000x64xf32, #tpu.memory_space<vmem_shared>>
        %dma_wait3A_472 = tpu.memref_slice %arg13[%dma_wait3A_457] : memref<5x!tpu.dma_semaphore, #tpu.memory_space<semaphore_mem>> -> memref<1x!tpu.dma_semaphore, #tpu.memory_space<semaphore_mem>>
        %dma_wait3A_473 = tpu.memref_squeeze %dma_wait3A_472 : memref<1x!tpu.dma_semaphore, #tpu.memory_space<semaphore_mem>> -> memref<!tpu.dma_semaphore, #tpu.memory_space<semaphore_mem>>
        tpu.wait_indirect_dma semaphore(%dma_wait3A_473 : memref<!tpu.dma_semaphore, #tpu.memory_space<semaphore_mem>>) src(%dma_wait3A_471 : memref<10000x64xf32, #tpu.memory_space<vmem_shared>>) dst(%dma_wait3A_461 : memref<80x64xf32, #tpu.memory_space<vmem>>)
        %scan3A_474 = arith.constant 0 : i32
        %scan3A_475 = arith.constant 80 : i32
        %scan3A_476 = arith.addi %scan3A_474, %scan3A_475 : i32
        %scan3A_477 = arith.constant 1 : i32
        scf.for %scan3A_781 = %scan3A_474 to %scan3A_476 step %scan3A_477  : i32 {
          %mul3A_782 = arith.constant 1 : i32
          %mul3A_783 = arith.muli %scan3A_781, %mul3A_782 : i32
          %add3A_784 = arith.constant 0 : i32
          %add3A_785 = arith.addi %add3A_784, %mul3A_783 : i32
          %broadcast_in_dim3A = arith.constant 1 : i32
          %broadcast_in_dim3A_786 = vector.broadcast %broadcast_in_dim3A : i32 to vector<16xi32>
          %broadcast_in_dim3A_787 = vector.broadcast %add3A_446 : i32 to vector<16xi32>
          %broadcast_in_dim3A_788 = vector.broadcast %add3A_785 : i32 to vector<16xi32>
          %gather3A = tpu.vector_load_idx %arg10[%broadcast_in_dim3A_786, %broadcast_in_dim3A_787, %broadcast_in_dim3A_788] : memref<2x25x80xf32, #tpu.memory_space<vmem>>[vector<16xi32>, vector<16xi32>, vector<16xi32>], vector<16xf32>,
          %get3A_789 = arith.constant 0 : i32
          %get3A_790 = arith.index_cast %get3A_789 : i32 to index
          %get3A_791 = arith.index_cast %add3A_785 : i32 to index
          %get3A_792 = arith.constant 0 : index
          %get3A_793 = tpu.vector_load %arg12[%get3A_790, %get3A_791, %get3A_792] {strides = array<i32>} : memref<5x80x64xf32, #tpu.memory_space<vmem>>, vector<16xf32>,
          %mul3A_794 = arith.mulf %get3A_793, %gather3A : vector<16xf32>
          %swap3A = arith.constant 0 : i32
          %swap3A_795 = arith.index_cast %swap3A : i32 to index
          %swap3A_796 = arith.index_cast %add3A_785 : i32 to index
          %swap3A_797 = arith.constant 0 : index
          %swap3A_798 = tpu.vector_load %arg12[%swap3A_795, %swap3A_796, %swap3A_797] {strides = array<i32>} : memref<5x80x64xf32, #tpu.memory_space<vmem>>, vector<16xf32>,
          tpu.vector_store %arg12[%swap3A_795, %swap3A_796, %swap3A_797], %mul3A_794 {strides = array<i32>} : memref<5x80x64xf32, #tpu.memory_space<vmem>>, vector<16xf32>,
          %get3A_799 = arith.constant 0 : i32
          %get3A_800 = arith.index_cast %get3A_799 : i32 to index
          %get3A_801 = arith.index_cast %add3A_785 : i32 to index
          %get3A_802 = arith.constant 16 : index
          %get3A_803 = tpu.vector_load %arg12[%get3A_800, %get3A_801, %get3A_802] {strides = array<i32>} : memref<5x80x64xf32, #tpu.memory_space<vmem>>, vector<16xf32>,
          %mul3A_804 = arith.mulf %get3A_803, %gather3A : vector<16xf32>
          %swap3A_805 = arith.constant 0 : i32
          %swap3A_806 = arith.index_cast %swap3A_805 : i32 to index
          %swap3A_807 = arith.index_cast %add3A_785 : i32 to index
          %swap3A_808 = arith.constant 16 : index
          %swap3A_809 = tpu.vector_load %arg12[%swap3A_806, %swap3A_807, %swap3A_808] {strides = array<i32>} : memref<5x80x64xf32, #tpu.memory_space<vmem>>, vector<16xf32>,
          tpu.vector_store %arg12[%swap3A_806, %swap3A_807, %swap3A_808], %mul3A_804 {strides = array<i32>} : memref<5x80x64xf32, #tpu.memory_space<vmem>>, vector<16xf32>,
          %get3A_810 = arith.constant 0 : i32
          %get3A_811 = arith.index_cast %get3A_810 : i32 to index
          %get3A_812 = arith.index_cast %add3A_785 : i32 to index
          %get3A_813 = arith.constant 32 : index
          %get3A_814 = tpu.vector_load %arg12[%get3A_811, %get3A_812, %get3A_813] {strides = array<i32>} : memref<5x80x64xf32, #tpu.memory_space<vmem>>, vector<16xf32>,
          %mul3A_815 = arith.mulf %get3A_814, %gather3A : vector<16xf32>
          %swap3A_816 = arith.constant 0 : i32
          %swap3A_817 = arith.index_cast %swap3A_816 : i32 to index
          %swap3A_818 = arith.index_cast %add3A_785 : i32 to index
          %swap3A_819 = arith.constant 32 : index
          %swap3A_820 = tpu.vector_load %arg12[%swap3A_817, %swap3A_818, %swap3A_819] {strides = array<i32>} : memref<5x80x64xf32, #tpu.memory_space<vmem>>, vector<16xf32>,
          tpu.vector_store %arg12[%swap3A_817, %swap3A_818, %swap3A_819], %mul3A_815 {strides = array<i32>} : memref<5x80x64xf32, #tpu.memory_space<vmem>>, vector<16xf32>,
          %get3A_821 = arith.constant 0 : i32
          %get3A_822 = arith.index_cast %get3A_821 : i32 to index
          %get3A_823 = arith.index_cast %add3A_785 : i32 to index
          %get3A_824 = arith.constant 48 : index
          %get3A_825 = tpu.vector_load %arg12[%get3A_822, %get3A_823, %get3A_824] {strides = array<i32>} : memref<5x80x64xf32, #tpu.memory_space<vmem>>, vector<16xf32>,
          %mul3A_826 = arith.mulf %get3A_825, %gather3A : vector<16xf32>
          %swap3A_827 = arith.constant 0 : i32
          %swap3A_828 = arith.index_cast %swap3A_827 : i32 to index
          %swap3A_829 = arith.index_cast %add3A_785 : i32 to index
          %swap3A_830 = arith.constant 48 : index
          %swap3A_831 = tpu.vector_load %arg12[%swap3A_828, %swap3A_829, %swap3A_830] {strides = array<i32>} : memref<5x80x64xf32, #tpu.memory_space<vmem>>, vector<16xf32>,
          tpu.vector_store %arg12[%swap3A_828, %swap3A_829, %swap3A_830], %mul3A_826 {strides = array<i32>} : memref<5x80x64xf32, #tpu.memory_space<vmem>>, vector<16xf32>,
        }
        %scan3A_478 = arith.constant 80 : i32
        %dma_start3A_479 = arith.constant 0 : i32
        %dma_start3A_480 = arith.constant 1 : i32
        %dma_start3A_481 = arith.constant 0 : i32
        %dma_start3A_482 = arith.constant 0 : i32
        %dma_start3A_483 = arith.constant 0 : i32
        %dma_start3A_484 = tpu.memref_slice %arg12[%dma_start3A_479, %dma_start3A_482, %dma_start3A_483] : memref<5x80x64xf32, #tpu.memory_space<vmem>> -> memref<1x80x64xf32, #tpu.memory_space<vmem>>
        %dma_start3A_485 = tpu.memref_squeeze %dma_start3A_484 : memref<1x80x64xf32, #tpu.memory_space<vmem>> -> memref<80x64xf32, #tpu.memory_space<vmem>>
        %dma_start3A_486 = arith.constant 0 : i32
        %dma_start3A_487 = tpu.memref_slice %arg9[%dma_start3A_480, %add3A_446, %dma_start3A_486] : memref<2x25x80xi32, #tpu.memory_space<vmem>> -> memref<1x1x80xi32, #tpu.memory_space<vmem>>
        %dma_start3A_488 = tpu.memref_squeeze %dma_start3A_487 : memref<1x1x80xi32, #tpu.memory_space<vmem>> -> memref<80xi32, #tpu.memory_space<vmem>>
        %dma_start3A_489 = arith.constant 0 : i32
        %dma_start3A_490 = arith.constant 0 : i32
        %dma_start3A_491 = tpu.memref_slice %arg16[%scan3A_36, %dma_start3A_489, %dma_start3A_490] : memref<2x10000x64xf32, #tpu.memory_space<vmem_shared>> -> memref<1x10000x64xf32, #tpu.memory_space<vmem_shared>>
        %dma_start3A_492 = tpu.memref_squeeze %dma_start3A_491 : memref<1x10000x64xf32, #tpu.memory_space<vmem_shared>> -> memref<10000x64xf32, #tpu.memory_space<vmem_shared>>
        %dma_start3A_493 = arith.constant 0 : i32
        %dma_start3A_494 = arith.constant 0 : i32
        %dma_start3A_495 = tpu.memref_slice %dma_start3A_492[%dma_start3A_493, %dma_start3A_494] : memref<10000x64xf32, #tpu.memory_space<vmem_shared>> -> memref<10000x64xf32, #tpu.memory_space<vmem_shared>>
        %dma_start3A_496 = tpu.memref_slice %arg14[%dma_start3A_481] : memref<5x!tpu.dma_semaphore, #tpu.memory_space<semaphore_mem>> -> memref<1x!tpu.dma_semaphore, #tpu.memory_space<semaphore_mem>>
        %dma_start3A_497 = tpu.memref_squeeze %dma_start3A_496 : memref<1x!tpu.dma_semaphore, #tpu.memory_space<semaphore_mem>> -> memref<!tpu.dma_semaphore, #tpu.memory_space<semaphore_mem>>
        tpu.enqueue_indirect_dma source(%dma_start3A_485 : memref<80x64xf32, #tpu.memory_space<vmem>>) target(%dma_start3A_495 : memref<10000x64xf32, #tpu.memory_space<vmem_shared>>) offsets(%dma_start3A_488 : memref<80xi32, #tpu.memory_space<vmem>>) semaphore(%dma_start3A_497 : memref<!tpu.dma_semaphore, #tpu.memory_space<semaphore_mem>>) {add = true}
        %dma_wait3A_498 = arith.constant 3 : i32
        %dma_wait3A_499 = arith.constant 1 : i32
        %dma_wait3A_500 = arith.constant 3 : i32
        %dma_wait3A_501 = arith.constant 0 : i32
        %dma_wait3A_502 = arith.constant 0 : i32
        %dma_wait3A_503 = tpu.memref_slice %arg12[%dma_wait3A_498, %dma_wait3A_501, %dma_wait3A_502] : memref<5x80x64xf32, #tpu.memory_space<vmem>> -> memref<1x80x64xf32, #tpu.memory_space<vmem>>
        %dma_wait3A_504 = tpu.memref_squeeze %dma_wait3A_503 : memref<1x80x64xf32, #tpu.memory_space<vmem>> -> memref<80x64xf32, #tpu.memory_space<vmem>>
        %dma_wait3A_505 = arith.constant 0 : i32
        %dma_wait3A_506 = tpu.memref_slice %arg9[%dma_wait3A_499, %add3A_446, %dma_wait3A_505] : memref<2x25x80xi32, #tpu.memory_space<vmem>> -> memref<1x1x80xi32, #tpu.memory_space<vmem>>
        %dma_wait3A_507 = tpu.memref_squeeze %dma_wait3A_506 : memref<1x1x80xi32, #tpu.memory_space<vmem>> -> memref<80xi32, #tpu.memory_space<vmem>>
        %dma_wait3A_508 = arith.constant 0 : i32
        %dma_wait3A_509 = arith.constant 0 : i32
        %dma_wait3A_510 = tpu.memref_slice %arg16[%scan3A_36, %dma_wait3A_508, %dma_wait3A_509] : memref<2x10000x64xf32, #tpu.memory_space<vmem_shared>> -> memref<1x10000x64xf32, #tpu.memory_space<vmem_shared>>
        %dma_wait3A_511 = tpu.memref_squeeze %dma_wait3A_510 : memref<1x10000x64xf32, #tpu.memory_space<vmem_shared>> -> memref<10000x64xf32, #tpu.memory_space<vmem_shared>>
        %dma_wait3A_512 = arith.constant 0 : i32
        %dma_wait3A_513 = arith.constant 0 : i32
        %dma_wait3A_514 = tpu.memref_slice %dma_wait3A_511[%dma_wait3A_512, %dma_wait3A_513] : memref<10000x64xf32, #tpu.memory_space<vmem_shared>> -> memref<10000x64xf32, #tpu.memory_space<vmem_shared>>
        %dma_wait3A_515 = tpu.memref_slice %arg14[%dma_wait3A_500] : memref<5x!tpu.dma_semaphore, #tpu.memory_space<semaphore_mem>> -> memref<1x!tpu.dma_semaphore, #tpu.memory_space<semaphore_mem>>
        %dma_wait3A_516 = tpu.memref_squeeze %dma_wait3A_515 : memref<1x!tpu.dma_semaphore, #tpu.memory_space<semaphore_mem>> -> memref<!tpu.dma_semaphore, #tpu.memory_space<semaphore_mem>>
        tpu.wait_indirect_dma semaphore(%dma_wait3A_516 : memref<!tpu.dma_semaphore, #tpu.memory_space<semaphore_mem>>) src(%dma_wait3A_504 : memref<80x64xf32, #tpu.memory_space<vmem>>) dst(%dma_wait3A_514 : memref<10000x64xf32, #tpu.memory_space<vmem_shared>>)
        %add3A_517 = arith.constant 3 : i32
        %add3A_518 = arith.addi %add3A_446, %add3A_517 : i32
        %dma_start3A_519 = arith.constant 1 : i32
        %dma_start3A_520 = arith.constant 3 : i32
        %dma_start3A_521 = arith.constant 3 : i32
        %dma_start3A_522 = arith.constant 0 : i32
        %dma_start3A_523 = arith.constant 0 : i32
        %dma_start3A_524 = tpu.memref_slice %arg12[%dma_start3A_520, %dma_start3A_522, %dma_start3A_523] : memref<5x80x64xf32, #tpu.memory_space<vmem>> -> memref<1x80x64xf32, #tpu.memory_space<vmem>>
        %dma_start3A_525 = tpu.memref_squeeze %dma_start3A_524 : memref<1x80x64xf32, #tpu.memory_space<vmem>> -> memref<80x64xf32, #tpu.memory_space<vmem>>
        %dma_start3A_526 = arith.constant 0 : i32
        %dma_start3A_527 = tpu.memref_slice %arg8[%dma_start3A_519, %add3A_518, %dma_start3A_526] : memref<2x25x80xi32, #tpu.memory_space<vmem>> -> memref<1x1x80xi32, #tpu.memory_space<vmem>>
        %dma_start3A_528 = tpu.memref_squeeze %dma_start3A_527 : memref<1x1x80xi32, #tpu.memory_space<vmem>> -> memref<80xi32, #tpu.memory_space<vmem>>
        %dma_start3A_529 = arith.constant 0 : i32
        %dma_start3A_530 = arith.constant 0 : i32
        %dma_start3A_531 = tpu.memref_slice %arg16[%scan3A_37, %dma_start3A_529, %dma_start3A_530] : memref<2x10000x64xf32, #tpu.memory_space<vmem_shared>> -> memref<1x10000x64xf32, #tpu.memory_space<vmem_shared>>
        %dma_start3A_532 = tpu.memref_squeeze %dma_start3A_531 : memref<1x10000x64xf32, #tpu.memory_space<vmem_shared>> -> memref<10000x64xf32, #tpu.memory_space<vmem_shared>>
        %dma_start3A_533 = arith.constant 0 : i32
        %dma_start3A_534 = arith.constant 0 : i32
        %dma_start3A_535 = tpu.memref_slice %dma_start3A_532[%dma_start3A_533, %dma_start3A_534] : memref<10000x64xf32, #tpu.memory_space<vmem_shared>> -> memref<10000x64xf32, #tpu.memory_space<vmem_shared>>
        %dma_start3A_536 = tpu.memref_slice %arg13[%dma_start3A_521] : memref<5x!tpu.dma_semaphore, #tpu.memory_space<semaphore_mem>> -> memref<1x!tpu.dma_semaphore, #tpu.memory_space<semaphore_mem>>
        %dma_start3A_537 = tpu.memref_squeeze %dma_start3A_536 : memref<1x!tpu.dma_semaphore, #tpu.memory_space<semaphore_mem>> -> memref<!tpu.dma_semaphore, #tpu.memory_space<semaphore_mem>>
        tpu.enqueue_indirect_dma source(%dma_start3A_535 : memref<10000x64xf32, #tpu.memory_space<vmem_shared>>) target(%dma_start3A_525 : memref<80x64xf32, #tpu.memory_space<vmem>>) offsets(%dma_start3A_528 : memref<80xi32, #tpu.memory_space<vmem>>) semaphore(%dma_start3A_537 : memref<!tpu.dma_semaphore, #tpu.memory_space<semaphore_mem>>)
        %mul3A_538 = arith.constant 5 : i32
        %mul3A_539 = arith.muli %add3A_442, %mul3A_538 : i32
        %add3A_540 = arith.constant 1 : i32
        %add3A_541 = arith.addi %mul3A_539, %add3A_540 : i32
        %dma_wait3A_542 = arith.constant 1 : i32
        %dma_wait3A_543 = arith.constant 1 : i32
        %dma_wait3A_544 = arith.constant 1 : i32
        %dma_wait3A_545 = arith.constant 0 : i32
        %dma_wait3A_546 = arith.constant 0 : i32
        %dma_wait3A_547 = tpu.memref_slice %arg12[%dma_wait3A_543, %dma_wait3A_545, %dma_wait3A_546] : memref<5x80x64xf32, #tpu.memory_space<vmem>> -> memref<1x80x64xf32, #tpu.memory_space<vmem>>
        %dma_wait3A_548 = tpu.memref_squeeze %dma_wait3A_547 : memref<1x80x64xf32, #tpu.memory_space<vmem>> -> memref<80x64xf32, #tpu.memory_space<vmem>>
        %dma_wait3A_549 = arith.constant 0 : i32
        %dma_wait3A_550 = tpu.memref_slice %arg8[%dma_wait3A_542, %add3A_541, %dma_wait3A_549] : memref<2x25x80xi32, #tpu.memory_space<vmem>> -> memref<1x1x80xi32, #tpu.memory_space<vmem>>
        %dma_wait3A_551 = tpu.memref_squeeze %dma_wait3A_550 : memref<1x1x80xi32, #tpu.memory_space<vmem>> -> memref<80xi32, #tpu.memory_space<vmem>>
        %dma_wait3A_552 = arith.constant 0 : i32
        %dma_wait3A_553 = arith.constant 0 : i32
        %dma_wait3A_554 = tpu.memref_slice %arg16[%scan3A_37, %dma_wait3A_552, %dma_wait3A_553] : memref<2x10000x64xf32, #tpu.memory_space<vmem_shared>> -> memref<1x10000x64xf32, #tpu.memory_space<vmem_shared>>
        %dma_wait3A_555 = tpu.memref_squeeze %dma_wait3A_554 : memref<1x10000x64xf32, #tpu.memory_space<vmem_shared>> -> memref<10000x64xf32, #tpu.memory_space<vmem_shared>>
        %dma_wait3A_556 = arith.constant 0 : i32
        %dma_wait3A_557 = arith.constant 0 : i32
        %dma_wait3A_558 = tpu.memref_slice %dma_wait3A_555[%dma_wait3A_556, %dma_wait3A_557] : memref<10000x64xf32, #tpu.memory_space<vmem_shared>> -> memref<10000x64xf32, #tpu.memory_space<vmem_shared>>
        %dma_wait3A_559 = tpu.memref_slice %arg13[%dma_wait3A_544] : memref<5x!tpu.dma_semaphore, #tpu.memory_space<semaphore_mem>> -> memref<1x!tpu.dma_semaphore, #tpu.memory_space<semaphore_mem>>
        %dma_wait3A_560 = tpu.memref_squeeze %dma_wait3A_559 : memref<1x!tpu.dma_semaphore, #tpu.memory_space<semaphore_mem>> -> memref<!tpu.dma_semaphore, #tpu.memory_space<semaphore_mem>>
        tpu.wait_indirect_dma semaphore(%dma_wait3A_560 : memref<!tpu.dma_semaphore, #tpu.memory_space<semaphore_mem>>) src(%dma_wait3A_558 : memref<10000x64xf32, #tpu.memory_space<vmem_shared>>) dst(%dma_wait3A_548 : memref<80x64xf32, #tpu.memory_space<vmem>>)
        %scan3A_561 = arith.constant 0 : i32
        %scan3A_562 = arith.constant 80 : i32
        %scan3A_563 = arith.addi %scan3A_561, %scan3A_562 : i32
        %scan3A_564 = arith.constant 1 : i32
        scf.for %scan3A_781 = %scan3A_561 to %scan3A_563 step %scan3A_564  : i32 {
          %mul3A_782 = arith.constant 1 : i32
          %mul3A_783 = arith.muli %scan3A_781, %mul3A_782 : i32
          %add3A_784 = arith.constant 0 : i32
          %add3A_785 = arith.addi %add3A_784, %mul3A_783 : i32
          %broadcast_in_dim3A = arith.constant 1 : i32
          %broadcast_in_dim3A_786 = vector.broadcast %broadcast_in_dim3A : i32 to vector<16xi32>
          %broadcast_in_dim3A_787 = vector.broadcast %add3A_541 : i32 to vector<16xi32>
          %broadcast_in_dim3A_788 = vector.broadcast %add3A_785 : i32 to vector<16xi32>
          %gather3A = tpu.vector_load_idx %arg10[%broadcast_in_dim3A_786, %broadcast_in_dim3A_787, %broadcast_in_dim3A_788] : memref<2x25x80xf32, #tpu.memory_space<vmem>>[vector<16xi32>, vector<16xi32>, vector<16xi32>], vector<16xf32>,
          %get3A_789 = arith.constant 1 : i32
          %get3A_790 = arith.index_cast %get3A_789 : i32 to index
          %get3A_791 = arith.index_cast %add3A_785 : i32 to index
          %get3A_792 = arith.constant 0 : index
          %get3A_793 = tpu.vector_load %arg12[%get3A_790, %get3A_791, %get3A_792] {strides = array<i32>} : memref<5x80x64xf32, #tpu.memory_space<vmem>>, vector<16xf32>,
          %mul3A_794 = arith.mulf %get3A_793, %gather3A : vector<16xf32>
          %swap3A = arith.constant 1 : i32
          %swap3A_795 = arith.index_cast %swap3A : i32 to index
          %swap3A_796 = arith.index_cast %add3A_785 : i32 to index
          %swap3A_797 = arith.constant 0 : index
          %swap3A_798 = tpu.vector_load %arg12[%swap3A_795, %swap3A_796, %swap3A_797] {strides = array<i32>} : memref<5x80x64xf32, #tpu.memory_space<vmem>>, vector<16xf32>,
          tpu.vector_store %arg12[%swap3A_795, %swap3A_796, %swap3A_797], %mul3A_794 {strides = array<i32>} : memref<5x80x64xf32, #tpu.memory_space<vmem>>, vector<16xf32>,
          %get3A_799 = arith.constant 1 : i32
          %get3A_800 = arith.index_cast %get3A_799 : i32 to index
          %get3A_801 = arith.index_cast %add3A_785 : i32 to index
          %get3A_802 = arith.constant 16 : index
          %get3A_803 = tpu.vector_load %arg12[%get3A_800, %get3A_801, %get3A_802] {strides = array<i32>} : memref<5x80x64xf32, #tpu.memory_space<vmem>>, vector<16xf32>,
          %mul3A_804 = arith.mulf %get3A_803, %gather3A : vector<16xf32>
          %swap3A_805 = arith.constant 1 : i32
          %swap3A_806 = arith.index_cast %swap3A_805 : i32 to index
          %swap3A_807 = arith.index_cast %add3A_785 : i32 to index
          %swap3A_808 = arith.constant 16 : index
          %swap3A_809 = tpu.vector_load %arg12[%swap3A_806, %swap3A_807, %swap3A_808] {strides = array<i32>} : memref<5x80x64xf32, #tpu.memory_space<vmem>>, vector<16xf32>,
          tpu.vector_store %arg12[%swap3A_806, %swap3A_807, %swap3A_808], %mul3A_804 {strides = array<i32>} : memref<5x80x64xf32, #tpu.memory_space<vmem>>, vector<16xf32>,
          %get3A_810 = arith.constant 1 : i32
          %get3A_811 = arith.index_cast %get3A_810 : i32 to index
          %get3A_812 = arith.index_cast %add3A_785 : i32 to index
          %get3A_813 = arith.constant 32 : index
          %get3A_814 = tpu.vector_load %arg12[%get3A_811, %get3A_812, %get3A_813] {strides = array<i32>} : memref<5x80x64xf32, #tpu.memory_space<vmem>>, vector<16xf32>,
          %mul3A_815 = arith.mulf %get3A_814, %gather3A : vector<16xf32>
          %swap3A_816 = arith.constant 1 : i32
          %swap3A_817 = arith.index_cast %swap3A_816 : i32 to index
          %swap3A_818 = arith.index_cast %add3A_785 : i32 to index
          %swap3A_819 = arith.constant 32 : index
          %swap3A_820 = tpu.vector_load %arg12[%swap3A_817, %swap3A_818, %swap3A_819] {strides = array<i32>} : memref<5x80x64xf32, #tpu.memory_space<vmem>>, vector<16xf32>,
          tpu.vector_store %arg12[%swap3A_817, %swap3A_818, %swap3A_819], %mul3A_815 {strides = array<i32>} : memref<5x80x64xf32, #tpu.memory_space<vmem>>, vector<16xf32>,
          %get3A_821 = arith.constant 1 : i32
          %get3A_822 = arith.index_cast %get3A_821 : i32 to index
          %get3A_823 = arith.index_cast %add3A_785 : i32 to index
          %get3A_824 = arith.constant 48 : index
          %get3A_825 = tpu.vector_load %arg12[%get3A_822, %get3A_823, %get3A_824] {strides = array<i32>} : memref<5x80x64xf32, #tpu.memory_space<vmem>>, vector<16xf32>,
          %mul3A_826 = arith.mulf %get3A_825, %gather3A : vector<16xf32>
          %swap3A_827 = arith.constant 1 : i32
          %swap3A_828 = arith.index_cast %swap3A_827 : i32 to index
          %swap3A_829 = arith.index_cast %add3A_785 : i32 to index
          %swap3A_830 = arith.constant 48 : index
          %swap3A_831 = tpu.vector_load %arg12[%swap3A_828, %swap3A_829, %swap3A_830] {strides = array<i32>} : memref<5x80x64xf32, #tpu.memory_space<vmem>>, vector<16xf32>,
          tpu.vector_store %arg12[%swap3A_828, %swap3A_829, %swap3A_830], %mul3A_826 {strides = array<i32>} : memref<5x80x64xf32, #tpu.memory_space<vmem>>, vector<16xf32>,
        }
        %scan3A_565 = arith.constant 80 : i32
        %dma_start3A_566 = arith.constant 1 : i32
        %dma_start3A_567 = arith.constant 1 : i32
        %dma_start3A_568 = arith.constant 1 : i32
        %dma_start3A_569 = arith.constant 0 : i32
        %dma_start3A_570 = arith.constant 0 : i32
        %dma_start3A_571 = tpu.memref_slice %arg12[%dma_start3A_566, %dma_start3A_569, %dma_start3A_570] : memref<5x80x64xf32, #tpu.memory_space<vmem>> -> memref<1x80x64xf32, #tpu.memory_space<vmem>>
        %dma_start3A_572 = tpu.memref_squeeze %dma_start3A_571 : memref<1x80x64xf32, #tpu.memory_space<vmem>> -> memref<80x64xf32, #tpu.memory_space<vmem>>
        %dma_start3A_573 = arith.constant 0 : i32
        %dma_start3A_574 = tpu.memref_slice %arg9[%dma_start3A_567, %add3A_541, %dma_start3A_573] : memref<2x25x80xi32, #tpu.memory_space<vmem>> -> memref<1x1x80xi32, #tpu.memory_space<vmem>>
        %dma_start3A_575 = tpu.memref_squeeze %dma_start3A_574 : memref<1x1x80xi32, #tpu.memory_space<vmem>> -> memref<80xi32, #tpu.memory_space<vmem>>
        %dma_start3A_576 = arith.constant 0 : i32
        %dma_start3A_577 = arith.constant 0 : i32
        %dma_start3A_578 = tpu.memref_slice %arg16[%scan3A_36, %dma_start3A_576, %dma_start3A_577] : memref<2x10000x64xf32, #tpu.memory_space<vmem_shared>> -> memref<1x10000x64xf32, #tpu.memory_space<vmem_shared>>
        %dma_start3A_579 = tpu.memref_squeeze %dma_start3A_578 : memref<1x10000x64xf32, #tpu.memory_space<vmem_shared>> -> memref<10000x64xf32, #tpu.memory_space<vmem_shared>>
        %dma_start3A_580 = arith.constant 0 : i32
        %dma_start3A_581 = arith.constant 0 : i32
        %dma_start3A_582 = tpu.memref_slice %dma_start3A_579[%dma_start3A_580, %dma_start3A_581] : memref<10000x64xf32, #tpu.memory_space<vmem_shared>> -> memref<10000x64xf32, #tpu.memory_space<vmem_shared>>
        %dma_start3A_583 = tpu.memref_slice %arg14[%dma_start3A_568] : memref<5x!tpu.dma_semaphore, #tpu.memory_space<semaphore_mem>> -> memref<1x!tpu.dma_semaphore, #tpu.memory_space<semaphore_mem>>
        %dma_start3A_584 = tpu.memref_squeeze %dma_start3A_583 : memref<1x!tpu.dma_semaphore, #tpu.memory_space<semaphore_mem>> -> memref<!tpu.dma_semaphore, #tpu.memory_space<semaphore_mem>>
        tpu.enqueue_indirect_dma source(%dma_start3A_572 : memref<80x64xf32, #tpu.memory_space<vmem>>) target(%dma_start3A_582 : memref<10000x64xf32, #tpu.memory_space<vmem_shared>>) offsets(%dma_start3A_575 : memref<80xi32, #tpu.memory_space<vmem>>) semaphore(%dma_start3A_584 : memref<!tpu.dma_semaphore, #tpu.memory_space<semaphore_mem>>) {add = true}
        %dma_wait3A_585 = arith.constant 4 : i32
        %dma_wait3A_586 = arith.constant 1 : i32
        %dma_wait3A_587 = arith.constant 4 : i32
        %dma_wait3A_588 = arith.constant 0 : i32
        %dma_wait3A_589 = arith.constant 0 : i32
        %dma_wait3A_590 = tpu.memref_slice %arg12[%dma_wait3A_585, %dma_wait3A_588, %dma_wait3A_589] : memref<5x80x64xf32, #tpu.memory_space<vmem>> -> memref<1x80x64xf32, #tpu.memory_space<vmem>>
        %dma_wait3A_591 = tpu.memref_squeeze %dma_wait3A_590 : memref<1x80x64xf32, #tpu.memory_space<vmem>> -> memref<80x64xf32, #tpu.memory_space<vmem>>
        %dma_wait3A_592 = arith.constant 0 : i32
        %dma_wait3A_593 = tpu.memref_slice %arg9[%dma_wait3A_586, %add3A_541, %dma_wait3A_592] : memref<2x25x80xi32, #tpu.memory_space<vmem>> -> memref<1x1x80xi32, #tpu.memory_space<vmem>>
        %dma_wait3A_594 = tpu.memref_squeeze %dma_wait3A_593 : memref<1x1x80xi32, #tpu.memory_space<vmem>> -> memref<80xi32, #tpu.memory_space<vmem>>
        %dma_wait3A_595 = arith.constant 0 : i32
        %dma_wait3A_596 = arith.constant 0 : i32
        %dma_wait3A_597 = tpu.memref_slice %arg16[%scan3A_36, %dma_wait3A_595, %dma_wait3A_596] : memref<2x10000x64xf32, #tpu.memory_space<vmem_shared>> -> memref<1x10000x64xf32, #tpu.memory_space<vmem_shared>>
        %dma_wait3A_598 = tpu.memref_squeeze %dma_wait3A_597 : memref<1x10000x64xf32, #tpu.memory_space<vmem_shared>> -> memref<10000x64xf32, #tpu.memory_space<vmem_shared>>
        %dma_wait3A_599 = arith.constant 0 : i32
        %dma_wait3A_600 = arith.constant 0 : i32
        %dma_wait3A_601 = tpu.memref_slice %dma_wait3A_598[%dma_wait3A_599, %dma_wait3A_600] : memref<10000x64xf32, #tpu.memory_space<vmem_shared>> -> memref<10000x64xf32, #tpu.memory_space<vmem_shared>>
        %dma_wait3A_602 = tpu.memref_slice %arg14[%dma_wait3A_587] : memref<5x!tpu.dma_semaphore, #tpu.memory_space<semaphore_mem>> -> memref<1x!tpu.dma_semaphore, #tpu.memory_space<semaphore_mem>>
        %dma_wait3A_603 = tpu.memref_squeeze %dma_wait3A_602 : memref<1x!tpu.dma_semaphore, #tpu.memory_space<semaphore_mem>> -> memref<!tpu.dma_semaphore, #tpu.memory_space<semaphore_mem>>
        tpu.wait_indirect_dma semaphore(%dma_wait3A_603 : memref<!tpu.dma_semaphore, #tpu.memory_space<semaphore_mem>>) src(%dma_wait3A_591 : memref<80x64xf32, #tpu.memory_space<vmem>>) dst(%dma_wait3A_601 : memref<10000x64xf32, #tpu.memory_space<vmem_shared>>)
        %add3A_604 = arith.constant 3 : i32
        %add3A_605 = arith.addi %add3A_541, %add3A_604 : i32
        %dma_start3A_606 = arith.constant 1 : i32
        %dma_start3A_607 = arith.constant 4 : i32
        %dma_start3A_608 = arith.constant 4 : i32
        %dma_start3A_609 = arith.constant 0 : i32
        %dma_start3A_610 = arith.constant 0 : i32
        %dma_start3A_611 = tpu.memref_slice %arg12[%dma_start3A_607, %dma_start3A_609, %dma_start3A_610] : memref<5x80x64xf32, #tpu.memory_space<vmem>> -> memref<1x80x64xf32, #tpu.memory_space<vmem>>
        %dma_start3A_612 = tpu.memref_squeeze %dma_start3A_611 : memref<1x80x64xf32, #tpu.memory_space<vmem>> -> memref<80x64xf32, #tpu.memory_space<vmem>>
        %dma_start3A_613 = arith.constant 0 : i32
        %dma_start3A_614 = tpu.memref_slice %arg8[%dma_start3A_606, %add3A_605, %dma_start3A_613] : memref<2x25x80xi32, #tpu.memory_space<vmem>> -> memref<1x1x80xi32, #tpu.memory_space<vmem>>
        %dma_start3A_615 = tpu.memref_squeeze %dma_start3A_614 : memref<1x1x80xi32, #tpu.memory_space<vmem>> -> memref<80xi32, #tpu.memory_space<vmem>>
        %dma_start3A_616 = arith.constant 0 : i32
        %dma_start3A_617 = arith.constant 0 : i32
        %dma_start3A_618 = tpu.memref_slice %arg16[%scan3A_37, %dma_start3A_616, %dma_start3A_617] : memref<2x10000x64xf32, #tpu.memory_space<vmem_shared>> -> memref<1x10000x64xf32, #tpu.memory_space<vmem_shared>>
        %dma_start3A_619 = tpu.memref_squeeze %dma_start3A_618 : memref<1x10000x64xf32, #tpu.memory_space<vmem_shared>> -> memref<10000x64xf32, #tpu.memory_space<vmem_shared>>
        %dma_start3A_620 = arith.constant 0 : i32
        %dma_start3A_621 = arith.constant 0 : i32
        %dma_start3A_622 = tpu.memref_slice %dma_start3A_619[%dma_start3A_620, %dma_start3A_621] : memref<10000x64xf32, #tpu.memory_space<vmem_shared>> -> memref<10000x64xf32, #tpu.memory_space<vmem_shared>>
        %dma_start3A_623 = tpu.memref_slice %arg13[%dma_start3A_608] : memref<5x!tpu.dma_semaphore, #tpu.memory_space<semaphore_mem>> -> memref<1x!tpu.dma_semaphore, #tpu.memory_space<semaphore_mem>>
        %dma_start3A_624 = tpu.memref_squeeze %dma_start3A_623 : memref<1x!tpu.dma_semaphore, #tpu.memory_space<semaphore_mem>> -> memref<!tpu.dma_semaphore, #tpu.memory_space<semaphore_mem>>
        tpu.enqueue_indirect_dma source(%dma_start3A_622 : memref<10000x64xf32, #tpu.memory_space<vmem_shared>>) target(%dma_start3A_612 : memref<80x64xf32, #tpu.memory_space<vmem>>) offsets(%dma_start3A_615 : memref<80xi32, #tpu.memory_space<vmem>>) semaphore(%dma_start3A_624 : memref<!tpu.dma_semaphore, #tpu.memory_space<semaphore_mem>>)
        %mul3A_625 = arith.constant 5 : i32
        %mul3A_626 = arith.muli %add3A_442, %mul3A_625 : i32
        %add3A_627 = arith.constant 2 : i32
        %add3A_628 = arith.addi %mul3A_626, %add3A_627 : i32
        %dma_wait3A_629 = arith.constant 1 : i32
        %dma_wait3A_630 = arith.constant 2 : i32
        %dma_wait3A_631 = arith.constant 2 : i32
        %dma_wait3A_632 = arith.constant 0 : i32
        %dma_wait3A_633 = arith.constant 0 : i32
        %dma_wait3A_634 = tpu.memref_slice %arg12[%dma_wait3A_630, %dma_wait3A_632, %dma_wait3A_633] : memref<5x80x64xf32, #tpu.memory_space<vmem>> -> memref<1x80x64xf32, #tpu.memory_space<vmem>>
        %dma_wait3A_635 = tpu.memref_squeeze %dma_wait3A_634 : memref<1x80x64xf32, #tpu.memory_space<vmem>> -> memref<80x64xf32, #tpu.memory_space<vmem>>
        %dma_wait3A_636 = arith.constant 0 : i32
        %dma_wait3A_637 = tpu.memref_slice %arg8[%dma_wait3A_629, %add3A_628, %dma_wait3A_636] : memref<2x25x80xi32, #tpu.memory_space<vmem>> -> memref<1x1x80xi32, #tpu.memory_space<vmem>>
        %dma_wait3A_638 = tpu.memref_squeeze %dma_wait3A_637 : memref<1x1x80xi32, #tpu.memory_space<vmem>> -> memref<80xi32, #tpu.memory_space<vmem>>
        %dma_wait3A_639 = arith.constant 0 : i32
        %dma_wait3A_640 = arith.constant 0 : i32
        %dma_wait3A_641 = tpu.memref_slice %arg16[%scan3A_37, %dma_wait3A_639, %dma_wait3A_640] : memref<2x10000x64xf32, #tpu.memory_space<vmem_shared>> -> memref<1x10000x64xf32, #tpu.memory_space<vmem_shared>>
        %dma_wait3A_642 = tpu.memref_squeeze %dma_wait3A_641 : memref<1x10000x64xf32, #tpu.memory_space<vmem_shared>> -> memref<10000x64xf32, #tpu.memory_space<vmem_shared>>
        %dma_wait3A_643 = arith.constant 0 : i32
        %dma_wait3A_644 = arith.constant 0 : i32
        %dma_wait3A_645 = tpu.memref_slice %dma_wait3A_642[%dma_wait3A_643, %dma_wait3A_644] : memref<10000x64xf32, #tpu.memory_space<vmem_shared>> -> memref<10000x64xf32, #tpu.memory_space<vmem_shared>>
        %dma_wait3A_646 = tpu.memref_slice %arg13[%dma_wait3A_631] : memref<5x!tpu.dma_semaphore, #tpu.memory_space<semaphore_mem>> -> memref<1x!tpu.dma_semaphore, #tpu.memory_space<semaphore_mem>>
        %dma_wait3A_647 = tpu.memref_squeeze %dma_wait3A_646 : memref<1x!tpu.dma_semaphore, #tpu.memory_space<semaphore_mem>> -> memref<!tpu.dma_semaphore, #tpu.memory_space<semaphore_mem>>
        tpu.wait_indirect_dma semaphore(%dma_wait3A_647 : memref<!tpu.dma_semaphore, #tpu.memory_space<semaphore_mem>>) src(%dma_wait3A_645 : memref<10000x64xf32, #tpu.memory_space<vmem_shared>>) dst(%dma_wait3A_635 : memref<80x64xf32, #tpu.memory_space<vmem>>)
        %scan3A_648 = arith.constant 0 : i32
        %scan3A_649 = arith.constant 80 : i32
        %scan3A_650 = arith.addi %scan3A_648, %scan3A_649 : i32
        %scan3A_651 = arith.constant 1 : i32
        scf.for %scan3A_781 = %scan3A_648 to %scan3A_650 step %scan3A_651  : i32 {
          %mul3A_782 = arith.constant 1 : i32
          %mul3A_783 = arith.muli %scan3A_781, %mul3A_782 : i32
          %add3A_784 = arith.constant 0 : i32
          %add3A_785 = arith.addi %add3A_784, %mul3A_783 : i32
          %broadcast_in_dim3A = arith.constant 1 : i32
          %broadcast_in_dim3A_786 = vector.broadcast %broadcast_in_dim3A : i32 to vector<16xi32>
          %broadcast_in_dim3A_787 = vector.broadcast %add3A_628 : i32 to vector<16xi32>
          %broadcast_in_dim3A_788 = vector.broadcast %add3A_785 : i32 to vector<16xi32>
          %gather3A = tpu.vector_load_idx %arg10[%broadcast_in_dim3A_786, %broadcast_in_dim3A_787, %broadcast_in_dim3A_788] : memref<2x25x80xf32, #tpu.memory_space<vmem>>[vector<16xi32>, vector<16xi32>, vector<16xi32>], vector<16xf32>,
          %get3A_789 = arith.constant 2 : i32
          %get3A_790 = arith.index_cast %get3A_789 : i32 to index
          %get3A_791 = arith.index_cast %add3A_785 : i32 to index
          %get3A_792 = arith.constant 0 : index
          %get3A_793 = tpu.vector_load %arg12[%get3A_790, %get3A_791, %get3A_792] {strides = array<i32>} : memref<5x80x64xf32, #tpu.memory_space<vmem>>, vector<16xf32>,
          %mul3A_794 = arith.mulf %get3A_793, %gather3A : vector<16xf32>
          %swap3A = arith.constant 2 : i32
          %swap3A_795 = arith.index_cast %swap3A : i32 to index
          %swap3A_796 = arith.index_cast %add3A_785 : i32 to index
          %swap3A_797 = arith.constant 0 : index
          %swap3A_798 = tpu.vector_load %arg12[%swap3A_795, %swap3A_796, %swap3A_797] {strides = array<i32>} : memref<5x80x64xf32, #tpu.memory_space<vmem>>, vector<16xf32>,
          tpu.vector_store %arg12[%swap3A_795, %swap3A_796, %swap3A_797], %mul3A_794 {strides = array<i32>} : memref<5x80x64xf32, #tpu.memory_space<vmem>>, vector<16xf32>,
          %get3A_799 = arith.constant 2 : i32
          %get3A_800 = arith.index_cast %get3A_799 : i32 to index
          %get3A_801 = arith.index_cast %add3A_785 : i32 to index
          %get3A_802 = arith.constant 16 : index
          %get3A_803 = tpu.vector_load %arg12[%get3A_800, %get3A_801, %get3A_802] {strides = array<i32>} : memref<5x80x64xf32, #tpu.memory_space<vmem>>, vector<16xf32>,
          %mul3A_804 = arith.mulf %get3A_803, %gather3A : vector<16xf32>
          %swap3A_805 = arith.constant 2 : i32
          %swap3A_806 = arith.index_cast %swap3A_805 : i32 to index
          %swap3A_807 = arith.index_cast %add3A_785 : i32 to index
          %swap3A_808 = arith.constant 16 : index
          %swap3A_809 = tpu.vector_load %arg12[%swap3A_806, %swap3A_807, %swap3A_808] {strides = array<i32>} : memref<5x80x64xf32, #tpu.memory_space<vmem>>, vector<16xf32>,
          tpu.vector_store %arg12[%swap3A_806, %swap3A_807, %swap3A_808], %mul3A_804 {strides = array<i32>} : memref<5x80x64xf32, #tpu.memory_space<vmem>>, vector<16xf32>,
          %get3A_810 = arith.constant 2 : i32
          %get3A_811 = arith.index_cast %get3A_810 : i32 to index
          %get3A_812 = arith.index_cast %add3A_785 : i32 to index
          %get3A_813 = arith.constant 32 : index
          %get3A_814 = tpu.vector_load %arg12[%get3A_811, %get3A_812, %get3A_813] {strides = array<i32>} : memref<5x80x64xf32, #tpu.memory_space<vmem>>, vector<16xf32>,
          %mul3A_815 = arith.mulf %get3A_814, %gather3A : vector<16xf32>
          %swap3A_816 = arith.constant 2 : i32
          %swap3A_817 = arith.index_cast %swap3A_816 : i32 to index
          %swap3A_818 = arith.index_cast %add3A_785 : i32 to index
          %swap3A_819 = arith.constant 32 : index
          %swap3A_820 = tpu.vector_load %arg12[%swap3A_817, %swap3A_818, %swap3A_819] {strides = array<i32>} : memref<5x80x64xf32, #tpu.memory_space<vmem>>, vector<16xf32>,
          tpu.vector_store %arg12[%swap3A_817, %swap3A_818, %swap3A_819], %mul3A_815 {strides = array<i32>} : memref<5x80x64xf32, #tpu.memory_space<vmem>>, vector<16xf32>,
          %get3A_821 = arith.constant 2 : i32
          %get3A_822 = arith.index_cast %get3A_821 : i32 to index
          %get3A_823 = arith.index_cast %add3A_785 : i32 to index
          %get3A_824 = arith.constant 48 : index
          %get3A_825 = tpu.vector_load %arg12[%get3A_822, %get3A_823, %get3A_824] {strides = array<i32>} : memref<5x80x64xf32, #tpu.memory_space<vmem>>, vector<16xf32>,
          %mul3A_826 = arith.mulf %get3A_825, %gather3A : vector<16xf32>
          %swap3A_827 = arith.constant 2 : i32
          %swap3A_828 = arith.index_cast %swap3A_827 : i32 to index
          %swap3A_829 = arith.index_cast %add3A_785 : i32 to index
          %swap3A_830 = arith.constant 48 : index
          %swap3A_831 = tpu.vector_load %arg12[%swap3A_828, %swap3A_829, %swap3A_830] {strides = array<i32>} : memref<5x80x64xf32, #tpu.memory_space<vmem>>, vector<16xf32>,
          tpu.vector_store %arg12[%swap3A_828, %swap3A_829, %swap3A_830], %mul3A_826 {strides = array<i32>} : memref<5x80x64xf32, #tpu.memory_space<vmem>>, vector<16xf32>,
        }
        %scan3A_652 = arith.constant 80 : i32
        %dma_start3A_653 = arith.constant 2 : i32
        %dma_start3A_654 = arith.constant 1 : i32
        %dma_start3A_655 = arith.constant 2 : i32
        %dma_start3A_656 = arith.constant 0 : i32
        %dma_start3A_657 = arith.constant 0 : i32
        %dma_start3A_658 = tpu.memref_slice %arg12[%dma_start3A_653, %dma_start3A_656, %dma_start3A_657] : memref<5x80x64xf32, #tpu.memory_space<vmem>> -> memref<1x80x64xf32, #tpu.memory_space<vmem>>
        %dma_start3A_659 = tpu.memref_squeeze %dma_start3A_658 : memref<1x80x64xf32, #tpu.memory_space<vmem>> -> memref<80x64xf32, #tpu.memory_space<vmem>>
        %dma_start3A_660 = arith.constant 0 : i32
        %dma_start3A_661 = tpu.memref_slice %arg9[%dma_start3A_654, %add3A_628, %dma_start3A_660] : memref<2x25x80xi32, #tpu.memory_space<vmem>> -> memref<1x1x80xi32, #tpu.memory_space<vmem>>
        %dma_start3A_662 = tpu.memref_squeeze %dma_start3A_661 : memref<1x1x80xi32, #tpu.memory_space<vmem>> -> memref<80xi32, #tpu.memory_space<vmem>>
        %dma_start3A_663 = arith.constant 0 : i32
        %dma_start3A_664 = arith.constant 0 : i32
        %dma_start3A_665 = tpu.memref_slice %arg16[%scan3A_36, %dma_start3A_663, %dma_start3A_664] : memref<2x10000x64xf32, #tpu.memory_space<vmem_shared>> -> memref<1x10000x64xf32, #tpu.memory_space<vmem_shared>>
        %dma_start3A_666 = tpu.memref_squeeze %dma_start3A_665 : memref<1x10000x64xf32, #tpu.memory_space<vmem_shared>> -> memref<10000x64xf32, #tpu.memory_space<vmem_shared>>
        %dma_start3A_667 = arith.constant 0 : i32
        %dma_start3A_668 = arith.constant 0 : i32
        %dma_start3A_669 = tpu.memref_slice %dma_start3A_666[%dma_start3A_667, %dma_start3A_668] : memref<10000x64xf32, #tpu.memory_space<vmem_shared>> -> memref<10000x64xf32, #tpu.memory_space<vmem_shared>>
        %dma_start3A_670 = tpu.memref_slice %arg14[%dma_start3A_655] : memref<5x!tpu.dma_semaphore, #tpu.memory_space<semaphore_mem>> -> memref<1x!tpu.dma_semaphore, #tpu.memory_space<semaphore_mem>>
        %dma_start3A_671 = tpu.memref_squeeze %dma_start3A_670 : memref<1x!tpu.dma_semaphore, #tpu.memory_space<semaphore_mem>> -> memref<!tpu.dma_semaphore, #tpu.memory_space<semaphore_mem>>
        tpu.enqueue_indirect_dma source(%dma_start3A_659 : memref<80x64xf32, #tpu.memory_space<vmem>>) target(%dma_start3A_669 : memref<10000x64xf32, #tpu.memory_space<vmem_shared>>) offsets(%dma_start3A_662 : memref<80xi32, #tpu.memory_space<vmem>>) semaphore(%dma_start3A_671 : memref<!tpu.dma_semaphore, #tpu.memory_space<semaphore_mem>>) {add = true}
        %lt3A_672 = arith.constant 4 : i32
        %lt3A_673 = arith.cmpi slt, %add3A_442, %lt3A_672 : i32
        %convert_element_type3A_674 = arith.extui %lt3A_673 : i1 to i32
        %cond3A_675 = arith.constant 0 : i32
        %cond3A_676 = arith.cmpi ne, %convert_element_type3A_674, %cond3A_675 : i32
        scf.if %cond3A_676 {
          %dma_wait3A_781 = arith.constant 0 : i32
          %dma_wait3A_782 = arith.constant 1 : i32
          %dma_wait3A_783 = arith.constant 0 : i32
          %dma_wait3A_784 = arith.constant 0 : i32
          %dma_wait3A_785 = arith.constant 0 : i32
          %dma_wait3A_786 = tpu.memref_slice %arg12[%dma_wait3A_781, %dma_wait3A_784, %dma_wait3A_785] : memref<5x80x64xf32, #tpu.memory_space<vmem>> -> memref<1x80x64xf32, #tpu.memory_space<vmem>>
          %dma_wait3A_787 = tpu.memref_squeeze %dma_wait3A_786 : memref<1x80x64xf32, #tpu.memory_space<vmem>> -> memref<80x64xf32, #tpu.memory_space<vmem>>
          %dma_wait3A_788 = arith.constant 0 : i32
          %dma_wait3A_789 = tpu.memref_slice %arg9[%dma_wait3A_782, %add3A_628, %dma_wait3A_788] : memref<2x25x80xi32, #tpu.memory_space<vmem>> -> memref<1x1x80xi32, #tpu.memory_space<vmem>>
          %dma_wait3A_790 = tpu.memref_squeeze %dma_wait3A_789 : memref<1x1x80xi32, #tpu.memory_space<vmem>> -> memref<80xi32, #tpu.memory_space<vmem>>
          %dma_wait3A_791 = arith.constant 0 : i32
          %dma_wait3A_792 = arith.constant 0 : i32
          %dma_wait3A_793 = tpu.memref_slice %arg16[%scan3A_36, %dma_wait3A_791, %dma_wait3A_792] : memref<2x10000x64xf32, #tpu.memory_space<vmem_shared>> -> memref<1x10000x64xf32, #tpu.memory_space<vmem_shared>>
          %dma_wait3A_794 = tpu.memref_squeeze %dma_wait3A_793 : memref<1x10000x64xf32, #tpu.memory_space<vmem_shared>> -> memref<10000x64xf32, #tpu.memory_space<vmem_shared>>
          %dma_wait3A_795 = arith.constant 0 : i32
          %dma_wait3A_796 = arith.constant 0 : i32
          %dma_wait3A_797 = tpu.memref_slice %dma_wait3A_794[%dma_wait3A_795, %dma_wait3A_796] : memref<10000x64xf32, #tpu.memory_space<vmem_shared>> -> memref<10000x64xf32, #tpu.memory_space<vmem_shared>>
          %dma_wait3A_798 = tpu.memref_slice %arg14[%dma_wait3A_783] : memref<5x!tpu.dma_semaphore, #tpu.memory_space<semaphore_mem>> -> memref<1x!tpu.dma_semaphore, #tpu.memory_space<semaphore_mem>>
          %dma_wait3A_799 = tpu.memref_squeeze %dma_wait3A_798 : memref<1x!tpu.dma_semaphore, #tpu.memory_space<semaphore_mem>> -> memref<!tpu.dma_semaphore, #tpu.memory_space<semaphore_mem>>
          tpu.wait_indirect_dma semaphore(%dma_wait3A_799 : memref<!tpu.dma_semaphore, #tpu.memory_space<semaphore_mem>>) src(%dma_wait3A_787 : memref<80x64xf32, #tpu.memory_space<vmem>>) dst(%dma_wait3A_797 : memref<10000x64xf32, #tpu.memory_space<vmem_shared>>)
          %add3A_800 = arith.constant 3 : i32
          %add3A_801 = arith.addi %add3A_628, %add3A_800 : i32
          %dma_start3A_802 = arith.constant 1 : i32
          %dma_start3A_803 = arith.constant 0 : i32
          %dma_start3A_804 = arith.constant 0 : i32
          %dma_start3A_805 = arith.constant 0 : i32
          %dma_start3A_806 = arith.constant 0 : i32
          %dma_start3A_807 = tpu.memref_slice %arg12[%dma_start3A_803, %dma_start3A_805, %dma_start3A_806] : memref<5x80x64xf32, #tpu.memory_space<vmem>> -> memref<1x80x64xf32, #tpu.memory_space<vmem>>
          %dma_start3A_808 = tpu.memref_squeeze %dma_start3A_807 : memref<1x80x64xf32, #tpu.memory_space<vmem>> -> memref<80x64xf32, #tpu.memory_space<vmem>>
          %dma_start3A_809 = arith.constant 0 : i32
          %dma_start3A_810 = tpu.memref_slice %arg8[%dma_start3A_802, %add3A_801, %dma_start3A_809] : memref<2x25x80xi32, #tpu.memory_space<vmem>> -> memref<1x1x80xi32, #tpu.memory_space<vmem>>
          %dma_start3A_811 = tpu.memref_squeeze %dma_start3A_810 : memref<1x1x80xi32, #tpu.memory_space<vmem>> -> memref<80xi32, #tpu.memory_space<vmem>>
          %dma_start3A_812 = arith.constant 0 : i32
          %dma_start3A_813 = arith.constant 0 : i32
          %dma_start3A_814 = tpu.memref_slice %arg16[%scan3A_37, %dma_start3A_812, %dma_start3A_813] : memref<2x10000x64xf32, #tpu.memory_space<vmem_shared>> -> memref<1x10000x64xf32, #tpu.memory_space<vmem_shared>>
          %dma_start3A_815 = tpu.memref_squeeze %dma_start3A_814 : memref<1x10000x64xf32, #tpu.memory_space<vmem_shared>> -> memref<10000x64xf32, #tpu.memory_space<vmem_shared>>
          %dma_start3A_816 = arith.constant 0 : i32
          %dma_start3A_817 = arith.constant 0 : i32
          %dma_start3A_818 = tpu.memref_slice %dma_start3A_815[%dma_start3A_816, %dma_start3A_817] : memref<10000x64xf32, #tpu.memory_space<vmem_shared>> -> memref<10000x64xf32, #tpu.memory_space<vmem_shared>>
          %dma_start3A_819 = tpu.memref_slice %arg13[%dma_start3A_804] : memref<5x!tpu.dma_semaphore, #tpu.memory_space<semaphore_mem>> -> memref<1x!tpu.dma_semaphore, #tpu.memory_space<semaphore_mem>>
          %dma_start3A_820 = tpu.memref_squeeze %dma_start3A_819 : memref<1x!tpu.dma_semaphore, #tpu.memory_space<semaphore_mem>> -> memref<!tpu.dma_semaphore, #tpu.memory_space<semaphore_mem>>
          tpu.enqueue_indirect_dma source(%dma_start3A_818 : memref<10000x64xf32, #tpu.memory_space<vmem_shared>>) target(%dma_start3A_808 : memref<80x64xf32, #tpu.memory_space<vmem>>) offsets(%dma_start3A_811 : memref<80xi32, #tpu.memory_space<vmem>>) semaphore(%dma_start3A_820 : memref<!tpu.dma_semaphore, #tpu.memory_space<semaphore_mem>>)
        } else {
        }
        %mul3A_677 = arith.constant 5 : i32
        %mul3A_678 = arith.muli %add3A_442, %mul3A_677 : i32
        %add3A_679 = arith.constant 3 : i32
        %add3A_680 = arith.addi %mul3A_678, %add3A_679 : i32
        %dma_wait3A_681 = arith.constant 1 : i32
        %dma_wait3A_682 = arith.constant 3 : i32
        %dma_wait3A_683 = arith.constant 3 : i32
        %dma_wait3A_684 = arith.constant 0 : i32
        %dma_wait3A_685 = arith.constant 0 : i32
        %dma_wait3A_686 = tpu.memref_slice %arg12[%dma_wait3A_682, %dma_wait3A_684, %dma_wait3A_685] : memref<5x80x64xf32, #tpu.memory_space<vmem>> -> memref<1x80x64xf32, #tpu.memory_space<vmem>>
        %dma_wait3A_687 = tpu.memref_squeeze %dma_wait3A_686 : memref<1x80x64xf32, #tpu.memory_space<vmem>> -> memref<80x64xf32, #tpu.memory_space<vmem>>
        %dma_wait3A_688 = arith.constant 0 : i32
        %dma_wait3A_689 = tpu.memref_slice %arg8[%dma_wait3A_681, %add3A_680, %dma_wait3A_688] : memref<2x25x80xi32, #tpu.memory_space<vmem>> -> memref<1x1x80xi32, #tpu.memory_space<vmem>>
        %dma_wait3A_690 = tpu.memref_squeeze %dma_wait3A_689 : memref<1x1x80xi32, #tpu.memory_space<vmem>> -> memref<80xi32, #tpu.memory_space<vmem>>
        %dma_wait3A_691 = arith.constant 0 : i32
        %dma_wait3A_692 = arith.constant 0 : i32
        %dma_wait3A_693 = tpu.memref_slice %arg16[%scan3A_37, %dma_wait3A_691, %dma_wait3A_692] : memref<2x10000x64xf32, #tpu.memory_space<vmem_shared>> -> memref<1x10000x64xf32, #tpu.memory_space<vmem_shared>>
        %dma_wait3A_694 = tpu.memref_squeeze %dma_wait3A_693 : memref<1x10000x64xf32, #tpu.memory_space<vmem_shared>> -> memref<10000x64xf32, #tpu.memory_space<vmem_shared>>
        %dma_wait3A_695 = arith.constant 0 : i32
        %dma_wait3A_696 = arith.constant 0 : i32
        %dma_wait3A_697 = tpu.memref_slice %dma_wait3A_694[%dma_wait3A_695, %dma_wait3A_696] : memref<10000x64xf32, #tpu.memory_space<vmem_shared>> -> memref<10000x64xf32, #tpu.memory_space<vmem_shared>>
        %dma_wait3A_698 = tpu.memref_slice %arg13[%dma_wait3A_683] : memref<5x!tpu.dma_semaphore, #tpu.memory_space<semaphore_mem>> -> memref<1x!tpu.dma_semaphore, #tpu.memory_space<semaphore_mem>>
        %dma_wait3A_699 = tpu.memref_squeeze %dma_wait3A_698 : memref<1x!tpu.dma_semaphore, #tpu.memory_space<semaphore_mem>> -> memref<!tpu.dma_semaphore, #tpu.memory_space<semaphore_mem>>
        tpu.wait_indirect_dma semaphore(%dma_wait3A_699 : memref<!tpu.dma_semaphore, #tpu.memory_space<semaphore_mem>>) src(%dma_wait3A_697 : memref<10000x64xf32, #tpu.memory_space<vmem_shared>>) dst(%dma_wait3A_687 : memref<80x64xf32, #tpu.memory_space<vmem>>)
        %scan3A_700 = arith.constant 0 : i32
        %scan3A_701 = arith.constant 80 : i32
        %scan3A_702 = arith.addi %scan3A_700, %scan3A_701 : i32
        %scan3A_703 = arith.constant 1 : i32
        scf.for %scan3A_781 = %scan3A_700 to %scan3A_702 step %scan3A_703  : i32 {
          %mul3A_782 = arith.constant 1 : i32
          %mul3A_783 = arith.muli %scan3A_781, %mul3A_782 : i32
          %add3A_784 = arith.constant 0 : i32
          %add3A_785 = arith.addi %add3A_784, %mul3A_783 : i32
          %broadcast_in_dim3A = arith.constant 1 : i32
          %broadcast_in_dim3A_786 = vector.broadcast %broadcast_in_dim3A : i32 to vector<16xi32>
          %broadcast_in_dim3A_787 = vector.broadcast %add3A_680 : i32 to vector<16xi32>
          %broadcast_in_dim3A_788 = vector.broadcast %add3A_785 : i32 to vector<16xi32>
          %gather3A = tpu.vector_load_idx %arg10[%broadcast_in_dim3A_786, %broadcast_in_dim3A_787, %broadcast_in_dim3A_788] : memref<2x25x80xf32, #tpu.memory_space<vmem>>[vector<16xi32>, vector<16xi32>, vector<16xi32>], vector<16xf32>,
          %get3A_789 = arith.constant 3 : i32
          %get3A_790 = arith.index_cast %get3A_789 : i32 to index
          %get3A_791 = arith.index_cast %add3A_785 : i32 to index
          %get3A_792 = arith.constant 0 : index
          %get3A_793 = tpu.vector_load %arg12[%get3A_790, %get3A_791, %get3A_792] {strides = array<i32>} : memref<5x80x64xf32, #tpu.memory_space<vmem>>, vector<16xf32>,
          %mul3A_794 = arith.mulf %get3A_793, %gather3A : vector<16xf32>
          %swap3A = arith.constant 3 : i32
          %swap3A_795 = arith.index_cast %swap3A : i32 to index
          %swap3A_796 = arith.index_cast %add3A_785 : i32 to index
          %swap3A_797 = arith.constant 0 : index
          %swap3A_798 = tpu.vector_load %arg12[%swap3A_795, %swap3A_796, %swap3A_797] {strides = array<i32>} : memref<5x80x64xf32, #tpu.memory_space<vmem>>, vector<16xf32>,
          tpu.vector_store %arg12[%swap3A_795, %swap3A_796, %swap3A_797], %mul3A_794 {strides = array<i32>} : memref<5x80x64xf32, #tpu.memory_space<vmem>>, vector<16xf32>,
          %get3A_799 = arith.constant 3 : i32
          %get3A_800 = arith.index_cast %get3A_799 : i32 to index
          %get3A_801 = arith.index_cast %add3A_785 : i32 to index
          %get3A_802 = arith.constant 16 : index
          %get3A_803 = tpu.vector_load %arg12[%get3A_800, %get3A_801, %get3A_802] {strides = array<i32>} : memref<5x80x64xf32, #tpu.memory_space<vmem>>, vector<16xf32>,
          %mul3A_804 = arith.mulf %get3A_803, %gather3A : vector<16xf32>
          %swap3A_805 = arith.constant 3 : i32
          %swap3A_806 = arith.index_cast %swap3A_805 : i32 to index
          %swap3A_807 = arith.index_cast %add3A_785 : i32 to index
          %swap3A_808 = arith.constant 16 : index
          %swap3A_809 = tpu.vector_load %arg12[%swap3A_806, %swap3A_807, %swap3A_808] {strides = array<i32>} : memref<5x80x64xf32, #tpu.memory_space<vmem>>, vector<16xf32>,
          tpu.vector_store %arg12[%swap3A_806, %swap3A_807, %swap3A_808], %mul3A_804 {strides = array<i32>} : memref<5x80x64xf32, #tpu.memory_space<vmem>>, vector<16xf32>,
          %get3A_810 = arith.constant 3 : i32
          %get3A_811 = arith.index_cast %get3A_810 : i32 to index
          %get3A_812 = arith.index_cast %add3A_785 : i32 to index
          %get3A_813 = arith.constant 32 : index
          %get3A_814 = tpu.vector_load %arg12[%get3A_811, %get3A_812, %get3A_813] {strides = array<i32>} : memref<5x80x64xf32, #tpu.memory_space<vmem>>, vector<16xf32>,
          %mul3A_815 = arith.mulf %get3A_814, %gather3A : vector<16xf32>
          %swap3A_816 = arith.constant 3 : i32
          %swap3A_817 = arith.index_cast %swap3A_816 : i32 to index
          %swap3A_818 = arith.index_cast %add3A_785 : i32 to index
          %swap3A_819 = arith.constant 32 : index
          %swap3A_820 = tpu.vector_load %arg12[%swap3A_817, %swap3A_818, %swap3A_819] {strides = array<i32>} : memref<5x80x64xf32, #tpu.memory_space<vmem>>, vector<16xf32>,
          tpu.vector_store %arg12[%swap3A_817, %swap3A_818, %swap3A_819], %mul3A_815 {strides = array<i32>} : memref<5x80x64xf32, #tpu.memory_space<vmem>>, vector<16xf32>,
          %get3A_821 = arith.constant 3 : i32
          %get3A_822 = arith.index_cast %get3A_821 : i32 to index
          %get3A_823 = arith.index_cast %add3A_785 : i32 to index
          %get3A_824 = arith.constant 48 : index
          %get3A_825 = tpu.vector_load %arg12[%get3A_822, %get3A_823, %get3A_824] {strides = array<i32>} : memref<5x80x64xf32, #tpu.memory_space<vmem>>, vector<16xf32>,
          %mul3A_826 = arith.mulf %get3A_825, %gather3A : vector<16xf32>
          %swap3A_827 = arith.constant 3 : i32
          %swap3A_828 = arith.index_cast %swap3A_827 : i32 to index
          %swap3A_829 = arith.index_cast %add3A_785 : i32 to index
          %swap3A_830 = arith.constant 48 : index
          %swap3A_831 = tpu.vector_load %arg12[%swap3A_828, %swap3A_829, %swap3A_830] {strides = array<i32>} : memref<5x80x64xf32, #tpu.memory_space<vmem>>, vector<16xf32>,
          tpu.vector_store %arg12[%swap3A_828, %swap3A_829, %swap3A_830], %mul3A_826 {strides = array<i32>} : memref<5x80x64xf32, #tpu.memory_space<vmem>>, vector<16xf32>,
        }
        %scan3A_704 = arith.constant 80 : i32
        %dma_start3A_705 = arith.constant 3 : i32
        %dma_start3A_706 = arith.constant 1 : i32
        %dma_start3A_707 = arith.constant 3 : i32
        %dma_start3A_708 = arith.constant 0 : i32
        %dma_start3A_709 = arith.constant 0 : i32
        %dma_start3A_710 = tpu.memref_slice %arg12[%dma_start3A_705, %dma_start3A_708, %dma_start3A_709] : memref<5x80x64xf32, #tpu.memory_space<vmem>> -> memref<1x80x64xf32, #tpu.memory_space<vmem>>
        %dma_start3A_711 = tpu.memref_squeeze %dma_start3A_710 : memref<1x80x64xf32, #tpu.memory_space<vmem>> -> memref<80x64xf32, #tpu.memory_space<vmem>>
        %dma_start3A_712 = arith.constant 0 : i32
        %dma_start3A_713 = tpu.memref_slice %arg9[%dma_start3A_706, %add3A_680, %dma_start3A_712] : memref<2x25x80xi32, #tpu.memory_space<vmem>> -> memref<1x1x80xi32, #tpu.memory_space<vmem>>
        %dma_start3A_714 = tpu.memref_squeeze %dma_start3A_713 : memref<1x1x80xi32, #tpu.memory_space<vmem>> -> memref<80xi32, #tpu.memory_space<vmem>>
        %dma_start3A_715 = arith.constant 0 : i32
        %dma_start3A_716 = arith.constant 0 : i32
        %dma_start3A_717 = tpu.memref_slice %arg16[%scan3A_36, %dma_start3A_715, %dma_start3A_716] : memref<2x10000x64xf32, #tpu.memory_space<vmem_shared>> -> memref<1x10000x64xf32, #tpu.memory_space<vmem_shared>>
        %dma_start3A_718 = tpu.memref_squeeze %dma_start3A_717 : memref<1x10000x64xf32, #tpu.memory_space<vmem_shared>> -> memref<10000x64xf32, #tpu.memory_space<vmem_shared>>
        %dma_start3A_719 = arith.constant 0 : i32
        %dma_start3A_720 = arith.constant 0 : i32
        %dma_start3A_721 = tpu.memref_slice %dma_start3A_718[%dma_start3A_719, %dma_start3A_720] : memref<10000x64xf32, #tpu.memory_space<vmem_shared>> -> memref<10000x64xf32, #tpu.memory_space<vmem_shared>>
        %dma_start3A_722 = tpu.memref_slice %arg14[%dma_start3A_707] : memref<5x!tpu.dma_semaphore, #tpu.memory_space<semaphore_mem>> -> memref<1x!tpu.dma_semaphore, #tpu.memory_space<semaphore_mem>>
        %dma_start3A_723 = tpu.memref_squeeze %dma_start3A_722 : memref<1x!tpu.dma_semaphore, #tpu.memory_space<semaphore_mem>> -> memref<!tpu.dma_semaphore, #tpu.memory_space<semaphore_mem>>
        tpu.enqueue_indirect_dma source(%dma_start3A_711 : memref<80x64xf32, #tpu.memory_space<vmem>>) target(%dma_start3A_721 : memref<10000x64xf32, #tpu.memory_space<vmem_shared>>) offsets(%dma_start3A_714 : memref<80xi32, #tpu.memory_space<vmem>>) semaphore(%dma_start3A_723 : memref<!tpu.dma_semaphore, #tpu.memory_space<semaphore_mem>>) {add = true}
        %lt3A_724 = arith.constant 4 : i32
        %lt3A_725 = arith.cmpi slt, %add3A_442, %lt3A_724 : i32
        %convert_element_type3A_726 = arith.extui %lt3A_725 : i1 to i32
        %cond3A_727 = arith.constant 0 : i32
        %cond3A_728 = arith.cmpi ne, %convert_element_type3A_726, %cond3A_727 : i32
        scf.if %cond3A_728 {
          %dma_wait3A_781 = arith.constant 1 : i32
          %dma_wait3A_782 = arith.constant 1 : i32
          %dma_wait3A_783 = arith.constant 1 : i32
          %dma_wait3A_784 = arith.constant 0 : i32
          %dma_wait3A_785 = arith.constant 0 : i32
          %dma_wait3A_786 = tpu.memref_slice %arg12[%dma_wait3A_781, %dma_wait3A_784, %dma_wait3A_785] : memref<5x80x64xf32, #tpu.memory_space<vmem>> -> memref<1x80x64xf32, #tpu.memory_space<vmem>>
          %dma_wait3A_787 = tpu.memref_squeeze %dma_wait3A_786 : memref<1x80x64xf32, #tpu.memory_space<vmem>> -> memref<80x64xf32, #tpu.memory_space<vmem>>
          %dma_wait3A_788 = arith.constant 0 : i32
          %dma_wait3A_789 = tpu.memref_slice %arg9[%dma_wait3A_782, %add3A_680, %dma_wait3A_788] : memref<2x25x80xi32, #tpu.memory_space<vmem>> -> memref<1x1x80xi32, #tpu.memory_space<vmem>>
          %dma_wait3A_790 = tpu.memref_squeeze %dma_wait3A_789 : memref<1x1x80xi32, #tpu.memory_space<vmem>> -> memref<80xi32, #tpu.memory_space<vmem>>
          %dma_wait3A_791 = arith.constant 0 : i32
          %dma_wait3A_792 = arith.constant 0 : i32
          %dma_wait3A_793 = tpu.memref_slice %arg16[%scan3A_36, %dma_wait3A_791, %dma_wait3A_792] : memref<2x10000x64xf32, #tpu.memory_space<vmem_shared>> -> memref<1x10000x64xf32, #tpu.memory_space<vmem_shared>>
          %dma_wait3A_794 = tpu.memref_squeeze %dma_wait3A_793 : memref<1x10000x64xf32, #tpu.memory_space<vmem_shared>> -> memref<10000x64xf32, #tpu.memory_space<vmem_shared>>
          %dma_wait3A_795 = arith.constant 0 : i32
          %dma_wait3A_796 = arith.constant 0 : i32
          %dma_wait3A_797 = tpu.memref_slice %dma_wait3A_794[%dma_wait3A_795, %dma_wait3A_796] : memref<10000x64xf32, #tpu.memory_space<vmem_shared>> -> memref<10000x64xf32, #tpu.memory_space<vmem_shared>>
          %dma_wait3A_798 = tpu.memref_slice %arg14[%dma_wait3A_783] : memref<5x!tpu.dma_semaphore, #tpu.memory_space<semaphore_mem>> -> memref<1x!tpu.dma_semaphore, #tpu.memory_space<semaphore_mem>>
          %dma_wait3A_799 = tpu.memref_squeeze %dma_wait3A_798 : memref<1x!tpu.dma_semaphore, #tpu.memory_space<semaphore_mem>> -> memref<!tpu.dma_semaphore, #tpu.memory_space<semaphore_mem>>
          tpu.wait_indirect_dma semaphore(%dma_wait3A_799 : memref<!tpu.dma_semaphore, #tpu.memory_space<semaphore_mem>>) src(%dma_wait3A_787 : memref<80x64xf32, #tpu.memory_space<vmem>>) dst(%dma_wait3A_797 : memref<10000x64xf32, #tpu.memory_space<vmem_shared>>)
          %add3A_800 = arith.constant 3 : i32
          %add3A_801 = arith.addi %add3A_680, %add3A_800 : i32
          %dma_start3A_802 = arith.constant 1 : i32
          %dma_start3A_803 = arith.constant 1 : i32
          %dma_start3A_804 = arith.constant 1 : i32
          %dma_start3A_805 = arith.constant 0 : i32
          %dma_start3A_806 = arith.constant 0 : i32
          %dma_start3A_807 = tpu.memref_slice %arg12[%dma_start3A_803, %dma_start3A_805, %dma_start3A_806] : memref<5x80x64xf32, #tpu.memory_space<vmem>> -> memref<1x80x64xf32, #tpu.memory_space<vmem>>
          %dma_start3A_808 = tpu.memref_squeeze %dma_start3A_807 : memref<1x80x64xf32, #tpu.memory_space<vmem>> -> memref<80x64xf32, #tpu.memory_space<vmem>>
          %dma_start3A_809 = arith.constant 0 : i32
          %dma_start3A_810 = tpu.memref_slice %arg8[%dma_start3A_802, %add3A_801, %dma_start3A_809] : memref<2x25x80xi32, #tpu.memory_space<vmem>> -> memref<1x1x80xi32, #tpu.memory_space<vmem>>
          %dma_start3A_811 = tpu.memref_squeeze %dma_start3A_810 : memref<1x1x80xi32, #tpu.memory_space<vmem>> -> memref<80xi32, #tpu.memory_space<vmem>>
          %dma_start3A_812 = arith.constant 0 : i32
          %dma_start3A_813 = arith.constant 0 : i32
          %dma_start3A_814 = tpu.memref_slice %arg16[%scan3A_37, %dma_start3A_812, %dma_start3A_813] : memref<2x10000x64xf32, #tpu.memory_space<vmem_shared>> -> memref<1x10000x64xf32, #tpu.memory_space<vmem_shared>>
          %dma_start3A_815 = tpu.memref_squeeze %dma_start3A_814 : memref<1x10000x64xf32, #tpu.memory_space<vmem_shared>> -> memref<10000x64xf32, #tpu.memory_space<vmem_shared>>
          %dma_start3A_816 = arith.constant 0 : i32
          %dma_start3A_817 = arith.constant 0 : i32
          %dma_start3A_818 = tpu.memref_slice %dma_start3A_815[%dma_start3A_816, %dma_start3A_817] : memref<10000x64xf32, #tpu.memory_space<vmem_shared>> -> memref<10000x64xf32, #tpu.memory_space<vmem_shared>>
          %dma_start3A_819 = tpu.memref_slice %arg13[%dma_start3A_804] : memref<5x!tpu.dma_semaphore, #tpu.memory_space<semaphore_mem>> -> memref<1x!tpu.dma_semaphore, #tpu.memory_space<semaphore_mem>>
          %dma_start3A_820 = tpu.memref_squeeze %dma_start3A_819 : memref<1x!tpu.dma_semaphore, #tpu.memory_space<semaphore_mem>> -> memref<!tpu.dma_semaphore, #tpu.memory_space<semaphore_mem>>
          tpu.enqueue_indirect_dma source(%dma_start3A_818 : memref<10000x64xf32, #tpu.memory_space<vmem_shared>>) target(%dma_start3A_808 : memref<80x64xf32, #tpu.memory_space<vmem>>) offsets(%dma_start3A_811 : memref<80xi32, #tpu.memory_space<vmem>>) semaphore(%dma_start3A_820 : memref<!tpu.dma_semaphore, #tpu.memory_space<semaphore_mem>>)
        } else {
        }
        %mul3A_729 = arith.constant 5 : i32
        %mul3A_730 = arith.muli %add3A_442, %mul3A_729 : i32
        %add3A_731 = arith.constant 4 : i32
        %add3A_732 = arith.addi %mul3A_730, %add3A_731 : i32
        %dma_wait3A_733 = arith.constant 1 : i32
        %dma_wait3A_734 = arith.constant 4 : i32
        %dma_wait3A_735 = arith.constant 4 : i32
        %dma_wait3A_736 = arith.constant 0 : i32
        %dma_wait3A_737 = arith.constant 0 : i32
        %dma_wait3A_738 = tpu.memref_slice %arg12[%dma_wait3A_734, %dma_wait3A_736, %dma_wait3A_737] : memref<5x80x64xf32, #tpu.memory_space<vmem>> -> memref<1x80x64xf32, #tpu.memory_space<vmem>>
        %dma_wait3A_739 = tpu.memref_squeeze %dma_wait3A_738 : memref<1x80x64xf32, #tpu.memory_space<vmem>> -> memref<80x64xf32, #tpu.memory_space<vmem>>
        %dma_wait3A_740 = arith.constant 0 : i32
        %dma_wait3A_741 = tpu.memref_slice %arg8[%dma_wait3A_733, %add3A_732, %dma_wait3A_740] : memref<2x25x80xi32, #tpu.memory_space<vmem>> -> memref<1x1x80xi32, #tpu.memory_space<vmem>>
        %dma_wait3A_742 = tpu.memref_squeeze %dma_wait3A_741 : memref<1x1x80xi32, #tpu.memory_space<vmem>> -> memref<80xi32, #tpu.memory_space<vmem>>
        %dma_wait3A_743 = arith.constant 0 : i32
        %dma_wait3A_744 = arith.constant 0 : i32
        %dma_wait3A_745 = tpu.memref_slice %arg16[%scan3A_37, %dma_wait3A_743, %dma_wait3A_744] : memref<2x10000x64xf32, #tpu.memory_space<vmem_shared>> -> memref<1x10000x64xf32, #tpu.memory_space<vmem_shared>>
        %dma_wait3A_746 = tpu.memref_squeeze %dma_wait3A_745 : memref<1x10000x64xf32, #tpu.memory_space<vmem_shared>> -> memref<10000x64xf32, #tpu.memory_space<vmem_shared>>
        %dma_wait3A_747 = arith.constant 0 : i32
        %dma_wait3A_748 = arith.constant 0 : i32
        %dma_wait3A_749 = tpu.memref_slice %dma_wait3A_746[%dma_wait3A_747, %dma_wait3A_748] : memref<10000x64xf32, #tpu.memory_space<vmem_shared>> -> memref<10000x64xf32, #tpu.memory_space<vmem_shared>>
        %dma_wait3A_750 = tpu.memref_slice %arg13[%dma_wait3A_735] : memref<5x!tpu.dma_semaphore, #tpu.memory_space<semaphore_mem>> -> memref<1x!tpu.dma_semaphore, #tpu.memory_space<semaphore_mem>>
        %dma_wait3A_751 = tpu.memref_squeeze %dma_wait3A_750 : memref<1x!tpu.dma_semaphore, #tpu.memory_space<semaphore_mem>> -> memref<!tpu.dma_semaphore, #tpu.memory_space<semaphore_mem>>
        tpu.wait_indirect_dma semaphore(%dma_wait3A_751 : memref<!tpu.dma_semaphore, #tpu.memory_space<semaphore_mem>>) src(%dma_wait3A_749 : memref<10000x64xf32, #tpu.memory_space<vmem_shared>>) dst(%dma_wait3A_739 : memref<80x64xf32, #tpu.memory_space<vmem>>)
        %scan3A_752 = arith.constant 0 : i32
        %scan3A_753 = arith.constant 80 : i32
        %scan3A_754 = arith.addi %scan3A_752, %scan3A_753 : i32
        %scan3A_755 = arith.constant 1 : i32
        scf.for %scan3A_781 = %scan3A_752 to %scan3A_754 step %scan3A_755  : i32 {
          %mul3A_782 = arith.constant 1 : i32
          %mul3A_783 = arith.muli %scan3A_781, %mul3A_782 : i32
          %add3A_784 = arith.constant 0 : i32
          %add3A_785 = arith.addi %add3A_784, %mul3A_783 : i32
          %broadcast_in_dim3A = arith.constant 1 : i32
          %broadcast_in_dim3A_786 = vector.broadcast %broadcast_in_dim3A : i32 to vector<16xi32>
          %broadcast_in_dim3A_787 = vector.broadcast %add3A_732 : i32 to vector<16xi32>
          %broadcast_in_dim3A_788 = vector.broadcast %add3A_785 : i32 to vector<16xi32>
          %gather3A = tpu.vector_load_idx %arg10[%broadcast_in_dim3A_786, %broadcast_in_dim3A_787, %broadcast_in_dim3A_788] : memref<2x25x80xf32, #tpu.memory_space<vmem>>[vector<16xi32>, vector<16xi32>, vector<16xi32>], vector<16xf32>,
          %get3A_789 = arith.constant 4 : i32
          %get3A_790 = arith.index_cast %get3A_789 : i32 to index
          %get3A_791 = arith.index_cast %add3A_785 : i32 to index
          %get3A_792 = arith.constant 0 : index
          %get3A_793 = tpu.vector_load %arg12[%get3A_790, %get3A_791, %get3A_792] {strides = array<i32>} : memref<5x80x64xf32, #tpu.memory_space<vmem>>, vector<16xf32>,
          %mul3A_794 = arith.mulf %get3A_793, %gather3A : vector<16xf32>
          %swap3A = arith.constant 4 : i32
          %swap3A_795 = arith.index_cast %swap3A : i32 to index
          %swap3A_796 = arith.index_cast %add3A_785 : i32 to index
          %swap3A_797 = arith.constant 0 : index
          %swap3A_798 = tpu.vector_load %arg12[%swap3A_795, %swap3A_796, %swap3A_797] {strides = array<i32>} : memref<5x80x64xf32, #tpu.memory_space<vmem>>, vector<16xf32>,
          tpu.vector_store %arg12[%swap3A_795, %swap3A_796, %swap3A_797], %mul3A_794 {strides = array<i32>} : memref<5x80x64xf32, #tpu.memory_space<vmem>>, vector<16xf32>,
          %get3A_799 = arith.constant 4 : i32
          %get3A_800 = arith.index_cast %get3A_799 : i32 to index
          %get3A_801 = arith.index_cast %add3A_785 : i32 to index
          %get3A_802 = arith.constant 16 : index
          %get3A_803 = tpu.vector_load %arg12[%get3A_800, %get3A_801, %get3A_802] {strides = array<i32>} : memref<5x80x64xf32, #tpu.memory_space<vmem>>, vector<16xf32>,
          %mul3A_804 = arith.mulf %get3A_803, %gather3A : vector<16xf32>
          %swap3A_805 = arith.constant 4 : i32
          %swap3A_806 = arith.index_cast %swap3A_805 : i32 to index
          %swap3A_807 = arith.index_cast %add3A_785 : i32 to index
          %swap3A_808 = arith.constant 16 : index
          %swap3A_809 = tpu.vector_load %arg12[%swap3A_806, %swap3A_807, %swap3A_808] {strides = array<i32>} : memref<5x80x64xf32, #tpu.memory_space<vmem>>, vector<16xf32>,
          tpu.vector_store %arg12[%swap3A_806, %swap3A_807, %swap3A_808], %mul3A_804 {strides = array<i32>} : memref<5x80x64xf32, #tpu.memory_space<vmem>>, vector<16xf32>,
          %get3A_810 = arith.constant 4 : i32
          %get3A_811 = arith.index_cast %get3A_810 : i32 to index
          %get3A_812 = arith.index_cast %add3A_785 : i32 to index
          %get3A_813 = arith.constant 32 : index
          %get3A_814 = tpu.vector_load %arg12[%get3A_811, %get3A_812, %get3A_813] {strides = array<i32>} : memref<5x80x64xf32, #tpu.memory_space<vmem>>, vector<16xf32>,
          %mul3A_815 = arith.mulf %get3A_814, %gather3A : vector<16xf32>
          %swap3A_816 = arith.constant 4 : i32
          %swap3A_817 = arith.index_cast %swap3A_816 : i32 to index
          %swap3A_818 = arith.index_cast %add3A_785 : i32 to index
          %swap3A_819 = arith.constant 32 : index
          %swap3A_820 = tpu.vector_load %arg12[%swap3A_817, %swap3A_818, %swap3A_819] {strides = array<i32>} : memref<5x80x64xf32, #tpu.memory_space<vmem>>, vector<16xf32>,
          tpu.vector_store %arg12[%swap3A_817, %swap3A_818, %swap3A_819], %mul3A_815 {strides = array<i32>} : memref<5x80x64xf32, #tpu.memory_space<vmem>>, vector<16xf32>,
          %get3A_821 = arith.constant 4 : i32
          %get3A_822 = arith.index_cast %get3A_821 : i32 to index
          %get3A_823 = arith.index_cast %add3A_785 : i32 to index
          %get3A_824 = arith.constant 48 : index
          %get3A_825 = tpu.vector_load %arg12[%get3A_822, %get3A_823, %get3A_824] {strides = array<i32>} : memref<5x80x64xf32, #tpu.memory_space<vmem>>, vector<16xf32>,
          %mul3A_826 = arith.mulf %get3A_825, %gather3A : vector<16xf32>
          %swap3A_827 = arith.constant 4 : i32
          %swap3A_828 = arith.index_cast %swap3A_827 : i32 to index
          %swap3A_829 = arith.index_cast %add3A_785 : i32 to index
          %swap3A_830 = arith.constant 48 : index
          %swap3A_831 = tpu.vector_load %arg12[%swap3A_828, %swap3A_829, %swap3A_830] {strides = array<i32>} : memref<5x80x64xf32, #tpu.memory_space<vmem>>, vector<16xf32>,
          tpu.vector_store %arg12[%swap3A_828, %swap3A_829, %swap3A_830], %mul3A_826 {strides = array<i32>} : memref<5x80x64xf32, #tpu.memory_space<vmem>>, vector<16xf32>,
        }
        %scan3A_756 = arith.constant 80 : i32
        %dma_start3A_757 = arith.constant 4 : i32
        %dma_start3A_758 = arith.constant 1 : i32
        %dma_start3A_759 = arith.constant 4 : i32
        %dma_start3A_760 = arith.constant 0 : i32
        %dma_start3A_761 = arith.constant 0 : i32
        %dma_start3A_762 = tpu.memref_slice %arg12[%dma_start3A_757, %dma_start3A_760, %dma_start3A_761] : memref<5x80x64xf32, #tpu.memory_space<vmem>> -> memref<1x80x64xf32, #tpu.memory_space<vmem>>
        %dma_start3A_763 = tpu.memref_squeeze %dma_start3A_762 : memref<1x80x64xf32, #tpu.memory_space<vmem>> -> memref<80x64xf32, #tpu.memory_space<vmem>>
        %dma_start3A_764 = arith.constant 0 : i32
        %dma_start3A_765 = tpu.memref_slice %arg9[%dma_start3A_758, %add3A_732, %dma_start3A_764] : memref<2x25x80xi32, #tpu.memory_space<vmem>> -> memref<1x1x80xi32, #tpu.memory_space<vmem>>
        %dma_start3A_766 = tpu.memref_squeeze %dma_start3A_765 : memref<1x1x80xi32, #tpu.memory_space<vmem>> -> memref<80xi32, #tpu.memory_space<vmem>>
        %dma_start3A_767 = arith.constant 0 : i32
        %dma_start3A_768 = arith.constant 0 : i32
        %dma_start3A_769 = tpu.memref_slice %arg16[%scan3A_36, %dma_start3A_767, %dma_start3A_768] : memref<2x10000x64xf32, #tpu.memory_space<vmem_shared>> -> memref<1x10000x64xf32, #tpu.memory_space<vmem_shared>>
        %dma_start3A_770 = tpu.memref_squeeze %dma_start3A_769 : memref<1x10000x64xf32, #tpu.memory_space<vmem_shared>> -> memref<10000x64xf32, #tpu.memory_space<vmem_shared>>
        %dma_start3A_771 = arith.constant 0 : i32
        %dma_start3A_772 = arith.constant 0 : i32
        %dma_start3A_773 = tpu.memref_slice %dma_start3A_770[%dma_start3A_771, %dma_start3A_772] : memref<10000x64xf32, #tpu.memory_space<vmem_shared>> -> memref<10000x64xf32, #tpu.memory_space<vmem_shared>>
        %dma_start3A_774 = tpu.memref_slice %arg14[%dma_start3A_759] : memref<5x!tpu.dma_semaphore, #tpu.memory_space<semaphore_mem>> -> memref<1x!tpu.dma_semaphore, #tpu.memory_space<semaphore_mem>>
        %dma_start3A_775 = tpu.memref_squeeze %dma_start3A_774 : memref<1x!tpu.dma_semaphore, #tpu.memory_space<semaphore_mem>> -> memref<!tpu.dma_semaphore, #tpu.memory_space<semaphore_mem>>
        tpu.enqueue_indirect_dma source(%dma_start3A_763 : memref<80x64xf32, #tpu.memory_space<vmem>>) target(%dma_start3A_773 : memref<10000x64xf32, #tpu.memory_space<vmem_shared>>) offsets(%dma_start3A_766 : memref<80xi32, #tpu.memory_space<vmem>>) semaphore(%dma_start3A_775 : memref<!tpu.dma_semaphore, #tpu.memory_space<semaphore_mem>>) {add = true}
        %lt3A_776 = arith.constant 4 : i32
        %lt3A_777 = arith.cmpi slt, %add3A_442, %lt3A_776 : i32
        %convert_element_type3A_778 = arith.extui %lt3A_777 : i1 to i32
        %cond3A_779 = arith.constant 0 : i32
        %cond3A_780 = arith.cmpi ne, %convert_element_type3A_778, %cond3A_779 : i32
        scf.if %cond3A_780 {
          %dma_wait3A_781 = arith.constant 2 : i32
          %dma_wait3A_782 = arith.constant 1 : i32
          %dma_wait3A_783 = arith.constant 2 : i32
          %dma_wait3A_784 = arith.constant 0 : i32
          %dma_wait3A_785 = arith.constant 0 : i32
          %dma_wait3A_786 = tpu.memref_slice %arg12[%dma_wait3A_781, %dma_wait3A_784, %dma_wait3A_785] : memref<5x80x64xf32, #tpu.memory_space<vmem>> -> memref<1x80x64xf32, #tpu.memory_space<vmem>>
          %dma_wait3A_787 = tpu.memref_squeeze %dma_wait3A_786 : memref<1x80x64xf32, #tpu.memory_space<vmem>> -> memref<80x64xf32, #tpu.memory_space<vmem>>
          %dma_wait3A_788 = arith.constant 0 : i32
          %dma_wait3A_789 = tpu.memref_slice %arg9[%dma_wait3A_782, %add3A_732, %dma_wait3A_788] : memref<2x25x80xi32, #tpu.memory_space<vmem>> -> memref<1x1x80xi32, #tpu.memory_space<vmem>>
          %dma_wait3A_790 = tpu.memref_squeeze %dma_wait3A_789 : memref<1x1x80xi32, #tpu.memory_space<vmem>> -> memref<80xi32, #tpu.memory_space<vmem>>
          %dma_wait3A_791 = arith.constant 0 : i32
          %dma_wait3A_792 = arith.constant 0 : i32
          %dma_wait3A_793 = tpu.memref_slice %arg16[%scan3A_36, %dma_wait3A_791, %dma_wait3A_792] : memref<2x10000x64xf32, #tpu.memory_space<vmem_shared>> -> memref<1x10000x64xf32, #tpu.memory_space<vmem_shared>>
          %dma_wait3A_794 = tpu.memref_squeeze %dma_wait3A_793 : memref<1x10000x64xf32, #tpu.memory_space<vmem_shared>> -> memref<10000x64xf32, #tpu.memory_space<vmem_shared>>
          %dma_wait3A_795 = arith.constant 0 : i32
          %dma_wait3A_796 = arith.constant 0 : i32
          %dma_wait3A_797 = tpu.memref_slice %dma_wait3A_794[%dma_wait3A_795, %dma_wait3A_796] : memref<10000x64xf32, #tpu.memory_space<vmem_shared>> -> memref<10000x64xf32, #tpu.memory_space<vmem_shared>>
          %dma_wait3A_798 = tpu.memref_slice %arg14[%dma_wait3A_783] : memref<5x!tpu.dma_semaphore, #tpu.memory_space<semaphore_mem>> -> memref<1x!tpu.dma_semaphore, #tpu.memory_space<semaphore_mem>>
          %dma_wait3A_799 = tpu.memref_squeeze %dma_wait3A_798 : memref<1x!tpu.dma_semaphore, #tpu.memory_space<semaphore_mem>> -> memref<!tpu.dma_semaphore, #tpu.memory_space<semaphore_mem>>
          tpu.wait_indirect_dma semaphore(%dma_wait3A_799 : memref<!tpu.dma_semaphore, #tpu.memory_space<semaphore_mem>>) src(%dma_wait3A_787 : memref<80x64xf32, #tpu.memory_space<vmem>>) dst(%dma_wait3A_797 : memref<10000x64xf32, #tpu.memory_space<vmem_shared>>)
          %add3A_800 = arith.constant 3 : i32
          %add3A_801 = arith.addi %add3A_732, %add3A_800 : i32
          %dma_start3A_802 = arith.constant 1 : i32
          %dma_start3A_803 = arith.constant 2 : i32
          %dma_start3A_804 = arith.constant 2 : i32
          %dma_start3A_805 = arith.constant 0 : i32
          %dma_start3A_806 = arith.constant 0 : i32
          %dma_start3A_807 = tpu.memref_slice %arg12[%dma_start3A_803, %dma_start3A_805, %dma_start3A_806] : memref<5x80x64xf32, #tpu.memory_space<vmem>> -> memref<1x80x64xf32, #tpu.memory_space<vmem>>
          %dma_start3A_808 = tpu.memref_squeeze %dma_start3A_807 : memref<1x80x64xf32, #tpu.memory_space<vmem>> -> memref<80x64xf32, #tpu.memory_space<vmem>>
          %dma_start3A_809 = arith.constant 0 : i32
          %dma_start3A_810 = tpu.memref_slice %arg8[%dma_start3A_802, %add3A_801, %dma_start3A_809] : memref<2x25x80xi32, #tpu.memory_space<vmem>> -> memref<1x1x80xi32, #tpu.memory_space<vmem>>
          %dma_start3A_811 = tpu.memref_squeeze %dma_start3A_810 : memref<1x1x80xi32, #tpu.memory_space<vmem>> -> memref<80xi32, #tpu.memory_space<vmem>>
          %dma_start3A_812 = arith.constant 0 : i32
          %dma_start3A_813 = arith.constant 0 : i32
          %dma_start3A_814 = tpu.memref_slice %arg16[%scan3A_37, %dma_start3A_812, %dma_start3A_813] : memref<2x10000x64xf32, #tpu.memory_space<vmem_shared>> -> memref<1x10000x64xf32, #tpu.memory_space<vmem_shared>>
          %dma_start3A_815 = tpu.memref_squeeze %dma_start3A_814 : memref<1x10000x64xf32, #tpu.memory_space<vmem_shared>> -> memref<10000x64xf32, #tpu.memory_space<vmem_shared>>
          %dma_start3A_816 = arith.constant 0 : i32
          %dma_start3A_817 = arith.constant 0 : i32
          %dma_start3A_818 = tpu.memref_slice %dma_start3A_815[%dma_start3A_816, %dma_start3A_817] : memref<10000x64xf32, #tpu.memory_space<vmem_shared>> -> memref<10000x64xf32, #tpu.memory_space<vmem_shared>>
          %dma_start3A_819 = tpu.memref_slice %arg13[%dma_start3A_804] : memref<5x!tpu.dma_semaphore, #tpu.memory_space<semaphore_mem>> -> memref<1x!tpu.dma_semaphore, #tpu.memory_space<semaphore_mem>>
          %dma_start3A_820 = tpu.memref_squeeze %dma_start3A_819 : memref<1x!tpu.dma_semaphore, #tpu.memory_space<semaphore_mem>> -> memref<!tpu.dma_semaphore, #tpu.memory_space<semaphore_mem>>
          tpu.enqueue_indirect_dma source(%dma_start3A_818 : memref<10000x64xf32, #tpu.memory_space<vmem_shared>>) target(%dma_start3A_808 : memref<80x64xf32, #tpu.memory_space<vmem>>) offsets(%dma_start3A_811 : memref<80xi32, #tpu.memory_space<vmem>>) semaphore(%dma_start3A_820 : memref<!tpu.dma_semaphore, #tpu.memory_space<semaphore_mem>>)
        } else {
        }
      }
      %scan3A_437 = arith.constant 5 : i32
    }
    %scan3A_42 = arith.constant 5 : i32
    %dma_wait3A = arith.constant 0 : i32
    %dma_wait3A_43 = arith.constant 1 : i32
    %dma_wait3A_44 = arith.constant 1 : i32
    %dma_wait3A_45 = arith.constant 0 : i32
    %dma_wait3A_46 = arith.constant 0 : i32
    %dma_wait3A_47 = arith.constant 0 : i32
    %dma_wait3A_48 = arith.constant 0 : i32
    %dma_wait3A_49 = tpu.memref_slice %arg12[%dma_wait3A, %dma_wait3A_47, %dma_wait3A_48] : memref<5x80x64xf32, #tpu.memory_space<vmem>> -> memref<1x80x64xf32, #tpu.memory_space<vmem>>
    %dma_wait3A_50 = tpu.memref_squeeze %dma_wait3A_49 : memref<1x80x64xf32, #tpu.memory_space<vmem>> -> memref<80x64xf32, #tpu.memory_space<vmem>>
    %dma_wait3A_51 = arith.constant 0 : i32
    %dma_wait3A_52 = tpu.memref_slice %arg9[%dma_wait3A_44, %dma_wait3A_45, %dma_wait3A_51] : memref<2x25x80xi32, #tpu.memory_space<vmem>> -> memref<1x1x80xi32, #tpu.memory_space<vmem>>
    %dma_wait3A_53 = tpu.memref_squeeze %dma_wait3A_52 : memref<1x1x80xi32, #tpu.memory_space<vmem>> -> memref<80xi32, #tpu.memory_space<vmem>>
    %dma_wait3A_54 = arith.constant 0 : i32
    %dma_wait3A_55 = arith.constant 0 : i32
    %dma_wait3A_56 = tpu.memref_slice %arg16[%dma_wait3A_43, %dma_wait3A_54, %dma_wait3A_55] : memref<2x10000x64xf32, #tpu.memory_space<vmem_shared>> -> memref<1x10000x64xf32, #tpu.memory_space<vmem_shared>>
    %dma_wait3A_57 = tpu.memref_squeeze %dma_wait3A_56 : memref<1x10000x64xf32, #tpu.memory_space<vmem_shared>> -> memref<10000x64xf32, #tpu.memory_space<vmem_shared>>
    %dma_wait3A_58 = arith.constant 0 : i32
    %dma_wait3A_59 = arith.constant 0 : i32
    %dma_wait3A_60 = tpu.memref_slice %dma_wait3A_57[%dma_wait3A_58, %dma_wait3A_59] : memref<10000x64xf32, #tpu.memory_space<vmem_shared>> -> memref<10000x64xf32, #tpu.memory_space<vmem_shared>>
    %dma_wait3A_61 = tpu.memref_slice %arg14[%dma_wait3A_46] : memref<5x!tpu.dma_semaphore, #tpu.memory_space<semaphore_mem>> -> memref<1x!tpu.dma_semaphore, #tpu.memory_space<semaphore_mem>>
    %dma_wait3A_62 = tpu.memref_squeeze %dma_wait3A_61 : memref<1x!tpu.dma_semaphore, #tpu.memory_space<semaphore_mem>> -> memref<!tpu.dma_semaphore, #tpu.memory_space<semaphore_mem>>
    tpu.wait_indirect_dma semaphore(%dma_wait3A_62 : memref<!tpu.dma_semaphore, #tpu.memory_space<semaphore_mem>>) src(%dma_wait3A_50 : memref<80x64xf32, #tpu.memory_space<vmem>>) dst(%dma_wait3A_60 : memref<10000x64xf32, #tpu.memory_space<vmem_shared>>)
    %dma_wait3A_63 = arith.constant 1 : i32
    %dma_wait3A_64 = arith.constant 1 : i32
    %dma_wait3A_65 = arith.constant 1 : i32
    %dma_wait3A_66 = arith.constant 0 : i32
    %dma_wait3A_67 = arith.constant 1 : i32
    %dma_wait3A_68 = arith.constant 0 : i32
    %dma_wait3A_69 = arith.constant 0 : i32
    %dma_wait3A_70 = tpu.memref_slice %arg12[%dma_wait3A_63, %dma_wait3A_68, %dma_wait3A_69] : memref<5x80x64xf32, #tpu.memory_space<vmem>> -> memref<1x80x64xf32, #tpu.memory_space<vmem>>
    %dma_wait3A_71 = tpu.memref_squeeze %dma_wait3A_70 : memref<1x80x64xf32, #tpu.memory_space<vmem>> -> memref<80x64xf32, #tpu.memory_space<vmem>>
    %dma_wait3A_72 = arith.constant 0 : i32
    %dma_wait3A_73 = tpu.memref_slice %arg9[%dma_wait3A_65, %dma_wait3A_66, %dma_wait3A_72] : memref<2x25x80xi32, #tpu.memory_space<vmem>> -> memref<1x1x80xi32, #tpu.memory_space<vmem>>
    %dma_wait3A_74 = tpu.memref_squeeze %dma_wait3A_73 : memref<1x1x80xi32, #tpu.memory_space<vmem>> -> memref<80xi32, #tpu.memory_space<vmem>>
    %dma_wait3A_75 = arith.constant 0 : i32
    %dma_wait3A_76 = arith.constant 0 : i32
    %dma_wait3A_77 = tpu.memref_slice %arg16[%dma_wait3A_64, %dma_wait3A_75, %dma_wait3A_76] : memref<2x10000x64xf32, #tpu.memory_space<vmem_shared>> -> memref<1x10000x64xf32, #tpu.memory_space<vmem_shared>>
    %dma_wait3A_78 = tpu.memref_squeeze %dma_wait3A_77 : memref<1x10000x64xf32, #tpu.memory_space<vmem_shared>> -> memref<10000x64xf32, #tpu.memory_space<vmem_shared>>
    %dma_wait3A_79 = arith.constant 0 : i32
    %dma_wait3A_80 = arith.constant 0 : i32
    %dma_wait3A_81 = tpu.memref_slice %dma_wait3A_78[%dma_wait3A_79, %dma_wait3A_80] : memref<10000x64xf32, #tpu.memory_space<vmem_shared>> -> memref<10000x64xf32, #tpu.memory_space<vmem_shared>>
    %dma_wait3A_82 = tpu.memref_slice %arg14[%dma_wait3A_67] : memref<5x!tpu.dma_semaphore, #tpu.memory_space<semaphore_mem>> -> memref<1x!tpu.dma_semaphore, #tpu.memory_space<semaphore_mem>>
    %dma_wait3A_83 = tpu.memref_squeeze %dma_wait3A_82 : memref<1x!tpu.dma_semaphore, #tpu.memory_space<semaphore_mem>> -> memref<!tpu.dma_semaphore, #tpu.memory_space<semaphore_mem>>
    tpu.wait_indirect_dma semaphore(%dma_wait3A_83 : memref<!tpu.dma_semaphore, #tpu.memory_space<semaphore_mem>>) src(%dma_wait3A_71 : memref<80x64xf32, #tpu.memory_space<vmem>>) dst(%dma_wait3A_81 : memref<10000x64xf32, #tpu.memory_space<vmem_shared>>)
    %dma_wait3A_84 = arith.constant 2 : i32
    %dma_wait3A_85 = arith.constant 1 : i32
    %dma_wait3A_86 = arith.constant 1 : i32
    %dma_wait3A_87 = arith.constant 0 : i32
    %dma_wait3A_88 = arith.constant 2 : i32
    %dma_wait3A_89 = arith.constant 0 : i32
    %dma_wait3A_90 = arith.constant 0 : i32
    %dma_wait3A_91 = tpu.memref_slice %arg12[%dma_wait3A_84, %dma_wait3A_89, %dma_wait3A_90] : memref<5x80x64xf32, #tpu.memory_space<vmem>> -> memref<1x80x64xf32, #tpu.memory_space<vmem>>
    %dma_wait3A_92 = tpu.memref_squeeze %dma_wait3A_91 : memref<1x80x64xf32, #tpu.memory_space<vmem>> -> memref<80x64xf32, #tpu.memory_space<vmem>>
    %dma_wait3A_93 = arith.constant 0 : i32
    %dma_wait3A_94 = tpu.memref_slice %arg9[%dma_wait3A_86, %dma_wait3A_87, %dma_wait3A_93] : memref<2x25x80xi32, #tpu.memory_space<vmem>> -> memref<1x1x80xi32, #tpu.memory_space<vmem>>
    %dma_wait3A_95 = tpu.memref_squeeze %dma_wait3A_94 : memref<1x1x80xi32, #tpu.memory_space<vmem>> -> memref<80xi32, #tpu.memory_space<vmem>>
    %dma_wait3A_96 = arith.constant 0 : i32
    %dma_wait3A_97 = arith.constant 0 : i32
    %dma_wait3A_98 = tpu.memref_slice %arg16[%dma_wait3A_85, %dma_wait3A_96, %dma_wait3A_97] : memref<2x10000x64xf32, #tpu.memory_space<vmem_shared>> -> memref<1x10000x64xf32, #tpu.memory_space<vmem_shared>>
    %dma_wait3A_99 = tpu.memref_squeeze %dma_wait3A_98 : memref<1x10000x64xf32, #tpu.memory_space<vmem_shared>> -> memref<10000x64xf32, #tpu.memory_space<vmem_shared>>
    %dma_wait3A_100 = arith.constant 0 : i32
    %dma_wait3A_101 = arith.constant 0 : i32
    %dma_wait3A_102 = tpu.memref_slice %dma_wait3A_99[%dma_wait3A_100, %dma_wait3A_101] : memref<10000x64xf32, #tpu.memory_space<vmem_shared>> -> memref<10000x64xf32, #tpu.memory_space<vmem_shared>>
    %dma_wait3A_103 = tpu.memref_slice %arg14[%dma_wait3A_88] : memref<5x!tpu.dma_semaphore, #tpu.memory_space<semaphore_mem>> -> memref<1x!tpu.dma_semaphore, #tpu.memory_space<semaphore_mem>>
    %dma_wait3A_104 = tpu.memref_squeeze %dma_wait3A_103 : memref<1x!tpu.dma_semaphore, #tpu.memory_space<semaphore_mem>> -> memref<!tpu.dma_semaphore, #tpu.memory_space<semaphore_mem>>
    tpu.wait_indirect_dma semaphore(%dma_wait3A_104 : memref<!tpu.dma_semaphore, #tpu.memory_space<semaphore_mem>>) src(%dma_wait3A_92 : memref<80x64xf32, #tpu.memory_space<vmem>>) dst(%dma_wait3A_102 : memref<10000x64xf32, #tpu.memory_space<vmem_shared>>)
    %dma_wait3A_105 = arith.constant 3 : i32
    %dma_wait3A_106 = arith.constant 1 : i32
    %dma_wait3A_107 = arith.constant 1 : i32
    %dma_wait3A_108 = arith.constant 0 : i32
    %dma_wait3A_109 = arith.constant 3 : i32
    %dma_wait3A_110 = arith.constant 0 : i32
    %dma_wait3A_111 = arith.constant 0 : i32
    %dma_wait3A_112 = tpu.memref_slice %arg12[%dma_wait3A_105, %dma_wait3A_110, %dma_wait3A_111] : memref<5x80x64xf32, #tpu.memory_space<vmem>> -> memref<1x80x64xf32, #tpu.memory_space<vmem>>
    %dma_wait3A_113 = tpu.memref_squeeze %dma_wait3A_112 : memref<1x80x64xf32, #tpu.memory_space<vmem>> -> memref<80x64xf32, #tpu.memory_space<vmem>>
    %dma_wait3A_114 = arith.constant 0 : i32
    %dma_wait3A_115 = tpu.memref_slice %arg9[%dma_wait3A_107, %dma_wait3A_108, %dma_wait3A_114] : memref<2x25x80xi32, #tpu.memory_space<vmem>> -> memref<1x1x80xi32, #tpu.memory_space<vmem>>
    %dma_wait3A_116 = tpu.memref_squeeze %dma_wait3A_115 : memref<1x1x80xi32, #tpu.memory_space<vmem>> -> memref<80xi32, #tpu.memory_space<vmem>>
    %dma_wait3A_117 = arith.constant 0 : i32
    %dma_wait3A_118 = arith.constant 0 : i32
    %dma_wait3A_119 = tpu.memref_slice %arg16[%dma_wait3A_106, %dma_wait3A_117, %dma_wait3A_118] : memref<2x10000x64xf32, #tpu.memory_space<vmem_shared>> -> memref<1x10000x64xf32, #tpu.memory_space<vmem_shared>>
    %dma_wait3A_120 = tpu.memref_squeeze %dma_wait3A_119 : memref<1x10000x64xf32, #tpu.memory_space<vmem_shared>> -> memref<10000x64xf32, #tpu.memory_space<vmem_shared>>
    %dma_wait3A_121 = arith.constant 0 : i32
    %dma_wait3A_122 = arith.constant 0 : i32
    %dma_wait3A_123 = tpu.memref_slice %dma_wait3A_120[%dma_wait3A_121, %dma_wait3A_122] : memref<10000x64xf32, #tpu.memory_space<vmem_shared>> -> memref<10000x64xf32, #tpu.memory_space<vmem_shared>>
    %dma_wait3A_124 = tpu.memref_slice %arg14[%dma_wait3A_109] : memref<5x!tpu.dma_semaphore, #tpu.memory_space<semaphore_mem>> -> memref<1x!tpu.dma_semaphore, #tpu.memory_space<semaphore_mem>>
    %dma_wait3A_125 = tpu.memref_squeeze %dma_wait3A_124 : memref<1x!tpu.dma_semaphore, #tpu.memory_space<semaphore_mem>> -> memref<!tpu.dma_semaphore, #tpu.memory_space<semaphore_mem>>
    tpu.wait_indirect_dma semaphore(%dma_wait3A_125 : memref<!tpu.dma_semaphore, #tpu.memory_space<semaphore_mem>>) src(%dma_wait3A_113 : memref<80x64xf32, #tpu.memory_space<vmem>>) dst(%dma_wait3A_123 : memref<10000x64xf32, #tpu.memory_space<vmem_shared>>)
    %dma_wait3A_126 = arith.constant 4 : i32
    %dma_wait3A_127 = arith.constant 1 : i32
    %dma_wait3A_128 = arith.constant 1 : i32
    %dma_wait3A_129 = arith.constant 0 : i32
    %dma_wait3A_130 = arith.constant 4 : i32
    %dma_wait3A_131 = arith.constant 0 : i32
    %dma_wait3A_132 = arith.constant 0 : i32
    %dma_wait3A_133 = tpu.memref_slice %arg12[%dma_wait3A_126, %dma_wait3A_131, %dma_wait3A_132] : memref<5x80x64xf32, #tpu.memory_space<vmem>> -> memref<1x80x64xf32, #tpu.memory_space<vmem>>
    %dma_wait3A_134 = tpu.memref_squeeze %dma_wait3A_133 : memref<1x80x64xf32, #tpu.memory_space<vmem>> -> memref<80x64xf32, #tpu.memory_space<vmem>>
    %dma_wait3A_135 = arith.constant 0 : i32
    %dma_wait3A_136 = tpu.memref_slice %arg9[%dma_wait3A_128, %dma_wait3A_129, %dma_wait3A_135] : memref<2x25x80xi32, #tpu.memory_space<vmem>> -> memref<1x1x80xi32, #tpu.memory_space<vmem>>
    %dma_wait3A_137 = tpu.memref_squeeze %dma_wait3A_136 : memref<1x1x80xi32, #tpu.memory_space<vmem>> -> memref<80xi32, #tpu.memory_space<vmem>>
    %dma_wait3A_138 = arith.constant 0 : i32
    %dma_wait3A_139 = arith.constant 0 : i32
    %dma_wait3A_140 = tpu.memref_slice %arg16[%dma_wait3A_127, %dma_wait3A_138, %dma_wait3A_139] : memref<2x10000x64xf32, #tpu.memory_space<vmem_shared>> -> memref<1x10000x64xf32, #tpu.memory_space<vmem_shared>>
    %dma_wait3A_141 = tpu.memref_squeeze %dma_wait3A_140 : memref<1x10000x64xf32, #tpu.memory_space<vmem_shared>> -> memref<10000x64xf32, #tpu.memory_space<vmem_shared>>
    %dma_wait3A_142 = arith.constant 0 : i32
    %dma_wait3A_143 = arith.constant 0 : i32
    %dma_wait3A_144 = tpu.memref_slice %dma_wait3A_141[%dma_wait3A_142, %dma_wait3A_143] : memref<10000x64xf32, #tpu.memory_space<vmem_shared>> -> memref<10000x64xf32, #tpu.memory_space<vmem_shared>>
    %dma_wait3A_145 = tpu.memref_slice %arg14[%dma_wait3A_130] : memref<5x!tpu.dma_semaphore, #tpu.memory_space<semaphore_mem>> -> memref<1x!tpu.dma_semaphore, #tpu.memory_space<semaphore_mem>>
    %dma_wait3A_146 = tpu.memref_squeeze %dma_wait3A_145 : memref<1x!tpu.dma_semaphore, #tpu.memory_space<semaphore_mem>> -> memref<!tpu.dma_semaphore, #tpu.memory_space<semaphore_mem>>
    tpu.wait_indirect_dma semaphore(%dma_wait3A_146 : memref<!tpu.dma_semaphore, #tpu.memory_space<semaphore_mem>>) src(%dma_wait3A_134 : memref<80x64xf32, #tpu.memory_space<vmem>>) dst(%dma_wait3A_144 : memref<10000x64xf32, #tpu.memory_space<vmem_shared>>)
    %barrier3A_147 = arith.constant 0 : index
    tpu.barrier barrier_id(%barrier3A_147)
    %run_scoped3A_148 = arith.constant 1 : i32
    "tpu.region"() ({
      %run_scoped3A_155 = tpu.sem_alloc : memref<!tpu.dma_semaphore, #tpu.memory_space<semaphore_mem>>
      %dma_start3A = arith.constant 0 : i32
      %dma_start3A_156 = arith.constant 0 : i32
      %dma_start3A_157 = tpu.memref_slice %arg7[%arg0, %dma_start3A, %dma_start3A_156] : memref<2x10000x64xf32, #tpu.memory_space<hbm>> -> memref<1x10000x64xf32, #tpu.memory_space<hbm>>
      %dma_start3A_158 = tpu.memref_squeeze %dma_start3A_157 : memref<1x10000x64xf32, #tpu.memory_space<hbm>> -> memref<10000x64xf32, #tpu.memory_space<hbm>>
      %dma_start3A_159 = arith.constant 0 : i32
      %dma_start3A_160 = tpu.memref_slice %dma_start3A_158[%mul3A_0, %dma_start3A_159] : memref<10000x64xf32, #tpu.memory_space<hbm>> -> memref<624x64xf32, #tpu.memory_space<hbm>>
      %dma_start3A_161 = arith.constant 0 : i32
      %dma_start3A_162 = arith.constant 0 : i32
      %dma_start3A_163 = tpu.memref_slice %arg16[%run_scoped3A_148, %dma_start3A_161, %dma_start3A_162] : memref<2x10000x64xf32, #tpu.memory_space<vmem_shared>> -> memref<1x10000x64xf32, #tpu.memory_space<vmem_shared>>
      %dma_start3A_164 = tpu.memref_squeeze %dma_start3A_163 : memref<1x10000x64xf32, #tpu.memory_space<vmem_shared>> -> memref<10000x64xf32, #tpu.memory_space<vmem_shared>>
      %dma_start3A_165 = arith.constant 0 : i32
      %dma_start3A_166 = tpu.memref_slice %dma_start3A_164[%mul3A_0, %dma_start3A_165] : memref<10000x64xf32, #tpu.memory_space<vmem_shared>> -> memref<624x64xf32, #tpu.memory_space<vmem_shared>>
      tpu.enqueue_dma source(%dma_start3A_166 : memref<624x64xf32, #tpu.memory_space<vmem_shared>>) target(%dma_start3A_160 : memref<624x64xf32, #tpu.memory_space<hbm>>) target_semaphore(%run_scoped3A_155 : memref<!tpu.dma_semaphore, #tpu.memory_space<semaphore_mem>>)
      %dma_wait3A_167 = arith.constant 0 : i32
      %dma_wait3A_168 = arith.constant 0 : i32
      %dma_wait3A_169 = tpu.memref_slice %arg7[%arg0, %dma_wait3A_167, %dma_wait3A_168] : memref<2x10000x64xf32, #tpu.memory_space<hbm>> -> memref<1x10000x64xf32, #tpu.memory_space<hbm>>
      %dma_wait3A_170 = tpu.memref_squeeze %dma_wait3A_169 : memref<1x10000x64xf32, #tpu.memory_space<hbm>> -> memref<10000x64xf32, #tpu.memory_space<hbm>>
      %dma_wait3A_171 = arith.constant 0 : i32
      %dma_wait3A_172 = tpu.memref_slice %dma_wait3A_170[%mul3A_0, %dma_wait3A_171] : memref<10000x64xf32, #tpu.memory_space<hbm>> -> memref<624x64xf32, #tpu.memory_space<hbm>>
      %dma_wait3A_173 = arith.constant 0 : i32
      %dma_wait3A_174 = arith.constant 0 : i32
      %dma_wait3A_175 = tpu.memref_slice %arg16[%run_scoped3A_148, %dma_wait3A_173, %dma_wait3A_174] : memref<2x10000x64xf32, #tpu.memory_space<vmem_shared>> -> memref<1x10000x64xf32, #tpu.memory_space<vmem_shared>>
      %dma_wait3A_176 = tpu.memref_squeeze %dma_wait3A_175 : memref<1x10000x64xf32, #tpu.memory_space<vmem_shared>> -> memref<10000x64xf32, #tpu.memory_space<vmem_shared>>
      %dma_wait3A_177 = arith.constant 0 : i32
      %dma_wait3A_178 = tpu.memref_slice %dma_wait3A_176[%mul3A_0, %dma_wait3A_177] : memref<10000x64xf32, #tpu.memory_space<vmem_shared>> -> memref<624x64xf32, #tpu.memory_space<vmem_shared>>
      tpu.wait_dma2 semaphore(%run_scoped3A_155 : memref<!tpu.dma_semaphore, #tpu.memory_space<semaphore_mem>>) src(%dma_wait3A_178 : memref<624x64xf32, #tpu.memory_space<vmem_shared>>) dst(%dma_wait3A_172 : memref<624x64xf32, #tpu.memory_space<hbm>>)
      tpu.yield
    }) : () -> ()
    %eq3A_149 = arith.constant 0 : i32
    %eq3A_150 = arith.cmpi eq, %arg1, %eq3A_149 : i32
    %convert_element_type3A_151 = arith.extui %eq3A_150 : i1 to i32
    %cond3A_152 = arith.constant 1 : i32
    %cond3A_153 = arith.constant 0 : i32
    %cond3A_154 = arith.cmpi ne, %convert_element_type3A_151, %cond3A_153 : i32
    scf.if %cond3A_154 {
      "tpu.region"() ({
        %run_scoped3A_155 = tpu.sem_alloc : memref<!tpu.dma_semaphore, #tpu.memory_space<semaphore_mem>>
        %dma_start3A = arith.constant 0 : i32
        %dma_start3A_156 = arith.constant 0 : i32
        %dma_start3A_157 = tpu.memref_slice %arg7[%arg0, %dma_start3A, %dma_start3A_156] : memref<2x10000x64xf32, #tpu.memory_space<hbm>> -> memref<1x10000x64xf32, #tpu.memory_space<hbm>>
        %dma_start3A_158 = tpu.memref_squeeze %dma_start3A_157 : memref<1x10000x64xf32, #tpu.memory_space<hbm>> -> memref<10000x64xf32, #tpu.memory_space<hbm>>
        %dma_start3A_159 = arith.constant 9984 : i32
        %dma_start3A_160 = arith.constant 0 : i32
        %dma_start3A_161 = tpu.memref_slice %dma_start3A_158[%dma_start3A_159, %dma_start3A_160] : memref<10000x64xf32, #tpu.memory_space<hbm>> -> memref<16x64xf32, #tpu.memory_space<hbm>>
        %dma_start3A_162 = arith.constant 0 : i32
        %dma_start3A_163 = arith.constant 0 : i32
        %dma_start3A_164 = tpu.memref_slice %arg16[%cond3A_152, %dma_start3A_162, %dma_start3A_163] : memref<2x10000x64xf32, #tpu.memory_space<vmem_shared>> -> memref<1x10000x64xf32, #tpu.memory_space<vmem_shared>>
        %dma_start3A_165 = tpu.memref_squeeze %dma_start3A_164 : memref<1x10000x64xf32, #tpu.memory_space<vmem_shared>> -> memref<10000x64xf32, #tpu.memory_space<vmem_shared>>
        %dma_start3A_166 = arith.constant 9984 : i32
        %dma_start3A_167 = arith.constant 0 : i32
        %dma_start3A_168 = tpu.memref_slice %dma_start3A_165[%dma_start3A_166, %dma_start3A_167] : memref<10000x64xf32, #tpu.memory_space<vmem_shared>> -> memref<16x64xf32, #tpu.memory_space<vmem_shared>>
        tpu.enqueue_dma source(%dma_start3A_168 : memref<16x64xf32, #tpu.memory_space<vmem_shared>>) target(%dma_start3A_161 : memref<16x64xf32, #tpu.memory_space<hbm>>) target_semaphore(%run_scoped3A_155 : memref<!tpu.dma_semaphore, #tpu.memory_space<semaphore_mem>>)
        %dma_wait3A_169 = arith.constant 0 : i32
        %dma_wait3A_170 = arith.constant 0 : i32
        %dma_wait3A_171 = tpu.memref_slice %arg7[%arg0, %dma_wait3A_169, %dma_wait3A_170] : memref<2x10000x64xf32, #tpu.memory_space<hbm>> -> memref<1x10000x64xf32, #tpu.memory_space<hbm>>
        %dma_wait3A_172 = tpu.memref_squeeze %dma_wait3A_171 : memref<1x10000x64xf32, #tpu.memory_space<hbm>> -> memref<10000x64xf32, #tpu.memory_space<hbm>>
        %dma_wait3A_173 = arith.constant 9984 : i32
        %dma_wait3A_174 = arith.constant 0 : i32
        %dma_wait3A_175 = tpu.memref_slice %dma_wait3A_172[%dma_wait3A_173, %dma_wait3A_174] : memref<10000x64xf32, #tpu.memory_space<hbm>> -> memref<16x64xf32, #tpu.memory_space<hbm>>
        %dma_wait3A_176 = arith.constant 0 : i32
        %dma_wait3A_177 = arith.constant 0 : i32
        %dma_wait3A_178 = tpu.memref_slice %arg16[%cond3A_152, %dma_wait3A_176, %dma_wait3A_177] : memref<2x10000x64xf32, #tpu.memory_space<vmem_shared>> -> memref<1x10000x64xf32, #tpu.memory_space<vmem_shared>>
        %dma_wait3A_179 = tpu.memref_squeeze %dma_wait3A_178 : memref<1x10000x64xf32, #tpu.memory_space<vmem_shared>> -> memref<10000x64xf32, #tpu.memory_space<vmem_shared>>
        %dma_wait3A_180 = arith.constant 9984 : i32
        %dma_wait3A_181 = arith.constant 0 : i32
        %dma_wait3A_182 = tpu.memref_slice %dma_wait3A_179[%dma_wait3A_180, %dma_wait3A_181] : memref<10000x64xf32, #tpu.memory_space<vmem_shared>> -> memref<16x64xf32, #tpu.memory_space<vmem_shared>>
        tpu.wait_dma2 semaphore(%run_scoped3A_155 : memref<!tpu.dma_semaphore, #tpu.memory_space<semaphore_mem>>) src(%dma_wait3A_182 : memref<16x64xf32, #tpu.memory_space<vmem_shared>>) dst(%dma_wait3A_175 : memref<16x64xf32, #tpu.memory_space<hbm>>)
        tpu.yield
      }) : () -> ()
    } else {
    }
    return
  }
}

module attributes {stable_mosaic.version = 14 : i64} {
  func.func @_mm_body(%arg0: i32, %arg1: memref<1000x128xf32, #tpu.memory_space<vmem>>, %arg2: memref<2x128x64xf32, #tpu.memory_space<vmem>>, %arg3: memref<2x1000x64xf32, #tpu.memory_space<vmem>>) attributes {dimension_semantics = [#tpu.dimension_semantics<arbitrary>], iteration_bounds = array<i64: 10>, scalar_prefetch = 0 : i64, scratch_operands = 0 : i64, tpu.core_type = #tpu.core_type<tc>, window_params = [{transform_indices = @transform_0, window_bounds = array<i64: 1000, 128>}, {pipeline_mode = #tpu.pipeline_mode<synchronous>, transform_indices = @transform_1, window_bounds = array<i64: 2, 128, 64>}, {transform_indices = @transform_2, window_bounds = array<i64: 2, 1000, 64>}]} {
    %get3A = arith.constant 0 : index
    %get3A_0 = arith.constant 0 : index
    %get3A_1 = vector.load %arg1[%get3A, %get3A_0] : memref<1000x128xf32, #tpu.memory_space<vmem>>, vector<1000x128xf32>
    %get3A_2 = arith.constant 0 : index
    %get3A_3 = arith.constant 0 : index
    %get3A_4 = arith.constant 0 : index
    %get3A_5 = vector.load %arg2[%get3A_2, %get3A_3, %get3A_4] : memref<2x128x64xf32, #tpu.memory_space<vmem>>, vector<1x128x64xf32>
    %get3A_6 = vector.shape_cast %get3A_5 : vector<1x128x64xf32> to vector<128x64xf32>
    %dot_general3A = arith.constant dense<0.000000e+00> : vector<1000x64xf32>
    %dot_general3A_7 = tpu.matmul %get3A_1, %get3A_6, %dot_general3A {dimension_numbers = #tpu.dot_dimension_numbers<[1], [0], [0], [1], [0, 0, 1, 1], [], []>, transpose_lhs_hint = false} : vector<1000x128xf32>, vector<128x64xf32>, vector<1000x64xf32> -> vector<1000x64xf32>
    %swap3A = arith.constant 0 : index
    %swap3A_8 = arith.constant 0 : index
    %swap3A_9 = arith.constant 0 : index
    %swap3A_10 = vector.load %arg3[%swap3A, %swap3A_8, %swap3A_9] : memref<2x1000x64xf32, #tpu.memory_space<vmem>>, vector<1x1000x64xf32>
    %swap3A_11 = vector.shape_cast %swap3A_10 : vector<1x1000x64xf32> to vector<1000x64xf32>
    %swap3A_12 = vector.shape_cast %dot_general3A_7 : vector<1000x64xf32> to vector<1x1000x64xf32>
    tpu.vector_store %arg3[%swap3A, %swap3A_8, %swap3A_9], %swap3A_12 {strides = array<i32>} : memref<2x1000x64xf32, #tpu.memory_space<vmem>>, vector<1x1000x64xf32>,
    %get3A_13 = arith.constant 0 : index
    %get3A_14 = arith.constant 0 : index
    %get3A_15 = vector.load %arg1[%get3A_13, %get3A_14] : memref<1000x128xf32, #tpu.memory_space<vmem>>, vector<1000x128xf32>
    %get3A_16 = arith.constant 1 : index
    %get3A_17 = arith.constant 0 : index
    %get3A_18 = arith.constant 0 : index
    %get3A_19 = vector.load %arg2[%get3A_16, %get3A_17, %get3A_18] : memref<2x128x64xf32, #tpu.memory_space<vmem>>, vector<1x128x64xf32>
    %get3A_20 = vector.shape_cast %get3A_19 : vector<1x128x64xf32> to vector<128x64xf32>
    %dot_general3A_21 = arith.constant dense<0.000000e+00> : vector<1000x64xf32>
    %dot_general3A_22 = tpu.matmul %get3A_15, %get3A_20, %dot_general3A_21 {dimension_numbers = #tpu.dot_dimension_numbers<[1], [0], [0], [1], [0, 0, 1, 1], [], []>, transpose_lhs_hint = false} : vector<1000x128xf32>, vector<128x64xf32>, vector<1000x64xf32> -> vector<1000x64xf32>
    %swap3A_23 = arith.constant 1 : index
    %swap3A_24 = arith.constant 0 : index
    %swap3A_25 = arith.constant 0 : index
    %swap3A_26 = vector.load %arg3[%swap3A_23, %swap3A_24, %swap3A_25] : memref<2x1000x64xf32, #tpu.memory_space<vmem>>, vector<1x1000x64xf32>
    %swap3A_27 = vector.shape_cast %swap3A_26 : vector<1x1000x64xf32> to vector<1000x64xf32>
    %swap3A_28 = vector.shape_cast %dot_general3A_22 : vector<1000x64xf32> to vector<1x1000x64xf32>
    tpu.vector_store %arg3[%swap3A_23, %swap3A_24, %swap3A_25], %swap3A_28 {strides = array<i32>} : memref<2x1000x64xf32, #tpu.memory_space<vmem>>, vector<1x1000x64xf32>,
    return
  }
  func.func @transform_0(%arg0: i32) -> (i32, i32) {
    %c0_i32 = arith.constant 0 : i32
    %c0_i32_0 = arith.constant 0 : i32
    return %arg0, %c0_i32 : i32, i32
  }
  func.func @transform_1(%arg0: i32) -> (i32, i32, i32) {
    %c0_i32 = arith.constant 0 : i32
    %c0_i32_0 = arith.constant 0 : i32
    %c0_i32_1 = arith.constant 0 : i32
    %c0_i32_2 = arith.constant 0 : i32
    return %c0_i32, %c0_i32_0, %c0_i32_1 : i32, i32, i32
  }
  func.func @transform_2(%arg0: i32) -> (i32, i32, i32) {
    %c0_i32 = arith.constant 0 : i32
    %c0_i32_0 = arith.constant 0 : i32
    %c0_i32_1 = arith.constant 0 : i32
    return %c0_i32, %arg0, %c0_i32_0 : i32, i32, i32
  }
}

</mosaic_0001>

<sc_bundles>
// kernel: kernel.4.cloned.1.call-start
scs
__scs_entry_jumppad:
0x0: {  	(pc) =	sbr.rel $0x88, $3  }
0x1: {  	(tag) =	ssettag $0x0;
	lr =	simm.s32 $0x1  }
0x2: {  	[smem:$0x3F9C] =	sst lr;
	_ =	strace $0xD0000000  }
0x3: {  	_ = 	snop  }
0x4: {  	_ = 	snop  }
0x5: {  	_ = 	snop  }
0x6: {  	_ = 	snop  }
0x7: {  	_ = 	snop  }
__scs_overlays_trampoline_lowered:
0x8: {  	[smem:$0x3FAB] =	sst s0  }
0x9: {  	[smem:$0x3FAC] =	sst s1  }
0xa: {  	[smem:$0x3FAD] =	sst s2  }
0xb: {  	[smem:$0x3FAE] =	sst s3  }
0xc: {  	[smem:$0x3FAF] =	sst s4  }
0xd: {  	[smem:$0x3FB0] =	sst s5  }
0xe: {  	[smem:$0x3FB1] =	sst s6  }
0xf: {  	[smem:$0x3FB2] =	sst s7  }
0x10: {  	[smem:$0x3FB3] =	sst s8  }
0x11: {  	[smem:$0x3FB4] =	sst s9;
	s0 =	simm.s32 @!p0 $0x0  }
0x12: {  	s1 =	sld [smem:$0x3F9A];
	s0 =	simm.s32 @p0 $0x1  }
0x13: {  	[smem:$0x3FB5] =	sst s0;
	s0 =	simm.s32 @!p1 $0x0  }
0x14: {  	s2 =	sld [smem:$0x3F99];
	s0 =	simm.s32 @p1 $0x1  }
0x15: {  	[smem:$0x3FB6] =	sst s0;
	s0 =	simm.s32 @!p2 $0x0  }
0x16: {  	s3 =	sld [smem:$0x3FDB];
	s0 =	simm.s32 @p2 $0x1  }
0x17: {  	s4 =	simm.s32 $0x1BF5;
	[smem:$0x3FB8] =	sst s0  }
0x18: {  	s0 =	sld [smem:$0x3F9B];
	_ =	swait.ge [sflag:s4], $0x0  }
0x19: {  	s7 =	sld [smem:$0x3F9C]  }
0x1a: {  	s8 =	sadd.s32 $0xFFFFE003, lr  }
0x1b: {  	s9 =	sadd.s32 $0xFFFFFEF7, lr;
	s5 =	simm.s32 $0xFFFFFFFF;
	p2 =	slt.u32 s8, $0xFFFFF086  }
0x1c: {  	p1 =	slt.u32 s9, $0xF7A;
	s5 =	simm.s32 @!p2 $0x0  }
0x1d: {  	s5 =	simm.s32 @p1 $0x1;
	p0 =	seq.s32 s7, s2  }
0x1e: {  	s7 =	smul.u32 @!p0 $0xF7A, s2;
	p2 =	seq.s32 @!p0 s5, $0x0  }
0x1f: {  	s9 =	smul.u32 $0xF7A, s1;
	s8 =	simm.s32 @!p0 $0x1BF5;
	p2 =	por !p2, p0  }
0x20: {  	[sflag:s8] =	ssyncset.s32 @!p0 $0xFFFFF086;
	s6 =	sadd.s32 @!p0 s3, s7;
	s7 =	simm.s32 @!p0 $0x108  }
0x21: {  	s3 =	sadd.s32 s3, s9;
	s6 =	sadd.s32 @!p0 $0x88, s6;
	s7 =	simm.s32 @p2 $0x1082  }
0x22: {  	[simem:s7], [sflag:s8] =	dma.local @!p0 [hbm:s6], $0xF7A  }
0x23: {  	s9 =	sor.u32 $0xD0000000, s2;
	s6 =	simm.s32 $0x108;
	_ =	swait.ge @!p0 [sflag:s8], $0x0  }
0x24: {  	s3 =	sadd.s32 $0x88, s3;
	s6 =	simm.s32 @!p1 $0x1082;
	[sflag:s4] =	ssyncset.s32 $0xFFFFF086  }
0x25: {  	[simem:s6], [sflag:s4] =	dma.local [hbm:s3], $0xF7A  }
0x26: {  	[smem:$0x3F9C] =	sst s1;
	(tag) =	ssettag s2;
	_ =	strace s9  }
0x27: {  	s1 =	sld [smem:$0x3FAC]  }
0x28: {  	s2 =	sld [smem:$0x3FAD]  }
0x29: {  	s4 =	sld [smem:$0x3FAF]  }
0x2a: {  	p0 =	seq.s32 s5, $0x0;
	s5 =	sld [smem:$0x3FB0]  }
0x2b: {  	s6 =	sld [smem:$0x3FB1]  }
0x2c: {  	s7 =	sld [smem:$0x3FB2]  }
0x2d: {  	s3 =	simm.s32 $0x108;
	s8 =	sld [smem:$0x3FB3]  }
0x2e: {  	s3 =	simm.s32 @!p0 $0x1082;
	s9 =	sld [smem:$0x3FB4]  }
0x2f: {  	lr =	sadd.s32 s0, s3;
	s0 =	sld [smem:$0x3FAB]  }
0x30: {  	s3 =	sld [smem:$0x3FAE]  }
0x31: {  	[smem:$0x3FB7] =	sst s10  }
0x32: {  	s10 =	sld [smem:$0x3FB5];
	_ =	sdelay $0x3  }
0x33: {  	p0 =	seq.s32 s10, $0x1;
	s10 =	sld [smem:$0x3FB7];
	_ =	sdelay $0x3  }
0x34: {  	[smem:$0x3FB7] =	sst s10  }
0x35: {  	s10 =	sld [smem:$0x3FB6];
	_ =	sdelay $0x3  }
0x36: {  	p1 =	seq.s32 s10, $0x1;
	s10 =	sld [smem:$0x3FB7];
	_ =	sdelay $0x3  }
0x37: {  	[smem:$0x3FB7] =	sst s10  }
0x38: {  	s10 =	sld [smem:$0x3FB8]  }
0x39: {  	_ = 	snop;
	(pc) =	sbr.ind lr, $3  }
0x3a: {  	_ = 	snop  }
0x3b: {  	_ = 	snop  }
0x3c: {  	p2 =	seq.s32 s10, $0x1;
	s10 =	sld [smem:$0x3FB7]  }
0x3d: {  	_ =	shalt  }
0x3e: {  	_ =	shalt  }
0x3f: {  	_ =	shalt  }
0x40: {  	_ =	shalt  }
0x41: {  	_ =	shalt  }
0x42: {  	_ =	shalt  }
0x43: {  	_ =	shalt  }
0x44: {  	_ =	shalt  }
0x45: {  	_ =	shalt  }
0x46: {  	_ =	shalt  }
0x47: {  	_ =	shalt  }
0x48: {  	_ =	shalt  }
0x49: {  	_ =	shalt  }
0x4a: {  	_ =	shalt  }
0x4b: {  	_ =	shalt  }
0x4c: {  	_ =	shalt  }
0x4d: {  	_ =	shalt  }
0x4e: {  	_ =	shalt  }
0x4f: {  	_ =	shalt  }
0x50: {  	_ =	shalt  }
0x51: {  	_ =	shalt  }
0x52: {  	_ =	shalt  }
0x53: {  	_ =	shalt  }
0x54: {  	_ =	shalt  }
0x55: {  	_ =	shalt  }
0x56: {  	_ =	shalt  }
0x57: {  	_ =	shalt  }
0x58: {  	_ =	shalt  }
0x59: {  	_ =	shalt  }
0x5a: {  	_ =	shalt  }
0x5b: {  	_ =	shalt  }
0x5c: {  	_ =	shalt  }
0x5d: {  	_ =	shalt  }
0x5e: {  	_ =	shalt  }
0x5f: {  	_ =	shalt  }
0x60: {  	_ =	shalt  }
0x61: {  	_ =	shalt  }
0x62: {  	_ =	shalt  }
0x63: {  	_ =	shalt  }
0x64: {  	_ =	shalt  }
0x65: {  	_ =	shalt  }
0x66: {  	_ =	shalt  }
0x67: {  	_ =	shalt  }
0x68: {  	_ =	shalt  }
0x69: {  	_ =	shalt  }
0x6a: {  	_ =	shalt  }
0x6b: {  	_ =	shalt  }
0x6c: {  	_ =	shalt  }
0x6d: {  	_ =	shalt  }
0x6e: {  	_ =	shalt  }
0x6f: {  	_ =	shalt  }
0x70: {  	_ =	shalt  }
0x71: {  	_ =	shalt  }
0x72: {  	_ =	shalt  }
0x73: {  	_ =	shalt  }
0x74: {  	_ =	shalt  }
0x75: {  	_ =	shalt  }
0x76: {  	_ =	shalt  }
0x77: {  	_ =	shalt  }
0x78: {  	_ =	shalt  }
0x79: {  	_ =	shalt  }
0x7a: {  	_ =	shalt  }
0x7b: {  	_ =	shalt  }
0x7c: {  	_ =	shalt  }
0x7d: {  	_ =	shalt  }
0x7e: {  	_ =	shalt  }
0x7f: {  	_ =	shalt  }
0x80: {  	_ =	shalt  }
0x81: {  	_ =	shalt  }
0x82: {  	_ =	shalt  }
0x83: {  	_ =	shalt  }
0x84: {  	_ =	shalt  }
0x85: {  	_ =	shalt  }
0x86: {  	_ =	shalt  }
0x87: {  	_ =	shalt  }
.Lfunc_end0:
.L_simem_size_0:
called_computation_lowered:
.L_overlay_start_0:
0x88: {  	s2 =	sld [smem:$0x3FD9]  }
0x89: {  	s3 =	sld [smem:$0x3FFE];
	_ =	sdelay $0x1  }
0x8a: {  	s1 =	srdreg.scid  }
0x8b: {  	s0 =	sand.u32 $0x1, s1  }
0x8c: {  	s17 =	sshll.u32 s0, $0xA;
	s2 =	sadd.s32 s3, s2  }
0x8d: {  	s2 =	sadd.s32 s2, s17  }
0x8e: {  	[smem:$0x3FC3] =	sst s2  }
0x8f: {  	_ = 	snop  }
0x90: {  	s2 =	sld [smem:$0x3FC7]  }
0x91: {  	s18 =	sld [smem:$0x3FC5]  }
0x92: {  	s4 =	sld [smem:$0x3FD0];
	(tm) =	ssettm $0x1  }
0x93: {  	s5 =	sld [smem:$0x3FFB];
	_ =	sdelay $0x3  }
0x94: {  	_ =	strace s5  }
0x95: {  	s5 =	sld [smem:$0x3FFC];
	_ =	sdelay $0x3  }
0x96: {  	_ =	strace s5  }
0x97: {  	s5 =	sld [smem:$0x3FFD];
	_ =	sdelay $0x3  }
0x98: {  	_ =	strace s5  }
0x99: {  	_ =	strace $0x8FFFFFFF  }
0x9a: {  	s19 =	sld [smem:$0x3FDB];
	_ =	sdelay $0x1  }
0x9b: {  	s6 =	simm.s32 $_scs_section_size  }
0x9c: {  	s7 =	simm.s32 $_size__tile_overlayer_lowered;
	s8 =	simm.s32 $_tile_overlayer_lowered  }
0x9d: {  	s22 =	simm.s32 $0x1BFF;
	s21 =	sshll.u32 s8, $0x1;
	s5 =	sadd.s32 s6, s19  }
0x9e: {  	s9 =	simm.s32 $0x0;
	s20 =	sshll.u32 s7, $0x1;
	s7 =	sadd.s32 s21, s5  }
0x9f: {  	[timem:s9], [sflag:s22] =	dma.local [hbm:s7], s20  }
0xa0: {  	_ =	swait.ge [sflag:s22], s20  }
0xa1: {  	s6 =	ssub.s32 $0x0, s20;
	[sflag:s22] =	ssyncset.done $0x0  }
0xa2: {  	[sflag:s22] =	ssyncadd.s32 s6;
	_ =	sdelay $0x1  }
0xa3: {  	s23 =	simm.s32 $0x1B8B  }
0xa4: {  	_ =	swait.ge [sflag:s23], $0x1  }
0xa5: {  	[sflag:s23] =	ssyncset.done $0x0  }
0xa6: {  	s25 =	simm.s32 $0x1B8E;
	s24 =	sld [smem:$0x3FFE];
	[sflag:s23] =	ssyncadd.s32 $0xFFFFFFFF  }
0xa7: {  	s26 =	simm.s32 $execute0_lowered;
	[smem:$0x3FD2] =	sst s25  }
0xa8: {  	s7 =	sshll.u32 s26, $0x1;
	_ =	strace $0x80000046;
	[dreg:$0x1] =	wrdreg $0xFFFFFFFF  }
0xa9: {  	s28 =	simm.s32 $_size_execute0_lowered;
	s5 =	sadd.s32 s5, s7;
	[dreg:$0x0] =	wrdreg $0x0  }
0xaa: {  	s7 =	sshll.u32 s28, $0x1;
	[dreg:$0x2] =	wrdreg s5  }
0xab: {  	[dreg:$0x3] =	wrdreg s7  }
0xac: {  	[dreg:$0x4] =	wrdreg $0xC0  }
0xad: {  	_ =	task [dreg:s9], $0x5FFFF  }
0xae: {  	[dreg:$0x1] =	wrdreg $0xFFFFFFFF  }
0xaf: {  	[dreg:$0x0] =	wrdreg $0x60  }
0xb0: {  	[dreg:$0x2] =	wrdreg s4  }
0xb1: {  	[dreg:$0x3] =	wrdreg s24  }
0xb2: {  	[dreg:$0x4] =	wrdreg s2  }
0xb3: {  	[dreg:$0x5] =	wrdreg s18  }
0xb4: {  	[dreg:$0x6] =	wrdreg $0xACE00  }
0xb5: {  	[dreg:$0x7] =	wrdreg $0x9  }
0xb6: {  	_ =	task.clear_ibuf [dreg:s9], $0x8FFFF;
	_ =	strace $0x90000046  }
0xb7: {  	s29 =	simm.s32 $0x9;
	_ =	strace $0x80000048  }
0xb8: {  	_ =	swait.ge [sflag:s29], $0x1  }
0xb9: {  	[sflag:s29] =	ssyncadd.s32 $0xFFFFFFFF  }
0xba: {  	_ =	strace $0x90000048  }
0xbb: {  	_ =	sfence  }
0xbc: {  	s30 =	sld [smem:$0x0];
	_ =	sdelay $0x2  }
0xbd: {  	s31 =	sshll.u32 s1, $0xD;
	s1 =	sshrl.u32 s1, $0x2  }
0xbe: {  	s3 =	sand.u32 $0x4000, s31;
	s1 =	sadd.s32 s1, s30  }
0xbf: {  	s0 =	sor.u32 s3, s0;
	s1 =	sshll.u32 s1, $0x11  }
0xc0: {  	s0 =	sor.u32 s1, s0  }
0xc1: {  	s0 =	sadd.s32 $0x8F2B, s0  }
0xc2: {  	[sflag:s0] =	ssyncadd.remote.s32 $0x1  }
0xc3: {  	_ =	sfence.sel $0xFFFF  }
0xc4: {  	[dreg:$0x0] =	wrdreg $0xFFFFFFFF;
	(pc) =	sbr.abs _section_cstart, $3  }
0xc5: {  	[dreg:$0x1] =	wrdreg $0xFFFFFFFF  }
0xc6: {  	_ =	task.clear_ibuf [dreg:s9], $0x2FFFF;
	_ =	strace $0x9FFFFFFF  }
0xc7: {  	(tm) =	ssettm $0x7FFFFFFF  }
tec
execute0_lowered:
.L_overlay_start_1:
0x0: {  	(tag) =	ssettag $0x1  }
0x1: {  	s0 =	rddreg [dreg:$0x0]  }
0x2: {  	s11 =	rddreg [dreg:$0x1]  }
0x3: {  	s12 =	rddreg [dreg:$0x2]  }
0x4: {  	s1 =	rddreg [dreg:$0x3]  }
0x5: {  	s3 =	rddreg [dreg:$0x4];
	s4 =	simm.s32 $0x0  }
0x6: {  	s2 =	srdreg.scid;
	s5 =	stileid.u32;
	s31 =	simm.s32 $0xA  }
0x7: {  	[smem:$0x7FF] =	sst s4;
	s2 =	sand.u32 $0x1, s2;
	s8 =	smul.u32 $0x9C00, s5  }
0x8: {  	s13 =	sadd.s32 $0x9E00, s11;
	s30 =	sshll.u32 s5, $0x6;
	s10 =	sadd.s32 $0x9C400, s3  }
0x9: {  	s17 =	sadd.s32 $0x138400, s3;
	s15 =	smul.u32 $0x27000, s5;
	p0 =	sne.s32 s5, $0x0  }
0xa: {  	s26 =	smul.u32 $0x13880, s2;
	s6 =	ssub.s32 $0x2, s2;
	_ =	strace $0x80000047  }
0xb: {  	s2 =	sshll.u32 s2, $0x3;
	s16 =	sor.u32 $0x1C0D, s30;
	[dreg:$0x6] =	wrdreg s13  }
0xc: {  	[dreg:$0xc] =	wrdreg s17;
	s7 =	sshrl.u32 s6, $0x1;
	s28 =	sadd.s32 s8, s3  }
0xd: {  	s29 =	sshrl.u32 s8, $0x3;
	s1 =	sadd.s32 s1, s2;
	s2 =	sadd.s32 $0x9C000, s3  }
0xe: {  	s21 =	sshrl.u32 s15, $0x2;
	s23 =	sadd.s32 s8, s10;
	[dreg:$0x9] =	wrdreg s16  }
0xf: {  	s15 =	simm.s32 $0x2;
	s9 =	sadd.s32 s26, s11;
	[dreg:$0x7] =	wrdreg s29  }
0x10: {  	s6 =	ssub.s32 s6, s7;
	[dreg:$0xa] =	wrdreg s1;
	s28 =	sshrl.u32 s28, $0x3  }
0x11: {  	s0 =	sadd.s32 s0, s26;
	s2 =	sshrl.u32 @!p0 s2, $0x3;
	[dreg:$0x17] =	wrdreg s28  }
0x12: {  	s1 =	sshrl.u32 s23, $0x3;
	s7 =	simm.s32 $0x2EE0;
	[dreg:$0x18] =	wrdreg s2  }
0x13: {  	s23 =	simm.s32 $0x4;
	s4 =	sadd.s32 s29, s0;
	[dreg:$0x19] =	wrdreg s1  }
0x14: {  	s0 =	sadd.s32 $0x13800, s0;
	s22 =	sadd.s32 $0x13C00, s9;
	[dreg:$0x8] =	wrdreg s4  }
0x15: {  	s24 =	smax.u32 s6, $0x1;
	s4 =	smul.u32 $0x4E20, s5;
	[dreg:$0xb] =	wrdreg s0  }
0x16: {  	s6 =	simm.s32 $0xD;
	s9 =	simm.s32 $0x70E0;
	[dreg:$0x12] =	wrdreg s22  }
0x17: {  	[dreg:$0x14] =	wrdreg s24;
	s22 =	simm.s32 $0x3;
	s19 =	sadd.s32 $0x7D0, s4  }
0x18: {  	s14 =	sshrl.u32 s4, $0x3;
	s20 =	sadd.s32 $0xFA0, s4;
	[dreg:$0x10] =	wrdreg s19  }
0x19: {  	s24 =	simm.s32 $0x5;
	s11 =	sadd.s32 s11, s14;
	[dreg:$0x11] =	wrdreg s20  }
0x1a: {  	s5 =	simm.s32 $0x0;
	s18 =	sadd.s32 s13, s14;
	[dreg:$0xd] =	wrdreg s11  }
0x1b: {  	s4 =	simm.s32 $0x1F40;
	s0 =	sadd.s32 s12, s14;
	[dreg:$0xe] =	wrdreg s18  }
0x1c: {  	s20 =	simm.s32 $0x48E0;
	[dreg:$0xf] =	wrdreg s0;
	s0 =	sadd.s32 s21, s10  }
0x1d: {  	s14 =	simm.s32 $0x84E0;
	s25 =	sadd.s32 $0x1A00, s0;
	[dreg:$0x13] =	wrdreg s0  }
.Ltmp0:
0x1e: {  	s26 =	sadd.s32 $0x3400, s0;
	[dreg:$0x15] =	wrdreg s25;
	(pc) =	sbr.rel .LBB2_1-.Ltmp0, $4  }
0x1f: {  	s19 =	simm.s32 $0x8;
	s29 =	sadd.s32 $0x4E00, s0;
	[dreg:$0x16] =	wrdreg s26  }
0x20: {  	s11 =	simm.s32 $0x1;
	s30 =	sadd.s32 $0x6800, s0;
	[dreg:$0x1a] =	wrdreg s29  }
0x21: {  	s21 =	simm.s32 $0x98E0;
	s0 =	sadd.s32 $0x8200, s0;
	[dreg:$0x1b] =	wrdreg s30  }
0x22: {  	s18 =	simm.s32 $0x9;
	[dreg:$0x1c] =	wrdreg s0;
	s0 =	simm.s32 $0x50  }
.LBB2_31:
0x23: {  	s1 =	simm.s32 $0x6  }
0x24: {  	_ =	swait.ge [sflag:s1], $0x1400  }
0x25: {  	[sflag:s1] =	ssyncset.done $0x0  }
0x26: {  	s26 =	simm.s32 $0x7;
	[sflag:s1] =	ssyncadd.s32 $0xFFFFEC00  }
0x27: {  	_ =	swait.ge [sflag:s26], $0x1400  }
0x28: {  	[sflag:s26] =	ssyncset.done $0x0  }
0x29: {  	[sflag:s26] =	ssyncadd.s32 $0xFFFFEC00  }
0x2a: {  	_ =	swait.ge [sflag:s19], $0x1400  }
0x2b: {  	[sflag:s19] =	ssyncset.done $0x0  }
0x2c: {  	[sflag:s19] =	ssyncadd.s32 $0xFFFFEC00  }
0x2d: {  	_ =	swait.ge [sflag:s18], $0x1400  }
0x2e: {  	[sflag:s18] =	ssyncset.done $0x0  }
0x2f: {  	[sflag:s18] =	ssyncadd.s32 $0xFFFFEC00  }
0x30: {  	_ =	swait.ge [sflag:s31], $0x1400  }
0x31: {  	[sflag:s31] =	ssyncset.done $0x0  }
0x32: {  	[sflag:s31] =	ssyncadd.s32 $0xFFFFEC00  }
0x33: {  	[bflag:$0x0] =	sbarrier.arrive $0xFFFF  }
0x34: {  	s28 =	rddreg [dreg:$0x7]  }
0x35: {  	s2 =	rddreg [dreg:$0x12]  }
0x36: {  	s16 =	rddreg [dreg:$0x9]  }
0x37: {  	s6 =	simm.s32 $0xD;
	s5 =	rddreg [dreg:$0x19];
	s1 =	sadd.s32 s28, s2  }
0x38: {  	[hbm:s1], [sflag:s16] =	dma.local [spmem:s5], $0x1380  }
0x39: {  	_ =	swait.ge [sflag:s6], $0x1380  }
0x3a: {  	[sflag:s6] =	ssyncset.done $0x0;
	s17 =	rddreg [dreg:$0xc]  }
0x3b: {  	s1 =	sadd.s32 @!p0 $0x13800, s2;
	[sflag:s6] =	ssyncadd.s32 $0xFFFFEC80;
	s2 =	sshrl.u32 @!p0 s17, $0x3  }
0x3c: {  	[hbm:s1], [sflag:s16] =	dma.local @!p0 [spmem:s2], $0x80  }
0x3d: {  	s1 =	simm.s32 @!p0 $0xD  }
0x3e: {  	_ =	swait.ge @!p0 [sflag:s1], $0x80  }
0x3f: {  	s29 =	rddreg [dreg:$0x1d]  }
0x40: {  	s30 =	rddreg [dreg:$0x14];
	s5 =	sadd.s32 $0x1, s29  }
0x41: {  	p1 =	sne.s32 s5, s30  }
.Ltmp1:
0x42: {  	_ = 	snop;
	(pc) =	sbr.rel @!p1 .LBB2_32-.Ltmp1, $3  }
0x43: {  	_ =	sdelay $0x1  }
0x44: {  	[sflag:s1] =	ssyncset.done @!p0 $0x0  }
0x45: {  	s7 =	simm.s32 $0x2EE0;
	[sflag:s1] =	ssyncadd.s32 @!p0 $0xFFFFFF80  }
.LBB2_1:
0x46: {  	[dreg:$0x1d] =	wrdreg s5  }
0x47: {  	s1 =	rddreg [dreg:$0x8]  }
0x48: {  	s2 =	rddreg [dreg:$0x17]  }
0x49: {  	[spmem:s2], [sflag:s16] =	dma.local [hbm:s1], $0x1380  }
0x4a: {  	_ =	swait.ge [sflag:s6], $0x1380  }
0x4b: {  	[sflag:s6] =	ssyncset.done $0x0  }
0x4c: {  	s29 =	simm.s32 $0x0;
	s30 =	rddreg [dreg:$0xa];
	[sflag:s6] =	ssyncadd.s32 $0xFFFFEC80  }
0x4d: {  	[tilespmem:s7], [sflag:$0xD] =	stream.linear.gather [hbm4b:s30+s29], $0x40, $0x38;
	[tilespmem:$0x1E560] =	vst v63  }
0x4e: {  	_ =	swait.ge [sflag:s6], $0x40  }
0x4f: {  	[sflag:s6] =	ssyncset.done $0x0  }
0x50: {  	[sflag:s6] =	ssyncadd.s32 $0xFFFFFFC0  }
0x51: {  	v3 =	vld [tilespmem:$0x2F10]  }
0x52: {  	v2 =	vld [tilespmem:$0x2F00]  }
0x53: {  	v0 =	vld [tilespmem:$0x2EE0]  }
0x54: {  	v1 =	vld [tilespmem:$0x2EF0]  }
0x55: {  	s2 =	simm.s32 $0x100;
	s1 =	simm.s32 $0x0  }
.LBB2_2:
0x56: {  	p1 =	sne.s32 s2, $0x6600;
	[tilespmem:s1+$0x2F50] =	vst v3;
	s5 =	smov.u32 s2;
	s2 =	sadd.s32 $0x100, s2  }
.Ltmp2:
0x57: {  	[tilespmem:s1+$0x2F40] =	vst v2;
	(pc) =	sbr.rel @p1 .LBB2_2-.Ltmp2, $3  }
0x58: {  	[tilespmem:s1+$0x2F20] =	vst v0  }
0x59: {  	[tilespmem:s1+$0x2F30] =	vst v1;
	_ =	sdelay $0x1  }
0x5a: {  	s1 =	sshra.s32 s5, $0x2  }
0x5b: {  	[tilespmem:s1+$0x2F50] =	vst v3  }
0x5c: {  	[tilespmem:s1+$0x2F40] =	vst v2  }
0x5d: {  	[tilespmem:s1+$0x2F20] =	vst v0  }
0x5e: {  	[tilespmem:s1+$0x2F30] =	vst v1;
	s2 =	rddreg [dreg:$0x13]  }
0x5f: {  	[spmem:s2] =	stream.linear.scatter [tilespmem:s7], [sflag:$0xD], $0x1A00, $0x38;
	[tilespmem:$0x1E560] =	vst v63  }
0x60: {  	_ =	swait.ge [sflag:s6], $0x1A00  }
0x61: {  	[sflag:s6] =	ssyncset.done $0x0  }
0x62: {  	s5 =	rddreg [dreg:$0x15];
	[sflag:s6] =	ssyncadd.s32 $0xFFFFE600  }
0x63: {  	[spmem:s5] =	stream.linear.scatter [tilespmem:s7], [sflag:$0xD], $0x1A00, $0x38;
	[tilespmem:$0x1E560] =	vst v63  }
0x64: {  	_ =	swait.ge [sflag:s6], $0x1A00  }
0x65: {  	[sflag:s6] =	ssyncset.done $0x0  }
0x66: {  	s8 =	rddreg [dreg:$0x16];
	[sflag:s6] =	ssyncadd.s32 $0xFFFFE600  }
0x67: {  	[spmem:s8] =	stream.linear.scatter [tilespmem:s7], [sflag:$0xD], $0x1A00, $0x38;
	[tilespmem:$0x1E560] =	vst v63  }
0x68: {  	_ =	swait.ge [sflag:s6], $0x1A00  }
0x69: {  	[sflag:s6] =	ssyncset.done $0x0  }
0x6a: {  	s12 =	rddreg [dreg:$0x1a];
	[sflag:s6] =	ssyncadd.s32 $0xFFFFE600  }
0x6b: {  	[spmem:s12] =	stream.linear.scatter [tilespmem:s7], [sflag:$0xD], $0x1A00, $0x38;
	[tilespmem:$0x1E560] =	vst v63  }
0x6c: {  	_ =	swait.ge [sflag:s6], $0x1A00  }
0x6d: {  	[sflag:s6] =	ssyncset.done $0x0  }
0x6e: {  	s13 =	rddreg [dreg:$0x1b];
	[sflag:s6] =	ssyncadd.s32 $0xFFFFE600  }
0x6f: {  	[spmem:s13] =	stream.linear.scatter [tilespmem:s7], [sflag:$0xD], $0x1A00, $0x38;
	[tilespmem:$0x1E560] =	vst v63  }
0x70: {  	_ =	swait.ge [sflag:s6], $0x1A00  }
0x71: {  	[sflag:s6] =	ssyncset.done $0x0  }
0x72: {  	s25 =	rddreg [dreg:$0x1c];
	[sflag:s6] =	ssyncadd.s32 $0xFFFFE600  }
0x73: {  	[spmem:s25] =	stream.linear.scatter [tilespmem:s7], [sflag:$0xD], $0x1A00, $0x38;
	[tilespmem:$0x1E560] =	vst v63  }
0x74: {  	_ =	swait.ge [sflag:s6], $0x1A00  }
0x75: {  	[sflag:s6] =	ssyncset.done $0x0;
	s1 =	rddreg [dreg:$0xb]  }
0x76: {  	s2 =	rddreg [dreg:$0x18];
	[sflag:s6] =	ssyncadd.s32 $0xFFFFE600  }
0x77: {  	[spmem:s2], [sflag:s16] =	dma.local @!p0 [hbm:s1], $0x80  }
0x78: {  	s1 =	simm.s32 @!p0 $0xD  }
0x79: {  	_ =	swait.ge @!p0 [sflag:s1], $0x80  }
0x7a: {  	[sflag:s1] =	ssyncset.done @!p0 $0x0  }
0x7b: {  	s2 =	simm.s32 @!p0 $0x2EE0;
	[sflag:s1] =	ssyncadd.s32 @!p0 $0xFFFFFF80  }
0x7c: {  	[spmem:s17] =	stream.linear.scatter @!p0 [tilespmem:s2], [sflag:$0xD], $0x400, $0x38;
	[tilespmem:$0x1E560] =	vst v63  }
0x7d: {  	_ =	swait.ge @!p0 [sflag:s1], $0x400  }
0x7e: {  	[sflag:s1] =	ssyncset.done @!p0 $0x0  }
0x7f: {  	s8 =	simm.s32 $0x0;
	s26 =	rddreg [dreg:$0xd];
	[sflag:s1] =	ssyncadd.s32 @!p0 $0xFFFFFC00  }
0x80: {  	[tilespmem:s8], [sflag:$0xD] =	stream.linear.gather [hbm4b:s26+s8], $0x7D0, $0x38;
	[tilespmem:$0x1E560] =	vst v63  }
0x81: {  	_ =	swait.ge [sflag:s6], $0x7D0  }
0x82: {  	[sflag:s6] =	ssyncset.done $0x0  }
0x83: {  	s29 =	simm.s32 $0xFA0;
	s28 =	rddreg [dreg:$0xe];
	[sflag:s6] =	ssyncadd.s32 $0xFFFFF830  }
0x84: {  	[tilespmem:s29], [sflag:$0xD] =	stream.linear.gather [hbm4b:s28+s8], $0x7D0, $0x38;
	[tilespmem:$0x1E560] =	vst v63  }
0x85: {  	_ =	swait.ge [sflag:s6], $0x7D0  }
0x86: {  	[sflag:s6] =	ssyncset.done $0x0  }
0x87: {  	s30 =	rddreg [dreg:$0xf];
	[sflag:s6] =	ssyncadd.s32 $0xFFFFF830  }
0x88: {  	[tilespmem:s4], [sflag:$0xD] =	stream.linear.gather [hbm4b:s30+s8], $0x7D0, $0x38;
	[tilespmem:$0x1E560] =	vst v63  }
.Ltmp3:
0x89: {  	_ =	swait.ge [sflag:s6], $0x7D0;
	(pc) =	sbr.rel .LBB2_4-.Ltmp3, $3  }
0x8a: {  	[sflag:s6] =	ssyncset.done $0x0  }
0x8b: {  	[sflag:s6] =	ssyncadd.s32 $0xFFFFF830  }
0x8c: {  	[bflag:$0x0] =	sbarrier.arrive $0xFFFF;
	_ =	sdelay $0x1  }
.LBB2_30:
0x8d: {  	s8 =	sadd.s32 $0x1, s8  }
0x8e: {  	p1 =	sne.s32 s8, $0x5  }
.Ltmp4:
0x8f: {  	_ = 	snop;
	(pc) =	sbr.rel @!p1 .LBB2_31-.Ltmp4, $1  }
0x90: {  	_ =	sdelay $0x3  }
.LBB2_4:
0x91: {  	p1 =	sne.s32 s8, $0x0  }
0x92: {  	s1 =	simm.s32 @p1 $0xB  }
0x93: {  	_ =	swait.ge @p1 [sflag:s1], $0x7D0  }
0x94: {  	[sflag:s1] =	ssyncset.done @p1 $0x0  }
0x95: {  	[sflag:s1] =	ssyncadd.s32 @p1 $0xFFFFF830  }
0x96: {  	_ =	swait.ge @p1 [sflag:s1], $0x7D0  }
0x97: {  	[sflag:s1] =	ssyncset.done @p1 $0x0  }
0x98: {  	[sflag:s1] =	ssyncadd.s32 @p1 $0xFFFFF830  }
0x99: {  	_ =	swait.ge @p1 [sflag:s1], $0x7D0  }
0x9a: {  	[sflag:s1] =	ssyncset.done @p1 $0x0  }
0x9b: {  	[sflag:s1] =	ssyncadd.s32 @p1 $0xFFFFF830;
	s1 =	simm.s32 @p1 $0x6  }
0x9c: {  	_ =	swait.ge @p1 [sflag:s1], $0x1400  }
0x9d: {  	s2 =	simm.s32 @p1 $0x0;
	[sflag:s1] =	ssyncset.done @p1 $0x0  }
0x9e: {  	s5 =	simm.s32 @p1 $0x48E0;
	[sflag:s1] =	ssyncadd.s32 @p1 $0xFFFFEC00;
	s1 =	simm.s32 @p1 $0x50  }
0x9f: {  	[tilespmem:s5], [sflag:$0x1] =	stream.indirect.gather @p1 [spmem:s3], $0x40, s2, s1, $0xb8;
	[tilespmem:$0x1E560] =	vst v63  }
0xa0: {  	s2 =	simm.s32 @p1 $0x7  }
0xa1: {  	_ =	swait.ge @p1 [sflag:s2], $0x1400  }
0xa2: {  	[sflag:s2] =	ssyncset.done @p1 $0x0  }
0xa3: {  	[sflag:s2] =	ssyncadd.s32 @p1 $0xFFFFEC00;
	s2 =	simm.s32 @p1 $0x5CE0  }
0xa4: {  	[tilespmem:s2], [sflag:$0x2] =	stream.indirect.gather @p1 [spmem:s3], $0x40, s1, s1, $0xb8;
	[tilespmem:$0x1E560] =	vst v63  }
0xa5: {  	s13 =	smul.u32 $0xFA0, s8;
	s1 =	simm.s32 @p1 $0x8  }
0xa6: {  	s5 =	simm.s32 @!p1 $0x48E0;
	_ =	swait.ge @p1 [sflag:s1], $0x1400  }
0xa7: {  	s2 =	simm.s32 @!p1 $0x0;
	[dreg:$0x1e] =	wrdreg s13;
	[sflag:s1] =	ssyncset.done @p1 $0x0  }
0xa8: {  	s17 =	rddreg [dreg:$0x10];
	[sflag:s1] =	ssyncadd.s32 @p1 $0xFFFFEC00;
	s1 =	simm.s32 @!p1 $0x50  }
0xa9: {  	[tilespmem:s5], [sflag:$0x1] =	stream.indirect.gather @!p1 [spmem:s3], $0x40, s2, s1, $0xb8;
	[tilespmem:$0x1E560] =	vst v63  }
0xaa: {  	s26 =	rddreg [dreg:$0x6];
	s2 =	simm.s32 @!p1 $0x5CE0  }
0xab: {  	[tilespmem:s2], [sflag:$0x2] =	stream.indirect.gather @!p1 [spmem:s3], $0x40, s1, s1, $0xb8;
	[tilespmem:$0x1E560] =	vst v63  }
0xac: {  	s16 =	simm.s32 $0xA0;
	s25 =	rddreg [dreg:$0x1];
	s1 =	sadd.s32 s13, s17  }
0xad: {  	s30 =	simm.s32 $0x0;
	s29 =	rddreg [dreg:$0x2];
	s1 =	sshrl.u32 s1, $0x3  }
0xae: {  	[tilespmem:s9], [sflag:$0x3] =	stream.indirect.gather [spmem:s3], $0x40, s16, s0, $0xb8;
	[tilespmem:$0x1E560] =	vst v63  }
0xaf: {  	s6 =	sadd.s32 s25, s1;
	s12 =	sadd.s32 s26, s1;
	s28 =	sadd.s32 s29, s1  }
.LBB2_5:
0xb0: {  	s16 =	smul.u32 $0x5, s30  }
0xb1: {  	p1 =	sne.s32 s30, $0x1  }
0xb2: {  	s1 =	simm.s32 @!p1 $0x0;
	s2 =	simm.s32 @!p1 $0x7D0;
	v0 =	vmov s16  }
0xb3: {  	[tilespmem:s2], [sflag:$0xC] =	stream.linear.gather @!p1 [hbm4b:s6+s1], $0x7D0, $0x38;
	v0 =	vmul.u32 $0x50, v0;
	[tilespmem:$0x1E560] =	vst v63  }
0xb4: {  	s5 =	simm.s32 $0x0;
	s2 =	simm.s32 @!p1 $0x1770  }
0xb5: {  	v1 =	vmov s5;
	[tilespmem:s2], [sflag:$0xC] =	stream.linear.gather @!p1 [hbm4b:s12+s1], $0x7D0, $0x38;
	v0 =	vbroadcast v0, $0x0;
	[tilespmem:$0x1E560] =	vst v63  }
0xb6: {  	v2 =	vand.u32 $0x78, v1;
	s2 =	simm.s32 @!p1 $0x2710  }
0xb7: {  	v1 =	vand.u32 $0x7, v1;
	[tilespmem:s2], [sflag:$0xC] =	stream.linear.gather @!p1 [hbm4b:s28+s1], $0x7D0, $0x38;
	v2 =	vadd.s32 v0, v2;
	[tilespmem:$0x1E560] =	vst v63  }
0xb8: {  	_ =	swait.ge [sflag:s11], $0x1400;
	v1 =	vor.u32 v1, v2  }
0xb9: {  	[sflag:s11] =	ssyncset.done $0x0  }
0xba: {  	s1 =	simm.s32 $0x4900;
	[sflag:s11] =	ssyncadd.s32 $0xFFFFEC00  }
0xbb: {  	v3 =	vld [tilespmem:s1+$0xFFFFFFF0]  }
0xbc: {  	v4 =	vld [tilespmem:s1+$0x10]  }
0xbd: {  	v6 =	vld.idx.msk [tilespmem:v1+s4+$0x0], $0xffff  }
0xbe: {  	v1 =	vld [tilespmem:s1+$0xFFFFFFE0]  }
0xbf: {  	v7 =	vld [tilespmem:s1+$0x0]  }
0xc0: {  	s29 =	simm.s32 $0x1  }
0xc1: {  	v2 =	vmov s29  }
0xc2: {  	v5 =	vand.u32 $0x78, v2;
	v8 =	vand.u32 $0x7, v2  }
0xc3: {  	v9 =	vadd.s32 v0, v5;
	v2 =	vmul.f32 v1, v6;
	v5 =	vmul.f32 v4, v6  }
0xc4: {  	s5 =	simm.s32 $0x4900;
	s2 =	simm.s32 $0x2;
	v1 =	vor.u32 v8, v9;
	v4 =	vmul.f32 v3, v6;
	v3 =	vmul.f32 v7, v6  }
.LBB2_6:
0xc5: {  	p1 =	sne.s32 s2, $0x4F  }
0xc6: {  	[tilespmem:s1+$0x10] =	vst v5;
	s5 =	sadd.s32 $0x40, s5;
	s7 =	smov.u32 s2;
	s2 =	sadd.s32 $0x1, s2  }
0xc7: {  	[tilespmem:s1+$0xFFFFFFE0] =	vst v2  }
0xc8: {  	v6 =	vld [tilespmem:s5+$0xFFFFFFF0];
	[tilespmem:s1+$0xFFFFFFF0] =	vst v4  }
0xc9: {  	v4 =	vld [tilespmem:s5+$0x10];
	[tilespmem:s1+$0x0] =	vst v3;
	s1 =	smov.u32 s5  }
0xca: {  	v3 =	vld.idx.msk [tilespmem:v1+s4+$0x0], $0xffff  }
0xcb: {  	v1 =	vld [tilespmem:s5+$0xFFFFFFE0]  }
0xcc: {  	v7 =	vld [tilespmem:s5+$0x0]  }
.Ltmp5:
0xcd: {  	(pc) =	sbr.rel @p1 .LBB2_6-.Ltmp5, $4  }
0xce: {  	v2 =	vmov s7  }
0xcf: {  	v5 =	vand.u32 $0x78, v2;
	v8 =	vand.u32 $0x7, v2  }
0xd0: {  	v9 =	vadd.s32 v0, v5;
	v5 =	vmul.f32 v4, v3;
	v2 =	vmul.f32 v1, v3  }
0xd1: {  	v4 =	vmul.f32 v6, v3;
	v1 =	vor.u32 v8, v9;
	v3 =	vmul.f32 v7, v3  }
0xd2: {  	[tilespmem:s1+$0x10] =	vst v5  }
0xd3: {  	s5 =	sadd.s32 $0x40, s5;
	[tilespmem:s1+$0xFFFFFFE0] =	vst v2  }
0xd4: {  	v0 =	vld [tilespmem:s5+$0xFFFFFFF0];
	[tilespmem:s1+$0xFFFFFFF0] =	vst v4  }
0xd5: {  	v2 =	vld [tilespmem:s5+$0x10];
	[tilespmem:s1+$0x0] =	vst v3  }
0xd6: {  	v1 =	vld.idx.msk [tilespmem:v1+s4+$0x0], $0xffff  }
0xd7: {  	v3 =	vld [tilespmem:s5+$0xFFFFFFE0];
	_ =	sdelay $0x1  }
0xd8: {  	v4 =	vld [tilespmem:s5+$0x0];
	_ =	sdelay $0x1  }
0xd9: {  	v2 =	vmul.f32 v2, v1  }
0xda: {  	v3 =	vmul.f32 v3, v1  }
0xdb: {  	s17 =	smul.u32 $0x640, s30;
	v0 =	vmul.f32 v0, v1;
	[tilespmem:s5+$0x10] =	vst v2  }
0xdc: {  	v1 =	vmul.f32 v4, v1;
	[tilespmem:s5+$0xFFFFFFE0] =	vst v3  }
0xdd: {  	s2 =	sshra.s32 s17, $0x2;
	[tilespmem:s5+$0xFFFFFFF0] =	vst v0  }
0xde: {  	s7 =	sor.u32 s8, s30;
	[tilespmem:s5+$0x0] =	vst v1;
	s5 =	sadd.s32 $0xFA0, s2  }
0xdf: {  	[spmem:s10] =	stream.indirect.scatter.add.f32 [tilespmem:s20], [sflag:$0x6], $0x40, s5, s0, $0xb8;
	[tilespmem:$0x1E560] =	vst v63  }
0xe0: {  	p1 =	seq.s32 s7, $0x0;
	s5 =	sadd.s32 $0x1, s16  }
0xe1: {  	s7 =	simm.s32 @!p1 $0x9;
	v0 =	vmov s5  }
0xe2: {  	s26 =	sadd.s32 $0x3, s16;
	_ =	swait.ge @!p1 [sflag:s7], $0x1400;
	v0 =	vmul.u32 $0x50, v0  }
0xe3: {  	s13 =	simm.s32 $0x0;
	s1 =	smul.u32 $0x50, s26;
	[sflag:s7] =	ssyncset.done @!p1 $0x0  }
0xe4: {  	v1 =	vmov s13;
	[sflag:s7] =	ssyncadd.s32 @!p1 $0xFFFFEC00;
	v0 =	vbroadcast v0, $0x0  }
0xe5: {  	v2 =	vand.u32 $0x78, v1;
	[tilespmem:s14], [sflag:$0x4] =	stream.indirect.gather [spmem:s3], $0x40, s1, s0, $0xb8;
	[tilespmem:$0x1E560] =	vst v63  }
0xe6: {  	v1 =	vand.u32 $0x7, v1;
	_ =	swait.ge [sflag:s15], $0x1400;
	v2 =	vadd.s32 v0, v2  }
0xe7: {  	[sflag:s15] =	ssyncset.done $0x0;
	v2 =	vor.u32 v1, v2  }
0xe8: {  	s25 =	simm.s32 $0x5D10;
	[sflag:s15] =	ssyncadd.s32 $0xFFFFEC00  }
0xe9: {  	v1 =	vld [tilespmem:s25+$0xFFFFFFF0]  }
0xea: {  	v4 =	vld [tilespmem:s25+$0xFFFFFFE0]  }
0xeb: {  	v5 =	vld [tilespmem:s25+$0xFFFFFFD0]  }
0xec: {  	v2 =	vld.idx.msk [tilespmem:v2+s4+$0x0], $0xffff  }
0xed: {  	v3 =	vld [tilespmem:s25+$0x0]  }
0xee: {  	s13 =	simm.s32 $0x1  }
0xef: {  	s29 =	simm.s32 $0x5D10;
	v6 =	vmov s13;
	s7 =	simm.s32 $0x2  }
.LBB2_8:
0xf0: {  	p2 =	sne.s32 s7, $0x4F;
	v7 =	vand.u32 $0x78, v6;
	v6 =	vand.u32 $0x7, v6  }
0xf1: {  	v4 =	vmul.f32 v4, v2;
	v7 =	vadd.s32 v0, v7;
	v5 =	vmul.f32 v5, v2  }
0xf2: {  	v6 =	vor.u32 v6, v7;
	v7 =	vmul.f32 v1, v2;
	v2 =	vmul.f32 v3, v2  }
0xf3: {  	[tilespmem:s25+$0xFFFFFFD0] =	vst v5  }
0xf4: {  	s25 =	sadd.s32 $0x40, s25;
	[tilespmem:s29+$0xFFFFFFE0] =	vst v4  }
0xf5: {  	v1 =	vld [tilespmem:s25+$0xFFFFFFF0];
	[tilespmem:s29+$0xFFFFFFF0] =	vst v7  }
0xf6: {  	v4 =	vld [tilespmem:s25+$0xFFFFFFE0];
	[tilespmem:s29+$0x0] =	vst v2;
	s29 =	smov.u32 s25  }
.Ltmp6:
0xf7: {  	v2 =	vld.idx.msk [tilespmem:v6+s4+$0x0], $0xffff;
	(pc) =	sbr.rel @p2 .LBB2_8-.Ltmp6, $3  }
0xf8: {  	v5 =	vld [tilespmem:s25+$0xFFFFFFD0]  }
0xf9: {  	v3 =	vld [tilespmem:s25+$0x0];
	_ =	sdelay $0x1  }
0xfa: {  	v6 =	vmov s7;
	s7 =	sadd.s32 $0x1, s7  }
0xfb: {  	v7 =	vand.u32 $0x78, v6  }
0xfc: {  	v6 =	vand.u32 $0x7, v6;
	v5 =	vmul.f32 v5, v2;
	v0 =	vadd.s32 v0, v7  }
0xfd: {  	v4 =	vmul.f32 v4, v2;
	v0 =	vor.u32 v6, v0  }
0xfe: {  	v1 =	vmul.f32 v1, v2;
	[tilespmem:s25+$0xFFFFFFD0] =	vst v5  }
0xff: {  	s7 =	sadd.s32 $0x40, s25;
	v2 =	vmul.f32 v3, v2;
	[tilespmem:s29+$0xFFFFFFE0] =	vst v4  }
0x100: {  	v4 =	vld [tilespmem:s7+$0xFFFFFFF0];
	[tilespmem:s29+$0xFFFFFFF0] =	vst v1  }
0x101: {  	v1 =	vld [tilespmem:s7+$0xFFFFFFE0];
	[tilespmem:s29+$0x0] =	vst v2  }
0x102: {  	v0 =	vld.idx.msk [tilespmem:v0+s4+$0x0], $0xffff  }
0x103: {  	v2 =	vld [tilespmem:s7+$0xFFFFFFD0];
	_ =	sdelay $0x2  }
0x104: {  	v3 =	vld [tilespmem:s7+$0x0];
	_ =	sdelay $0x1  }
0x105: {  	v2 =	vmul.f32 v2, v0  }
0x106: {  	v1 =	vmul.f32 v1, v0  }
0x107: {  	s5 =	smul.u32 $0x140, s5;
	v4 =	vmul.f32 v4, v0;
	[tilespmem:s7+$0xFFFFFFD0] =	vst v2  }
0x108: {  	v0 =	vmul.f32 v3, v0;
	[tilespmem:s7+$0xFFFFFFE0] =	vst v1  }
0x109: {  	s13 =	simm.s32 $0x5CE0;
	s5 =	sshra.s32 s5, $0x2;
	[tilespmem:s7+$0xFFFFFFF0] =	vst v4  }
0x10a: {  	s25 =	sadd.s32 $0xFA0, s5;
	s5 =	sadd.s32 $0x2, s16;
	[tilespmem:s7+$0x0] =	vst v0;
	s7 =	simm.s32 @!p1 $0xA  }
0x10b: {  	v0 =	vmov s5;
	[spmem:s10] =	stream.indirect.scatter.add.f32 [tilespmem:s13], [sflag:$0x7], $0x40, s25, s0, $0xb8;
	[tilespmem:$0x1E560] =	vst v63  }
0x10c: {  	s29 =	sadd.s32 $0x4, s16;
	v0 =	vmul.u32 $0x50, v0;
	_ =	swait.ge @!p1 [sflag:s7], $0x1400  }
0x10d: {  	s16 =	smul.u32 $0x50, s29;
	s25 =	simm.s32 $0x0;
	[sflag:s7] =	ssyncset.done @!p1 $0x0  }
0x10e: {  	v1 =	vmov s25;
	v0 =	vbroadcast v0, $0x0;
	[sflag:s7] =	ssyncadd.s32 @!p1 $0xFFFFEC00  }
0x10f: {  	v2 =	vand.u32 $0x78, v1;
	[tilespmem:s21], [sflag:$0x5] =	stream.indirect.gather [spmem:s3], $0x40, s16, s0, $0xb8;
	[tilespmem:$0x1E560] =	vst v63  }
0x110: {  	v1 =	vand.u32 $0x7, v1;
	v2 =	vadd.s32 v0, v2;
	_ =	swait.ge [sflag:s22], $0x1400  }
0x111: {  	v2 =	vor.u32 v1, v2;
	[sflag:s22] =	ssyncset.done $0x0  }
0x112: {  	s25 =	simm.s32 $0x7110;
	[sflag:s22] =	ssyncadd.s32 $0xFFFFEC00  }
0x113: {  	v1 =	vld [tilespmem:s25+$0xFFFFFFF0]  }
0x114: {  	v4 =	vld [tilespmem:s25+$0xFFFFFFE0]  }
0x115: {  	v5 =	vld [tilespmem:s25+$0xFFFFFFD0]  }
0x116: {  	v2 =	vld.idx.msk [tilespmem:v2+s4+$0x0], $0xffff  }
0x117: {  	v3 =	vld [tilespmem:s25+$0x0]  }
0x118: {  	s13 =	simm.s32 $0x1  }
0x119: {  	v6 =	vmov s13;
	s13 =	simm.s32 $0x2;
	s7 =	simm.s32 $0x7110  }
.LBB2_10:
0x11a: {  	p1 =	sne.s32 s13, $0x4F;
	v7 =	vand.u32 $0x78, v6;
	v6 =	vand.u32 $0x7, v6  }
0x11b: {  	v4 =	vmul.f32 v4, v2;
	v7 =	vadd.s32 v0, v7;
	v5 =	vmul.f32 v5, v2  }
0x11c: {  	v6 =	vor.u32 v6, v7;
	v7 =	vmul.f32 v1, v2;
	v2 =	vmul.f32 v3, v2  }
0x11d: {  	[tilespmem:s25+$0xFFFFFFD0] =	vst v5  }
0x11e: {  	s25 =	sadd.s32 $0x40, s25;
	[tilespmem:s7+$0xFFFFFFE0] =	vst v4  }
0x11f: {  	v1 =	vld [tilespmem:s25+$0xFFFFFFF0];
	[tilespmem:s7+$0xFFFFFFF0] =	vst v7  }
0x120: {  	v4 =	vld [tilespmem:s25+$0xFFFFFFE0];
	[tilespmem:s7+$0x0] =	vst v2;
	s7 =	smov.u32 s25  }
.Ltmp7:
0x121: {  	v2 =	vld.idx.msk [tilespmem:v6+s4+$0x0], $0xffff;
	(pc) =	sbr.rel @p1 .LBB2_10-.Ltmp7, $3  }
0x122: {  	v5 =	vld [tilespmem:s25+$0xFFFFFFD0]  }
0x123: {  	v3 =	vld [tilespmem:s25+$0x0];
	_ =	sdelay $0x1  }
0x124: {  	v6 =	vmov s13;
	s13 =	sadd.s32 $0x1, s13  }
0x125: {  	v7 =	vand.u32 $0x78, v6  }
0x126: {  	v6 =	vand.u32 $0x7, v6;
	v5 =	vmul.f32 v5, v2;
	v0 =	vadd.s32 v0, v7  }
0x127: {  	v4 =	vmul.f32 v4, v2;
	v0 =	vor.u32 v6, v0  }
0x128: {  	v1 =	vmul.f32 v1, v2;
	[tilespmem:s25+$0xFFFFFFD0] =	vst v5  }
0x129: {  	s13 =	sadd.s32 $0x40, s25;
	v2 =	vmul.f32 v3, v2;
	[tilespmem:s7+$0xFFFFFFE0] =	vst v4  }
0x12a: {  	v4 =	vld [tilespmem:s13+$0xFFFFFFF0];
	[tilespmem:s7+$0xFFFFFFF0] =	vst v1  }
0x12b: {  	v1 =	vld [tilespmem:s13+$0xFFFFFFE0];
	[tilespmem:s7+$0x0] =	vst v2  }
0x12c: {  	v0 =	vld.idx.msk [tilespmem:v0+s4+$0x0], $0xffff  }
0x12d: {  	v2 =	vld [tilespmem:s13+$0xFFFFFFD0];
	_ =	sdelay $0x2  }
0x12e: {  	v3 =	vld [tilespmem:s13+$0x0];
	_ =	sdelay $0x1  }
0x12f: {  	v2 =	vmul.f32 v2, v0  }
0x130: {  	v1 =	vmul.f32 v1, v0  }
0x131: {  	s5 =	smul.u32 $0x140, s5;
	v4 =	vmul.f32 v4, v0;
	[tilespmem:s13+$0xFFFFFFD0] =	vst v2  }
0x132: {  	v0 =	vmul.f32 v3, v0;
	[tilespmem:s13+$0xFFFFFFE0] =	vst v1  }
0x133: {  	s5 =	sshra.s32 s5, $0x2;
	[tilespmem:s13+$0xFFFFFFF0] =	vst v4  }
0x134: {  	p1 =	seq.s32 s30, $0x4;
	s5 =	sadd.s32 $0xFA0, s5;
	[tilespmem:s13+$0x0] =	vst v0  }
0x135: {  	[spmem:s10] =	stream.indirect.scatter.add.f32 [tilespmem:s9], [sflag:$0x8], $0x40, s5, s0, $0xb8;
	[tilespmem:$0x1E560] =	vst v63  }
0x136: {  	v0 =	vmov s26;
	s5 =	simm.s32 @!p1 $0x6  }
0x137: {  	s17 =	sshra.s32 @!p1 s17, $0x2;
	v0 =	vmul.u32 $0x50, v0;
	_ =	swait.ge @!p1 [sflag:s5], $0x1400  }
0x138: {  	s25 =	simm.s32 $0x0;
	s7 =	simm.s32 @!p1 $0x50;
	[sflag:s5] =	ssyncset.done @!p1 $0x0  }
0x139: {  	v1 =	vmov s25;
	s13 =	simm.s32 @!p1 $0x48E0;
	v0 =	vbroadcast v0, $0x0;
	[sflag:s5] =	ssyncadd.s32 @!p1 $0xFFFFEC00;
	s5 =	sadd.s32 @!p1 $0x190, s17  }
0x13a: {  	v2 =	vand.u32 $0x78, v1;
	[tilespmem:s13], [sflag:$0x1] =	stream.indirect.gather @!p1 [spmem:s3], $0x40, s5, s7, $0xb8;
	[tilespmem:$0x1E560] =	vst v63  }
0x13b: {  	v1 =	vand.u32 $0x7, v1;
	v2 =	vadd.s32 v0, v2;
	_ =	swait.ge [sflag:s23], $0x1400  }
0x13c: {  	v2 =	vor.u32 v1, v2;
	[sflag:s23] =	ssyncset.done $0x0  }
0x13d: {  	s5 =	simm.s32 $0x8510;
	[sflag:s23] =	ssyncadd.s32 $0xFFFFEC00  }
0x13e: {  	v1 =	vld [tilespmem:s5+$0xFFFFFFF0]  }
0x13f: {  	v4 =	vld [tilespmem:s5+$0xFFFFFFE0]  }
0x140: {  	v5 =	vld [tilespmem:s5+$0xFFFFFFD0]  }
0x141: {  	v2 =	vld.idx.msk [tilespmem:v2+s4+$0x0], $0xffff  }
0x142: {  	v3 =	vld [tilespmem:s5+$0x0]  }
0x143: {  	s26 =	simm.s32 $0x1  }
0x144: {  	v6 =	vmov s26;
	s13 =	simm.s32 $0x2;
	s7 =	simm.s32 $0x8510  }
.LBB2_12:
0x145: {  	p2 =	sne.s32 s13, $0x4F;
	v7 =	vand.u32 $0x78, v6;
	v6 =	vand.u32 $0x7, v6  }
0x146: {  	v4 =	vmul.f32 v4, v2;
	v7 =	vadd.s32 v0, v7;
	v5 =	vmul.f32 v5, v2  }
0x147: {  	v6 =	vor.u32 v6, v7;
	v7 =	vmul.f32 v1, v2;
	v2 =	vmul.f32 v3, v2  }
0x148: {  	[tilespmem:s5+$0xFFFFFFD0] =	vst v5  }
0x149: {  	s5 =	sadd.s32 $0x40, s5;
	[tilespmem:s7+$0xFFFFFFE0] =	vst v4  }
0x14a: {  	v1 =	vld [tilespmem:s5+$0xFFFFFFF0];
	[tilespmem:s7+$0xFFFFFFF0] =	vst v7  }
0x14b: {  	v4 =	vld [tilespmem:s5+$0xFFFFFFE0];
	[tilespmem:s7+$0x0] =	vst v2;
	s7 =	smov.u32 s5  }
.Ltmp8:
0x14c: {  	v2 =	vld.idx.msk [tilespmem:v6+s4+$0x0], $0xffff;
	(pc) =	sbr.rel @p2 .LBB2_12-.Ltmp8, $3  }
0x14d: {  	v5 =	vld [tilespmem:s5+$0xFFFFFFD0]  }
0x14e: {  	v3 =	vld [tilespmem:s5+$0x0];
	_ =	sdelay $0x1  }
0x14f: {  	v6 =	vmov s13;
	s13 =	sadd.s32 $0x1, s13  }
0x150: {  	v7 =	vand.u32 $0x78, v6  }
0x151: {  	v6 =	vand.u32 $0x7, v6;
	v5 =	vmul.f32 v5, v2;
	v0 =	vadd.s32 v0, v7  }
0x152: {  	v4 =	vmul.f32 v4, v2;
	v0 =	vor.u32 v6, v0  }
0x153: {  	v1 =	vmul.f32 v1, v2;
	[tilespmem:s5+$0xFFFFFFD0] =	vst v5  }
0x154: {  	s25 =	sadd.s32 $0x40, s5;
	v2 =	vmul.f32 v3, v2;
	[tilespmem:s7+$0xFFFFFFE0] =	vst v4  }
0x155: {  	v4 =	vld [tilespmem:s25+$0xFFFFFFF0];
	[tilespmem:s7+$0xFFFFFFF0] =	vst v1  }
0x156: {  	v1 =	vld [tilespmem:s25+$0xFFFFFFE0];
	[tilespmem:s7+$0x0] =	vst v2  }
0x157: {  	v0 =	vld.idx.msk [tilespmem:v0+s4+$0x0], $0xffff  }
0x158: {  	v2 =	vld [tilespmem:s25+$0xFFFFFFD0];
	_ =	sdelay $0x2  }
0x159: {  	v3 =	vld [tilespmem:s25+$0x0];
	_ =	sdelay $0x1  }
0x15a: {  	v2 =	vmul.f32 v2, v0  }
0x15b: {  	v1 =	vmul.f32 v1, v0  }
0x15c: {  	v4 =	vmul.f32 v4, v0;
	[tilespmem:s25+$0xFFFFFFD0] =	vst v2  }
0x15d: {  	v0 =	vmul.f32 v3, v0;
	[tilespmem:s25+$0xFFFFFFE0] =	vst v1  }
0x15e: {  	[tilespmem:s25+$0xFFFFFFF0] =	vst v4  }
0x15f: {  	s1 =	sadd.s32 $0xFA0, s1;
	[tilespmem:s25+$0x0] =	vst v0  }
0x160: {  	v0 =	vmov s29;
	[spmem:s10] =	stream.indirect.scatter.add.f32 [tilespmem:s14], [sflag:$0x9], $0x40, s1, s0, $0xb8;
	[tilespmem:$0x1E560] =	vst v63  }
0x161: {  	s1 =	simm.s32 @!p1 $0x7;
	v0 =	vmul.u32 $0x50, v0  }
0x162: {  	s26 =	simm.s32 $0x0;
	_ =	swait.ge @!p1 [sflag:s1], $0x1400  }
0x163: {  	s5 =	simm.s32 @!p1 $0x50;
	v1 =	vmov s26;
	[sflag:s1] =	ssyncset.done @!p1 $0x0;
	v0 =	vbroadcast v0, $0x0  }
0x164: {  	s7 =	simm.s32 @!p1 $0x5CE0;
	v2 =	vand.u32 $0x78, v1;
	[sflag:s1] =	ssyncadd.s32 @!p1 $0xFFFFEC00;
	s1 =	sadd.s32 @!p1 $0x1E0, s17  }
0x165: {  	v1 =	vand.u32 $0x7, v1;
	[tilespmem:s7], [sflag:$0x2] =	stream.indirect.gather @!p1 [spmem:s3], $0x40, s1, s5, $0xb8;
	v2 =	vadd.s32 v0, v2;
	[tilespmem:$0x1E560] =	vst v63  }
0x166: {  	_ =	swait.ge [sflag:s24], $0x1400;
	v1 =	vor.u32 v1, v2  }
0x167: {  	[sflag:s24] =	ssyncset.done $0x0  }
0x168: {  	s1 =	simm.s32 $0x98E0;
	[sflag:s24] =	ssyncadd.s32 $0xFFFFEC00  }
0x169: {  	v3 =	vld [tilespmem:s1+$0x30]  }
0x16a: {  	v4 =	vld [tilespmem:s1+$0x10]  }
0x16b: {  	v6 =	vld.idx.msk [tilespmem:v1+s4+$0x0], $0xffff  }
0x16c: {  	v1 =	vld [tilespmem:s1+$0x0]  }
0x16d: {  	v7 =	vld [tilespmem:s1+$0x20]  }
0x16e: {  	s29 =	simm.s32 $0x1  }
0x16f: {  	v2 =	vmov s29  }
0x170: {  	v5 =	vand.u32 $0x78, v2;
	v8 =	vand.u32 $0x7, v2  }
0x171: {  	v9 =	vadd.s32 v0, v5;
	v2 =	vmul.f32 v1, v6;
	v5 =	vmul.f32 v3, v6  }
0x172: {  	s5 =	simm.s32 $0x2;
	s7 =	simm.s32 $0x98E0;
	v1 =	vor.u32 v8, v9;
	v4 =	vmul.f32 v4, v6;
	v3 =	vmul.f32 v7, v6  }
.LBB2_14:
0x173: {  	p2 =	sne.s32 s5, $0x4F  }
0x174: {  	[tilespmem:s1+$0x30] =	vst v5;
	s7 =	sadd.s32 $0x40, s7;
	s13 =	smov.u32 s5;
	s5 =	sadd.s32 $0x1, s5  }
0x175: {  	[tilespmem:s1+$0x0] =	vst v2  }
0x176: {  	v5 =	vld [tilespmem:s7+$0x30];
	[tilespmem:s1+$0x10] =	vst v4  }
0x177: {  	v4 =	vld [tilespmem:s7+$0x10];
	[tilespmem:s1+$0x20] =	vst v3;
	s1 =	smov.u32 s7  }
0x178: {  	v3 =	vld.idx.msk [tilespmem:v1+s4+$0x0], $0xffff  }
0x179: {  	v1 =	vld [tilespmem:s7+$0x0]  }
0x17a: {  	v6 =	vld [tilespmem:s7+$0x20]  }
.Ltmp9:
0x17b: {  	(pc) =	sbr.rel @p2 .LBB2_14-.Ltmp9, $4  }
0x17c: {  	v2 =	vmov s13  }
0x17d: {  	v7 =	vand.u32 $0x78, v2;
	v8 =	vand.u32 $0x7, v2  }
0x17e: {  	v7 =	vadd.s32 v0, v7;
	v5 =	vmul.f32 v5, v3;
	v2 =	vmul.f32 v1, v3  }
0x17f: {  	v4 =	vmul.f32 v4, v3;
	v1 =	vor.u32 v8, v7;
	v3 =	vmul.f32 v6, v3  }
0x180: {  	[tilespmem:s1+$0x30] =	vst v5  }
0x181: {  	s5 =	sadd.s32 $0x40, s7;
	[tilespmem:s1+$0x0] =	vst v2  }
0x182: {  	v0 =	vld [tilespmem:s5+$0x30];
	[tilespmem:s1+$0x10] =	vst v4  }
0x183: {  	v2 =	vld [tilespmem:s5+$0x10];
	[tilespmem:s1+$0x20] =	vst v3  }
0x184: {  	v1 =	vld.idx.msk [tilespmem:v1+s4+$0x0], $0xffff  }
0x185: {  	v3 =	vld [tilespmem:s5+$0x0];
	_ =	sdelay $0x1  }
0x186: {  	v4 =	vld [tilespmem:s5+$0x20];
	_ =	sdelay $0x1  }
0x187: {  	v0 =	vmul.f32 v0, v1  }
0x188: {  	v3 =	vmul.f32 v3, v1  }
.Ltmp10:
0x189: {  	v2 =	vmul.f32 v2, v1;
	[tilespmem:s5+$0x30] =	vst v0;
	(pc) =	sbr.rel @p1 .LBB2_17-.Ltmp10, $4  }
0x18a: {  	v63 =	vmul.f32 v4, v1;
	[tilespmem:s5+$0x0] =	vst v3  }
0x18b: {  	[tilespmem:s5+$0x10] =	vst v2  }
0x18c: {  	s29 =	sadd.s32 $0xFA0, s16;
	[tilespmem:s5+$0x20] =	vst v63  }
0x18d: {  	[spmem:s10] =	stream.indirect.scatter.add.f32 [tilespmem:s21], [sflag:$0xA], $0x40, s29, s0, $0xb8;
	[tilespmem:$0x1E560] =	vst v63  }
.Ltmp11:
0x18e: {  	(pc) =	sbr.rel .LBB2_5-.Ltmp11, $4  }
0x18f: {  	_ =	swait.ge [sflag:s19], $0x1400  }
0x190: {  	[sflag:s19] =	ssyncset.done $0x0  }
0x191: {  	s1 =	sadd.s32 $0x230, s2;
	s30 =	sadd.s32 $0x1, s30;
	[sflag:s19] =	ssyncadd.s32 $0xFFFFEC00  }
0x192: {  	[tilespmem:s9], [sflag:$0x3] =	stream.indirect.gather [spmem:s3], $0x40, s1, s0, $0xb8;
	[tilespmem:$0x1E560] =	vst v63  }
.LBB2_17:
0x193: {  	s1 =	simm.s32 $0xC  }
0x194: {  	_ =	swait.ge [sflag:s1], $0x7D0  }
0x195: {  	[sflag:s1] =	ssyncset.done $0x0  }
0x196: {  	[sflag:s1] =	ssyncadd.s32 $0xFFFFF830  }
0x197: {  	_ =	swait.ge [sflag:s1], $0x7D0  }
0x198: {  	[sflag:s1] =	ssyncset.done $0x0  }
0x199: {  	[sflag:s1] =	ssyncadd.s32 $0xFFFFF830  }
0x19a: {  	_ =	swait.ge [sflag:s1], $0x7D0  }
0x19b: {  	[sflag:s1] =	ssyncset.done $0x0  }
0x19c: {  	s5 =	simm.s32 $0x6;
	[sflag:s1] =	ssyncadd.s32 $0xFFFFF830  }
0x19d: {  	_ =	swait.ge [sflag:s5], $0x1400  }
0x19e: {  	[sflag:s5] =	ssyncset.done $0x0  }
0x19f: {  	s6 =	simm.s32 $0x7D0;
	s7 =	simm.s32 $0x7;
	[sflag:s5] =	ssyncadd.s32 $0xFFFFEC00  }
0x1a0: {  	[tilespmem:s20], [sflag:$0x1] =	stream.indirect.gather [spmem:s3], $0x40, s6, s0, $0xb8;
	[tilespmem:$0x1E560] =	vst v63  }
0x1a1: {  	_ =	swait.ge [sflag:s7], $0x1400  }
0x1a2: {  	[sflag:s7] =	ssyncset.done $0x0  }
0x1a3: {  	s12 =	simm.s32 $0x5CE0;
	s2 =	simm.s32 $0x820;
	[sflag:s7] =	ssyncadd.s32 $0xFFFFEC00  }
0x1a4: {  	[tilespmem:s12], [sflag:$0x2] =	stream.indirect.gather [spmem:s3], $0x40, s2, s0, $0xb8;
	[tilespmem:$0x1E560] =	vst v63  }
0x1a5: {  	_ =	swait.ge [sflag:s19], $0x1400  }
0x1a6: {  	s16 =	rddreg [dreg:$0x11]  }
0x1a7: {  	s13 =	simm.s32 $0x870;
	[sflag:s19] =	ssyncset.done $0x0;
	s17 =	rddreg [dreg:$0x1e]  }
0x1a8: {  	p1 =	seq.s32 s8, $0x4;
	s26 =	rddreg [dreg:$0x6];
	[sflag:s19] =	ssyncadd.s32 $0xFFFFEC00  }
0x1a9: {  	[tilespmem:s9], [sflag:$0x3] =	stream.indirect.gather [spmem:s3], $0x40, s13, s0, $0xb8;
	[tilespmem:$0x1E560] =	vst v63  }
0x1aa: {  	s30 =	simm.s32 $0x0;
	s1 =	sadd.s32 s17, s16;
	s25 =	rddreg [dreg:$0x1]  }
0x1ab: {  	s12 =	simm.s32 $0x0;
	s1 =	sshrl.u32 s1, $0x3;
	s29 =	rddreg [dreg:$0x2]  }
0x1ac: {  	s7 =	sadd.s32 s25, s1;
	s28 =	sadd.s32 s26, s1;
	s6 =	sadd.s32 s29, s1  }
.LBB2_18:
0x1ad: {  	s17 =	smul.u32 $0x5, s30  }
0x1ae: {  	p2 =	sne.s32 @!p1 s30, $0x1  }
0x1af: {  	p2 =	por p2, p1;
	v0 =	vmov s17  }
0x1b0: {  	s1 =	simm.s32 @!p2 $0x0;
	v0 =	vmul.u32 $0x50, v0  }
0x1b1: {  	[tilespmem:s1], [sflag:$0xB] =	stream.linear.gather @!p2 [hbm4b:s7+s1], $0x7D0, $0x38;
	[tilespmem:$0x1E560] =	vst v63  }
0x1b2: {  	s2 =	simm.s32 @!p2 $0xFA0;
	v0 =	vadd.s32 $0x7D0, v0  }
0x1b3: {  	v1 =	vmov s12;
	[tilespmem:s2], [sflag:$0xB] =	stream.linear.gather @!p2 [hbm4b:s28+s1], $0x7D0, $0x38;
	v0 =	vbroadcast v0, $0x0;
	[tilespmem:$0x1E560] =	vst v63  }
0x1b4: {  	v2 =	vand.u32 $0x78, v1;
	s2 =	simm.s32 @!p2 $0x1F40  }
0x1b5: {  	v1 =	vand.u32 $0x7, v1;
	[tilespmem:s2], [sflag:$0xB] =	stream.linear.gather @!p2 [hbm4b:s6+s1], $0x7D0, $0x38;
	v2 =	vadd.s32 v0, v2;
	[tilespmem:$0x1E560] =	vst v63  }
0x1b6: {  	_ =	swait.ge [sflag:s11], $0x1400;
	v1 =	vor.u32 v1, v2  }
0x1b7: {  	[sflag:s11] =	ssyncset.done $0x0  }
0x1b8: {  	s1 =	simm.s32 $0x4900;
	[sflag:s11] =	ssyncadd.s32 $0xFFFFEC00  }
0x1b9: {  	v3 =	vld [tilespmem:s1+$0xFFFFFFF0]  }
0x1ba: {  	v4 =	vld [tilespmem:s1+$0x10]  }
0x1bb: {  	v6 =	vld.idx.msk [tilespmem:v1+s4+$0x0], $0xffff  }
0x1bc: {  	v1 =	vld [tilespmem:s1+$0xFFFFFFE0]  }
0x1bd: {  	v7 =	vld [tilespmem:s1+$0x0]  }
0x1be: {  	s29 =	simm.s32 $0x1  }
0x1bf: {  	v2 =	vmov s29  }
0x1c0: {  	v5 =	vand.u32 $0x78, v2;
	v8 =	vand.u32 $0x7, v2  }
0x1c1: {  	v9 =	vadd.s32 v0, v5;
	v2 =	vmul.f32 v1, v6;
	v5 =	vmul.f32 v4, v6  }
0x1c2: {  	s5 =	simm.s32 $0x4900;
	s2 =	simm.s32 $0x2;
	v1 =	vor.u32 v8, v9;
	v4 =	vmul.f32 v3, v6;
	v3 =	vmul.f32 v7, v6  }
.LBB2_19:
0x1c3: {  	p2 =	sne.s32 s2, $0x4F  }
0x1c4: {  	[tilespmem:s1+$0x10] =	vst v5;
	s5 =	sadd.s32 $0x40, s5;
	s13 =	smov.u32 s2;
	s2 =	sadd.s32 $0x1, s2  }
0x1c5: {  	[tilespmem:s1+$0xFFFFFFE0] =	vst v2  }
0x1c6: {  	v6 =	vld [tilespmem:s5+$0xFFFFFFF0];
	[tilespmem:s1+$0xFFFFFFF0] =	vst v4  }
0x1c7: {  	v4 =	vld [tilespmem:s5+$0x10];
	[tilespmem:s1+$0x0] =	vst v3;
	s1 =	smov.u32 s5  }
0x1c8: {  	v3 =	vld.idx.msk [tilespmem:v1+s4+$0x0], $0xffff  }
0x1c9: {  	v1 =	vld [tilespmem:s5+$0xFFFFFFE0]  }
0x1ca: {  	v7 =	vld [tilespmem:s5+$0x0]  }
.Ltmp12:
0x1cb: {  	(pc) =	sbr.rel @p2 .LBB2_19-.Ltmp12, $4  }
0x1cc: {  	v2 =	vmov s13  }
0x1cd: {  	v5 =	vand.u32 $0x78, v2;
	v8 =	vand.u32 $0x7, v2  }
0x1ce: {  	v9 =	vadd.s32 v0, v5;
	v5 =	vmul.f32 v4, v3;
	v2 =	vmul.f32 v1, v3  }
0x1cf: {  	v4 =	vmul.f32 v6, v3;
	v1 =	vor.u32 v8, v9;
	v3 =	vmul.f32 v7, v3  }
0x1d0: {  	[tilespmem:s1+$0x10] =	vst v5  }
0x1d1: {  	s13 =	sadd.s32 $0x40, s5;
	[tilespmem:s1+$0xFFFFFFE0] =	vst v2  }
0x1d2: {  	v0 =	vld [tilespmem:s13+$0xFFFFFFF0];
	[tilespmem:s1+$0xFFFFFFF0] =	vst v4  }
0x1d3: {  	v2 =	vld [tilespmem:s13+$0x10];
	[tilespmem:s1+$0x0] =	vst v3  }
0x1d4: {  	v1 =	vld.idx.msk [tilespmem:v1+s4+$0x0], $0xffff  }
0x1d5: {  	v3 =	vld [tilespmem:s13+$0xFFFFFFE0];
	_ =	sdelay $0x1  }
0x1d6: {  	v4 =	vld [tilespmem:s13+$0x0];
	_ =	sdelay $0x1  }
0x1d7: {  	v2 =	vmul.f32 v2, v1  }
0x1d8: {  	v3 =	vmul.f32 v3, v1  }
0x1d9: {  	s26 =	smul.u32 $0x640, s30;
	v0 =	vmul.f32 v0, v1;
	[tilespmem:s13+$0x10] =	vst v2  }
0x1da: {  	v1 =	vmul.f32 v4, v1;
	[tilespmem:s13+$0xFFFFFFE0] =	vst v3  }
0x1db: {  	s5 =	sadd.s32 $0x1, s17;
	s2 =	sshra.s32 s26, $0x2;
	[tilespmem:s13+$0xFFFFFFF0] =	vst v0  }
0x1dc: {  	s25 =	sadd.s32 $0x1770, s2;
	v0 =	vmov s5;
	[tilespmem:s13+$0x0] =	vst v1  }
0x1dd: {  	v0 =	vmul.u32 $0x50, v0;
	[spmem:s10] =	stream.indirect.scatter.add.f32 [tilespmem:s20], [sflag:$0x6], $0x40, s25, s0, $0xb8;
	[tilespmem:$0x1E560] =	vst v63  }
0x1de: {  	s16 =	smul.u32 $0x50, s17;
	_ =	swait.ge [sflag:s18], $0x1400  }
0x1df: {  	s13 =	simm.s32 $0x0;
	v0 =	vadd.s32 $0x7D0, v0;
	[sflag:s18] =	ssyncset.done $0x0  }
0x1e0: {  	s1 =	sadd.s32 $0x8C0, s16;
	v1 =	vmov s13;
	v0 =	vbroadcast v0, $0x0;
	[sflag:s18] =	ssyncadd.s32 $0xFFFFEC00  }
0x1e1: {  	v2 =	vand.u32 $0x78, v1;
	[tilespmem:s14], [sflag:$0x4] =	stream.indirect.gather [spmem:s3], $0x40, s1, s0, $0xb8;
	[tilespmem:$0x1E560] =	vst v63  }
0x1e2: {  	v1 =	vand.u32 $0x7, v1;
	v2 =	vadd.s32 v0, v2;
	_ =	swait.ge [sflag:s15], $0x1400  }
0x1e3: {  	v2 =	vor.u32 v1, v2;
	[sflag:s15] =	ssyncset.done $0x0  }
0x1e4: {  	s25 =	simm.s32 $0x5D10;
	[sflag:s15] =	ssyncadd.s32 $0xFFFFEC00  }
0x1e5: {  	v1 =	vld [tilespmem:s25+$0xFFFFFFF0]  }
0x1e6: {  	v3 =	vld [tilespmem:s25+$0xFFFFFFE0]  }
0x1e7: {  	v5 =	vld [tilespmem:s25+$0xFFFFFFD0]  }
0x1e8: {  	v2 =	vld.idx.msk [tilespmem:v2+s4+$0x0], $0xffff  }
0x1e9: {  	v4 =	vld [tilespmem:s25+$0x0]  }
0x1ea: {  	s20 =	simm.s32 $0x1  }
0x1eb: {  	s29 =	sadd.s32 $0x3, s17;
	s13 =	simm.s32 $0x5D10;
	v6 =	vmov s20;
	s20 =	simm.s32 $0x2  }
.LBB2_21:
0x1ec: {  	p2 =	sne.s32 s20, $0x4F;
	v7 =	vand.u32 $0x78, v6;
	v6 =	vand.u32 $0x7, v6  }
0x1ed: {  	v3 =	vmul.f32 v3, v2;
	v7 =	vadd.s32 v0, v7;
	v5 =	vmul.f32 v5, v2  }
0x1ee: {  	v6 =	vor.u32 v6, v7;
	v7 =	vmul.f32 v1, v2;
	v2 =	vmul.f32 v4, v2  }
0x1ef: {  	[tilespmem:s25+$0xFFFFFFD0] =	vst v5  }
0x1f0: {  	s25 =	sadd.s32 $0x40, s25;
	[tilespmem:s13+$0xFFFFFFE0] =	vst v3  }
0x1f1: {  	v1 =	vld [tilespmem:s25+$0xFFFFFFF0];
	[tilespmem:s13+$0xFFFFFFF0] =	vst v7  }
0x1f2: {  	v3 =	vld [tilespmem:s25+$0xFFFFFFE0];
	[tilespmem:s13+$0x0] =	vst v2;
	s13 =	smov.u32 s25  }
.Ltmp13:
0x1f3: {  	v2 =	vld.idx.msk [tilespmem:v6+s4+$0x0], $0xffff;
	(pc) =	sbr.rel @p2 .LBB2_21-.Ltmp13, $3  }
0x1f4: {  	v5 =	vld [tilespmem:s25+$0xFFFFFFD0]  }
0x1f5: {  	v4 =	vld [tilespmem:s25+$0x0];
	_ =	sdelay $0x1  }
0x1f6: {  	v6 =	vmov s20;
	s20 =	sadd.s32 $0x1, s20  }
0x1f7: {  	v7 =	vand.u32 $0x78, v6  }
0x1f8: {  	v6 =	vand.u32 $0x7, v6;
	v5 =	vmul.f32 v5, v2;
	v0 =	vadd.s32 v0, v7  }
0x1f9: {  	v3 =	vmul.f32 v3, v2;
	v0 =	vor.u32 v6, v0  }
0x1fa: {  	v1 =	vmul.f32 v1, v2;
	[tilespmem:s25+$0xFFFFFFD0] =	vst v5  }
0x1fb: {  	s20 =	sadd.s32 $0x40, s25;
	v2 =	vmul.f32 v4, v2;
	[tilespmem:s13+$0xFFFFFFE0] =	vst v3  }
0x1fc: {  	v3 =	vld [tilespmem:s20+$0xFFFFFFF0];
	[tilespmem:s13+$0xFFFFFFF0] =	vst v1  }
0x1fd: {  	v1 =	vld [tilespmem:s20+$0xFFFFFFE0];
	[tilespmem:s13+$0x0] =	vst v2  }
0x1fe: {  	v0 =	vld.idx.msk [tilespmem:v0+s4+$0x0], $0xffff  }
0x1ff: {  	v2 =	vld [tilespmem:s20+$0xFFFFFFD0];
	_ =	sdelay $0x2  }
0x200: {  	v4 =	vld [tilespmem:s20+$0x0];
	_ =	sdelay $0x1  }
0x201: {  	v2 =	vmul.f32 v2, v0  }
0x202: {  	v1 =	vmul.f32 v1, v0  }
0x203: {  	s25 =	smul.u32 $0x140, s5;
	v3 =	vmul.f32 v3, v0;
	[tilespmem:s20+$0xFFFFFFD0] =	vst v2  }
0x204: {  	v0 =	vmul.f32 v4, v0;
	[tilespmem:s20+$0xFFFFFFE0] =	vst v1  }
0x205: {  	s5 =	sadd.s32 $0x2, s17;
	s13 =	sshra.s32 s25, $0x2;
	[tilespmem:s20+$0xFFFFFFF0] =	vst v3  }
0x206: {  	s25 =	simm.s32 $0x5CE0;
	s13 =	sadd.s32 $0x1770, s13;
	v1 =	vmov s5;
	[tilespmem:s20+$0x0] =	vst v0  }
0x207: {  	v0 =	vmul.u32 $0x50, v1;
	[spmem:s10] =	stream.indirect.scatter.add.f32 [tilespmem:s25], [sflag:$0x7], $0x40, s13, s0, $0xb8;
	[tilespmem:$0x1E560] =	vst v63  }
0x208: {  	_ =	swait.ge [sflag:s31], $0x1400  }
0x209: {  	s25 =	simm.s32 $0x0;
	v0 =	vadd.s32 $0x7D0, v0;
	[sflag:s31] =	ssyncset.done $0x0  }
0x20a: {  	s16 =	sadd.s32 $0x910, s16;
	v1 =	vmov s25;
	v0 =	vbroadcast v0, $0x0;
	[sflag:s31] =	ssyncadd.s32 $0xFFFFEC00  }
0x20b: {  	v2 =	vand.u32 $0x78, v1;
	[tilespmem:s21], [sflag:$0x5] =	stream.indirect.gather [spmem:s3], $0x40, s16, s0, $0xb8;
	[tilespmem:$0x1E560] =	vst v63  }
0x20c: {  	v1 =	vand.u32 $0x7, v1;
	v2 =	vadd.s32 v0, v2;
	_ =	swait.ge [sflag:s22], $0x1400  }
0x20d: {  	v2 =	vor.u32 v1, v2;
	[sflag:s22] =	ssyncset.done $0x0  }
0x20e: {  	s25 =	simm.s32 $0x7110;
	[sflag:s22] =	ssyncadd.s32 $0xFFFFEC00  }
0x20f: {  	v1 =	vld [tilespmem:s25+$0xFFFFFFF0]  }
0x210: {  	v3 =	vld [tilespmem:s25+$0xFFFFFFE0]  }
0x211: {  	v5 =	vld [tilespmem:s25+$0xFFFFFFD0]  }
0x212: {  	v2 =	vld.idx.msk [tilespmem:v2+s4+$0x0], $0xffff  }
0x213: {  	v4 =	vld [tilespmem:s25+$0x0]  }
0x214: {  	s20 =	simm.s32 $0x1  }
0x215: {  	s17 =	sadd.s32 $0x4, s17;
	v6 =	vmov s20;
	s20 =	simm.s32 $0x2;
	s13 =	simm.s32 $0x7110  }
.LBB2_23:
0x216: {  	p2 =	sne.s32 s20, $0x4F;
	v7 =	vand.u32 $0x78, v6;
	v6 =	vand.u32 $0x7, v6  }
0x217: {  	v3 =	vmul.f32 v3, v2;
	v7 =	vadd.s32 v0, v7;
	v5 =	vmul.f32 v5, v2  }
0x218: {  	v6 =	vor.u32 v6, v7;
	v7 =	vmul.f32 v1, v2;
	v2 =	vmul.f32 v4, v2  }
0x219: {  	[tilespmem:s25+$0xFFFFFFD0] =	vst v5  }
0x21a: {  	s25 =	sadd.s32 $0x40, s25;
	[tilespmem:s13+$0xFFFFFFE0] =	vst v3  }
0x21b: {  	v1 =	vld [tilespmem:s25+$0xFFFFFFF0];
	[tilespmem:s13+$0xFFFFFFF0] =	vst v7  }
0x21c: {  	v3 =	vld [tilespmem:s25+$0xFFFFFFE0];
	[tilespmem:s13+$0x0] =	vst v2;
	s13 =	smov.u32 s25  }
.Ltmp14:
0x21d: {  	v2 =	vld.idx.msk [tilespmem:v6+s4+$0x0], $0xffff;
	(pc) =	sbr.rel @p2 .LBB2_23-.Ltmp14, $3  }
0x21e: {  	v5 =	vld [tilespmem:s25+$0xFFFFFFD0]  }
0x21f: {  	v4 =	vld [tilespmem:s25+$0x0];
	_ =	sdelay $0x1  }
0x220: {  	v6 =	vmov s20;
	s20 =	sadd.s32 $0x1, s20  }
0x221: {  	v7 =	vand.u32 $0x78, v6  }
0x222: {  	v6 =	vand.u32 $0x7, v6;
	v5 =	vmul.f32 v5, v2;
	v0 =	vadd.s32 v0, v7  }
0x223: {  	v3 =	vmul.f32 v3, v2;
	v0 =	vor.u32 v6, v0  }
0x224: {  	v1 =	vmul.f32 v1, v2;
	[tilespmem:s25+$0xFFFFFFD0] =	vst v5  }
0x225: {  	s20 =	sadd.s32 $0x40, s25;
	v2 =	vmul.f32 v4, v2;
	[tilespmem:s13+$0xFFFFFFE0] =	vst v3  }
0x226: {  	v3 =	vld [tilespmem:s20+$0xFFFFFFF0];
	[tilespmem:s13+$0xFFFFFFF0] =	vst v1  }
0x227: {  	v1 =	vld [tilespmem:s20+$0xFFFFFFE0];
	[tilespmem:s13+$0x0] =	vst v2  }
0x228: {  	v0 =	vld.idx.msk [tilespmem:v0+s4+$0x0], $0xffff  }
0x229: {  	v2 =	vld [tilespmem:s20+$0xFFFFFFD0];
	_ =	sdelay $0x2  }
0x22a: {  	v4 =	vld [tilespmem:s20+$0x0];
	_ =	sdelay $0x1  }
0x22b: {  	v2 =	vmul.f32 v2, v0  }
0x22c: {  	v1 =	vmul.f32 v1, v0  }
0x22d: {  	s5 =	smul.u32 $0x140, s5;
	v3 =	vmul.f32 v3, v0;
	[tilespmem:s20+$0xFFFFFFD0] =	vst v2  }
0x22e: {  	v0 =	vmul.f32 v4, v0;
	[tilespmem:s20+$0xFFFFFFE0] =	vst v1  }
0x22f: {  	s5 =	sshra.s32 s5, $0x2;
	[tilespmem:s20+$0xFFFFFFF0] =	vst v3  }
0x230: {  	p2 =	seq.s32 s30, $0x4;
	s5 =	sadd.s32 $0x1770, s5;
	[tilespmem:s20+$0x0] =	vst v0  }
0x231: {  	v0 =	vmov s29;
	[spmem:s10] =	stream.indirect.scatter.add.f32 [tilespmem:s9], [sflag:$0x8], $0x40, s5, s0, $0xb8;
	[tilespmem:$0x1E560] =	vst v63  }
0x232: {  	s5 =	simm.s32 @!p2 $0x6;
	v0 =	vmul.u32 $0x50, v0  }
0x233: {  	s26 =	sshra.s32 @!p2 s26, $0x2;
	_ =	swait.ge @!p2 [sflag:s5], $0x1400  }
0x234: {  	s25 =	simm.s32 $0x0;
	s13 =	simm.s32 @!p2 $0x50;
	[sflag:s5] =	ssyncset.done @!p2 $0x0;
	v0 =	vadd.s32 $0x7D0, v0  }
0x235: {  	v1 =	vmov s25;
	s20 =	simm.s32 @!p2 $0x48E0;
	[sflag:s5] =	ssyncadd.s32 @!p2 $0xFFFFEC00;
	v0 =	vbroadcast v0, $0x0;
	s5 =	sadd.s32 @!p2 $0x960, s26  }
0x236: {  	v2 =	vand.u32 $0x78, v1;
	[tilespmem:s20], [sflag:$0x1] =	stream.indirect.gather @!p2 [spmem:s3], $0x40, s5, s13, $0xb8;
	[tilespmem:$0x1E560] =	vst v63  }
0x237: {  	v1 =	vand.u32 $0x7, v1;
	v2 =	vadd.s32 v0, v2;
	_ =	swait.ge [sflag:s23], $0x1400  }
0x238: {  	v2 =	vor.u32 v1, v2;
	[sflag:s23] =	ssyncset.done $0x0  }
0x239: {  	s5 =	simm.s32 $0x8510;
	[sflag:s23] =	ssyncadd.s32 $0xFFFFEC00  }
0x23a: {  	v1 =	vld [tilespmem:s5+$0xFFFFFFF0]  }
0x23b: {  	v4 =	vld [tilespmem:s5+$0xFFFFFFE0]  }
0x23c: {  	v5 =	vld [tilespmem:s5+$0xFFFFFFD0]  }
0x23d: {  	v2 =	vld.idx.msk [tilespmem:v2+s4+$0x0], $0xffff  }
0x23e: {  	v3 =	vld [tilespmem:s5+$0x0]  }
0x23f: {  	s29 =	simm.s32 $0x1  }
0x240: {  	v6 =	vmov s29;
	s20 =	simm.s32 $0x2;
	s13 =	simm.s32 $0x8510  }
.LBB2_25:
0x241: {  	p3 =	sne.s32 s20, $0x4F;
	v7 =	vand.u32 $0x78, v6;
	v6 =	vand.u32 $0x7, v6  }
0x242: {  	v4 =	vmul.f32 v4, v2;
	v7 =	vadd.s32 v0, v7;
	v5 =	vmul.f32 v5, v2  }
0x243: {  	v6 =	vor.u32 v6, v7;
	v7 =	vmul.f32 v1, v2;
	v2 =	vmul.f32 v3, v2  }
0x244: {  	[tilespmem:s5+$0xFFFFFFD0] =	vst v5  }
0x245: {  	s5 =	sadd.s32 $0x40, s5;
	[tilespmem:s13+$0xFFFFFFE0] =	vst v4  }
0x246: {  	v1 =	vld [tilespmem:s5+$0xFFFFFFF0];
	[tilespmem:s13+$0xFFFFFFF0] =	vst v7  }
0x247: {  	v4 =	vld [tilespmem:s5+$0xFFFFFFE0];
	[tilespmem:s13+$0x0] =	vst v2;
	s13 =	smov.u32 s5  }
.Ltmp15:
0x248: {  	v2 =	vld.idx.msk [tilespmem:v6+s4+$0x0], $0xffff;
	(pc) =	sbr.rel @p3 .LBB2_25-.Ltmp15, $3  }
0x249: {  	v5 =	vld [tilespmem:s5+$0xFFFFFFD0]  }
0x24a: {  	v3 =	vld [tilespmem:s5+$0x0];
	_ =	sdelay $0x1  }
0x24b: {  	v6 =	vmov s20;
	s20 =	sadd.s32 $0x1, s20  }
0x24c: {  	v7 =	vand.u32 $0x78, v6  }
0x24d: {  	v6 =	vand.u32 $0x7, v6;
	v5 =	vmul.f32 v5, v2;
	v0 =	vadd.s32 v0, v7  }
0x24e: {  	v4 =	vmul.f32 v4, v2;
	v0 =	vor.u32 v6, v0  }
0x24f: {  	v1 =	vmul.f32 v1, v2;
	[tilespmem:s5+$0xFFFFFFD0] =	vst v5  }
0x250: {  	s20 =	sadd.s32 $0x40, s5;
	v2 =	vmul.f32 v3, v2;
	[tilespmem:s13+$0xFFFFFFE0] =	vst v4  }
0x251: {  	v4 =	vld [tilespmem:s20+$0xFFFFFFF0];
	[tilespmem:s13+$0xFFFFFFF0] =	vst v1  }
0x252: {  	v1 =	vld [tilespmem:s20+$0xFFFFFFE0];
	[tilespmem:s13+$0x0] =	vst v2  }
0x253: {  	v0 =	vld.idx.msk [tilespmem:v0+s4+$0x0], $0xffff  }
0x254: {  	v2 =	vld [tilespmem:s20+$0xFFFFFFD0];
	_ =	sdelay $0x2  }
0x255: {  	v3 =	vld [tilespmem:s20+$0x0];
	_ =	sdelay $0x1  }
0x256: {  	v2 =	vmul.f32 v2, v0  }
0x257: {  	v1 =	vmul.f32 v1, v0  }
0x258: {  	v4 =	vmul.f32 v4, v0;
	[tilespmem:s20+$0xFFFFFFD0] =	vst v2  }
0x259: {  	v0 =	vmul.f32 v3, v0;
	[tilespmem:s20+$0xFFFFFFE0] =	vst v1  }
0x25a: {  	[tilespmem:s20+$0xFFFFFFF0] =	vst v4  }
0x25b: {  	s1 =	sadd.s32 $0xFA0, s1;
	[tilespmem:s20+$0x0] =	vst v0;
	v0 =	vmov s17  }
0x25c: {  	[spmem:s10] =	stream.indirect.scatter.add.f32 [tilespmem:s14], [sflag:$0x9], $0x40, s1, s0, $0xb8;
	v0 =	vmul.u32 $0x50, v0;
	[tilespmem:$0x1E560] =	vst v63  }
0x25d: {  	s1 =	simm.s32 @!p2 $0x7  }
0x25e: {  	s25 =	simm.s32 $0x0;
	_ =	swait.ge @!p2 [sflag:s1], $0x1400;
	v0 =	vadd.s32 $0x7D0, v0  }
0x25f: {  	s5 =	simm.s32 @!p2 $0x50;
	v1 =	vmov s25;
	[sflag:s1] =	ssyncset.done @!p2 $0x0;
	v0 =	vbroadcast v0, $0x0  }
0x260: {  	s13 =	simm.s32 @!p2 $0x5CE0;
	v2 =	vand.u32 $0x78, v1;
	[sflag:s1] =	ssyncadd.s32 @!p2 $0xFFFFEC00;
	s1 =	sadd.s32 @!p2 $0x9B0, s26  }
0x261: {  	v1 =	vand.u32 $0x7, v1;
	[tilespmem:s13], [sflag:$0x2] =	stream.indirect.gather @!p2 [spmem:s3], $0x40, s1, s5, $0xb8;
	v2 =	vadd.s32 v0, v2;
	[tilespmem:$0x1E560] =	vst v63  }
0x262: {  	_ =	swait.ge [sflag:s24], $0x1400;
	v1 =	vor.u32 v1, v2  }
0x263: {  	[sflag:s24] =	ssyncset.done $0x0  }
0x264: {  	s1 =	simm.s32 $0x98E0;
	[sflag:s24] =	ssyncadd.s32 $0xFFFFEC00  }
0x265: {  	v3 =	vld [tilespmem:s1+$0x30]  }
0x266: {  	v4 =	vld [tilespmem:s1+$0x10]  }
0x267: {  	v6 =	vld.idx.msk [tilespmem:v1+s4+$0x0], $0xffff  }
0x268: {  	v1 =	vld [tilespmem:s1+$0x0]  }
0x269: {  	v7 =	vld [tilespmem:s1+$0x20]  }
0x26a: {  	s29 =	simm.s32 $0x1  }
0x26b: {  	v2 =	vmov s29  }
0x26c: {  	v5 =	vand.u32 $0x78, v2;
	v8 =	vand.u32 $0x7, v2  }
0x26d: {  	v9 =	vadd.s32 v0, v5;
	v2 =	vmul.f32 v1, v6;
	v5 =	vmul.f32 v3, v6  }
0x26e: {  	s5 =	simm.s32 $0x2;
	s13 =	simm.s32 $0x98E0;
	v1 =	vor.u32 v8, v9;
	v4 =	vmul.f32 v4, v6;
	v3 =	vmul.f32 v7, v6  }
.LBB2_27:
0x26f: {  	p3 =	sne.s32 s5, $0x4F  }
0x270: {  	[tilespmem:s1+$0x30] =	vst v5;
	s13 =	sadd.s32 $0x40, s13;
	s17 =	smov.u32 s5;
	s5 =	sadd.s32 $0x1, s5  }
0x271: {  	[tilespmem:s1+$0x0] =	vst v2  }
0x272: {  	v5 =	vld [tilespmem:s13+$0x30];
	[tilespmem:s1+$0x10] =	vst v4  }
0x273: {  	v4 =	vld [tilespmem:s13+$0x10];
	[tilespmem:s1+$0x20] =	vst v3;
	s1 =	smov.u32 s13  }
0x274: {  	v3 =	vld.idx.msk [tilespmem:v1+s4+$0x0], $0xffff  }
0x275: {  	v1 =	vld [tilespmem:s13+$0x0]  }
0x276: {  	v6 =	vld [tilespmem:s13+$0x20]  }
.Ltmp16:
0x277: {  	(pc) =	sbr.rel @p3 .LBB2_27-.Ltmp16, $4  }
0x278: {  	v2 =	vmov s17  }
0x279: {  	v7 =	vand.u32 $0x78, v2;
	v8 =	vand.u32 $0x7, v2  }
0x27a: {  	v7 =	vadd.s32 v0, v7;
	v5 =	vmul.f32 v5, v3;
	v2 =	vmul.f32 v1, v3  }
0x27b: {  	v4 =	vmul.f32 v4, v3;
	v1 =	vor.u32 v8, v7;
	v3 =	vmul.f32 v6, v3  }
0x27c: {  	[tilespmem:s1+$0x30] =	vst v5  }
0x27d: {  	s5 =	sadd.s32 $0x40, s13;
	[tilespmem:s1+$0x0] =	vst v2  }
0x27e: {  	v0 =	vld [tilespmem:s5+$0x30];
	[tilespmem:s1+$0x10] =	vst v4  }
0x27f: {  	v2 =	vld [tilespmem:s5+$0x10];
	[tilespmem:s1+$0x20] =	vst v3  }
0x280: {  	v1 =	vld.idx.msk [tilespmem:v1+s4+$0x0], $0xffff  }
0x281: {  	v3 =	vld [tilespmem:s5+$0x0];
	_ =	sdelay $0x1  }
0x282: {  	v4 =	vld [tilespmem:s5+$0x20];
	_ =	sdelay $0x1  }
0x283: {  	v0 =	vmul.f32 v0, v1  }
0x284: {  	v3 =	vmul.f32 v3, v1  }
.Ltmp17:
0x285: {  	v2 =	vmul.f32 v2, v1;
	[tilespmem:s5+$0x30] =	vst v0;
	(pc) =	sbr.rel @p2 .LBB2_30-.Ltmp17, $4  }
0x286: {  	v63 =	vmul.f32 v4, v1;
	[tilespmem:s5+$0x0] =	vst v3  }
0x287: {  	[tilespmem:s5+$0x10] =	vst v2  }
0x288: {  	s29 =	sadd.s32 $0xFA0, s16;
	s20 =	simm.s32 $0x48E0;
	[tilespmem:s5+$0x20] =	vst v63  }
0x289: {  	[spmem:s10] =	stream.indirect.scatter.add.f32 [tilespmem:s21], [sflag:$0xA], $0x40, s29, s0, $0xb8;
	[tilespmem:$0x1E560] =	vst v63  }
.Ltmp18:
0x28a: {  	(pc) =	sbr.rel .LBB2_18-.Ltmp18, $4  }
0x28b: {  	_ =	swait.ge [sflag:s19], $0x1400  }
0x28c: {  	[sflag:s19] =	ssyncset.done $0x0  }
0x28d: {  	s1 =	sadd.s32 $0xA00, s2;
	s30 =	sadd.s32 $0x1, s30;
	[sflag:s19] =	ssyncadd.s32 $0xFFFFEC00  }
0x28e: {  	[tilespmem:s9], [sflag:$0x3] =	stream.indirect.gather [spmem:s3], $0x40, s1, s0, $0xb8;
	[tilespmem:$0x1E560] =	vst v63  }
.LBB2_32:
0x28f: {  	_ =	sfence.sel $0x180000  }
0x290: {  	[bflag:$0x0] =	sbarrier.arrive $0xFFFF  }
0x291: {  	_ =	strace $0x90000047  }
0x292: {  	[bflag:$0x2] =	sbarrier.arrive $0xFFFF  }
0x293: {  	s0 =	rddreg [dreg:$0x5]  }
0x294: {  	s0 =	sadd.s32 @!p0 $0x100000, s0  }
0x295: {  	[sflag:s0] =	ssyncadd.tile.s32 @!p0 $0x1;
	_ =	shalt  }
.Lfunc_end2:
_tile_overlayer_lowered:
.L_overlay_start_2:
0x296: {  	(tag) =	ssettag $0x2  }
0x297: {  	s0 =	rddreg [dreg:$0x0];
	s2 =	stileid.u32  }
0x298: {  	s1 =	rddreg [dreg:$0x1];
	p0 =	sne.s32 s2, $0x0  }
0x299: {  	s3 =	rddreg [dreg:$0x2];
	[bflag:$0x3] =	sbarrier.arrive $0xFFFF;
	s2 =	simm.s32 @!p0 $0x1C0D  }
0x29a: {  	[timem:s3], [sflag:s2] =	dma.local @!p0 [hbm:s0], s1  }
0x29b: {  	s0 =	simm.s32 @!p0 $0xD  }
0x29c: {  	_ =	swait.ge @!p0 [sflag:s0], s1  }
0x29d: {  	s1 =	ssub.s32 @!p0 $0x0, s1;
	[sflag:s0] =	ssyncset.done @!p0 $0x0  }
0x29e: {  	[sflag:s0] =	ssyncadd.s32 @!p0 s1  }
0x29f: {  	[bflag:$0x3] =	sbarrier.arrive $0xFFFF  }
0x2a0: {  	_ =	shalt  }

</sc_bundles>
